<compile_context>
chip_gen: v7x
topology: tpu7x:2x2x1
jax: 0.10.2.dev20260603
libtpu: 0.0.44.dev20260713+nightly
codegen_flags: <defaults>
</compile_context>

<pallas_src>
import functools

import jax
import jax.numpy as jnp
from jax import lax
from jax.experimental import pallas as pl
from jax.experimental.pallas import tpu as pltpu
from jax.experimental.pallas import tpu_sc as plsc

N = 10000
E = 320000
D = 128

NC = 2
NS = 16
NW = NC * NS
CHUNK = 40
NCHUNK = 250
EPWP = NCHUNK * CHUNK
EPAD = NW * EPWP
NP = 10240
RPW = NP // NS
NBUF = 5
NROUND = NCHUNK // NBUF


def _seg_sum_body(src_hbm, dst_hbm, h_hbm, out_hbm,
                  sidx_v, didx_v, rows_v, isem, gsem, acc_sh):
    c = lax.axis_index("c")
    s = lax.axis_index("s")
    wid = s * NC + c
    ebase = wid * EPWP

    def zrow(i, carry):
        for j in range(D // 16):
            rows_v[0, i, pl.ds(j * 16, 16)] = jnp.zeros((16,), jnp.float32)
        return carry
    lax.fori_loop(0, CHUNK, zrow, 0)
    for t in range(RPW // CHUNK):
        pltpu.sync_copy(rows_v.at[0], acc_sh.at[pl.ds(s * RPW + t * CHUNK, CHUNK)])
    plsc.subcore_barrier()

    def issue_idx(k, p, b):
        base = pl.multiple_of(ebase + k * CHUNK, 8)
        pltpu.async_copy(src_hbm.at[pl.ds(base, CHUNK)], sidx_v.at[p, b], isem.at[p, b])
        pltpu.async_copy(dst_hbm.at[pl.ds(base, CHUNK)], didx_v.at[p, b], isem.at[p, b])

    def wait_idx(p, b):
        pltpu.make_async_copy(src_hbm.at[pl.ds(0, CHUNK)], sidx_v.at[p, b], isem.at[p, b]).wait()
        pltpu.make_async_copy(dst_hbm.at[pl.ds(0, CHUNK)], didx_v.at[p, b], isem.at[p, b]).wait()

    for j in range(2 * NBUF):
        issue_idx(j, j // NBUF, j % NBUF)
    for b in range(NBUF):
        wait_idx(0, b)
        pltpu.async_copy(h_hbm.at[sidx_v.at[0, b]], rows_v.at[b], gsem.at[b])

    def round_body(r2, carry):
        for half in range(2):
            p = half
            q = 1 - half
            for b in range(NBUF):
                k = (2 * r2 + half) * NBUF + b
                pltpu.make_async_copy(h_hbm.at[sidx_v.at[p, b]], rows_v.at[b],
                                      gsem.at[b]).wait()
                pltpu.sync_copy(rows_v.at[b], acc_sh.at[didx_v.at[p, b]], add=True)

                @pl.when(k < NCHUNK - 2 * NBUF)
                def _():
                    issue_idx(k + 2 * NBUF, p, b)

                @pl.when(k < NCHUNK - NBUF)
                def _():
                    wait_idx(q, b)
                    pltpu.async_copy(h_hbm.at[sidx_v.at[q, b]], rows_v.at[b],
                                     gsem.at[b])
        return carry
    lax.fori_loop(0, NROUND // 2, round_body, 0)

    plsc.subcore_barrier()
    row0 = pl.multiple_of(c * NP + s * RPW, RPW)
    pltpu.sync_copy(acc_sh.at[pl.ds(s * RPW, RPW)], out_hbm.at[pl.ds(row0, RPW)])


@jax.jit
def _segment_sum_sc(src_p, dst_p, h):
    mesh = plsc.VectorSubcoreMesh(core_axis_name="c", subcore_axis_name="s")
    f = pl.kernel(
        _seg_sum_body,
        out_type=jax.ShapeDtypeStruct((NC * NP, D), jnp.float32),
        mesh=mesh,
        scratch_types=[
            pltpu.VMEM((2, NBUF, CHUNK), jnp.int32),
            pltpu.VMEM((2, NBUF, CHUNK), jnp.int32),
            pltpu.VMEM((NBUF, CHUNK, D), jnp.float32),
            pltpu.SemaphoreType.DMA((2, NBUF)),
            pltpu.SemaphoreType.DMA((NBUF,)),
            pltpu.VMEM_SHARED((NP, D), jnp.float32),
        ],
    )
    return f(src_p, dst_p, h)


R = 1000
GRID = N // R


def _root_body(h_ref, wroot_ref, b_ref, res_ref, o_ref):
    y = jnp.dot(h_ref[...], wroot_ref[...], preferred_element_type=jnp.float32,
                precision=lax.Precision.HIGHEST)
    y += b_ref[...]
    if res_ref is not None:
        y += res_ref[...]
    o_ref[...] = y


@jax.jit
def _root_tc(h, w_root, b, res=None):
    body = _root_body if res is not None else (
        lambda h_ref, wroot_ref, b_ref, o_ref:
        _root_body(h_ref, wroot_ref, b_ref, None, o_ref))
    args = (h, w_root, b.reshape(1, D))
    in_specs = [
        pl.BlockSpec((R, D), lambda i: (i, 0)),
        pl.BlockSpec((D, D), lambda i: (0, 0)),
        pl.BlockSpec((1, D), lambda i: (0, 0)),
    ]
    if res is not None:
        args = args + (res,)
        in_specs.append(pl.BlockSpec((R, D), lambda i: (i, 0)))
    return pl.pallas_call(
        body,
        grid=(GRID,),
        in_specs=in_specs,
        out_specs=pl.BlockSpec((R, D), lambda i: (i, 0)),
        out_shape=jax.ShapeDtypeStruct((N, D), jnp.float32),
    )(*args)


def _combine_body(p_ref, root_ref, wrel_ref, o_ref):
    agg = p_ref[0] + p_ref[1]
    y = jnp.dot(agg, wrel_ref[...], preferred_element_type=jnp.float32,
                precision=lax.Precision.HIGHEST)
    y += root_ref[...]
    o_ref[...] = jnp.where(y >= 0, y, 0.01 * y)


@jax.jit
def _combine_tc(p, root, w_rel):
    return pl.pallas_call(
        _combine_body,
        grid=(GRID,),
        in_specs=[
            pl.BlockSpec((NC, R, D), lambda i: (0, i, 0)),
            pl.BlockSpec((R, D), lambda i: (i, 0)),
            pl.BlockSpec((D, D), lambda i: (0, 0)),
        ],
        out_specs=pl.BlockSpec((R, D), lambda i: (i, 0)),
        out_shape=jax.ShapeDtypeStruct((N, D), jnp.float32),
    )(p.reshape(NC, NP, D), root, w_rel)


def kernel(x, edge_index, W1_rel, b1, W1_root, W2_rel, b2, W2_root):
    npad = EPAD - E
    pad_iota = jnp.arange(npad, dtype=jnp.int32)
    src = jnp.concatenate([edge_index[0], pad_iota % N])
    dst = jnp.concatenate([edge_index[1], N + pad_iota % (NP - N)])
    p1 = _segment_sum_sc(src, dst, x)
    root1 = _root_tc(x, W1_root, b1)
    h1 = _combine_tc(p1, root1, W1_rel)
    p2 = _segment_sum_sc(src, dst, h1)
    root2 = _root_tc(h1, W2_root, b2, res=x)
    out = _combine_tc(p2, root2, W2_rel)
    return out

# --- scband reference (transcript-rebuilt; emitter-appended) ---
"""Pipeline reference for scband-basic-block-14336600834592 (READ-ONLY COPY).

The authoritative reference and input builder live on the scoring server;
editing this copy changes nothing except your own understanding.
"""

import jax, jax.numpy as jnp
import numpy as np

N = 10000
E = 320000
D = 128


def setup_inputs(seed: int = 0) -> dict:
    key = jax.random.key(seed)
    ks = jax.random.split(key, 9)
    x = jax.random.normal(ks[0], (N, D), dtype=jnp.float32)
    edge_index = jax.random.randint(ks[1], (2, E), 0, N, dtype=jnp.int32)
    s = 0.05
    W1_rel = jax.random.normal(ks[2], (D, D), dtype=jnp.float32) * s
    b1 = jax.random.normal(ks[3], (D,), dtype=jnp.float32) * s
    W1_root = jax.random.normal(ks[4], (D, D), dtype=jnp.float32) * s
    W2_rel = jax.random.normal(ks[5], (D, D), dtype=jnp.float32) * s
    b2 = jax.random.normal(ks[6], (D,), dtype=jnp.float32) * s
    W2_root = jax.random.normal(ks[7], (D, D), dtype=jnp.float32) * s
    return {
        "x": x,
        "edge_index": edge_index,
        "W1_rel": W1_rel,
        "b1": b1,
        "W1_root": W1_root,
        "W2_rel": W2_rel,
        "b2": b2,
        "W2_root": W2_root,
    }


def _graph_conv(h, edge_index, W_rel, b, W_root, num_nodes):
    # PyG GraphConv (aggr='add'): out_i = W_rel @ sum_{j in N(i)} x_j + b + W_root @ x_i
    src = edge_index[0]
    dst = edge_index[1]
    msgs = jnp.take(h, src, axis=0)
    agg = jax.ops.segment_sum(msgs, dst, num_segments=num_nodes)
    return agg @ W_rel + b + h @ W_root


def reference(x, edge_index, W1_rel, b1, W1_root, W2_rel, b2, W2_root):
    num_nodes = x.shape[0]
    identity = x
    out = _graph_conv(x, edge_index, W1_rel, b1, W1_root, num_nodes)
    # dropout is identity in eval mode
    out = jax.nn.leaky_relu(out, negative_slope=0.01)
    out = _graph_conv(out, edge_index, W2_rel, b2, W2_root, num_nodes)
    # dropout is identity in eval mode
    out = out + identity
    out = jax.nn.leaky_relu(out, negative_slope=0.01)
    return out

if __name__ == "__main__":
    import jax
    _d = setup_inputs()
    print(jax.jit(kernel)(*tuple(_d.values())))

</pallas_src>

<mosaic_0001>
#map = affine_map<(d0, d1) -> (0)>
#map1 = affine_map<(d0, d1) -> (0, 0)>
module attributes {stable_mosaic.version = 14 : i64} {
  func.func @_seg_sum_body(%arg0: i32, %arg1: i32, %arg2: memref<320000xi32, #tpu.memory_space<hbm>>, %arg3: memref<320000xi32, #tpu.memory_space<hbm>>, %arg4: memref<10000x128xf32, #tpu.memory_space<hbm>>, %arg5: memref<20480x128xf32, #tpu.memory_space<hbm>>, %arg6: memref<2x5x40xi32, #tpu.memory_space<vmem>>, %arg7: memref<2x5x40xi32, #tpu.memory_space<vmem>>, %arg8: memref<5x40x128xf32, #tpu.memory_space<vmem>>, %arg9: memref<2x5x!tpu.dma_semaphore, #tpu.memory_space<semaphore_mem>>, %arg10: memref<5x!tpu.dma_semaphore, #tpu.memory_space<semaphore_mem>>, %arg11: memref<10240x128xf32, #tpu.memory_space<vmem_shared>>) attributes {dimension_semantics = [#tpu.dimension_semantics<core_parallel>, #tpu.dimension_semantics<subcore_parallel>], iteration_bounds = array<i64: 2, 16>, scalar_prefetch = 0 : i64, scratch_operands = 6 : i64, tpu.core_type = #tpu.core_type<sc_vector_subcore>, window_params = [{transform_indices = #map}, {transform_indices = #map}, {transform_indices = #map1}, {transform_indices = #map1}]} {
    %mul3A = arith.constant 2 : i32
    %mul3A_0 = arith.muli %arg1, %mul3A : i32
    %add3A = arith.addi %mul3A_0, %arg0 : i32
    %mul3A_1 = arith.constant 10000 : i32
    %mul3A_2 = arith.muli %add3A, %mul3A_1 : i32
    %scan3A = arith.constant 0 : i32
    %scan3A_3 = arith.constant 0 : i32
    %scan3A_4 = arith.constant 40 : i32
    %scan3A_5 = arith.addi %scan3A_3, %scan3A_4 : i32
    %scan3A_6 = arith.constant 1 : i32
    scf.for %scan3A_649 = %scan3A_3 to %scan3A_5 step %scan3A_6  : i32 {
      %broadcast_in_dim3A = arith.constant 0.000000e+00 : f32
      %broadcast_in_dim3A_650 = vector.broadcast %broadcast_in_dim3A : f32 to vector<16xf32>
      %swap3A = arith.constant 0 : i32
      %swap3A_651 = arith.index_cast %swap3A : i32 to index
      %swap3A_652 = arith.index_cast %scan3A_649 : i32 to index
      %swap3A_653 = arith.constant 0 : index
      %swap3A_654 = tpu.vector_load %arg8[%swap3A_651, %swap3A_652, %swap3A_653] {strides = array<i32>} : memref<5x40x128xf32, #tpu.memory_space<vmem>>, vector<1x1x16xf32>,
      %swap3A_655 = vector.shape_cast %swap3A_654 : vector<1x1x16xf32> to vector<16xf32>
      %swap3A_656 = vector.shape_cast %broadcast_in_dim3A_650 : vector<16xf32> to vector<1x1x16xf32>
      tpu.vector_store %arg8[%swap3A_651, %swap3A_652, %swap3A_653], %swap3A_656 {strides = array<i32>} : memref<5x40x128xf32, #tpu.memory_space<vmem>>, vector<1x1x16xf32>,
      %broadcast_in_dim3A_657 = arith.constant 0.000000e+00 : f32
      %broadcast_in_dim3A_658 = vector.broadcast %broadcast_in_dim3A_657 : f32 to vector<16xf32>
      %swap3A_659 = arith.constant 0 : i32
      %swap3A_660 = arith.index_cast %swap3A_659 : i32 to index
      %swap3A_661 = arith.index_cast %scan3A_649 : i32 to index
      %swap3A_662 = arith.constant 16 : index
      %swap3A_663 = tpu.vector_load %arg8[%swap3A_660, %swap3A_661, %swap3A_662] {strides = array<i32>} : memref<5x40x128xf32, #tpu.memory_space<vmem>>, vector<1x1x16xf32>,
      %swap3A_664 = vector.shape_cast %swap3A_663 : vector<1x1x16xf32> to vector<16xf32>
      %swap3A_665 = vector.shape_cast %broadcast_in_dim3A_658 : vector<16xf32> to vector<1x1x16xf32>
      tpu.vector_store %arg8[%swap3A_660, %swap3A_661, %swap3A_662], %swap3A_665 {strides = array<i32>} : memref<5x40x128xf32, #tpu.memory_space<vmem>>, vector<1x1x16xf32>,
      %broadcast_in_dim3A_666 = arith.constant 0.000000e+00 : f32
      %broadcast_in_dim3A_667 = vector.broadcast %broadcast_in_dim3A_666 : f32 to vector<16xf32>
      %swap3A_668 = arith.constant 0 : i32
      %swap3A_669 = arith.index_cast %swap3A_668 : i32 to index
      %swap3A_670 = arith.index_cast %scan3A_649 : i32 to index
      %swap3A_671 = arith.constant 32 : index
      %swap3A_672 = tpu.vector_load %arg8[%swap3A_669, %swap3A_670, %swap3A_671] {strides = array<i32>} : memref<5x40x128xf32, #tpu.memory_space<vmem>>, vector<1x1x16xf32>,
      %swap3A_673 = vector.shape_cast %swap3A_672 : vector<1x1x16xf32> to vector<16xf32>
      %swap3A_674 = vector.shape_cast %broadcast_in_dim3A_667 : vector<16xf32> to vector<1x1x16xf32>
      tpu.vector_store %arg8[%swap3A_669, %swap3A_670, %swap3A_671], %swap3A_674 {strides = array<i32>} : memref<5x40x128xf32, #tpu.memory_space<vmem>>, vector<1x1x16xf32>,
      %broadcast_in_dim3A_675 = arith.constant 0.000000e+00 : f32
      %broadcast_in_dim3A_676 = vector.broadcast %broadcast_in_dim3A_675 : f32 to vector<16xf32>
      %swap3A_677 = arith.constant 0 : i32
      %swap3A_678 = arith.index_cast %swap3A_677 : i32 to index
      %swap3A_679 = arith.index_cast %scan3A_649 : i32 to index
      %swap3A_680 = arith.constant 48 : index
      %swap3A_681 = tpu.vector_load %arg8[%swap3A_678, %swap3A_679, %swap3A_680] {strides = array<i32>} : memref<5x40x128xf32, #tpu.memory_space<vmem>>, vector<1x1x16xf32>,
      %swap3A_682 = vector.shape_cast %swap3A_681 : vector<1x1x16xf32> to vector<16xf32>
      %swap3A_683 = vector.shape_cast %broadcast_in_dim3A_676 : vector<16xf32> to vector<1x1x16xf32>
      tpu.vector_store %arg8[%swap3A_678, %swap3A_679, %swap3A_680], %swap3A_683 {strides = array<i32>} : memref<5x40x128xf32, #tpu.memory_space<vmem>>, vector<1x1x16xf32>,
      %broadcast_in_dim3A_684 = arith.constant 0.000000e+00 : f32
      %broadcast_in_dim3A_685 = vector.broadcast %broadcast_in_dim3A_684 : f32 to vector<16xf32>
      %swap3A_686 = arith.constant 0 : i32
      %swap3A_687 = arith.index_cast %swap3A_686 : i32 to index
      %swap3A_688 = arith.index_cast %scan3A_649 : i32 to index
      %swap3A_689 = arith.constant 64 : index
      %swap3A_690 = tpu.vector_load %arg8[%swap3A_687, %swap3A_688, %swap3A_689] {strides = array<i32>} : memref<5x40x128xf32, #tpu.memory_space<vmem>>, vector<1x1x16xf32>,
      %swap3A_691 = vector.shape_cast %swap3A_690 : vector<1x1x16xf32> to vector<16xf32>
      %swap3A_692 = vector.shape_cast %broadcast_in_dim3A_685 : vector<16xf32> to vector<1x1x16xf32>
      tpu.vector_store %arg8[%swap3A_687, %swap3A_688, %swap3A_689], %swap3A_692 {strides = array<i32>} : memref<5x40x128xf32, #tpu.memory_space<vmem>>, vector<1x1x16xf32>,
      %broadcast_in_dim3A_693 = arith.constant 0.000000e+00 : f32
      %broadcast_in_dim3A_694 = vector.broadcast %broadcast_in_dim3A_693 : f32 to vector<16xf32>
      %swap3A_695 = arith.constant 0 : i32
      %swap3A_696 = arith.index_cast %swap3A_695 : i32 to index
      %swap3A_697 = arith.index_cast %scan3A_649 : i32 to index
      %swap3A_698 = arith.constant 80 : index
      %swap3A_699 = tpu.vector_load %arg8[%swap3A_696, %swap3A_697, %swap3A_698] {strides = array<i32>} : memref<5x40x128xf32, #tpu.memory_space<vmem>>, vector<1x1x16xf32>,
      %swap3A_700 = vector.shape_cast %swap3A_699 : vector<1x1x16xf32> to vector<16xf32>
      %swap3A_701 = vector.shape_cast %broadcast_in_dim3A_694 : vector<16xf32> to vector<1x1x16xf32>
      tpu.vector_store %arg8[%swap3A_696, %swap3A_697, %swap3A_698], %swap3A_701 {strides = array<i32>} : memref<5x40x128xf32, #tpu.memory_space<vmem>>, vector<1x1x16xf32>,
      %broadcast_in_dim3A_702 = arith.constant 0.000000e+00 : f32
      %broadcast_in_dim3A_703 = vector.broadcast %broadcast_in_dim3A_702 : f32 to vector<16xf32>
      %swap3A_704 = arith.constant 0 : i32
      %swap3A_705 = arith.index_cast %swap3A_704 : i32 to index
      %swap3A_706 = arith.index_cast %scan3A_649 : i32 to index
      %swap3A_707 = arith.constant 96 : index
      %swap3A_708 = tpu.vector_load %arg8[%swap3A_705, %swap3A_706, %swap3A_707] {strides = array<i32>} : memref<5x40x128xf32, #tpu.memory_space<vmem>>, vector<1x1x16xf32>,
      %swap3A_709 = vector.shape_cast %swap3A_708 : vector<1x1x16xf32> to vector<16xf32>
      %swap3A_710 = vector.shape_cast %broadcast_in_dim3A_703 : vector<16xf32> to vector<1x1x16xf32>
      tpu.vector_store %arg8[%swap3A_705, %swap3A_706, %swap3A_707], %swap3A_710 {strides = array<i32>} : memref<5x40x128xf32, #tpu.memory_space<vmem>>, vector<1x1x16xf32>,
      %broadcast_in_dim3A_711 = arith.constant 0.000000e+00 : f32
      %broadcast_in_dim3A_712 = vector.broadcast %broadcast_in_dim3A_711 : f32 to vector<16xf32>
      %swap3A_713 = arith.constant 0 : i32
      %swap3A_714 = arith.index_cast %swap3A_713 : i32 to index
      %swap3A_715 = arith.index_cast %scan3A_649 : i32 to index
      %swap3A_716 = arith.constant 112 : index
      %swap3A_717 = tpu.vector_load %arg8[%swap3A_714, %swap3A_715, %swap3A_716] {strides = array<i32>} : memref<5x40x128xf32, #tpu.memory_space<vmem>>, vector<1x1x16xf32>,
      %swap3A_718 = vector.shape_cast %swap3A_717 : vector<1x1x16xf32> to vector<16xf32>
      %swap3A_719 = vector.shape_cast %broadcast_in_dim3A_712 : vector<16xf32> to vector<1x1x16xf32>
      tpu.vector_store %arg8[%swap3A_714, %swap3A_715, %swap3A_716], %swap3A_719 {strides = array<i32>} : memref<5x40x128xf32, #tpu.memory_space<vmem>>, vector<1x1x16xf32>,
    }
    %scan3A_7 = arith.constant 40 : i32
    %mul3A_8 = arith.constant 640 : i32
    %mul3A_9 = arith.muli %arg1, %mul3A_8 : i32
    %add3A_10 = arith.constant 0 : i32
    %add3A_11 = arith.addi %mul3A_9, %add3A_10 : i32
    %run_scoped3A = arith.constant 0 : i32
    "tpu.region"() ({
      %run_scoped3A_649 = tpu.sem_alloc : memref<!tpu.dma_semaphore, #tpu.memory_space<semaphore_mem>>
      %dma_start3A_650 = arith.constant 0 : i32
      %dma_start3A_651 = arith.constant 0 : i32
      %dma_start3A_652 = tpu.memref_slice %arg8[%run_scoped3A, %dma_start3A_650, %dma_start3A_651] : memref<5x40x128xf32, #tpu.memory_space<vmem>> -> memref<1x40x128xf32, #tpu.memory_space<vmem>>
      %dma_start3A_653 = tpu.memref_squeeze %dma_start3A_652 : memref<1x40x128xf32, #tpu.memory_space<vmem>> -> memref<40x128xf32, #tpu.memory_space<vmem>>
      %dma_start3A_654 = arith.constant 0 : i32
      %dma_start3A_655 = tpu.memref_slice %arg11[%add3A_11, %dma_start3A_654] : memref<10240x128xf32, #tpu.memory_space<vmem_shared>> -> memref<40x128xf32, #tpu.memory_space<vmem_shared>>
      %dma_start3A_656 = arith.constant 0 : i32
      %dma_start3A_657 = tpu.memref_slice %arg11[%add3A_11, %dma_start3A_656] : memref<10240x128xf32, #tpu.memory_space<vmem_shared>> -> memref<40x128xf32, #tpu.memory_space<vmem_shared>>
      %dma_start3A_658 = arith.constant 0 : i32
      %dma_start3A_659 = arith.constant 0 : i32
      %dma_start3A_660 = tpu.memref_slice %arg8[%run_scoped3A, %dma_start3A_658, %dma_start3A_659] : memref<5x40x128xf32, #tpu.memory_space<vmem>> -> memref<1x40x128xf32, #tpu.memory_space<vmem>>
      %dma_start3A_661 = tpu.memref_squeeze %dma_start3A_660 : memref<1x40x128xf32, #tpu.memory_space<vmem>> -> memref<40x128xf32, #tpu.memory_space<vmem>>
      tpu.enqueue_dma source(%dma_start3A_661 : memref<40x128xf32, #tpu.memory_space<vmem>>) target(%dma_start3A_657 : memref<40x128xf32, #tpu.memory_space<vmem_shared>>) target_semaphore(%run_scoped3A_649 : memref<!tpu.dma_semaphore, #tpu.memory_space<semaphore_mem>>)
      %dma_wait3A_662 = arith.constant 0 : i32
      %dma_wait3A_663 = arith.constant 0 : i32
      %dma_wait3A_664 = tpu.memref_slice %arg8[%run_scoped3A, %dma_wait3A_662, %dma_wait3A_663] : memref<5x40x128xf32, #tpu.memory_space<vmem>> -> memref<1x40x128xf32, #tpu.memory_space<vmem>>
      %dma_wait3A_665 = tpu.memref_squeeze %dma_wait3A_664 : memref<1x40x128xf32, #tpu.memory_space<vmem>> -> memref<40x128xf32, #tpu.memory_space<vmem>>
      %dma_wait3A_666 = arith.constant 0 : i32
      %dma_wait3A_667 = tpu.memref_slice %arg11[%add3A_11, %dma_wait3A_666] : memref<10240x128xf32, #tpu.memory_space<vmem_shared>> -> memref<40x128xf32, #tpu.memory_space<vmem_shared>>
      %dma_wait3A_668 = arith.constant 0 : i32
      %dma_wait3A_669 = tpu.memref_slice %arg11[%add3A_11, %dma_wait3A_668] : memref<10240x128xf32, #tpu.memory_space<vmem_shared>> -> memref<40x128xf32, #tpu.memory_space<vmem_shared>>
      %dma_wait3A_670 = arith.constant 0 : i32
      %dma_wait3A_671 = arith.constant 0 : i32
      %dma_wait3A_672 = tpu.memref_slice %arg8[%run_scoped3A, %dma_wait3A_670, %dma_wait3A_671] : memref<5x40x128xf32, #tpu.memory_space<vmem>> -> memref<1x40x128xf32, #tpu.memory_space<vmem>>
      %dma_wait3A_673 = tpu.memref_squeeze %dma_wait3A_672 : memref<1x40x128xf32, #tpu.memory_space<vmem>> -> memref<40x128xf32, #tpu.memory_space<vmem>>
      tpu.wait_dma2 semaphore(%run_scoped3A_649 : memref<!tpu.dma_semaphore, #tpu.memory_space<semaphore_mem>>) src(%dma_wait3A_673 : memref<40x128xf32, #tpu.memory_space<vmem>>) dst(%dma_wait3A_669 : memref<40x128xf32, #tpu.memory_space<vmem_shared>>)
      tpu.yield
    }) : () -> ()
    %mul3A_12 = arith.constant 640 : i32
    %mul3A_13 = arith.muli %arg1, %mul3A_12 : i32
    %add3A_14 = arith.constant 40 : i32
    %add3A_15 = arith.addi %mul3A_13, %add3A_14 : i32
    %run_scoped3A_16 = arith.constant 0 : i32
    "tpu.region"() ({
      %run_scoped3A_649 = tpu.sem_alloc : memref<!tpu.dma_semaphore, #tpu.memory_space<semaphore_mem>>
      %dma_start3A_650 = arith.constant 0 : i32
      %dma_start3A_651 = arith.constant 0 : i32
      %dma_start3A_652 = tpu.memref_slice %arg8[%run_scoped3A_16, %dma_start3A_650, %dma_start3A_651] : memref<5x40x128xf32, #tpu.memory_space<vmem>> -> memref<1x40x128xf32, #tpu.memory_space<vmem>>
      %dma_start3A_653 = tpu.memref_squeeze %dma_start3A_652 : memref<1x40x128xf32, #tpu.memory_space<vmem>> -> memref<40x128xf32, #tpu.memory_space<vmem>>
      %dma_start3A_654 = arith.constant 0 : i32
      %dma_start3A_655 = tpu.memref_slice %arg11[%add3A_15, %dma_start3A_654] : memref<10240x128xf32, #tpu.memory_space<vmem_shared>> -> memref<40x128xf32, #tpu.memory_space<vmem_shared>>
      %dma_start3A_656 = arith.constant 0 : i32
      %dma_start3A_657 = tpu.memref_slice %arg11[%add3A_15, %dma_start3A_656] : memref<10240x128xf32, #tpu.memory_space<vmem_shared>> -> memref<40x128xf32, #tpu.memory_space<vmem_shared>>
      %dma_start3A_658 = arith.constant 0 : i32
      %dma_start3A_659 = arith.constant 0 : i32
      %dma_start3A_660 = tpu.memref_slice %arg8[%run_scoped3A_16, %dma_start3A_658, %dma_start3A_659] : memref<5x40x128xf32, #tpu.memory_space<vmem>> -> memref<1x40x128xf32, #tpu.memory_space<vmem>>
      %dma_start3A_661 = tpu.memref_squeeze %dma_start3A_660 : memref<1x40x128xf32, #tpu.memory_space<vmem>> -> memref<40x128xf32, #tpu.memory_space<vmem>>
      tpu.enqueue_dma source(%dma_start3A_661 : memref<40x128xf32, #tpu.memory_space<vmem>>) target(%dma_start3A_657 : memref<40x128xf32, #tpu.memory_space<vmem_shared>>) target_semaphore(%run_scoped3A_649 : memref<!tpu.dma_semaphore, #tpu.memory_space<semaphore_mem>>)
      %dma_wait3A_662 = arith.constant 0 : i32
      %dma_wait3A_663 = arith.constant 0 : i32
      %dma_wait3A_664 = tpu.memref_slice %arg8[%run_scoped3A_16, %dma_wait3A_662, %dma_wait3A_663] : memref<5x40x128xf32, #tpu.memory_space<vmem>> -> memref<1x40x128xf32, #tpu.memory_space<vmem>>
      %dma_wait3A_665 = tpu.memref_squeeze %dma_wait3A_664 : memref<1x40x128xf32, #tpu.memory_space<vmem>> -> memref<40x128xf32, #tpu.memory_space<vmem>>
      %dma_wait3A_666 = arith.constant 0 : i32
      %dma_wait3A_667 = tpu.memref_slice %arg11[%add3A_15, %dma_wait3A_666] : memref<10240x128xf32, #tpu.memory_space<vmem_shared>> -> memref<40x128xf32, #tpu.memory_space<vmem_shared>>
      %dma_wait3A_668 = arith.constant 0 : i32
      %dma_wait3A_669 = tpu.memref_slice %arg11[%add3A_15, %dma_wait3A_668] : memref<10240x128xf32, #tpu.memory_space<vmem_shared>> -> memref<40x128xf32, #tpu.memory_space<vmem_shared>>
      %dma_wait3A_670 = arith.constant 0 : i32
      %dma_wait3A_671 = arith.constant 0 : i32
      %dma_wait3A_672 = tpu.memref_slice %arg8[%run_scoped3A_16, %dma_wait3A_670, %dma_wait3A_671] : memref<5x40x128xf32, #tpu.memory_space<vmem>> -> memref<1x40x128xf32, #tpu.memory_space<vmem>>
      %dma_wait3A_673 = tpu.memref_squeeze %dma_wait3A_672 : memref<1x40x128xf32, #tpu.memory_space<vmem>> -> memref<40x128xf32, #tpu.memory_space<vmem>>
      tpu.wait_dma2 semaphore(%run_scoped3A_649 : memref<!tpu.dma_semaphore, #tpu.memory_space<semaphore_mem>>) src(%dma_wait3A_673 : memref<40x128xf32, #tpu.memory_space<vmem>>) dst(%dma_wait3A_669 : memref<40x128xf32, #tpu.memory_space<vmem_shared>>)
      tpu.yield
    }) : () -> ()
    %mul3A_17 = arith.constant 640 : i32
    %mul3A_18 = arith.muli %arg1, %mul3A_17 : i32
    %add3A_19 = arith.constant 80 : i32
    %add3A_20 = arith.addi %mul3A_18, %add3A_19 : i32
    %run_scoped3A_21 = arith.constant 0 : i32
    "tpu.region"() ({
      %run_scoped3A_649 = tpu.sem_alloc : memref<!tpu.dma_semaphore, #tpu.memory_space<semaphore_mem>>
      %dma_start3A_650 = arith.constant 0 : i32
      %dma_start3A_651 = arith.constant 0 : i32
      %dma_start3A_652 = tpu.memref_slice %arg8[%run_scoped3A_21, %dma_start3A_650, %dma_start3A_651] : memref<5x40x128xf32, #tpu.memory_space<vmem>> -> memref<1x40x128xf32, #tpu.memory_space<vmem>>
      %dma_start3A_653 = tpu.memref_squeeze %dma_start3A_652 : memref<1x40x128xf32, #tpu.memory_space<vmem>> -> memref<40x128xf32, #tpu.memory_space<vmem>>
      %dma_start3A_654 = arith.constant 0 : i32
      %dma_start3A_655 = tpu.memref_slice %arg11[%add3A_20, %dma_start3A_654] : memref<10240x128xf32, #tpu.memory_space<vmem_shared>> -> memref<40x128xf32, #tpu.memory_space<vmem_shared>>
      %dma_start3A_656 = arith.constant 0 : i32
      %dma_start3A_657 = tpu.memref_slice %arg11[%add3A_20, %dma_start3A_656] : memref<10240x128xf32, #tpu.memory_space<vmem_shared>> -> memref<40x128xf32, #tpu.memory_space<vmem_shared>>
      %dma_start3A_658 = arith.constant 0 : i32
      %dma_start3A_659 = arith.constant 0 : i32
      %dma_start3A_660 = tpu.memref_slice %arg8[%run_scoped3A_21, %dma_start3A_658, %dma_start3A_659] : memref<5x40x128xf32, #tpu.memory_space<vmem>> -> memref<1x40x128xf32, #tpu.memory_space<vmem>>
      %dma_start3A_661 = tpu.memref_squeeze %dma_start3A_660 : memref<1x40x128xf32, #tpu.memory_space<vmem>> -> memref<40x128xf32, #tpu.memory_space<vmem>>
      tpu.enqueue_dma source(%dma_start3A_661 : memref<40x128xf32, #tpu.memory_space<vmem>>) target(%dma_start3A_657 : memref<40x128xf32, #tpu.memory_space<vmem_shared>>) target_semaphore(%run_scoped3A_649 : memref<!tpu.dma_semaphore, #tpu.memory_space<semaphore_mem>>)
      %dma_wait3A_662 = arith.constant 0 : i32
      %dma_wait3A_663 = arith.constant 0 : i32
      %dma_wait3A_664 = tpu.memref_slice %arg8[%run_scoped3A_21, %dma_wait3A_662, %dma_wait3A_663] : memref<5x40x128xf32, #tpu.memory_space<vmem>> -> memref<1x40x128xf32, #tpu.memory_space<vmem>>
      %dma_wait3A_665 = tpu.memref_squeeze %dma_wait3A_664 : memref<1x40x128xf32, #tpu.memory_space<vmem>> -> memref<40x128xf32, #tpu.memory_space<vmem>>
      %dma_wait3A_666 = arith.constant 0 : i32
      %dma_wait3A_667 = tpu.memref_slice %arg11[%add3A_20, %dma_wait3A_666] : memref<10240x128xf32, #tpu.memory_space<vmem_shared>> -> memref<40x128xf32, #tpu.memory_space<vmem_shared>>
      %dma_wait3A_668 = arith.constant 0 : i32
      %dma_wait3A_669 = tpu.memref_slice %arg11[%add3A_20, %dma_wait3A_668] : memref<10240x128xf32, #tpu.memory_space<vmem_shared>> -> memref<40x128xf32, #tpu.memory_space<vmem_shared>>
      %dma_wait3A_670 = arith.constant 0 : i32
      %dma_wait3A_671 = arith.constant 0 : i32
      %dma_wait3A_672 = tpu.memref_slice %arg8[%run_scoped3A_21, %dma_wait3A_670, %dma_wait3A_671] : memref<5x40x128xf32, #tpu.memory_space<vmem>> -> memref<1x40x128xf32, #tpu.memory_space<vmem>>
      %dma_wait3A_673 = tpu.memref_squeeze %dma_wait3A_672 : memref<1x40x128xf32, #tpu.memory_space<vmem>> -> memref<40x128xf32, #tpu.memory_space<vmem>>
      tpu.wait_dma2 semaphore(%run_scoped3A_649 : memref<!tpu.dma_semaphore, #tpu.memory_space<semaphore_mem>>) src(%dma_wait3A_673 : memref<40x128xf32, #tpu.memory_space<vmem>>) dst(%dma_wait3A_669 : memref<40x128xf32, #tpu.memory_space<vmem_shared>>)
      tpu.yield
    }) : () -> ()
    %mul3A_22 = arith.constant 640 : i32
    %mul3A_23 = arith.muli %arg1, %mul3A_22 : i32
    %add3A_24 = arith.constant 120 : i32
    %add3A_25 = arith.addi %mul3A_23, %add3A_24 : i32
    %run_scoped3A_26 = arith.constant 0 : i32
    "tpu.region"() ({
      %run_scoped3A_649 = tpu.sem_alloc : memref<!tpu.dma_semaphore, #tpu.memory_space<semaphore_mem>>
      %dma_start3A_650 = arith.constant 0 : i32
      %dma_start3A_651 = arith.constant 0 : i32
      %dma_start3A_652 = tpu.memref_slice %arg8[%run_scoped3A_26, %dma_start3A_650, %dma_start3A_651] : memref<5x40x128xf32, #tpu.memory_space<vmem>> -> memref<1x40x128xf32, #tpu.memory_space<vmem>>
      %dma_start3A_653 = tpu.memref_squeeze %dma_start3A_652 : memref<1x40x128xf32, #tpu.memory_space<vmem>> -> memref<40x128xf32, #tpu.memory_space<vmem>>
      %dma_start3A_654 = arith.constant 0 : i32
      %dma_start3A_655 = tpu.memref_slice %arg11[%add3A_25, %dma_start3A_654] : memref<10240x128xf32, #tpu.memory_space<vmem_shared>> -> memref<40x128xf32, #tpu.memory_space<vmem_shared>>
      %dma_start3A_656 = arith.constant 0 : i32
      %dma_start3A_657 = tpu.memref_slice %arg11[%add3A_25, %dma_start3A_656] : memref<10240x128xf32, #tpu.memory_space<vmem_shared>> -> memref<40x128xf32, #tpu.memory_space<vmem_shared>>
      %dma_start3A_658 = arith.constant 0 : i32
      %dma_start3A_659 = arith.constant 0 : i32
      %dma_start3A_660 = tpu.memref_slice %arg8[%run_scoped3A_26, %dma_start3A_658, %dma_start3A_659] : memref<5x40x128xf32, #tpu.memory_space<vmem>> -> memref<1x40x128xf32, #tpu.memory_space<vmem>>
      %dma_start3A_661 = tpu.memref_squeeze %dma_start3A_660 : memref<1x40x128xf32, #tpu.memory_space<vmem>> -> memref<40x128xf32, #tpu.memory_space<vmem>>
      tpu.enqueue_dma source(%dma_start3A_661 : memref<40x128xf32, #tpu.memory_space<vmem>>) target(%dma_start3A_657 : memref<40x128xf32, #tpu.memory_space<vmem_shared>>) target_semaphore(%run_scoped3A_649 : memref<!tpu.dma_semaphore, #tpu.memory_space<semaphore_mem>>)
      %dma_wait3A_662 = arith.constant 0 : i32
      %dma_wait3A_663 = arith.constant 0 : i32
      %dma_wait3A_664 = tpu.memref_slice %arg8[%run_scoped3A_26, %dma_wait3A_662, %dma_wait3A_663] : memref<5x40x128xf32, #tpu.memory_space<vmem>> -> memref<1x40x128xf32, #tpu.memory_space<vmem>>
      %dma_wait3A_665 = tpu.memref_squeeze %dma_wait3A_664 : memref<1x40x128xf32, #tpu.memory_space<vmem>> -> memref<40x128xf32, #tpu.memory_space<vmem>>
      %dma_wait3A_666 = arith.constant 0 : i32
      %dma_wait3A_667 = tpu.memref_slice %arg11[%add3A_25, %dma_wait3A_666] : memref<10240x128xf32, #tpu.memory_space<vmem_shared>> -> memref<40x128xf32, #tpu.memory_space<vmem_shared>>
      %dma_wait3A_668 = arith.constant 0 : i32
      %dma_wait3A_669 = tpu.memref_slice %arg11[%add3A_25, %dma_wait3A_668] : memref<10240x128xf32, #tpu.memory_space<vmem_shared>> -> memref<40x128xf32, #tpu.memory_space<vmem_shared>>
      %dma_wait3A_670 = arith.constant 0 : i32
      %dma_wait3A_671 = arith.constant 0 : i32
      %dma_wait3A_672 = tpu.memref_slice %arg8[%run_scoped3A_26, %dma_wait3A_670, %dma_wait3A_671] : memref<5x40x128xf32, #tpu.memory_space<vmem>> -> memref<1x40x128xf32, #tpu.memory_space<vmem>>
      %dma_wait3A_673 = tpu.memref_squeeze %dma_wait3A_672 : memref<1x40x128xf32, #tpu.memory_space<vmem>> -> memref<40x128xf32, #tpu.memory_space<vmem>>
      tpu.wait_dma2 semaphore(%run_scoped3A_649 : memref<!tpu.dma_semaphore, #tpu.memory_space<semaphore_mem>>) src(%dma_wait3A_673 : memref<40x128xf32, #tpu.memory_space<vmem>>) dst(%dma_wait3A_669 : memref<40x128xf32, #tpu.memory_space<vmem_shared>>)
      tpu.yield
    }) : () -> ()
    %mul3A_27 = arith.constant 640 : i32
    %mul3A_28 = arith.muli %arg1, %mul3A_27 : i32
    %add3A_29 = arith.constant 160 : i32
    %add3A_30 = arith.addi %mul3A_28, %add3A_29 : i32
    %run_scoped3A_31 = arith.constant 0 : i32
    "tpu.region"() ({
      %run_scoped3A_649 = tpu.sem_alloc : memref<!tpu.dma_semaphore, #tpu.memory_space<semaphore_mem>>
      %dma_start3A_650 = arith.constant 0 : i32
      %dma_start3A_651 = arith.constant 0 : i32
      %dma_start3A_652 = tpu.memref_slice %arg8[%run_scoped3A_31, %dma_start3A_650, %dma_start3A_651] : memref<5x40x128xf32, #tpu.memory_space<vmem>> -> memref<1x40x128xf32, #tpu.memory_space<vmem>>
      %dma_start3A_653 = tpu.memref_squeeze %dma_start3A_652 : memref<1x40x128xf32, #tpu.memory_space<vmem>> -> memref<40x128xf32, #tpu.memory_space<vmem>>
      %dma_start3A_654 = arith.constant 0 : i32
      %dma_start3A_655 = tpu.memref_slice %arg11[%add3A_30, %dma_start3A_654] : memref<10240x128xf32, #tpu.memory_space<vmem_shared>> -> memref<40x128xf32, #tpu.memory_space<vmem_shared>>
      %dma_start3A_656 = arith.constant 0 : i32
      %dma_start3A_657 = tpu.memref_slice %arg11[%add3A_30, %dma_start3A_656] : memref<10240x128xf32, #tpu.memory_space<vmem_shared>> -> memref<40x128xf32, #tpu.memory_space<vmem_shared>>
      %dma_start3A_658 = arith.constant 0 : i32
      %dma_start3A_659 = arith.constant 0 : i32
      %dma_start3A_660 = tpu.memref_slice %arg8[%run_scoped3A_31, %dma_start3A_658, %dma_start3A_659] : memref<5x40x128xf32, #tpu.memory_space<vmem>> -> memref<1x40x128xf32, #tpu.memory_space<vmem>>
      %dma_start3A_661 = tpu.memref_squeeze %dma_start3A_660 : memref<1x40x128xf32, #tpu.memory_space<vmem>> -> memref<40x128xf32, #tpu.memory_space<vmem>>
      tpu.enqueue_dma source(%dma_start3A_661 : memref<40x128xf32, #tpu.memory_space<vmem>>) target(%dma_start3A_657 : memref<40x128xf32, #tpu.memory_space<vmem_shared>>) target_semaphore(%run_scoped3A_649 : memref<!tpu.dma_semaphore, #tpu.memory_space<semaphore_mem>>)
      %dma_wait3A_662 = arith.constant 0 : i32
      %dma_wait3A_663 = arith.constant 0 : i32
      %dma_wait3A_664 = tpu.memref_slice %arg8[%run_scoped3A_31, %dma_wait3A_662, %dma_wait3A_663] : memref<5x40x128xf32, #tpu.memory_space<vmem>> -> memref<1x40x128xf32, #tpu.memory_space<vmem>>
      %dma_wait3A_665 = tpu.memref_squeeze %dma_wait3A_664 : memref<1x40x128xf32, #tpu.memory_space<vmem>> -> memref<40x128xf32, #tpu.memory_space<vmem>>
      %dma_wait3A_666 = arith.constant 0 : i32
      %dma_wait3A_667 = tpu.memref_slice %arg11[%add3A_30, %dma_wait3A_666] : memref<10240x128xf32, #tpu.memory_space<vmem_shared>> -> memref<40x128xf32, #tpu.memory_space<vmem_shared>>
      %dma_wait3A_668 = arith.constant 0 : i32
      %dma_wait3A_669 = tpu.memref_slice %arg11[%add3A_30, %dma_wait3A_668] : memref<10240x128xf32, #tpu.memory_space<vmem_shared>> -> memref<40x128xf32, #tpu.memory_space<vmem_shared>>
      %dma_wait3A_670 = arith.constant 0 : i32
      %dma_wait3A_671 = arith.constant 0 : i32
      %dma_wait3A_672 = tpu.memref_slice %arg8[%run_scoped3A_31, %dma_wait3A_670, %dma_wait3A_671] : memref<5x40x128xf32, #tpu.memory_space<vmem>> -> memref<1x40x128xf32, #tpu.memory_space<vmem>>
      %dma_wait3A_673 = tpu.memref_squeeze %dma_wait3A_672 : memref<1x40x128xf32, #tpu.memory_space<vmem>> -> memref<40x128xf32, #tpu.memory_space<vmem>>
      tpu.wait_dma2 semaphore(%run_scoped3A_649 : memref<!tpu.dma_semaphore, #tpu.memory_space<semaphore_mem>>) src(%dma_wait3A_673 : memref<40x128xf32, #tpu.memory_space<vmem>>) dst(%dma_wait3A_669 : memref<40x128xf32, #tpu.memory_space<vmem_shared>>)
      tpu.yield
    }) : () -> ()
    %mul3A_32 = arith.constant 640 : i32
    %mul3A_33 = arith.muli %arg1, %mul3A_32 : i32
    %add3A_34 = arith.constant 200 : i32
    %add3A_35 = arith.addi %mul3A_33, %add3A_34 : i32
    %run_scoped3A_36 = arith.constant 0 : i32
    "tpu.region"() ({
      %run_scoped3A_649 = tpu.sem_alloc : memref<!tpu.dma_semaphore, #tpu.memory_space<semaphore_mem>>
      %dma_start3A_650 = arith.constant 0 : i32
      %dma_start3A_651 = arith.constant 0 : i32
      %dma_start3A_652 = tpu.memref_slice %arg8[%run_scoped3A_36, %dma_start3A_650, %dma_start3A_651] : memref<5x40x128xf32, #tpu.memory_space<vmem>> -> memref<1x40x128xf32, #tpu.memory_space<vmem>>
      %dma_start3A_653 = tpu.memref_squeeze %dma_start3A_652 : memref<1x40x128xf32, #tpu.memory_space<vmem>> -> memref<40x128xf32, #tpu.memory_space<vmem>>
      %dma_start3A_654 = arith.constant 0 : i32
      %dma_start3A_655 = tpu.memref_slice %arg11[%add3A_35, %dma_start3A_654] : memref<10240x128xf32, #tpu.memory_space<vmem_shared>> -> memref<40x128xf32, #tpu.memory_space<vmem_shared>>
      %dma_start3A_656 = arith.constant 0 : i32
      %dma_start3A_657 = tpu.memref_slice %arg11[%add3A_35, %dma_start3A_656] : memref<10240x128xf32, #tpu.memory_space<vmem_shared>> -> memref<40x128xf32, #tpu.memory_space<vmem_shared>>
      %dma_start3A_658 = arith.constant 0 : i32
      %dma_start3A_659 = arith.constant 0 : i32
      %dma_start3A_660 = tpu.memref_slice %arg8[%run_scoped3A_36, %dma_start3A_658, %dma_start3A_659] : memref<5x40x128xf32, #tpu.memory_space<vmem>> -> memref<1x40x128xf32, #tpu.memory_space<vmem>>
      %dma_start3A_661 = tpu.memref_squeeze %dma_start3A_660 : memref<1x40x128xf32, #tpu.memory_space<vmem>> -> memref<40x128xf32, #tpu.memory_space<vmem>>
      tpu.enqueue_dma source(%dma_start3A_661 : memref<40x128xf32, #tpu.memory_space<vmem>>) target(%dma_start3A_657 : memref<40x128xf32, #tpu.memory_space<vmem_shared>>) target_semaphore(%run_scoped3A_649 : memref<!tpu.dma_semaphore, #tpu.memory_space<semaphore_mem>>)
      %dma_wait3A_662 = arith.constant 0 : i32
      %dma_wait3A_663 = arith.constant 0 : i32
      %dma_wait3A_664 = tpu.memref_slice %arg8[%run_scoped3A_36, %dma_wait3A_662, %dma_wait3A_663] : memref<5x40x128xf32, #tpu.memory_space<vmem>> -> memref<1x40x128xf32, #tpu.memory_space<vmem>>
      %dma_wait3A_665 = tpu.memref_squeeze %dma_wait3A_664 : memref<1x40x128xf32, #tpu.memory_space<vmem>> -> memref<40x128xf32, #tpu.memory_space<vmem>>
      %dma_wait3A_666 = arith.constant 0 : i32
      %dma_wait3A_667 = tpu.memref_slice %arg11[%add3A_35, %dma_wait3A_666] : memref<10240x128xf32, #tpu.memory_space<vmem_shared>> -> memref<40x128xf32, #tpu.memory_space<vmem_shared>>
      %dma_wait3A_668 = arith.constant 0 : i32
      %dma_wait3A_669 = tpu.memref_slice %arg11[%add3A_35, %dma_wait3A_668] : memref<10240x128xf32, #tpu.memory_space<vmem_shared>> -> memref<40x128xf32, #tpu.memory_space<vmem_shared>>
      %dma_wait3A_670 = arith.constant 0 : i32
      %dma_wait3A_671 = arith.constant 0 : i32
      %dma_wait3A_672 = tpu.memref_slice %arg8[%run_scoped3A_36, %dma_wait3A_670, %dma_wait3A_671] : memref<5x40x128xf32, #tpu.memory_space<vmem>> -> memref<1x40x128xf32, #tpu.memory_space<vmem>>
      %dma_wait3A_673 = tpu.memref_squeeze %dma_wait3A_672 : memref<1x40x128xf32, #tpu.memory_space<vmem>> -> memref<40x128xf32, #tpu.memory_space<vmem>>
      tpu.wait_dma2 semaphore(%run_scoped3A_649 : memref<!tpu.dma_semaphore, #tpu.memory_space<semaphore_mem>>) src(%dma_wait3A_673 : memref<40x128xf32, #tpu.memory_space<vmem>>) dst(%dma_wait3A_669 : memref<40x128xf32, #tpu.memory_space<vmem_shared>>)
      tpu.yield
    }) : () -> ()
    %mul3A_37 = arith.constant 640 : i32
    %mul3A_38 = arith.muli %arg1, %mul3A_37 : i32
    %add3A_39 = arith.constant 240 : i32
    %add3A_40 = arith.addi %mul3A_38, %add3A_39 : i32
    %run_scoped3A_41 = arith.constant 0 : i32
    "tpu.region"() ({
      %run_scoped3A_649 = tpu.sem_alloc : memref<!tpu.dma_semaphore, #tpu.memory_space<semaphore_mem>>
      %dma_start3A_650 = arith.constant 0 : i32
      %dma_start3A_651 = arith.constant 0 : i32
      %dma_start3A_652 = tpu.memref_slice %arg8[%run_scoped3A_41, %dma_start3A_650, %dma_start3A_651] : memref<5x40x128xf32, #tpu.memory_space<vmem>> -> memref<1x40x128xf32, #tpu.memory_space<vmem>>
      %dma_start3A_653 = tpu.memref_squeeze %dma_start3A_652 : memref<1x40x128xf32, #tpu.memory_space<vmem>> -> memref<40x128xf32, #tpu.memory_space<vmem>>
      %dma_start3A_654 = arith.constant 0 : i32
      %dma_start3A_655 = tpu.memref_slice %arg11[%add3A_40, %dma_start3A_654] : memref<10240x128xf32, #tpu.memory_space<vmem_shared>> -> memref<40x128xf32, #tpu.memory_space<vmem_shared>>
      %dma_start3A_656 = arith.constant 0 : i32
      %dma_start3A_657 = tpu.memref_slice %arg11[%add3A_40, %dma_start3A_656] : memref<10240x128xf32, #tpu.memory_space<vmem_shared>> -> memref<40x128xf32, #tpu.memory_space<vmem_shared>>
      %dma_start3A_658 = arith.constant 0 : i32
      %dma_start3A_659 = arith.constant 0 : i32
      %dma_start3A_660 = tpu.memref_slice %arg8[%run_scoped3A_41, %dma_start3A_658, %dma_start3A_659] : memref<5x40x128xf32, #tpu.memory_space<vmem>> -> memref<1x40x128xf32, #tpu.memory_space<vmem>>
      %dma_start3A_661 = tpu.memref_squeeze %dma_start3A_660 : memref<1x40x128xf32, #tpu.memory_space<vmem>> -> memref<40x128xf32, #tpu.memory_space<vmem>>
      tpu.enqueue_dma source(%dma_start3A_661 : memref<40x128xf32, #tpu.memory_space<vmem>>) target(%dma_start3A_657 : memref<40x128xf32, #tpu.memory_space<vmem_shared>>) target_semaphore(%run_scoped3A_649 : memref<!tpu.dma_semaphore, #tpu.memory_space<semaphore_mem>>)
      %dma_wait3A_662 = arith.constant 0 : i32
      %dma_wait3A_663 = arith.constant 0 : i32
      %dma_wait3A_664 = tpu.memref_slice %arg8[%run_scoped3A_41, %dma_wait3A_662, %dma_wait3A_663] : memref<5x40x128xf32, #tpu.memory_space<vmem>> -> memref<1x40x128xf32, #tpu.memory_space<vmem>>
      %dma_wait3A_665 = tpu.memref_squeeze %dma_wait3A_664 : memref<1x40x128xf32, #tpu.memory_space<vmem>> -> memref<40x128xf32, #tpu.memory_space<vmem>>
      %dma_wait3A_666 = arith.constant 0 : i32
      %dma_wait3A_667 = tpu.memref_slice %arg11[%add3A_40, %dma_wait3A_666] : memref<10240x128xf32, #tpu.memory_space<vmem_shared>> -> memref<40x128xf32, #tpu.memory_space<vmem_shared>>
      %dma_wait3A_668 = arith.constant 0 : i32
      %dma_wait3A_669 = tpu.memref_slice %arg11[%add3A_40, %dma_wait3A_668] : memref<10240x128xf32, #tpu.memory_space<vmem_shared>> -> memref<40x128xf32, #tpu.memory_space<vmem_shared>>
      %dma_wait3A_670 = arith.constant 0 : i32
      %dma_wait3A_671 = arith.constant 0 : i32
      %dma_wait3A_672 = tpu.memref_slice %arg8[%run_scoped3A_41, %dma_wait3A_670, %dma_wait3A_671] : memref<5x40x128xf32, #tpu.memory_space<vmem>> -> memref<1x40x128xf32, #tpu.memory_space<vmem>>
      %dma_wait3A_673 = tpu.memref_squeeze %dma_wait3A_672 : memref<1x40x128xf32, #tpu.memory_space<vmem>> -> memref<40x128xf32, #tpu.memory_space<vmem>>
      tpu.wait_dma2 semaphore(%run_scoped3A_649 : memref<!tpu.dma_semaphore, #tpu.memory_space<semaphore_mem>>) src(%dma_wait3A_673 : memref<40x128xf32, #tpu.memory_space<vmem>>) dst(%dma_wait3A_669 : memref<40x128xf32, #tpu.memory_space<vmem_shared>>)
      tpu.yield
    }) : () -> ()
    %mul3A_42 = arith.constant 640 : i32
    %mul3A_43 = arith.muli %arg1, %mul3A_42 : i32
    %add3A_44 = arith.constant 280 : i32
    %add3A_45 = arith.addi %mul3A_43, %add3A_44 : i32
    %run_scoped3A_46 = arith.constant 0 : i32
    "tpu.region"() ({
      %run_scoped3A_649 = tpu.sem_alloc : memref<!tpu.dma_semaphore, #tpu.memory_space<semaphore_mem>>
      %dma_start3A_650 = arith.constant 0 : i32
      %dma_start3A_651 = arith.constant 0 : i32
      %dma_start3A_652 = tpu.memref_slice %arg8[%run_scoped3A_46, %dma_start3A_650, %dma_start3A_651] : memref<5x40x128xf32, #tpu.memory_space<vmem>> -> memref<1x40x128xf32, #tpu.memory_space<vmem>>
      %dma_start3A_653 = tpu.memref_squeeze %dma_start3A_652 : memref<1x40x128xf32, #tpu.memory_space<vmem>> -> memref<40x128xf32, #tpu.memory_space<vmem>>
      %dma_start3A_654 = arith.constant 0 : i32
      %dma_start3A_655 = tpu.memref_slice %arg11[%add3A_45, %dma_start3A_654] : memref<10240x128xf32, #tpu.memory_space<vmem_shared>> -> memref<40x128xf32, #tpu.memory_space<vmem_shared>>
      %dma_start3A_656 = arith.constant 0 : i32
      %dma_start3A_657 = tpu.memref_slice %arg11[%add3A_45, %dma_start3A_656] : memref<10240x128xf32, #tpu.memory_space<vmem_shared>> -> memref<40x128xf32, #tpu.memory_space<vmem_shared>>
      %dma_start3A_658 = arith.constant 0 : i32
      %dma_start3A_659 = arith.constant 0 : i32
      %dma_start3A_660 = tpu.memref_slice %arg8[%run_scoped3A_46, %dma_start3A_658, %dma_start3A_659] : memref<5x40x128xf32, #tpu.memory_space<vmem>> -> memref<1x40x128xf32, #tpu.memory_space<vmem>>
      %dma_start3A_661 = tpu.memref_squeeze %dma_start3A_660 : memref<1x40x128xf32, #tpu.memory_space<vmem>> -> memref<40x128xf32, #tpu.memory_space<vmem>>
      tpu.enqueue_dma source(%dma_start3A_661 : memref<40x128xf32, #tpu.memory_space<vmem>>) target(%dma_start3A_657 : memref<40x128xf32, #tpu.memory_space<vmem_shared>>) target_semaphore(%run_scoped3A_649 : memref<!tpu.dma_semaphore, #tpu.memory_space<semaphore_mem>>)
      %dma_wait3A_662 = arith.constant 0 : i32
      %dma_wait3A_663 = arith.constant 0 : i32
      %dma_wait3A_664 = tpu.memref_slice %arg8[%run_scoped3A_46, %dma_wait3A_662, %dma_wait3A_663] : memref<5x40x128xf32, #tpu.memory_space<vmem>> -> memref<1x40x128xf32, #tpu.memory_space<vmem>>
      %dma_wait3A_665 = tpu.memref_squeeze %dma_wait3A_664 : memref<1x40x128xf32, #tpu.memory_space<vmem>> -> memref<40x128xf32, #tpu.memory_space<vmem>>
      %dma_wait3A_666 = arith.constant 0 : i32
      %dma_wait3A_667 = tpu.memref_slice %arg11[%add3A_45, %dma_wait3A_666] : memref<10240x128xf32, #tpu.memory_space<vmem_shared>> -> memref<40x128xf32, #tpu.memory_space<vmem_shared>>
      %dma_wait3A_668 = arith.constant 0 : i32
      %dma_wait3A_669 = tpu.memref_slice %arg11[%add3A_45, %dma_wait3A_668] : memref<10240x128xf32, #tpu.memory_space<vmem_shared>> -> memref<40x128xf32, #tpu.memory_space<vmem_shared>>
      %dma_wait3A_670 = arith.constant 0 : i32
      %dma_wait3A_671 = arith.constant 0 : i32
      %dma_wait3A_672 = tpu.memref_slice %arg8[%run_scoped3A_46, %dma_wait3A_670, %dma_wait3A_671] : memref<5x40x128xf32, #tpu.memory_space<vmem>> -> memref<1x40x128xf32, #tpu.memory_space<vmem>>
      %dma_wait3A_673 = tpu.memref_squeeze %dma_wait3A_672 : memref<1x40x128xf32, #tpu.memory_space<vmem>> -> memref<40x128xf32, #tpu.memory_space<vmem>>
      tpu.wait_dma2 semaphore(%run_scoped3A_649 : memref<!tpu.dma_semaphore, #tpu.memory_space<semaphore_mem>>) src(%dma_wait3A_673 : memref<40x128xf32, #tpu.memory_space<vmem>>) dst(%dma_wait3A_669 : memref<40x128xf32, #tpu.memory_space<vmem_shared>>)
      tpu.yield
    }) : () -> ()
    %mul3A_47 = arith.constant 640 : i32
    %mul3A_48 = arith.muli %arg1, %mul3A_47 : i32
    %add3A_49 = arith.constant 320 : i32
    %add3A_50 = arith.addi %mul3A_48, %add3A_49 : i32
    %run_scoped3A_51 = arith.constant 0 : i32
    "tpu.region"() ({
      %run_scoped3A_649 = tpu.sem_alloc : memref<!tpu.dma_semaphore, #tpu.memory_space<semaphore_mem>>
      %dma_start3A_650 = arith.constant 0 : i32
      %dma_start3A_651 = arith.constant 0 : i32
      %dma_start3A_652 = tpu.memref_slice %arg8[%run_scoped3A_51, %dma_start3A_650, %dma_start3A_651] : memref<5x40x128xf32, #tpu.memory_space<vmem>> -> memref<1x40x128xf32, #tpu.memory_space<vmem>>
      %dma_start3A_653 = tpu.memref_squeeze %dma_start3A_652 : memref<1x40x128xf32, #tpu.memory_space<vmem>> -> memref<40x128xf32, #tpu.memory_space<vmem>>
      %dma_start3A_654 = arith.constant 0 : i32
      %dma_start3A_655 = tpu.memref_slice %arg11[%add3A_50, %dma_start3A_654] : memref<10240x128xf32, #tpu.memory_space<vmem_shared>> -> memref<40x128xf32, #tpu.memory_space<vmem_shared>>
      %dma_start3A_656 = arith.constant 0 : i32
      %dma_start3A_657 = tpu.memref_slice %arg11[%add3A_50, %dma_start3A_656] : memref<10240x128xf32, #tpu.memory_space<vmem_shared>> -> memref<40x128xf32, #tpu.memory_space<vmem_shared>>
      %dma_start3A_658 = arith.constant 0 : i32
      %dma_start3A_659 = arith.constant 0 : i32
      %dma_start3A_660 = tpu.memref_slice %arg8[%run_scoped3A_51, %dma_start3A_658, %dma_start3A_659] : memref<5x40x128xf32, #tpu.memory_space<vmem>> -> memref<1x40x128xf32, #tpu.memory_space<vmem>>
      %dma_start3A_661 = tpu.memref_squeeze %dma_start3A_660 : memref<1x40x128xf32, #tpu.memory_space<vmem>> -> memref<40x128xf32, #tpu.memory_space<vmem>>
      tpu.enqueue_dma source(%dma_start3A_661 : memref<40x128xf32, #tpu.memory_space<vmem>>) target(%dma_start3A_657 : memref<40x128xf32, #tpu.memory_space<vmem_shared>>) target_semaphore(%run_scoped3A_649 : memref<!tpu.dma_semaphore, #tpu.memory_space<semaphore_mem>>)
      %dma_wait3A_662 = arith.constant 0 : i32
      %dma_wait3A_663 = arith.constant 0 : i32
      %dma_wait3A_664 = tpu.memref_slice %arg8[%run_scoped3A_51, %dma_wait3A_662, %dma_wait3A_663] : memref<5x40x128xf32, #tpu.memory_space<vmem>> -> memref<1x40x128xf32, #tpu.memory_space<vmem>>
      %dma_wait3A_665 = tpu.memref_squeeze %dma_wait3A_664 : memref<1x40x128xf32, #tpu.memory_space<vmem>> -> memref<40x128xf32, #tpu.memory_space<vmem>>
      %dma_wait3A_666 = arith.constant 0 : i32
      %dma_wait3A_667 = tpu.memref_slice %arg11[%add3A_50, %dma_wait3A_666] : memref<10240x128xf32, #tpu.memory_space<vmem_shared>> -> memref<40x128xf32, #tpu.memory_space<vmem_shared>>
      %dma_wait3A_668 = arith.constant 0 : i32
      %dma_wait3A_669 = tpu.memref_slice %arg11[%add3A_50, %dma_wait3A_668] : memref<10240x128xf32, #tpu.memory_space<vmem_shared>> -> memref<40x128xf32, #tpu.memory_space<vmem_shared>>
      %dma_wait3A_670 = arith.constant 0 : i32
      %dma_wait3A_671 = arith.constant 0 : i32
      %dma_wait3A_672 = tpu.memref_slice %arg8[%run_scoped3A_51, %dma_wait3A_670, %dma_wait3A_671] : memref<5x40x128xf32, #tpu.memory_space<vmem>> -> memref<1x40x128xf32, #tpu.memory_space<vmem>>
      %dma_wait3A_673 = tpu.memref_squeeze %dma_wait3A_672 : memref<1x40x128xf32, #tpu.memory_space<vmem>> -> memref<40x128xf32, #tpu.memory_space<vmem>>
      tpu.wait_dma2 semaphore(%run_scoped3A_649 : memref<!tpu.dma_semaphore, #tpu.memory_space<semaphore_mem>>) src(%dma_wait3A_673 : memref<40x128xf32, #tpu.memory_space<vmem>>) dst(%dma_wait3A_669 : memref<40x128xf32, #tpu.memory_space<vmem_shared>>)
      tpu.yield
    }) : () -> ()
    %mul3A_52 = arith.constant 640 : i32
    %mul3A_53 = arith.muli %arg1, %mul3A_52 : i32
    %add3A_54 = arith.constant 360 : i32
    %add3A_55 = arith.addi %mul3A_53, %add3A_54 : i32
    %run_scoped3A_56 = arith.constant 0 : i32
    "tpu.region"() ({
      %run_scoped3A_649 = tpu.sem_alloc : memref<!tpu.dma_semaphore, #tpu.memory_space<semaphore_mem>>
      %dma_start3A_650 = arith.constant 0 : i32
      %dma_start3A_651 = arith.constant 0 : i32
      %dma_start3A_652 = tpu.memref_slice %arg8[%run_scoped3A_56, %dma_start3A_650, %dma_start3A_651] : memref<5x40x128xf32, #tpu.memory_space<vmem>> -> memref<1x40x128xf32, #tpu.memory_space<vmem>>
      %dma_start3A_653 = tpu.memref_squeeze %dma_start3A_652 : memref<1x40x128xf32, #tpu.memory_space<vmem>> -> memref<40x128xf32, #tpu.memory_space<vmem>>
      %dma_start3A_654 = arith.constant 0 : i32
      %dma_start3A_655 = tpu.memref_slice %arg11[%add3A_55, %dma_start3A_654] : memref<10240x128xf32, #tpu.memory_space<vmem_shared>> -> memref<40x128xf32, #tpu.memory_space<vmem_shared>>
      %dma_start3A_656 = arith.constant 0 : i32
      %dma_start3A_657 = tpu.memref_slice %arg11[%add3A_55, %dma_start3A_656] : memref<10240x128xf32, #tpu.memory_space<vmem_shared>> -> memref<40x128xf32, #tpu.memory_space<vmem_shared>>
      %dma_start3A_658 = arith.constant 0 : i32
      %dma_start3A_659 = arith.constant 0 : i32
      %dma_start3A_660 = tpu.memref_slice %arg8[%run_scoped3A_56, %dma_start3A_658, %dma_start3A_659] : memref<5x40x128xf32, #tpu.memory_space<vmem>> -> memref<1x40x128xf32, #tpu.memory_space<vmem>>
      %dma_start3A_661 = tpu.memref_squeeze %dma_start3A_660 : memref<1x40x128xf32, #tpu.memory_space<vmem>> -> memref<40x128xf32, #tpu.memory_space<vmem>>
      tpu.enqueue_dma source(%dma_start3A_661 : memref<40x128xf32, #tpu.memory_space<vmem>>) target(%dma_start3A_657 : memref<40x128xf32, #tpu.memory_space<vmem_shared>>) target_semaphore(%run_scoped3A_649 : memref<!tpu.dma_semaphore, #tpu.memory_space<semaphore_mem>>)
      %dma_wait3A_662 = arith.constant 0 : i32
      %dma_wait3A_663 = arith.constant 0 : i32
      %dma_wait3A_664 = tpu.memref_slice %arg8[%run_scoped3A_56, %dma_wait3A_662, %dma_wait3A_663] : memref<5x40x128xf32, #tpu.memory_space<vmem>> -> memref<1x40x128xf32, #tpu.memory_space<vmem>>
      %dma_wait3A_665 = tpu.memref_squeeze %dma_wait3A_664 : memref<1x40x128xf32, #tpu.memory_space<vmem>> -> memref<40x128xf32, #tpu.memory_space<vmem>>
      %dma_wait3A_666 = arith.constant 0 : i32
      %dma_wait3A_667 = tpu.memref_slice %arg11[%add3A_55, %dma_wait3A_666] : memref<10240x128xf32, #tpu.memory_space<vmem_shared>> -> memref<40x128xf32, #tpu.memory_space<vmem_shared>>
      %dma_wait3A_668 = arith.constant 0 : i32
      %dma_wait3A_669 = tpu.memref_slice %arg11[%add3A_55, %dma_wait3A_668] : memref<10240x128xf32, #tpu.memory_space<vmem_shared>> -> memref<40x128xf32, #tpu.memory_space<vmem_shared>>
      %dma_wait3A_670 = arith.constant 0 : i32
      %dma_wait3A_671 = arith.constant 0 : i32
      %dma_wait3A_672 = tpu.memref_slice %arg8[%run_scoped3A_56, %dma_wait3A_670, %dma_wait3A_671] : memref<5x40x128xf32, #tpu.memory_space<vmem>> -> memref<1x40x128xf32, #tpu.memory_space<vmem>>
      %dma_wait3A_673 = tpu.memref_squeeze %dma_wait3A_672 : memref<1x40x128xf32, #tpu.memory_space<vmem>> -> memref<40x128xf32, #tpu.memory_space<vmem>>
      tpu.wait_dma2 semaphore(%run_scoped3A_649 : memref<!tpu.dma_semaphore, #tpu.memory_space<semaphore_mem>>) src(%dma_wait3A_673 : memref<40x128xf32, #tpu.memory_space<vmem>>) dst(%dma_wait3A_669 : memref<40x128xf32, #tpu.memory_space<vmem_shared>>)
      tpu.yield
    }) : () -> ()
    %mul3A_57 = arith.constant 640 : i32
    %mul3A_58 = arith.muli %arg1, %mul3A_57 : i32
    %add3A_59 = arith.constant 400 : i32
    %add3A_60 = arith.addi %mul3A_58, %add3A_59 : i32
    %run_scoped3A_61 = arith.constant 0 : i32
    "tpu.region"() ({
      %run_scoped3A_649 = tpu.sem_alloc : memref<!tpu.dma_semaphore, #tpu.memory_space<semaphore_mem>>
      %dma_start3A_650 = arith.constant 0 : i32
      %dma_start3A_651 = arith.constant 0 : i32
      %dma_start3A_652 = tpu.memref_slice %arg8[%run_scoped3A_61, %dma_start3A_650, %dma_start3A_651] : memref<5x40x128xf32, #tpu.memory_space<vmem>> -> memref<1x40x128xf32, #tpu.memory_space<vmem>>
      %dma_start3A_653 = tpu.memref_squeeze %dma_start3A_652 : memref<1x40x128xf32, #tpu.memory_space<vmem>> -> memref<40x128xf32, #tpu.memory_space<vmem>>
      %dma_start3A_654 = arith.constant 0 : i32
      %dma_start3A_655 = tpu.memref_slice %arg11[%add3A_60, %dma_start3A_654] : memref<10240x128xf32, #tpu.memory_space<vmem_shared>> -> memref<40x128xf32, #tpu.memory_space<vmem_shared>>
      %dma_start3A_656 = arith.constant 0 : i32
      %dma_start3A_657 = tpu.memref_slice %arg11[%add3A_60, %dma_start3A_656] : memref<10240x128xf32, #tpu.memory_space<vmem_shared>> -> memref<40x128xf32, #tpu.memory_space<vmem_shared>>
      %dma_start3A_658 = arith.constant 0 : i32
      %dma_start3A_659 = arith.constant 0 : i32
      %dma_start3A_660 = tpu.memref_slice %arg8[%run_scoped3A_61, %dma_start3A_658, %dma_start3A_659] : memref<5x40x128xf32, #tpu.memory_space<vmem>> -> memref<1x40x128xf32, #tpu.memory_space<vmem>>
      %dma_start3A_661 = tpu.memref_squeeze %dma_start3A_660 : memref<1x40x128xf32, #tpu.memory_space<vmem>> -> memref<40x128xf32, #tpu.memory_space<vmem>>
      tpu.enqueue_dma source(%dma_start3A_661 : memref<40x128xf32, #tpu.memory_space<vmem>>) target(%dma_start3A_657 : memref<40x128xf32, #tpu.memory_space<vmem_shared>>) target_semaphore(%run_scoped3A_649 : memref<!tpu.dma_semaphore, #tpu.memory_space<semaphore_mem>>)
      %dma_wait3A_662 = arith.constant 0 : i32
      %dma_wait3A_663 = arith.constant 0 : i32
      %dma_wait3A_664 = tpu.memref_slice %arg8[%run_scoped3A_61, %dma_wait3A_662, %dma_wait3A_663] : memref<5x40x128xf32, #tpu.memory_space<vmem>> -> memref<1x40x128xf32, #tpu.memory_space<vmem>>
      %dma_wait3A_665 = tpu.memref_squeeze %dma_wait3A_664 : memref<1x40x128xf32, #tpu.memory_space<vmem>> -> memref<40x128xf32, #tpu.memory_space<vmem>>
      %dma_wait3A_666 = arith.constant 0 : i32
      %dma_wait3A_667 = tpu.memref_slice %arg11[%add3A_60, %dma_wait3A_666] : memref<10240x128xf32, #tpu.memory_space<vmem_shared>> -> memref<40x128xf32, #tpu.memory_space<vmem_shared>>
      %dma_wait3A_668 = arith.constant 0 : i32
      %dma_wait3A_669 = tpu.memref_slice %arg11[%add3A_60, %dma_wait3A_668] : memref<10240x128xf32, #tpu.memory_space<vmem_shared>> -> memref<40x128xf32, #tpu.memory_space<vmem_shared>>
      %dma_wait3A_670 = arith.constant 0 : i32
      %dma_wait3A_671 = arith.constant 0 : i32
      %dma_wait3A_672 = tpu.memref_slice %arg8[%run_scoped3A_61, %dma_wait3A_670, %dma_wait3A_671] : memref<5x40x128xf32, #tpu.memory_space<vmem>> -> memref<1x40x128xf32, #tpu.memory_space<vmem>>
      %dma_wait3A_673 = tpu.memref_squeeze %dma_wait3A_672 : memref<1x40x128xf32, #tpu.memory_space<vmem>> -> memref<40x128xf32, #tpu.memory_space<vmem>>
      tpu.wait_dma2 semaphore(%run_scoped3A_649 : memref<!tpu.dma_semaphore, #tpu.memory_space<semaphore_mem>>) src(%dma_wait3A_673 : memref<40x128xf32, #tpu.memory_space<vmem>>) dst(%dma_wait3A_669 : memref<40x128xf32, #tpu.memory_space<vmem_shared>>)
      tpu.yield
    }) : () -> ()
    %mul3A_62 = arith.constant 640 : i32
    %mul3A_63 = arith.muli %arg1, %mul3A_62 : i32
    %add3A_64 = arith.constant 440 : i32
    %add3A_65 = arith.addi %mul3A_63, %add3A_64 : i32
    %run_scoped3A_66 = arith.constant 0 : i32
    "tpu.region"() ({
      %run_scoped3A_649 = tpu.sem_alloc : memref<!tpu.dma_semaphore, #tpu.memory_space<semaphore_mem>>
      %dma_start3A_650 = arith.constant 0 : i32
      %dma_start3A_651 = arith.constant 0 : i32
      %dma_start3A_652 = tpu.memref_slice %arg8[%run_scoped3A_66, %dma_start3A_650, %dma_start3A_651] : memref<5x40x128xf32, #tpu.memory_space<vmem>> -> memref<1x40x128xf32, #tpu.memory_space<vmem>>
      %dma_start3A_653 = tpu.memref_squeeze %dma_start3A_652 : memref<1x40x128xf32, #tpu.memory_space<vmem>> -> memref<40x128xf32, #tpu.memory_space<vmem>>
      %dma_start3A_654 = arith.constant 0 : i32
      %dma_start3A_655 = tpu.memref_slice %arg11[%add3A_65, %dma_start3A_654] : memref<10240x128xf32, #tpu.memory_space<vmem_shared>> -> memref<40x128xf32, #tpu.memory_space<vmem_shared>>
      %dma_start3A_656 = arith.constant 0 : i32
      %dma_start3A_657 = tpu.memref_slice %arg11[%add3A_65, %dma_start3A_656] : memref<10240x128xf32, #tpu.memory_space<vmem_shared>> -> memref<40x128xf32, #tpu.memory_space<vmem_shared>>
      %dma_start3A_658 = arith.constant 0 : i32
      %dma_start3A_659 = arith.constant 0 : i32
      %dma_start3A_660 = tpu.memref_slice %arg8[%run_scoped3A_66, %dma_start3A_658, %dma_start3A_659] : memref<5x40x128xf32, #tpu.memory_space<vmem>> -> memref<1x40x128xf32, #tpu.memory_space<vmem>>
      %dma_start3A_661 = tpu.memref_squeeze %dma_start3A_660 : memref<1x40x128xf32, #tpu.memory_space<vmem>> -> memref<40x128xf32, #tpu.memory_space<vmem>>
      tpu.enqueue_dma source(%dma_start3A_661 : memref<40x128xf32, #tpu.memory_space<vmem>>) target(%dma_start3A_657 : memref<40x128xf32, #tpu.memory_space<vmem_shared>>) target_semaphore(%run_scoped3A_649 : memref<!tpu.dma_semaphore, #tpu.memory_space<semaphore_mem>>)
      %dma_wait3A_662 = arith.constant 0 : i32
      %dma_wait3A_663 = arith.constant 0 : i32
      %dma_wait3A_664 = tpu.memref_slice %arg8[%run_scoped3A_66, %dma_wait3A_662, %dma_wait3A_663] : memref<5x40x128xf32, #tpu.memory_space<vmem>> -> memref<1x40x128xf32, #tpu.memory_space<vmem>>
      %dma_wait3A_665 = tpu.memref_squeeze %dma_wait3A_664 : memref<1x40x128xf32, #tpu.memory_space<vmem>> -> memref<40x128xf32, #tpu.memory_space<vmem>>
      %dma_wait3A_666 = arith.constant 0 : i32
      %dma_wait3A_667 = tpu.memref_slice %arg11[%add3A_65, %dma_wait3A_666] : memref<10240x128xf32, #tpu.memory_space<vmem_shared>> -> memref<40x128xf32, #tpu.memory_space<vmem_shared>>
      %dma_wait3A_668 = arith.constant 0 : i32
      %dma_wait3A_669 = tpu.memref_slice %arg11[%add3A_65, %dma_wait3A_668] : memref<10240x128xf32, #tpu.memory_space<vmem_shared>> -> memref<40x128xf32, #tpu.memory_space<vmem_shared>>
      %dma_wait3A_670 = arith.constant 0 : i32
      %dma_wait3A_671 = arith.constant 0 : i32
      %dma_wait3A_672 = tpu.memref_slice %arg8[%run_scoped3A_66, %dma_wait3A_670, %dma_wait3A_671] : memref<5x40x128xf32, #tpu.memory_space<vmem>> -> memref<1x40x128xf32, #tpu.memory_space<vmem>>
      %dma_wait3A_673 = tpu.memref_squeeze %dma_wait3A_672 : memref<1x40x128xf32, #tpu.memory_space<vmem>> -> memref<40x128xf32, #tpu.memory_space<vmem>>
      tpu.wait_dma2 semaphore(%run_scoped3A_649 : memref<!tpu.dma_semaphore, #tpu.memory_space<semaphore_mem>>) src(%dma_wait3A_673 : memref<40x128xf32, #tpu.memory_space<vmem>>) dst(%dma_wait3A_669 : memref<40x128xf32, #tpu.memory_space<vmem_shared>>)
      tpu.yield
    }) : () -> ()
    %mul3A_67 = arith.constant 640 : i32
    %mul3A_68 = arith.muli %arg1, %mul3A_67 : i32
    %add3A_69 = arith.constant 480 : i32
    %add3A_70 = arith.addi %mul3A_68, %add3A_69 : i32
    %run_scoped3A_71 = arith.constant 0 : i32
    "tpu.region"() ({
      %run_scoped3A_649 = tpu.sem_alloc : memref<!tpu.dma_semaphore, #tpu.memory_space<semaphore_mem>>
      %dma_start3A_650 = arith.constant 0 : i32
      %dma_start3A_651 = arith.constant 0 : i32
      %dma_start3A_652 = tpu.memref_slice %arg8[%run_scoped3A_71, %dma_start3A_650, %dma_start3A_651] : memref<5x40x128xf32, #tpu.memory_space<vmem>> -> memref<1x40x128xf32, #tpu.memory_space<vmem>>
      %dma_start3A_653 = tpu.memref_squeeze %dma_start3A_652 : memref<1x40x128xf32, #tpu.memory_space<vmem>> -> memref<40x128xf32, #tpu.memory_space<vmem>>
      %dma_start3A_654 = arith.constant 0 : i32
      %dma_start3A_655 = tpu.memref_slice %arg11[%add3A_70, %dma_start3A_654] : memref<10240x128xf32, #tpu.memory_space<vmem_shared>> -> memref<40x128xf32, #tpu.memory_space<vmem_shared>>
      %dma_start3A_656 = arith.constant 0 : i32
      %dma_start3A_657 = tpu.memref_slice %arg11[%add3A_70, %dma_start3A_656] : memref<10240x128xf32, #tpu.memory_space<vmem_shared>> -> memref<40x128xf32, #tpu.memory_space<vmem_shared>>
      %dma_start3A_658 = arith.constant 0 : i32
      %dma_start3A_659 = arith.constant 0 : i32
      %dma_start3A_660 = tpu.memref_slice %arg8[%run_scoped3A_71, %dma_start3A_658, %dma_start3A_659] : memref<5x40x128xf32, #tpu.memory_space<vmem>> -> memref<1x40x128xf32, #tpu.memory_space<vmem>>
      %dma_start3A_661 = tpu.memref_squeeze %dma_start3A_660 : memref<1x40x128xf32, #tpu.memory_space<vmem>> -> memref<40x128xf32, #tpu.memory_space<vmem>>
      tpu.enqueue_dma source(%dma_start3A_661 : memref<40x128xf32, #tpu.memory_space<vmem>>) target(%dma_start3A_657 : memref<40x128xf32, #tpu.memory_space<vmem_shared>>) target_semaphore(%run_scoped3A_649 : memref<!tpu.dma_semaphore, #tpu.memory_space<semaphore_mem>>)
      %dma_wait3A_662 = arith.constant 0 : i32
      %dma_wait3A_663 = arith.constant 0 : i32
      %dma_wait3A_664 = tpu.memref_slice %arg8[%run_scoped3A_71, %dma_wait3A_662, %dma_wait3A_663] : memref<5x40x128xf32, #tpu.memory_space<vmem>> -> memref<1x40x128xf32, #tpu.memory_space<vmem>>
      %dma_wait3A_665 = tpu.memref_squeeze %dma_wait3A_664 : memref<1x40x128xf32, #tpu.memory_space<vmem>> -> memref<40x128xf32, #tpu.memory_space<vmem>>
      %dma_wait3A_666 = arith.constant 0 : i32
      %dma_wait3A_667 = tpu.memref_slice %arg11[%add3A_70, %dma_wait3A_666] : memref<10240x128xf32, #tpu.memory_space<vmem_shared>> -> memref<40x128xf32, #tpu.memory_space<vmem_shared>>
      %dma_wait3A_668 = arith.constant 0 : i32
      %dma_wait3A_669 = tpu.memref_slice %arg11[%add3A_70, %dma_wait3A_668] : memref<10240x128xf32, #tpu.memory_space<vmem_shared>> -> memref<40x128xf32, #tpu.memory_space<vmem_shared>>
      %dma_wait3A_670 = arith.constant 0 : i32
      %dma_wait3A_671 = arith.constant 0 : i32
      %dma_wait3A_672 = tpu.memref_slice %arg8[%run_scoped3A_71, %dma_wait3A_670, %dma_wait3A_671] : memref<5x40x128xf32, #tpu.memory_space<vmem>> -> memref<1x40x128xf32, #tpu.memory_space<vmem>>
      %dma_wait3A_673 = tpu.memref_squeeze %dma_wait3A_672 : memref<1x40x128xf32, #tpu.memory_space<vmem>> -> memref<40x128xf32, #tpu.memory_space<vmem>>
      tpu.wait_dma2 semaphore(%run_scoped3A_649 : memref<!tpu.dma_semaphore, #tpu.memory_space<semaphore_mem>>) src(%dma_wait3A_673 : memref<40x128xf32, #tpu.memory_space<vmem>>) dst(%dma_wait3A_669 : memref<40x128xf32, #tpu.memory_space<vmem_shared>>)
      tpu.yield
    }) : () -> ()
    %mul3A_72 = arith.constant 640 : i32
    %mul3A_73 = arith.muli %arg1, %mul3A_72 : i32
    %add3A_74 = arith.constant 520 : i32
    %add3A_75 = arith.addi %mul3A_73, %add3A_74 : i32
    %run_scoped3A_76 = arith.constant 0 : i32
    "tpu.region"() ({
      %run_scoped3A_649 = tpu.sem_alloc : memref<!tpu.dma_semaphore, #tpu.memory_space<semaphore_mem>>
      %dma_start3A_650 = arith.constant 0 : i32
      %dma_start3A_651 = arith.constant 0 : i32
      %dma_start3A_652 = tpu.memref_slice %arg8[%run_scoped3A_76, %dma_start3A_650, %dma_start3A_651] : memref<5x40x128xf32, #tpu.memory_space<vmem>> -> memref<1x40x128xf32, #tpu.memory_space<vmem>>
      %dma_start3A_653 = tpu.memref_squeeze %dma_start3A_652 : memref<1x40x128xf32, #tpu.memory_space<vmem>> -> memref<40x128xf32, #tpu.memory_space<vmem>>
      %dma_start3A_654 = arith.constant 0 : i32
      %dma_start3A_655 = tpu.memref_slice %arg11[%add3A_75, %dma_start3A_654] : memref<10240x128xf32, #tpu.memory_space<vmem_shared>> -> memref<40x128xf32, #tpu.memory_space<vmem_shared>>
      %dma_start3A_656 = arith.constant 0 : i32
      %dma_start3A_657 = tpu.memref_slice %arg11[%add3A_75, %dma_start3A_656] : memref<10240x128xf32, #tpu.memory_space<vmem_shared>> -> memref<40x128xf32, #tpu.memory_space<vmem_shared>>
      %dma_start3A_658 = arith.constant 0 : i32
      %dma_start3A_659 = arith.constant 0 : i32
      %dma_start3A_660 = tpu.memref_slice %arg8[%run_scoped3A_76, %dma_start3A_658, %dma_start3A_659] : memref<5x40x128xf32, #tpu.memory_space<vmem>> -> memref<1x40x128xf32, #tpu.memory_space<vmem>>
      %dma_start3A_661 = tpu.memref_squeeze %dma_start3A_660 : memref<1x40x128xf32, #tpu.memory_space<vmem>> -> memref<40x128xf32, #tpu.memory_space<vmem>>
      tpu.enqueue_dma source(%dma_start3A_661 : memref<40x128xf32, #tpu.memory_space<vmem>>) target(%dma_start3A_657 : memref<40x128xf32, #tpu.memory_space<vmem_shared>>) target_semaphore(%run_scoped3A_649 : memref<!tpu.dma_semaphore, #tpu.memory_space<semaphore_mem>>)
      %dma_wait3A_662 = arith.constant 0 : i32
      %dma_wait3A_663 = arith.constant 0 : i32
      %dma_wait3A_664 = tpu.memref_slice %arg8[%run_scoped3A_76, %dma_wait3A_662, %dma_wait3A_663] : memref<5x40x128xf32, #tpu.memory_space<vmem>> -> memref<1x40x128xf32, #tpu.memory_space<vmem>>
      %dma_wait3A_665 = tpu.memref_squeeze %dma_wait3A_664 : memref<1x40x128xf32, #tpu.memory_space<vmem>> -> memref<40x128xf32, #tpu.memory_space<vmem>>
      %dma_wait3A_666 = arith.constant 0 : i32
      %dma_wait3A_667 = tpu.memref_slice %arg11[%add3A_75, %dma_wait3A_666] : memref<10240x128xf32, #tpu.memory_space<vmem_shared>> -> memref<40x128xf32, #tpu.memory_space<vmem_shared>>
      %dma_wait3A_668 = arith.constant 0 : i32
      %dma_wait3A_669 = tpu.memref_slice %arg11[%add3A_75, %dma_wait3A_668] : memref<10240x128xf32, #tpu.memory_space<vmem_shared>> -> memref<40x128xf32, #tpu.memory_space<vmem_shared>>
      %dma_wait3A_670 = arith.constant 0 : i32
      %dma_wait3A_671 = arith.constant 0 : i32
      %dma_wait3A_672 = tpu.memref_slice %arg8[%run_scoped3A_76, %dma_wait3A_670, %dma_wait3A_671] : memref<5x40x128xf32, #tpu.memory_space<vmem>> -> memref<1x40x128xf32, #tpu.memory_space<vmem>>
      %dma_wait3A_673 = tpu.memref_squeeze %dma_wait3A_672 : memref<1x40x128xf32, #tpu.memory_space<vmem>> -> memref<40x128xf32, #tpu.memory_space<vmem>>
      tpu.wait_dma2 semaphore(%run_scoped3A_649 : memref<!tpu.dma_semaphore, #tpu.memory_space<semaphore_mem>>) src(%dma_wait3A_673 : memref<40x128xf32, #tpu.memory_space<vmem>>) dst(%dma_wait3A_669 : memref<40x128xf32, #tpu.memory_space<vmem_shared>>)
      tpu.yield
    }) : () -> ()
    %mul3A_77 = arith.constant 640 : i32
    %mul3A_78 = arith.muli %arg1, %mul3A_77 : i32
    %add3A_79 = arith.constant 560 : i32
    %add3A_80 = arith.addi %mul3A_78, %add3A_79 : i32
    %run_scoped3A_81 = arith.constant 0 : i32
    "tpu.region"() ({
      %run_scoped3A_649 = tpu.sem_alloc : memref<!tpu.dma_semaphore, #tpu.memory_space<semaphore_mem>>
      %dma_start3A_650 = arith.constant 0 : i32
      %dma_start3A_651 = arith.constant 0 : i32
      %dma_start3A_652 = tpu.memref_slice %arg8[%run_scoped3A_81, %dma_start3A_650, %dma_start3A_651] : memref<5x40x128xf32, #tpu.memory_space<vmem>> -> memref<1x40x128xf32, #tpu.memory_space<vmem>>
      %dma_start3A_653 = tpu.memref_squeeze %dma_start3A_652 : memref<1x40x128xf32, #tpu.memory_space<vmem>> -> memref<40x128xf32, #tpu.memory_space<vmem>>
      %dma_start3A_654 = arith.constant 0 : i32
      %dma_start3A_655 = tpu.memref_slice %arg11[%add3A_80, %dma_start3A_654] : memref<10240x128xf32, #tpu.memory_space<vmem_shared>> -> memref<40x128xf32, #tpu.memory_space<vmem_shared>>
      %dma_start3A_656 = arith.constant 0 : i32
      %dma_start3A_657 = tpu.memref_slice %arg11[%add3A_80, %dma_start3A_656] : memref<10240x128xf32, #tpu.memory_space<vmem_shared>> -> memref<40x128xf32, #tpu.memory_space<vmem_shared>>
      %dma_start3A_658 = arith.constant 0 : i32
      %dma_start3A_659 = arith.constant 0 : i32
      %dma_start3A_660 = tpu.memref_slice %arg8[%run_scoped3A_81, %dma_start3A_658, %dma_start3A_659] : memref<5x40x128xf32, #tpu.memory_space<vmem>> -> memref<1x40x128xf32, #tpu.memory_space<vmem>>
      %dma_start3A_661 = tpu.memref_squeeze %dma_start3A_660 : memref<1x40x128xf32, #tpu.memory_space<vmem>> -> memref<40x128xf32, #tpu.memory_space<vmem>>
      tpu.enqueue_dma source(%dma_start3A_661 : memref<40x128xf32, #tpu.memory_space<vmem>>) target(%dma_start3A_657 : memref<40x128xf32, #tpu.memory_space<vmem_shared>>) target_semaphore(%run_scoped3A_649 : memref<!tpu.dma_semaphore, #tpu.memory_space<semaphore_mem>>)
      %dma_wait3A_662 = arith.constant 0 : i32
      %dma_wait3A_663 = arith.constant 0 : i32
      %dma_wait3A_664 = tpu.memref_slice %arg8[%run_scoped3A_81, %dma_wait3A_662, %dma_wait3A_663] : memref<5x40x128xf32, #tpu.memory_space<vmem>> -> memref<1x40x128xf32, #tpu.memory_space<vmem>>
      %dma_wait3A_665 = tpu.memref_squeeze %dma_wait3A_664 : memref<1x40x128xf32, #tpu.memory_space<vmem>> -> memref<40x128xf32, #tpu.memory_space<vmem>>
      %dma_wait3A_666 = arith.constant 0 : i32
      %dma_wait3A_667 = tpu.memref_slice %arg11[%add3A_80, %dma_wait3A_666] : memref<10240x128xf32, #tpu.memory_space<vmem_shared>> -> memref<40x128xf32, #tpu.memory_space<vmem_shared>>
      %dma_wait3A_668 = arith.constant 0 : i32
      %dma_wait3A_669 = tpu.memref_slice %arg11[%add3A_80, %dma_wait3A_668] : memref<10240x128xf32, #tpu.memory_space<vmem_shared>> -> memref<40x128xf32, #tpu.memory_space<vmem_shared>>
      %dma_wait3A_670 = arith.constant 0 : i32
      %dma_wait3A_671 = arith.constant 0 : i32
      %dma_wait3A_672 = tpu.memref_slice %arg8[%run_scoped3A_81, %dma_wait3A_670, %dma_wait3A_671] : memref<5x40x128xf32, #tpu.memory_space<vmem>> -> memref<1x40x128xf32, #tpu.memory_space<vmem>>
      %dma_wait3A_673 = tpu.memref_squeeze %dma_wait3A_672 : memref<1x40x128xf32, #tpu.memory_space<vmem>> -> memref<40x128xf32, #tpu.memory_space<vmem>>
      tpu.wait_dma2 semaphore(%run_scoped3A_649 : memref<!tpu.dma_semaphore, #tpu.memory_space<semaphore_mem>>) src(%dma_wait3A_673 : memref<40x128xf32, #tpu.memory_space<vmem>>) dst(%dma_wait3A_669 : memref<40x128xf32, #tpu.memory_space<vmem_shared>>)
      tpu.yield
    }) : () -> ()
    %mul3A_82 = arith.constant 640 : i32
    %mul3A_83 = arith.muli %arg1, %mul3A_82 : i32
    %add3A_84 = arith.constant 600 : i32
    %add3A_85 = arith.addi %mul3A_83, %add3A_84 : i32
    %run_scoped3A_86 = arith.constant 0 : i32
    "tpu.region"() ({
      %run_scoped3A_649 = tpu.sem_alloc : memref<!tpu.dma_semaphore, #tpu.memory_space<semaphore_mem>>
      %dma_start3A_650 = arith.constant 0 : i32
      %dma_start3A_651 = arith.constant 0 : i32
      %dma_start3A_652 = tpu.memref_slice %arg8[%run_scoped3A_86, %dma_start3A_650, %dma_start3A_651] : memref<5x40x128xf32, #tpu.memory_space<vmem>> -> memref<1x40x128xf32, #tpu.memory_space<vmem>>
      %dma_start3A_653 = tpu.memref_squeeze %dma_start3A_652 : memref<1x40x128xf32, #tpu.memory_space<vmem>> -> memref<40x128xf32, #tpu.memory_space<vmem>>
      %dma_start3A_654 = arith.constant 0 : i32
      %dma_start3A_655 = tpu.memref_slice %arg11[%add3A_85, %dma_start3A_654] : memref<10240x128xf32, #tpu.memory_space<vmem_shared>> -> memref<40x128xf32, #tpu.memory_space<vmem_shared>>
      %dma_start3A_656 = arith.constant 0 : i32
      %dma_start3A_657 = tpu.memref_slice %arg11[%add3A_85, %dma_start3A_656] : memref<10240x128xf32, #tpu.memory_space<vmem_shared>> -> memref<40x128xf32, #tpu.memory_space<vmem_shared>>
      %dma_start3A_658 = arith.constant 0 : i32
      %dma_start3A_659 = arith.constant 0 : i32
      %dma_start3A_660 = tpu.memref_slice %arg8[%run_scoped3A_86, %dma_start3A_658, %dma_start3A_659] : memref<5x40x128xf32, #tpu.memory_space<vmem>> -> memref<1x40x128xf32, #tpu.memory_space<vmem>>
      %dma_start3A_661 = tpu.memref_squeeze %dma_start3A_660 : memref<1x40x128xf32, #tpu.memory_space<vmem>> -> memref<40x128xf32, #tpu.memory_space<vmem>>
      tpu.enqueue_dma source(%dma_start3A_661 : memref<40x128xf32, #tpu.memory_space<vmem>>) target(%dma_start3A_657 : memref<40x128xf32, #tpu.memory_space<vmem_shared>>) target_semaphore(%run_scoped3A_649 : memref<!tpu.dma_semaphore, #tpu.memory_space<semaphore_mem>>)
      %dma_wait3A_662 = arith.constant 0 : i32
      %dma_wait3A_663 = arith.constant 0 : i32
      %dma_wait3A_664 = tpu.memref_slice %arg8[%run_scoped3A_86, %dma_wait3A_662, %dma_wait3A_663] : memref<5x40x128xf32, #tpu.memory_space<vmem>> -> memref<1x40x128xf32, #tpu.memory_space<vmem>>
      %dma_wait3A_665 = tpu.memref_squeeze %dma_wait3A_664 : memref<1x40x128xf32, #tpu.memory_space<vmem>> -> memref<40x128xf32, #tpu.memory_space<vmem>>
      %dma_wait3A_666 = arith.constant 0 : i32
      %dma_wait3A_667 = tpu.memref_slice %arg11[%add3A_85, %dma_wait3A_666] : memref<10240x128xf32, #tpu.memory_space<vmem_shared>> -> memref<40x128xf32, #tpu.memory_space<vmem_shared>>
      %dma_wait3A_668 = arith.constant 0 : i32
      %dma_wait3A_669 = tpu.memref_slice %arg11[%add3A_85, %dma_wait3A_668] : memref<10240x128xf32, #tpu.memory_space<vmem_shared>> -> memref<40x128xf32, #tpu.memory_space<vmem_shared>>
      %dma_wait3A_670 = arith.constant 0 : i32
      %dma_wait3A_671 = arith.constant 0 : i32
      %dma_wait3A_672 = tpu.memref_slice %arg8[%run_scoped3A_86, %dma_wait3A_670, %dma_wait3A_671] : memref<5x40x128xf32, #tpu.memory_space<vmem>> -> memref<1x40x128xf32, #tpu.memory_space<vmem>>
      %dma_wait3A_673 = tpu.memref_squeeze %dma_wait3A_672 : memref<1x40x128xf32, #tpu.memory_space<vmem>> -> memref<40x128xf32, #tpu.memory_space<vmem>>
      tpu.wait_dma2 semaphore(%run_scoped3A_649 : memref<!tpu.dma_semaphore, #tpu.memory_space<semaphore_mem>>) src(%dma_wait3A_673 : memref<40x128xf32, #tpu.memory_space<vmem>>) dst(%dma_wait3A_669 : memref<40x128xf32, #tpu.memory_space<vmem_shared>>)
      tpu.yield
    }) : () -> ()
    %barrier3A = arith.constant 0 : index
    tpu.barrier barrier_id(%barrier3A)
    %add3A_87 = arith.constant 0 : i32
    %add3A_88 = arith.addi %mul3A_2, %add3A_87 : i32
    %multiple_of3A = tpu.assume_multiple %add3A_88, 8 : i32
    %dma_start3A = arith.constant 0 : i32
    %dma_start3A_89 = arith.constant 0 : i32
    %dma_start3A_90 = arith.constant 0 : i32
    %dma_start3A_91 = arith.constant 0 : i32
    %dma_start3A_92 = arith.constant 0 : i32
    %dma_start3A_93 = tpu.memref_slice %arg6[%dma_start3A, %dma_start3A_89, %dma_start3A_92] : memref<2x5x40xi32, #tpu.memory_space<vmem>> -> memref<1x1x40xi32, #tpu.memory_space<vmem>>
    %dma_start3A_94 = tpu.memref_squeeze %dma_start3A_93 : memref<1x1x40xi32, #tpu.memory_space<vmem>> -> memref<40xi32, #tpu.memory_space<vmem>>
    %dma_start3A_95 = tpu.memref_slice %arg2[%multiple_of3A] : memref<320000xi32, #tpu.memory_space<hbm>> -> memref<40xi32, #tpu.memory_space<hbm>>
    %dma_start3A_96 = tpu.memref_slice %arg9[%dma_start3A_90, %dma_start3A_91] : memref<2x5x!tpu.dma_semaphore, #tpu.memory_space<semaphore_mem>> -> memref<1x1x!tpu.dma_semaphore, #tpu.memory_space<semaphore_mem>>
    %dma_start3A_97 = tpu.memref_squeeze %dma_start3A_96 : memref<1x1x!tpu.dma_semaphore, #tpu.memory_space<semaphore_mem>> -> memref<!tpu.dma_semaphore, #tpu.memory_space<semaphore_mem>>
    %dma_start3A_98 = arith.constant 0 : i32
    %dma_start3A_99 = tpu.memref_slice %arg6[%dma_start3A, %dma_start3A_89, %dma_start3A_98] : memref<2x5x40xi32, #tpu.memory_space<vmem>> -> memref<1x1x40xi32, #tpu.memory_space<vmem>>
    %dma_start3A_100 = tpu.memref_squeeze %dma_start3A_99 : memref<1x1x40xi32, #tpu.memory_space<vmem>> -> memref<40xi32, #tpu.memory_space<vmem>>
    %dma_start3A_101 = tpu.memref_slice %arg2[%multiple_of3A] : memref<320000xi32, #tpu.memory_space<hbm>> -> memref<40xi32, #tpu.memory_space<hbm>>
    tpu.enqueue_dma source(%dma_start3A_101 : memref<40xi32, #tpu.memory_space<hbm>>) target(%dma_start3A_100 : memref<40xi32, #tpu.memory_space<vmem>>) target_semaphore(%dma_start3A_97 : memref<!tpu.dma_semaphore, #tpu.memory_space<semaphore_mem>>)
    %dma_start3A_102 = arith.constant 0 : i32
    %dma_start3A_103 = arith.constant 0 : i32
    %dma_start3A_104 = arith.constant 0 : i32
    %dma_start3A_105 = arith.constant 0 : i32
    %dma_start3A_106 = arith.constant 0 : i32
    %dma_start3A_107 = tpu.memref_slice %arg7[%dma_start3A_102, %dma_start3A_103, %dma_start3A_106] : memref<2x5x40xi32, #tpu.memory_space<vmem>> -> memref<1x1x40xi32, #tpu.memory_space<vmem>>
    %dma_start3A_108 = tpu.memref_squeeze %dma_start3A_107 : memref<1x1x40xi32, #tpu.memory_space<vmem>> -> memref<40xi32, #tpu.memory_space<vmem>>
    %dma_start3A_109 = tpu.memref_slice %arg3[%multiple_of3A] : memref<320000xi32, #tpu.memory_space<hbm>> -> memref<40xi32, #tpu.memory_space<hbm>>
    %dma_start3A_110 = tpu.memref_slice %arg9[%dma_start3A_104, %dma_start3A_105] : memref<2x5x!tpu.dma_semaphore, #tpu.memory_space<semaphore_mem>> -> memref<1x1x!tpu.dma_semaphore, #tpu.memory_space<semaphore_mem>>
    %dma_start3A_111 = tpu.memref_squeeze %dma_start3A_110 : memref<1x1x!tpu.dma_semaphore, #tpu.memory_space<semaphore_mem>> -> memref<!tpu.dma_semaphore, #tpu.memory_space<semaphore_mem>>
    %dma_start3A_112 = arith.constant 0 : i32
    %dma_start3A_113 = tpu.memref_slice %arg7[%dma_start3A_102, %dma_start3A_103, %dma_start3A_112] : memref<2x5x40xi32, #tpu.memory_space<vmem>> -> memref<1x1x40xi32, #tpu.memory_space<vmem>>
    %dma_start3A_114 = tpu.memref_squeeze %dma_start3A_113 : memref<1x1x40xi32, #tpu.memory_space<vmem>> -> memref<40xi32, #tpu.memory_space<vmem>>
    %dma_start3A_115 = tpu.memref_slice %arg3[%multiple_of3A] : memref<320000xi32, #tpu.memory_space<hbm>> -> memref<40xi32, #tpu.memory_space<hbm>>
    tpu.enqueue_dma source(%dma_start3A_115 : memref<40xi32, #tpu.memory_space<hbm>>) target(%dma_start3A_114 : memref<40xi32, #tpu.memory_space<vmem>>) target_semaphore(%dma_start3A_111 : memref<!tpu.dma_semaphore, #tpu.memory_space<semaphore_mem>>)
    %add3A_116 = arith.constant 40 : i32
    %add3A_117 = arith.addi %mul3A_2, %add3A_116 : i32
    %multiple_of3A_118 = tpu.assume_multiple %add3A_117, 8 : i32
    %dma_start3A_119 = arith.constant 0 : i32
    %dma_start3A_120 = arith.constant 1 : i32
    %dma_start3A_121 = arith.constant 0 : i32
    %dma_start3A_122 = arith.constant 1 : i32
    %dma_start3A_123 = arith.constant 0 : i32
    %dma_start3A_124 = tpu.memref_slice %arg6[%dma_start3A_119, %dma_start3A_120, %dma_start3A_123] : memref<2x5x40xi32, #tpu.memory_space<vmem>> -> memref<1x1x40xi32, #tpu.memory_space<vmem>>
    %dma_start3A_125 = tpu.memref_squeeze %dma_start3A_124 : memref<1x1x40xi32, #tpu.memory_space<vmem>> -> memref<40xi32, #tpu.memory_space<vmem>>
    %dma_start3A_126 = tpu.memref_slice %arg2[%multiple_of3A_118] : memref<320000xi32, #tpu.memory_space<hbm>> -> memref<40xi32, #tpu.memory_space<hbm>>
    %dma_start3A_127 = tpu.memref_slice %arg9[%dma_start3A_121, %dma_start3A_122] : memref<2x5x!tpu.dma_semaphore, #tpu.memory_space<semaphore_mem>> -> memref<1x1x!tpu.dma_semaphore, #tpu.memory_space<semaphore_mem>>
    %dma_start3A_128 = tpu.memref_squeeze %dma_start3A_127 : memref<1x1x!tpu.dma_semaphore, #tpu.memory_space<semaphore_mem>> -> memref<!tpu.dma_semaphore, #tpu.memory_space<semaphore_mem>>
    %dma_start3A_129 = arith.constant 0 : i32
    %dma_start3A_130 = tpu.memref_slice %arg6[%dma_start3A_119, %dma_start3A_120, %dma_start3A_129] : memref<2x5x40xi32, #tpu.memory_space<vmem>> -> memref<1x1x40xi32, #tpu.memory_space<vmem>>
    %dma_start3A_131 = tpu.memref_squeeze %dma_start3A_130 : memref<1x1x40xi32, #tpu.memory_space<vmem>> -> memref<40xi32, #tpu.memory_space<vmem>>
    %dma_start3A_132 = tpu.memref_slice %arg2[%multiple_of3A_118] : memref<320000xi32, #tpu.memory_space<hbm>> -> memref<40xi32, #tpu.memory_space<hbm>>
    tpu.enqueue_dma source(%dma_start3A_132 : memref<40xi32, #tpu.memory_space<hbm>>) target(%dma_start3A_131 : memref<40xi32, #tpu.memory_space<vmem>>) target_semaphore(%dma_start3A_128 : memref<!tpu.dma_semaphore, #tpu.memory_space<semaphore_mem>>)
    %dma_start3A_133 = arith.constant 0 : i32
    %dma_start3A_134 = arith.constant 1 : i32
    %dma_start3A_135 = arith.constant 0 : i32
    %dma_start3A_136 = arith.constant 1 : i32
    %dma_start3A_137 = arith.constant 0 : i32
    %dma_start3A_138 = tpu.memref_slice %arg7[%dma_start3A_133, %dma_start3A_134, %dma_start3A_137] : memref<2x5x40xi32, #tpu.memory_space<vmem>> -> memref<1x1x40xi32, #tpu.memory_space<vmem>>
    %dma_start3A_139 = tpu.memref_squeeze %dma_start3A_138 : memref<1x1x40xi32, #tpu.memory_space<vmem>> -> memref<40xi32, #tpu.memory_space<vmem>>
    %dma_start3A_140 = tpu.memref_slice %arg3[%multiple_of3A_118] : memref<320000xi32, #tpu.memory_space<hbm>> -> memref<40xi32, #tpu.memory_space<hbm>>
    %dma_start3A_141 = tpu.memref_slice %arg9[%dma_start3A_135, %dma_start3A_136] : memref<2x5x!tpu.dma_semaphore, #tpu.memory_space<semaphore_mem>> -> memref<1x1x!tpu.dma_semaphore, #tpu.memory_space<semaphore_mem>>
    %dma_start3A_142 = tpu.memref_squeeze %dma_start3A_141 : memref<1x1x!tpu.dma_semaphore, #tpu.memory_space<semaphore_mem>> -> memref<!tpu.dma_semaphore, #tpu.memory_space<semaphore_mem>>
    %dma_start3A_143 = arith.constant 0 : i32
    %dma_start3A_144 = tpu.memref_slice %arg7[%dma_start3A_133, %dma_start3A_134, %dma_start3A_143] : memref<2x5x40xi32, #tpu.memory_space<vmem>> -> memref<1x1x40xi32, #tpu.memory_space<vmem>>
    %dma_start3A_145 = tpu.memref_squeeze %dma_start3A_144 : memref<1x1x40xi32, #tpu.memory_space<vmem>> -> memref<40xi32, #tpu.memory_space<vmem>>
    %dma_start3A_146 = tpu.memref_slice %arg3[%multiple_of3A_118] : memref<320000xi32, #tpu.memory_space<hbm>> -> memref<40xi32, #tpu.memory_space<hbm>>
    tpu.enqueue_dma source(%dma_start3A_146 : memref<40xi32, #tpu.memory_space<hbm>>) target(%dma_start3A_145 : memref<40xi32, #tpu.memory_space<vmem>>) target_semaphore(%dma_start3A_142 : memref<!tpu.dma_semaphore, #tpu.memory_space<semaphore_mem>>)
    %add3A_147 = arith.constant 80 : i32
    %add3A_148 = arith.addi %mul3A_2, %add3A_147 : i32
    %multiple_of3A_149 = tpu.assume_multiple %add3A_148, 8 : i32
    %dma_start3A_150 = arith.constant 0 : i32
    %dma_start3A_151 = arith.constant 2 : i32
    %dma_start3A_152 = arith.constant 0 : i32
    %dma_start3A_153 = arith.constant 2 : i32
    %dma_start3A_154 = arith.constant 0 : i32
    %dma_start3A_155 = tpu.memref_slice %arg6[%dma_start3A_150, %dma_start3A_151, %dma_start3A_154] : memref<2x5x40xi32, #tpu.memory_space<vmem>> -> memref<1x1x40xi32, #tpu.memory_space<vmem>>
    %dma_start3A_156 = tpu.memref_squeeze %dma_start3A_155 : memref<1x1x40xi32, #tpu.memory_space<vmem>> -> memref<40xi32, #tpu.memory_space<vmem>>
    %dma_start3A_157 = tpu.memref_slice %arg2[%multiple_of3A_149] : memref<320000xi32, #tpu.memory_space<hbm>> -> memref<40xi32, #tpu.memory_space<hbm>>
    %dma_start3A_158 = tpu.memref_slice %arg9[%dma_start3A_152, %dma_start3A_153] : memref<2x5x!tpu.dma_semaphore, #tpu.memory_space<semaphore_mem>> -> memref<1x1x!tpu.dma_semaphore, #tpu.memory_space<semaphore_mem>>
    %dma_start3A_159 = tpu.memref_squeeze %dma_start3A_158 : memref<1x1x!tpu.dma_semaphore, #tpu.memory_space<semaphore_mem>> -> memref<!tpu.dma_semaphore, #tpu.memory_space<semaphore_mem>>
    %dma_start3A_160 = arith.constant 0 : i32
    %dma_start3A_161 = tpu.memref_slice %arg6[%dma_start3A_150, %dma_start3A_151, %dma_start3A_160] : memref<2x5x40xi32, #tpu.memory_space<vmem>> -> memref<1x1x40xi32, #tpu.memory_space<vmem>>
    %dma_start3A_162 = tpu.memref_squeeze %dma_start3A_161 : memref<1x1x40xi32, #tpu.memory_space<vmem>> -> memref<40xi32, #tpu.memory_space<vmem>>
    %dma_start3A_163 = tpu.memref_slice %arg2[%multiple_of3A_149] : memref<320000xi32, #tpu.memory_space<hbm>> -> memref<40xi32, #tpu.memory_space<hbm>>
    tpu.enqueue_dma source(%dma_start3A_163 : memref<40xi32, #tpu.memory_space<hbm>>) target(%dma_start3A_162 : memref<40xi32, #tpu.memory_space<vmem>>) target_semaphore(%dma_start3A_159 : memref<!tpu.dma_semaphore, #tpu.memory_space<semaphore_mem>>)
    %dma_start3A_164 = arith.constant 0 : i32
    %dma_start3A_165 = arith.constant 2 : i32
    %dma_start3A_166 = arith.constant 0 : i32
    %dma_start3A_167 = arith.constant 2 : i32
    %dma_start3A_168 = arith.constant 0 : i32
    %dma_start3A_169 = tpu.memref_slice %arg7[%dma_start3A_164, %dma_start3A_165, %dma_start3A_168] : memref<2x5x40xi32, #tpu.memory_space<vmem>> -> memref<1x1x40xi32, #tpu.memory_space<vmem>>
    %dma_start3A_170 = tpu.memref_squeeze %dma_start3A_169 : memref<1x1x40xi32, #tpu.memory_space<vmem>> -> memref<40xi32, #tpu.memory_space<vmem>>
    %dma_start3A_171 = tpu.memref_slice %arg3[%multiple_of3A_149] : memref<320000xi32, #tpu.memory_space<hbm>> -> memref<40xi32, #tpu.memory_space<hbm>>
    %dma_start3A_172 = tpu.memref_slice %arg9[%dma_start3A_166, %dma_start3A_167] : memref<2x5x!tpu.dma_semaphore, #tpu.memory_space<semaphore_mem>> -> memref<1x1x!tpu.dma_semaphore, #tpu.memory_space<semaphore_mem>>
    %dma_start3A_173 = tpu.memref_squeeze %dma_start3A_172 : memref<1x1x!tpu.dma_semaphore, #tpu.memory_space<semaphore_mem>> -> memref<!tpu.dma_semaphore, #tpu.memory_space<semaphore_mem>>
    %dma_start3A_174 = arith.constant 0 : i32
    %dma_start3A_175 = tpu.memref_slice %arg7[%dma_start3A_164, %dma_start3A_165, %dma_start3A_174] : memref<2x5x40xi32, #tpu.memory_space<vmem>> -> memref<1x1x40xi32, #tpu.memory_space<vmem>>
    %dma_start3A_176 = tpu.memref_squeeze %dma_start3A_175 : memref<1x1x40xi32, #tpu.memory_space<vmem>> -> memref<40xi32, #tpu.memory_space<vmem>>
    %dma_start3A_177 = tpu.memref_slice %arg3[%multiple_of3A_149] : memref<320000xi32, #tpu.memory_space<hbm>> -> memref<40xi32, #tpu.memory_space<hbm>>
    tpu.enqueue_dma source(%dma_start3A_177 : memref<40xi32, #tpu.memory_space<hbm>>) target(%dma_start3A_176 : memref<40xi32, #tpu.memory_space<vmem>>) target_semaphore(%dma_start3A_173 : memref<!tpu.dma_semaphore, #tpu.memory_space<semaphore_mem>>)
    %add3A_178 = arith.constant 120 : i32
    %add3A_179 = arith.addi %mul3A_2, %add3A_178 : i32
    %multiple_of3A_180 = tpu.assume_multiple %add3A_179, 8 : i32
    %dma_start3A_181 = arith.constant 0 : i32
    %dma_start3A_182 = arith.constant 3 : i32
    %dma_start3A_183 = arith.constant 0 : i32
    %dma_start3A_184 = arith.constant 3 : i32
    %dma_start3A_185 = arith.constant 0 : i32
    %dma_start3A_186 = tpu.memref_slice %arg6[%dma_start3A_181, %dma_start3A_182, %dma_start3A_185] : memref<2x5x40xi32, #tpu.memory_space<vmem>> -> memref<1x1x40xi32, #tpu.memory_space<vmem>>
    %dma_start3A_187 = tpu.memref_squeeze %dma_start3A_186 : memref<1x1x40xi32, #tpu.memory_space<vmem>> -> memref<40xi32, #tpu.memory_space<vmem>>
    %dma_start3A_188 = tpu.memref_slice %arg2[%multiple_of3A_180] : memref<320000xi32, #tpu.memory_space<hbm>> -> memref<40xi32, #tpu.memory_space<hbm>>
    %dma_start3A_189 = tpu.memref_slice %arg9[%dma_start3A_183, %dma_start3A_184] : memref<2x5x!tpu.dma_semaphore, #tpu.memory_space<semaphore_mem>> -> memref<1x1x!tpu.dma_semaphore, #tpu.memory_space<semaphore_mem>>
    %dma_start3A_190 = tpu.memref_squeeze %dma_start3A_189 : memref<1x1x!tpu.dma_semaphore, #tpu.memory_space<semaphore_mem>> -> memref<!tpu.dma_semaphore, #tpu.memory_space<semaphore_mem>>
    %dma_start3A_191 = arith.constant 0 : i32
    %dma_start3A_192 = tpu.memref_slice %arg6[%dma_start3A_181, %dma_start3A_182, %dma_start3A_191] : memref<2x5x40xi32, #tpu.memory_space<vmem>> -> memref<1x1x40xi32, #tpu.memory_space<vmem>>
    %dma_start3A_193 = tpu.memref_squeeze %dma_start3A_192 : memref<1x1x40xi32, #tpu.memory_space<vmem>> -> memref<40xi32, #tpu.memory_space<vmem>>
    %dma_start3A_194 = tpu.memref_slice %arg2[%multiple_of3A_180] : memref<320000xi32, #tpu.memory_space<hbm>> -> memref<40xi32, #tpu.memory_space<hbm>>
    tpu.enqueue_dma source(%dma_start3A_194 : memref<40xi32, #tpu.memory_space<hbm>>) target(%dma_start3A_193 : memref<40xi32, #tpu.memory_space<vmem>>) target_semaphore(%dma_start3A_190 : memref<!tpu.dma_semaphore, #tpu.memory_space<semaphore_mem>>)
    %dma_start3A_195 = arith.constant 0 : i32
    %dma_start3A_196 = arith.constant 3 : i32
    %dma_start3A_197 = arith.constant 0 : i32
    %dma_start3A_198 = arith.constant 3 : i32
    %dma_start3A_199 = arith.constant 0 : i32
    %dma_start3A_200 = tpu.memref_slice %arg7[%dma_start3A_195, %dma_start3A_196, %dma_start3A_199] : memref<2x5x40xi32, #tpu.memory_space<vmem>> -> memref<1x1x40xi32, #tpu.memory_space<vmem>>
    %dma_start3A_201 = tpu.memref_squeeze %dma_start3A_200 : memref<1x1x40xi32, #tpu.memory_space<vmem>> -> memref<40xi32, #tpu.memory_space<vmem>>
    %dma_start3A_202 = tpu.memref_slice %arg3[%multiple_of3A_180] : memref<320000xi32, #tpu.memory_space<hbm>> -> memref<40xi32, #tpu.memory_space<hbm>>
    %dma_start3A_203 = tpu.memref_slice %arg9[%dma_start3A_197, %dma_start3A_198] : memref<2x5x!tpu.dma_semaphore, #tpu.memory_space<semaphore_mem>> -> memref<1x1x!tpu.dma_semaphore, #tpu.memory_space<semaphore_mem>>
    %dma_start3A_204 = tpu.memref_squeeze %dma_start3A_203 : memref<1x1x!tpu.dma_semaphore, #tpu.memory_space<semaphore_mem>> -> memref<!tpu.dma_semaphore, #tpu.memory_space<semaphore_mem>>
    %dma_start3A_205 = arith.constant 0 : i32
    %dma_start3A_206 = tpu.memref_slice %arg7[%dma_start3A_195, %dma_start3A_196, %dma_start3A_205] : memref<2x5x40xi32, #tpu.memory_space<vmem>> -> memref<1x1x40xi32, #tpu.memory_space<vmem>>
    %dma_start3A_207 = tpu.memref_squeeze %dma_start3A_206 : memref<1x1x40xi32, #tpu.memory_space<vmem>> -> memref<40xi32, #tpu.memory_space<vmem>>
    %dma_start3A_208 = tpu.memref_slice %arg3[%multiple_of3A_180] : memref<320000xi32, #tpu.memory_space<hbm>> -> memref<40xi32, #tpu.memory_space<hbm>>
    tpu.enqueue_dma source(%dma_start3A_208 : memref<40xi32, #tpu.memory_space<hbm>>) target(%dma_start3A_207 : memref<40xi32, #tpu.memory_space<vmem>>) target_semaphore(%dma_start3A_204 : memref<!tpu.dma_semaphore, #tpu.memory_space<semaphore_mem>>)
    %add3A_209 = arith.constant 160 : i32
    %add3A_210 = arith.addi %mul3A_2, %add3A_209 : i32
    %multiple_of3A_211 = tpu.assume_multiple %add3A_210, 8 : i32
    %dma_start3A_212 = arith.constant 0 : i32
    %dma_start3A_213 = arith.constant 4 : i32
    %dma_start3A_214 = arith.constant 0 : i32
    %dma_start3A_215 = arith.constant 4 : i32
    %dma_start3A_216 = arith.constant 0 : i32
    %dma_start3A_217 = tpu.memref_slice %arg6[%dma_start3A_212, %dma_start3A_213, %dma_start3A_216] : memref<2x5x40xi32, #tpu.memory_space<vmem>> -> memref<1x1x40xi32, #tpu.memory_space<vmem>>
    %dma_start3A_218 = tpu.memref_squeeze %dma_start3A_217 : memref<1x1x40xi32, #tpu.memory_space<vmem>> -> memref<40xi32, #tpu.memory_space<vmem>>
    %dma_start3A_219 = tpu.memref_slice %arg2[%multiple_of3A_211] : memref<320000xi32, #tpu.memory_space<hbm>> -> memref<40xi32, #tpu.memory_space<hbm>>
    %dma_start3A_220 = tpu.memref_slice %arg9[%dma_start3A_214, %dma_start3A_215] : memref<2x5x!tpu.dma_semaphore, #tpu.memory_space<semaphore_mem>> -> memref<1x1x!tpu.dma_semaphore, #tpu.memory_space<semaphore_mem>>
    %dma_start3A_221 = tpu.memref_squeeze %dma_start3A_220 : memref<1x1x!tpu.dma_semaphore, #tpu.memory_space<semaphore_mem>> -> memref<!tpu.dma_semaphore, #tpu.memory_space<semaphore_mem>>
    %dma_start3A_222 = arith.constant 0 : i32
    %dma_start3A_223 = tpu.memref_slice %arg6[%dma_start3A_212, %dma_start3A_213, %dma_start3A_222] : memref<2x5x40xi32, #tpu.memory_space<vmem>> -> memref<1x1x40xi32, #tpu.memory_space<vmem>>
    %dma_start3A_224 = tpu.memref_squeeze %dma_start3A_223 : memref<1x1x40xi32, #tpu.memory_space<vmem>> -> memref<40xi32, #tpu.memory_space<vmem>>
    %dma_start3A_225 = tpu.memref_slice %arg2[%multiple_of3A_211] : memref<320000xi32, #tpu.memory_space<hbm>> -> memref<40xi32, #tpu.memory_space<hbm>>
    tpu.enqueue_dma source(%dma_start3A_225 : memref<40xi32, #tpu.memory_space<hbm>>) target(%dma_start3A_224 : memref<40xi32, #tpu.memory_space<vmem>>) target_semaphore(%dma_start3A_221 : memref<!tpu.dma_semaphore, #tpu.memory_space<semaphore_mem>>)
    %dma_start3A_226 = arith.constant 0 : i32
    %dma_start3A_227 = arith.constant 4 : i32
    %dma_start3A_228 = arith.constant 0 : i32
    %dma_start3A_229 = arith.constant 4 : i32
    %dma_start3A_230 = arith.constant 0 : i32
    %dma_start3A_231 = tpu.memref_slice %arg7[%dma_start3A_226, %dma_start3A_227, %dma_start3A_230] : memref<2x5x40xi32, #tpu.memory_space<vmem>> -> memref<1x1x40xi32, #tpu.memory_space<vmem>>
    %dma_start3A_232 = tpu.memref_squeeze %dma_start3A_231 : memref<1x1x40xi32, #tpu.memory_space<vmem>> -> memref<40xi32, #tpu.memory_space<vmem>>
    %dma_start3A_233 = tpu.memref_slice %arg3[%multiple_of3A_211] : memref<320000xi32, #tpu.memory_space<hbm>> -> memref<40xi32, #tpu.memory_space<hbm>>
    %dma_start3A_234 = tpu.memref_slice %arg9[%dma_start3A_228, %dma_start3A_229] : memref<2x5x!tpu.dma_semaphore, #tpu.memory_space<semaphore_mem>> -> memref<1x1x!tpu.dma_semaphore, #tpu.memory_space<semaphore_mem>>
    %dma_start3A_235 = tpu.memref_squeeze %dma_start3A_234 : memref<1x1x!tpu.dma_semaphore, #tpu.memory_space<semaphore_mem>> -> memref<!tpu.dma_semaphore, #tpu.memory_space<semaphore_mem>>
    %dma_start3A_236 = arith.constant 0 : i32
    %dma_start3A_237 = tpu.memref_slice %arg7[%dma_start3A_226, %dma_start3A_227, %dma_start3A_236] : memref<2x5x40xi32, #tpu.memory_space<vmem>> -> memref<1x1x40xi32, #tpu.memory_space<vmem>>
    %dma_start3A_238 = tpu.memref_squeeze %dma_start3A_237 : memref<1x1x40xi32, #tpu.memory_space<vmem>> -> memref<40xi32, #tpu.memory_space<vmem>>
    %dma_start3A_239 = tpu.memref_slice %arg3[%multiple_of3A_211] : memref<320000xi32, #tpu.memory_space<hbm>> -> memref<40xi32, #tpu.memory_space<hbm>>
    tpu.enqueue_dma source(%dma_start3A_239 : memref<40xi32, #tpu.memory_space<hbm>>) target(%dma_start3A_238 : memref<40xi32, #tpu.memory_space<vmem>>) target_semaphore(%dma_start3A_235 : memref<!tpu.dma_semaphore, #tpu.memory_space<semaphore_mem>>)
    %add3A_240 = arith.constant 200 : i32
    %add3A_241 = arith.addi %mul3A_2, %add3A_240 : i32
    %multiple_of3A_242 = tpu.assume_multiple %add3A_241, 8 : i32
    %dma_start3A_243 = arith.constant 1 : i32
    %dma_start3A_244 = arith.constant 0 : i32
    %dma_start3A_245 = arith.constant 1 : i32
    %dma_start3A_246 = arith.constant 0 : i32
    %dma_start3A_247 = arith.constant 0 : i32
    %dma_start3A_248 = tpu.memref_slice %arg6[%dma_start3A_243, %dma_start3A_244, %dma_start3A_247] : memref<2x5x40xi32, #tpu.memory_space<vmem>> -> memref<1x1x40xi32, #tpu.memory_space<vmem>>
    %dma_start3A_249 = tpu.memref_squeeze %dma_start3A_248 : memref<1x1x40xi32, #tpu.memory_space<vmem>> -> memref<40xi32, #tpu.memory_space<vmem>>
    %dma_start3A_250 = tpu.memref_slice %arg2[%multiple_of3A_242] : memref<320000xi32, #tpu.memory_space<hbm>> -> memref<40xi32, #tpu.memory_space<hbm>>
    %dma_start3A_251 = tpu.memref_slice %arg9[%dma_start3A_245, %dma_start3A_246] : memref<2x5x!tpu.dma_semaphore, #tpu.memory_space<semaphore_mem>> -> memref<1x1x!tpu.dma_semaphore, #tpu.memory_space<semaphore_mem>>
    %dma_start3A_252 = tpu.memref_squeeze %dma_start3A_251 : memref<1x1x!tpu.dma_semaphore, #tpu.memory_space<semaphore_mem>> -> memref<!tpu.dma_semaphore, #tpu.memory_space<semaphore_mem>>
    %dma_start3A_253 = arith.constant 0 : i32
    %dma_start3A_254 = tpu.memref_slice %arg6[%dma_start3A_243, %dma_start3A_244, %dma_start3A_253] : memref<2x5x40xi32, #tpu.memory_space<vmem>> -> memref<1x1x40xi32, #tpu.memory_space<vmem>>
    %dma_start3A_255 = tpu.memref_squeeze %dma_start3A_254 : memref<1x1x40xi32, #tpu.memory_space<vmem>> -> memref<40xi32, #tpu.memory_space<vmem>>
    %dma_start3A_256 = tpu.memref_slice %arg2[%multiple_of3A_242] : memref<320000xi32, #tpu.memory_space<hbm>> -> memref<40xi32, #tpu.memory_space<hbm>>
    tpu.enqueue_dma source(%dma_start3A_256 : memref<40xi32, #tpu.memory_space<hbm>>) target(%dma_start3A_255 : memref<40xi32, #tpu.memory_space<vmem>>) target_semaphore(%dma_start3A_252 : memref<!tpu.dma_semaphore, #tpu.memory_space<semaphore_mem>>)
    %dma_start3A_257 = arith.constant 1 : i32
    %dma_start3A_258 = arith.constant 0 : i32
    %dma_start3A_259 = arith.constant 1 : i32
    %dma_start3A_260 = arith.constant 0 : i32
    %dma_start3A_261 = arith.constant 0 : i32
    %dma_start3A_262 = tpu.memref_slice %arg7[%dma_start3A_257, %dma_start3A_258, %dma_start3A_261] : memref<2x5x40xi32, #tpu.memory_space<vmem>> -> memref<1x1x40xi32, #tpu.memory_space<vmem>>
    %dma_start3A_263 = tpu.memref_squeeze %dma_start3A_262 : memref<1x1x40xi32, #tpu.memory_space<vmem>> -> memref<40xi32, #tpu.memory_space<vmem>>
    %dma_start3A_264 = tpu.memref_slice %arg3[%multiple_of3A_242] : memref<320000xi32, #tpu.memory_space<hbm>> -> memref<40xi32, #tpu.memory_space<hbm>>
    %dma_start3A_265 = tpu.memref_slice %arg9[%dma_start3A_259, %dma_start3A_260] : memref<2x5x!tpu.dma_semaphore, #tpu.memory_space<semaphore_mem>> -> memref<1x1x!tpu.dma_semaphore, #tpu.memory_space<semaphore_mem>>
    %dma_start3A_266 = tpu.memref_squeeze %dma_start3A_265 : memref<1x1x!tpu.dma_semaphore, #tpu.memory_space<semaphore_mem>> -> memref<!tpu.dma_semaphore, #tpu.memory_space<semaphore_mem>>
    %dma_start3A_267 = arith.constant 0 : i32
    %dma_start3A_268 = tpu.memref_slice %arg7[%dma_start3A_257, %dma_start3A_258, %dma_start3A_267] : memref<2x5x40xi32, #tpu.memory_space<vmem>> -> memref<1x1x40xi32, #tpu.memory_space<vmem>>
    %dma_start3A_269 = tpu.memref_squeeze %dma_start3A_268 : memref<1x1x40xi32, #tpu.memory_space<vmem>> -> memref<40xi32, #tpu.memory_space<vmem>>
    %dma_start3A_270 = tpu.memref_slice %arg3[%multiple_of3A_242] : memref<320000xi32, #tpu.memory_space<hbm>> -> memref<40xi32, #tpu.memory_space<hbm>>
    tpu.enqueue_dma source(%dma_start3A_270 : memref<40xi32, #tpu.memory_space<hbm>>) target(%dma_start3A_269 : memref<40xi32, #tpu.memory_space<vmem>>) target_semaphore(%dma_start3A_266 : memref<!tpu.dma_semaphore, #tpu.memory_space<semaphore_mem>>)
    %add3A_271 = arith.constant 240 : i32
    %add3A_272 = arith.addi %mul3A_2, %add3A_271 : i32
    %multiple_of3A_273 = tpu.assume_multiple %add3A_272, 8 : i32
    %dma_start3A_274 = arith.constant 1 : i32
    %dma_start3A_275 = arith.constant 1 : i32
    %dma_start3A_276 = arith.constant 1 : i32
    %dma_start3A_277 = arith.constant 1 : i32
    %dma_start3A_278 = arith.constant 0 : i32
    %dma_start3A_279 = tpu.memref_slice %arg6[%dma_start3A_274, %dma_start3A_275, %dma_start3A_278] : memref<2x5x40xi32, #tpu.memory_space<vmem>> -> memref<1x1x40xi32, #tpu.memory_space<vmem>>
    %dma_start3A_280 = tpu.memref_squeeze %dma_start3A_279 : memref<1x1x40xi32, #tpu.memory_space<vmem>> -> memref<40xi32, #tpu.memory_space<vmem>>
    %dma_start3A_281 = tpu.memref_slice %arg2[%multiple_of3A_273] : memref<320000xi32, #tpu.memory_space<hbm>> -> memref<40xi32, #tpu.memory_space<hbm>>
    %dma_start3A_282 = tpu.memref_slice %arg9[%dma_start3A_276, %dma_start3A_277] : memref<2x5x!tpu.dma_semaphore, #tpu.memory_space<semaphore_mem>> -> memref<1x1x!tpu.dma_semaphore, #tpu.memory_space<semaphore_mem>>
    %dma_start3A_283 = tpu.memref_squeeze %dma_start3A_282 : memref<1x1x!tpu.dma_semaphore, #tpu.memory_space<semaphore_mem>> -> memref<!tpu.dma_semaphore, #tpu.memory_space<semaphore_mem>>
    %dma_start3A_284 = arith.constant 0 : i32
    %dma_start3A_285 = tpu.memref_slice %arg6[%dma_start3A_274, %dma_start3A_275, %dma_start3A_284] : memref<2x5x40xi32, #tpu.memory_space<vmem>> -> memref<1x1x40xi32, #tpu.memory_space<vmem>>
    %dma_start3A_286 = tpu.memref_squeeze %dma_start3A_285 : memref<1x1x40xi32, #tpu.memory_space<vmem>> -> memref<40xi32, #tpu.memory_space<vmem>>
    %dma_start3A_287 = tpu.memref_slice %arg2[%multiple_of3A_273] : memref<320000xi32, #tpu.memory_space<hbm>> -> memref<40xi32, #tpu.memory_space<hbm>>
    tpu.enqueue_dma source(%dma_start3A_287 : memref<40xi32, #tpu.memory_space<hbm>>) target(%dma_start3A_286 : memref<40xi32, #tpu.memory_space<vmem>>) target_semaphore(%dma_start3A_283 : memref<!tpu.dma_semaphore, #tpu.memory_space<semaphore_mem>>)
    %dma_start3A_288 = arith.constant 1 : i32
    %dma_start3A_289 = arith.constant 1 : i32
    %dma_start3A_290 = arith.constant 1 : i32
    %dma_start3A_291 = arith.constant 1 : i32
    %dma_start3A_292 = arith.constant 0 : i32
    %dma_start3A_293 = tpu.memref_slice %arg7[%dma_start3A_288, %dma_start3A_289, %dma_start3A_292] : memref<2x5x40xi32, #tpu.memory_space<vmem>> -> memref<1x1x40xi32, #tpu.memory_space<vmem>>
    %dma_start3A_294 = tpu.memref_squeeze %dma_start3A_293 : memref<1x1x40xi32, #tpu.memory_space<vmem>> -> memref<40xi32, #tpu.memory_space<vmem>>
    %dma_start3A_295 = tpu.memref_slice %arg3[%multiple_of3A_273] : memref<320000xi32, #tpu.memory_space<hbm>> -> memref<40xi32, #tpu.memory_space<hbm>>
    %dma_start3A_296 = tpu.memref_slice %arg9[%dma_start3A_290, %dma_start3A_291] : memref<2x5x!tpu.dma_semaphore, #tpu.memory_space<semaphore_mem>> -> memref<1x1x!tpu.dma_semaphore, #tpu.memory_space<semaphore_mem>>
    %dma_start3A_297 = tpu.memref_squeeze %dma_start3A_296 : memref<1x1x!tpu.dma_semaphore, #tpu.memory_space<semaphore_mem>> -> memref<!tpu.dma_semaphore, #tpu.memory_space<semaphore_mem>>
    %dma_start3A_298 = arith.constant 0 : i32
    %dma_start3A_299 = tpu.memref_slice %arg7[%dma_start3A_288, %dma_start3A_289, %dma_start3A_298] : memref<2x5x40xi32, #tpu.memory_space<vmem>> -> memref<1x1x40xi32, #tpu.memory_space<vmem>>
    %dma_start3A_300 = tpu.memref_squeeze %dma_start3A_299 : memref<1x1x40xi32, #tpu.memory_space<vmem>> -> memref<40xi32, #tpu.memory_space<vmem>>
    %dma_start3A_301 = tpu.memref_slice %arg3[%multiple_of3A_273] : memref<320000xi32, #tpu.memory_space<hbm>> -> memref<40xi32, #tpu.memory_space<hbm>>
    tpu.enqueue_dma source(%dma_start3A_301 : memref<40xi32, #tpu.memory_space<hbm>>) target(%dma_start3A_300 : memref<40xi32, #tpu.memory_space<vmem>>) target_semaphore(%dma_start3A_297 : memref<!tpu.dma_semaphore, #tpu.memory_space<semaphore_mem>>)
    %add3A_302 = arith.constant 280 : i32
    %add3A_303 = arith.addi %mul3A_2, %add3A_302 : i32
    %multiple_of3A_304 = tpu.assume_multiple %add3A_303, 8 : i32
    %dma_start3A_305 = arith.constant 1 : i32
    %dma_start3A_306 = arith.constant 2 : i32
    %dma_start3A_307 = arith.constant 1 : i32
    %dma_start3A_308 = arith.constant 2 : i32
    %dma_start3A_309 = arith.constant 0 : i32
    %dma_start3A_310 = tpu.memref_slice %arg6[%dma_start3A_305, %dma_start3A_306, %dma_start3A_309] : memref<2x5x40xi32, #tpu.memory_space<vmem>> -> memref<1x1x40xi32, #tpu.memory_space<vmem>>
    %dma_start3A_311 = tpu.memref_squeeze %dma_start3A_310 : memref<1x1x40xi32, #tpu.memory_space<vmem>> -> memref<40xi32, #tpu.memory_space<vmem>>
    %dma_start3A_312 = tpu.memref_slice %arg2[%multiple_of3A_304] : memref<320000xi32, #tpu.memory_space<hbm>> -> memref<40xi32, #tpu.memory_space<hbm>>
    %dma_start3A_313 = tpu.memref_slice %arg9[%dma_start3A_307, %dma_start3A_308] : memref<2x5x!tpu.dma_semaphore, #tpu.memory_space<semaphore_mem>> -> memref<1x1x!tpu.dma_semaphore, #tpu.memory_space<semaphore_mem>>
    %dma_start3A_314 = tpu.memref_squeeze %dma_start3A_313 : memref<1x1x!tpu.dma_semaphore, #tpu.memory_space<semaphore_mem>> -> memref<!tpu.dma_semaphore, #tpu.memory_space<semaphore_mem>>
    %dma_start3A_315 = arith.constant 0 : i32
    %dma_start3A_316 = tpu.memref_slice %arg6[%dma_start3A_305, %dma_start3A_306, %dma_start3A_315] : memref<2x5x40xi32, #tpu.memory_space<vmem>> -> memref<1x1x40xi32, #tpu.memory_space<vmem>>
    %dma_start3A_317 = tpu.memref_squeeze %dma_start3A_316 : memref<1x1x40xi32, #tpu.memory_space<vmem>> -> memref<40xi32, #tpu.memory_space<vmem>>
    %dma_start3A_318 = tpu.memref_slice %arg2[%multiple_of3A_304] : memref<320000xi32, #tpu.memory_space<hbm>> -> memref<40xi32, #tpu.memory_space<hbm>>
    tpu.enqueue_dma source(%dma_start3A_318 : memref<40xi32, #tpu.memory_space<hbm>>) target(%dma_start3A_317 : memref<40xi32, #tpu.memory_space<vmem>>) target_semaphore(%dma_start3A_314 : memref<!tpu.dma_semaphore, #tpu.memory_space<semaphore_mem>>)
    %dma_start3A_319 = arith.constant 1 : i32
    %dma_start3A_320 = arith.constant 2 : i32
    %dma_start3A_321 = arith.constant 1 : i32
    %dma_start3A_322 = arith.constant 2 : i32
    %dma_start3A_323 = arith.constant 0 : i32
    %dma_start3A_324 = tpu.memref_slice %arg7[%dma_start3A_319, %dma_start3A_320, %dma_start3A_323] : memref<2x5x40xi32, #tpu.memory_space<vmem>> -> memref<1x1x40xi32, #tpu.memory_space<vmem>>
    %dma_start3A_325 = tpu.memref_squeeze %dma_start3A_324 : memref<1x1x40xi32, #tpu.memory_space<vmem>> -> memref<40xi32, #tpu.memory_space<vmem>>
    %dma_start3A_326 = tpu.memref_slice %arg3[%multiple_of3A_304] : memref<320000xi32, #tpu.memory_space<hbm>> -> memref<40xi32, #tpu.memory_space<hbm>>
    %dma_start3A_327 = tpu.memref_slice %arg9[%dma_start3A_321, %dma_start3A_322] : memref<2x5x!tpu.dma_semaphore, #tpu.memory_space<semaphore_mem>> -> memref<1x1x!tpu.dma_semaphore, #tpu.memory_space<semaphore_mem>>
    %dma_start3A_328 = tpu.memref_squeeze %dma_start3A_327 : memref<1x1x!tpu.dma_semaphore, #tpu.memory_space<semaphore_mem>> -> memref<!tpu.dma_semaphore, #tpu.memory_space<semaphore_mem>>
    %dma_start3A_329 = arith.constant 0 : i32
    %dma_start3A_330 = tpu.memref_slice %arg7[%dma_start3A_319, %dma_start3A_320, %dma_start3A_329] : memref<2x5x40xi32, #tpu.memory_space<vmem>> -> memref<1x1x40xi32, #tpu.memory_space<vmem>>
    %dma_start3A_331 = tpu.memref_squeeze %dma_start3A_330 : memref<1x1x40xi32, #tpu.memory_space<vmem>> -> memref<40xi32, #tpu.memory_space<vmem>>
    %dma_start3A_332 = tpu.memref_slice %arg3[%multiple_of3A_304] : memref<320000xi32, #tpu.memory_space<hbm>> -> memref<40xi32, #tpu.memory_space<hbm>>
    tpu.enqueue_dma source(%dma_start3A_332 : memref<40xi32, #tpu.memory_space<hbm>>) target(%dma_start3A_331 : memref<40xi32, #tpu.memory_space<vmem>>) target_semaphore(%dma_start3A_328 : memref<!tpu.dma_semaphore, #tpu.memory_space<semaphore_mem>>)
    %add3A_333 = arith.constant 320 : i32
    %add3A_334 = arith.addi %mul3A_2, %add3A_333 : i32
    %multiple_of3A_335 = tpu.assume_multiple %add3A_334, 8 : i32
    %dma_start3A_336 = arith.constant 1 : i32
    %dma_start3A_337 = arith.constant 3 : i32
    %dma_start3A_338 = arith.constant 1 : i32
    %dma_start3A_339 = arith.constant 3 : i32
    %dma_start3A_340 = arith.constant 0 : i32
    %dma_start3A_341 = tpu.memref_slice %arg6[%dma_start3A_336, %dma_start3A_337, %dma_start3A_340] : memref<2x5x40xi32, #tpu.memory_space<vmem>> -> memref<1x1x40xi32, #tpu.memory_space<vmem>>
    %dma_start3A_342 = tpu.memref_squeeze %dma_start3A_341 : memref<1x1x40xi32, #tpu.memory_space<vmem>> -> memref<40xi32, #tpu.memory_space<vmem>>
    %dma_start3A_343 = tpu.memref_slice %arg2[%multiple_of3A_335] : memref<320000xi32, #tpu.memory_space<hbm>> -> memref<40xi32, #tpu.memory_space<hbm>>
    %dma_start3A_344 = tpu.memref_slice %arg9[%dma_start3A_338, %dma_start3A_339] : memref<2x5x!tpu.dma_semaphore, #tpu.memory_space<semaphore_mem>> -> memref<1x1x!tpu.dma_semaphore, #tpu.memory_space<semaphore_mem>>
    %dma_start3A_345 = tpu.memref_squeeze %dma_start3A_344 : memref<1x1x!tpu.dma_semaphore, #tpu.memory_space<semaphore_mem>> -> memref<!tpu.dma_semaphore, #tpu.memory_space<semaphore_mem>>
    %dma_start3A_346 = arith.constant 0 : i32
    %dma_start3A_347 = tpu.memref_slice %arg6[%dma_start3A_336, %dma_start3A_337, %dma_start3A_346] : memref<2x5x40xi32, #tpu.memory_space<vmem>> -> memref<1x1x40xi32, #tpu.memory_space<vmem>>
    %dma_start3A_348 = tpu.memref_squeeze %dma_start3A_347 : memref<1x1x40xi32, #tpu.memory_space<vmem>> -> memref<40xi32, #tpu.memory_space<vmem>>
    %dma_start3A_349 = tpu.memref_slice %arg2[%multiple_of3A_335] : memref<320000xi32, #tpu.memory_space<hbm>> -> memref<40xi32, #tpu.memory_space<hbm>>
    tpu.enqueue_dma source(%dma_start3A_349 : memref<40xi32, #tpu.memory_space<hbm>>) target(%dma_start3A_348 : memref<40xi32, #tpu.memory_space<vmem>>) target_semaphore(%dma_start3A_345 : memref<!tpu.dma_semaphore, #tpu.memory_space<semaphore_mem>>)
    %dma_start3A_350 = arith.constant 1 : i32
    %dma_start3A_351 = arith.constant 3 : i32
    %dma_start3A_352 = arith.constant 1 : i32
    %dma_start3A_353 = arith.constant 3 : i32
    %dma_start3A_354 = arith.constant 0 : i32
    %dma_start3A_355 = tpu.memref_slice %arg7[%dma_start3A_350, %dma_start3A_351, %dma_start3A_354] : memref<2x5x40xi32, #tpu.memory_space<vmem>> -> memref<1x1x40xi32, #tpu.memory_space<vmem>>
    %dma_start3A_356 = tpu.memref_squeeze %dma_start3A_355 : memref<1x1x40xi32, #tpu.memory_space<vmem>> -> memref<40xi32, #tpu.memory_space<vmem>>
    %dma_start3A_357 = tpu.memref_slice %arg3[%multiple_of3A_335] : memref<320000xi32, #tpu.memory_space<hbm>> -> memref<40xi32, #tpu.memory_space<hbm>>
    %dma_start3A_358 = tpu.memref_slice %arg9[%dma_start3A_352, %dma_start3A_353] : memref<2x5x!tpu.dma_semaphore, #tpu.memory_space<semaphore_mem>> -> memref<1x1x!tpu.dma_semaphore, #tpu.memory_space<semaphore_mem>>
    %dma_start3A_359 = tpu.memref_squeeze %dma_start3A_358 : memref<1x1x!tpu.dma_semaphore, #tpu.memory_space<semaphore_mem>> -> memref<!tpu.dma_semaphore, #tpu.memory_space<semaphore_mem>>
    %dma_start3A_360 = arith.constant 0 : i32
    %dma_start3A_361 = tpu.memref_slice %arg7[%dma_start3A_350, %dma_start3A_351, %dma_start3A_360] : memref<2x5x40xi32, #tpu.memory_space<vmem>> -> memref<1x1x40xi32, #tpu.memory_space<vmem>>
    %dma_start3A_362 = tpu.memref_squeeze %dma_start3A_361 : memref<1x1x40xi32, #tpu.memory_space<vmem>> -> memref<40xi32, #tpu.memory_space<vmem>>
    %dma_start3A_363 = tpu.memref_slice %arg3[%multiple_of3A_335] : memref<320000xi32, #tpu.memory_space<hbm>> -> memref<40xi32, #tpu.memory_space<hbm>>
    tpu.enqueue_dma source(%dma_start3A_363 : memref<40xi32, #tpu.memory_space<hbm>>) target(%dma_start3A_362 : memref<40xi32, #tpu.memory_space<vmem>>) target_semaphore(%dma_start3A_359 : memref<!tpu.dma_semaphore, #tpu.memory_space<semaphore_mem>>)
    %add3A_364 = arith.constant 360 : i32
    %add3A_365 = arith.addi %mul3A_2, %add3A_364 : i32
    %multiple_of3A_366 = tpu.assume_multiple %add3A_365, 8 : i32
    %dma_start3A_367 = arith.constant 1 : i32
    %dma_start3A_368 = arith.constant 4 : i32
    %dma_start3A_369 = arith.constant 1 : i32
    %dma_start3A_370 = arith.constant 4 : i32
    %dma_start3A_371 = arith.constant 0 : i32
    %dma_start3A_372 = tpu.memref_slice %arg6[%dma_start3A_367, %dma_start3A_368, %dma_start3A_371] : memref<2x5x40xi32, #tpu.memory_space<vmem>> -> memref<1x1x40xi32, #tpu.memory_space<vmem>>
    %dma_start3A_373 = tpu.memref_squeeze %dma_start3A_372 : memref<1x1x40xi32, #tpu.memory_space<vmem>> -> memref<40xi32, #tpu.memory_space<vmem>>
    %dma_start3A_374 = tpu.memref_slice %arg2[%multiple_of3A_366] : memref<320000xi32, #tpu.memory_space<hbm>> -> memref<40xi32, #tpu.memory_space<hbm>>
    %dma_start3A_375 = tpu.memref_slice %arg9[%dma_start3A_369, %dma_start3A_370] : memref<2x5x!tpu.dma_semaphore, #tpu.memory_space<semaphore_mem>> -> memref<1x1x!tpu.dma_semaphore, #tpu.memory_space<semaphore_mem>>
    %dma_start3A_376 = tpu.memref_squeeze %dma_start3A_375 : memref<1x1x!tpu.dma_semaphore, #tpu.memory_space<semaphore_mem>> -> memref<!tpu.dma_semaphore, #tpu.memory_space<semaphore_mem>>
    %dma_start3A_377 = arith.constant 0 : i32
    %dma_start3A_378 = tpu.memref_slice %arg6[%dma_start3A_367, %dma_start3A_368, %dma_start3A_377] : memref<2x5x40xi32, #tpu.memory_space<vmem>> -> memref<1x1x40xi32, #tpu.memory_space<vmem>>
    %dma_start3A_379 = tpu.memref_squeeze %dma_start3A_378 : memref<1x1x40xi32, #tpu.memory_space<vmem>> -> memref<40xi32, #tpu.memory_space<vmem>>
    %dma_start3A_380 = tpu.memref_slice %arg2[%multiple_of3A_366] : memref<320000xi32, #tpu.memory_space<hbm>> -> memref<40xi32, #tpu.memory_space<hbm>>
    tpu.enqueue_dma source(%dma_start3A_380 : memref<40xi32, #tpu.memory_space<hbm>>) target(%dma_start3A_379 : memref<40xi32, #tpu.memory_space<vmem>>) target_semaphore(%dma_start3A_376 : memref<!tpu.dma_semaphore, #tpu.memory_space<semaphore_mem>>)
    %dma_start3A_381 = arith.constant 1 : i32
    %dma_start3A_382 = arith.constant 4 : i32
    %dma_start3A_383 = arith.constant 1 : i32
    %dma_start3A_384 = arith.constant 4 : i32
    %dma_start3A_385 = arith.constant 0 : i32
    %dma_start3A_386 = tpu.memref_slice %arg7[%dma_start3A_381, %dma_start3A_382, %dma_start3A_385] : memref<2x5x40xi32, #tpu.memory_space<vmem>> -> memref<1x1x40xi32, #tpu.memory_space<vmem>>
    %dma_start3A_387 = tpu.memref_squeeze %dma_start3A_386 : memref<1x1x40xi32, #tpu.memory_space<vmem>> -> memref<40xi32, #tpu.memory_space<vmem>>
    %dma_start3A_388 = tpu.memref_slice %arg3[%multiple_of3A_366] : memref<320000xi32, #tpu.memory_space<hbm>> -> memref<40xi32, #tpu.memory_space<hbm>>
    %dma_start3A_389 = tpu.memref_slice %arg9[%dma_start3A_383, %dma_start3A_384] : memref<2x5x!tpu.dma_semaphore, #tpu.memory_space<semaphore_mem>> -> memref<1x1x!tpu.dma_semaphore, #tpu.memory_space<semaphore_mem>>
    %dma_start3A_390 = tpu.memref_squeeze %dma_start3A_389 : memref<1x1x!tpu.dma_semaphore, #tpu.memory_space<semaphore_mem>> -> memref<!tpu.dma_semaphore, #tpu.memory_space<semaphore_mem>>
    %dma_start3A_391 = arith.constant 0 : i32
    %dma_start3A_392 = tpu.memref_slice %arg7[%dma_start3A_381, %dma_start3A_382, %dma_start3A_391] : memref<2x5x40xi32, #tpu.memory_space<vmem>> -> memref<1x1x40xi32, #tpu.memory_space<vmem>>
    %dma_start3A_393 = tpu.memref_squeeze %dma_start3A_392 : memref<1x1x40xi32, #tpu.memory_space<vmem>> -> memref<40xi32, #tpu.memory_space<vmem>>
    %dma_start3A_394 = tpu.memref_slice %arg3[%multiple_of3A_366] : memref<320000xi32, #tpu.memory_space<hbm>> -> memref<40xi32, #tpu.memory_space<hbm>>
    tpu.enqueue_dma source(%dma_start3A_394 : memref<40xi32, #tpu.memory_space<hbm>>) target(%dma_start3A_393 : memref<40xi32, #tpu.memory_space<vmem>>) target_semaphore(%dma_start3A_390 : memref<!tpu.dma_semaphore, #tpu.memory_space<semaphore_mem>>)
    %dma_wait3A = arith.constant 0 : i32
    %dma_wait3A_395 = arith.constant 0 : i32
    %dma_wait3A_396 = arith.constant 0 : i32
    %dma_wait3A_397 = arith.constant 0 : i32
    %dma_wait3A_398 = arith.constant 0 : i32
    %dma_wait3A_399 = tpu.memref_slice %arg6[%dma_wait3A, %dma_wait3A_395, %dma_wait3A_398] : memref<2x5x40xi32, #tpu.memory_space<vmem>> -> memref<1x1x40xi32, #tpu.memory_space<vmem>>
    %dma_wait3A_400 = tpu.memref_squeeze %dma_wait3A_399 : memref<1x1x40xi32, #tpu.memory_space<vmem>> -> memref<40xi32, #tpu.memory_space<vmem>>
    %dma_wait3A_401 = arith.constant 0 : i32
    %dma_wait3A_402 = tpu.memref_slice %arg2[%dma_wait3A_401] : memref<320000xi32, #tpu.memory_space<hbm>> -> memref<40xi32, #tpu.memory_space<hbm>>
    %dma_wait3A_403 = tpu.memref_slice %arg9[%dma_wait3A_396, %dma_wait3A_397] : memref<2x5x!tpu.dma_semaphore, #tpu.memory_space<semaphore_mem>> -> memref<1x1x!tpu.dma_semaphore, #tpu.memory_space<semaphore_mem>>
    %dma_wait3A_404 = tpu.memref_squeeze %dma_wait3A_403 : memref<1x1x!tpu.dma_semaphore, #tpu.memory_space<semaphore_mem>> -> memref<!tpu.dma_semaphore, #tpu.memory_space<semaphore_mem>>
    %dma_wait3A_405 = arith.constant 0 : i32
    %dma_wait3A_406 = tpu.memref_slice %arg6[%dma_wait3A, %dma_wait3A_395, %dma_wait3A_405] : memref<2x5x40xi32, #tpu.memory_space<vmem>> -> memref<1x1x40xi32, #tpu.memory_space<vmem>>
    %dma_wait3A_407 = tpu.memref_squeeze %dma_wait3A_406 : memref<1x1x40xi32, #tpu.memory_space<vmem>> -> memref<40xi32, #tpu.memory_space<vmem>>
    %dma_wait3A_408 = arith.constant 0 : i32
    %dma_wait3A_409 = tpu.memref_slice %arg2[%dma_wait3A_408] : memref<320000xi32, #tpu.memory_space<hbm>> -> memref<40xi32, #tpu.memory_space<hbm>>
    tpu.wait_dma2 semaphore(%dma_wait3A_404 : memref<!tpu.dma_semaphore, #tpu.memory_space<semaphore_mem>>) src(%dma_wait3A_409 : memref<40xi32, #tpu.memory_space<hbm>>) dst(%dma_wait3A_407 : memref<40xi32, #tpu.memory_space<vmem>>)
    %dma_wait3A_410 = arith.constant 0 : i32
    %dma_wait3A_411 = arith.constant 0 : i32
    %dma_wait3A_412 = arith.constant 0 : i32
    %dma_wait3A_413 = arith.constant 0 : i32
    %dma_wait3A_414 = arith.constant 0 : i32
    %dma_wait3A_415 = tpu.memref_slice %arg7[%dma_wait3A_410, %dma_wait3A_411, %dma_wait3A_414] : memref<2x5x40xi32, #tpu.memory_space<vmem>> -> memref<1x1x40xi32, #tpu.memory_space<vmem>>
    %dma_wait3A_416 = tpu.memref_squeeze %dma_wait3A_415 : memref<1x1x40xi32, #tpu.memory_space<vmem>> -> memref<40xi32, #tpu.memory_space<vmem>>
    %dma_wait3A_417 = arith.constant 0 : i32
    %dma_wait3A_418 = tpu.memref_slice %arg3[%dma_wait3A_417] : memref<320000xi32, #tpu.memory_space<hbm>> -> memref<40xi32, #tpu.memory_space<hbm>>
    %dma_wait3A_419 = tpu.memref_slice %arg9[%dma_wait3A_412, %dma_wait3A_413] : memref<2x5x!tpu.dma_semaphore, #tpu.memory_space<semaphore_mem>> -> memref<1x1x!tpu.dma_semaphore, #tpu.memory_space<semaphore_mem>>
    %dma_wait3A_420 = tpu.memref_squeeze %dma_wait3A_419 : memref<1x1x!tpu.dma_semaphore, #tpu.memory_space<semaphore_mem>> -> memref<!tpu.dma_semaphore, #tpu.memory_space<semaphore_mem>>
    %dma_wait3A_421 = arith.constant 0 : i32
    %dma_wait3A_422 = tpu.memref_slice %arg7[%dma_wait3A_410, %dma_wait3A_411, %dma_wait3A_421] : memref<2x5x40xi32, #tpu.memory_space<vmem>> -> memref<1x1x40xi32, #tpu.memory_space<vmem>>
    %dma_wait3A_423 = tpu.memref_squeeze %dma_wait3A_422 : memref<1x1x40xi32, #tpu.memory_space<vmem>> -> memref<40xi32, #tpu.memory_space<vmem>>
    %dma_wait3A_424 = arith.constant 0 : i32
    %dma_wait3A_425 = tpu.memref_slice %arg3[%dma_wait3A_424] : memref<320000xi32, #tpu.memory_space<hbm>> -> memref<40xi32, #tpu.memory_space<hbm>>
    tpu.wait_dma2 semaphore(%dma_wait3A_420 : memref<!tpu.dma_semaphore, #tpu.memory_space<semaphore_mem>>) src(%dma_wait3A_425 : memref<40xi32, #tpu.memory_space<hbm>>) dst(%dma_wait3A_423 : memref<40xi32, #tpu.memory_space<vmem>>)
    %dma_start3A_426 = arith.constant 0 : i32
    %dma_start3A_427 = arith.constant 0 : i32
    %dma_start3A_428 = arith.constant 0 : i32
    %dma_start3A_429 = arith.constant 0 : i32
    %dma_start3A_430 = arith.constant 0 : i32
    %dma_start3A_431 = arith.constant 0 : i32
    %dma_start3A_432 = tpu.memref_slice %arg8[%dma_start3A_428, %dma_start3A_430, %dma_start3A_431] : memref<5x40x128xf32, #tpu.memory_space<vmem>> -> memref<1x40x128xf32, #tpu.memory_space<vmem>>
    %dma_start3A_433 = tpu.memref_squeeze %dma_start3A_432 : memref<1x40x128xf32, #tpu.memory_space<vmem>> -> memref<40x128xf32, #tpu.memory_space<vmem>>
    %dma_start3A_434 = arith.constant 0 : i32
    %dma_start3A_435 = tpu.memref_slice %arg6[%dma_start3A_426, %dma_start3A_427, %dma_start3A_434] : memref<2x5x40xi32, #tpu.memory_space<vmem>> -> memref<1x1x40xi32, #tpu.memory_space<vmem>>
    %dma_start3A_436 = tpu.memref_squeeze %dma_start3A_435 : memref<1x1x40xi32, #tpu.memory_space<vmem>> -> memref<40xi32, #tpu.memory_space<vmem>>
    %dma_start3A_437 = arith.constant 0 : i32
    %dma_start3A_438 = arith.constant 0 : i32
    %dma_start3A_439 = tpu.memref_slice %arg4[%dma_start3A_437, %dma_start3A_438] : memref<10000x128xf32, #tpu.memory_space<hbm>> -> memref<10000x128xf32, #tpu.memory_space<hbm>>
    %dma_start3A_440 = tpu.memref_slice %arg10[%dma_start3A_429] : memref<5x!tpu.dma_semaphore, #tpu.memory_space<semaphore_mem>> -> memref<1x!tpu.dma_semaphore, #tpu.memory_space<semaphore_mem>>
    %dma_start3A_441 = tpu.memref_squeeze %dma_start3A_440 : memref<1x!tpu.dma_semaphore, #tpu.memory_space<semaphore_mem>> -> memref<!tpu.dma_semaphore, #tpu.memory_space<semaphore_mem>>
    tpu.enqueue_indirect_dma source(%dma_start3A_439 : memref<10000x128xf32, #tpu.memory_space<hbm>>) target(%dma_start3A_433 : memref<40x128xf32, #tpu.memory_space<vmem>>) offsets(%dma_start3A_436 : memref<40xi32, #tpu.memory_space<vmem>>) semaphore(%dma_start3A_441 : memref<!tpu.dma_semaphore, #tpu.memory_space<semaphore_mem>>)
    %dma_wait3A_442 = arith.constant 0 : i32
    %dma_wait3A_443 = arith.constant 1 : i32
    %dma_wait3A_444 = arith.constant 0 : i32
    %dma_wait3A_445 = arith.constant 1 : i32
    %dma_wait3A_446 = arith.constant 0 : i32
    %dma_wait3A_447 = tpu.memref_slice %arg6[%dma_wait3A_442, %dma_wait3A_443, %dma_wait3A_446] : memref<2x5x40xi32, #tpu.memory_space<vmem>> -> memref<1x1x40xi32, #tpu.memory_space<vmem>>
    %dma_wait3A_448 = tpu.memref_squeeze %dma_wait3A_447 : memref<1x1x40xi32, #tpu.memory_space<vmem>> -> memref<40xi32, #tpu.memory_space<vmem>>
    %dma_wait3A_449 = arith.constant 0 : i32
    %dma_wait3A_450 = tpu.memref_slice %arg2[%dma_wait3A_449] : memref<320000xi32, #tpu.memory_space<hbm>> -> memref<40xi32, #tpu.memory_space<hbm>>
    %dma_wait3A_451 = tpu.memref_slice %arg9[%dma_wait3A_444, %dma_wait3A_445] : memref<2x5x!tpu.dma_semaphore, #tpu.memory_space<semaphore_mem>> -> memref<1x1x!tpu.dma_semaphore, #tpu.memory_space<semaphore_mem>>
    %dma_wait3A_452 = tpu.memref_squeeze %dma_wait3A_451 : memref<1x1x!tpu.dma_semaphore, #tpu.memory_space<semaphore_mem>> -> memref<!tpu.dma_semaphore, #tpu.memory_space<semaphore_mem>>
    %dma_wait3A_453 = arith.constant 0 : i32
    %dma_wait3A_454 = tpu.memref_slice %arg6[%dma_wait3A_442, %dma_wait3A_443, %dma_wait3A_453] : memref<2x5x40xi32, #tpu.memory_space<vmem>> -> memref<1x1x40xi32, #tpu.memory_space<vmem>>
    %dma_wait3A_455 = tpu.memref_squeeze %dma_wait3A_454 : memref<1x1x40xi32, #tpu.memory_space<vmem>> -> memref<40xi32, #tpu.memory_space<vmem>>
    %dma_wait3A_456 = arith.constant 0 : i32
    %dma_wait3A_457 = tpu.memref_slice %arg2[%dma_wait3A_456] : memref<320000xi32, #tpu.memory_space<hbm>> -> memref<40xi32, #tpu.memory_space<hbm>>
    tpu.wait_dma2 semaphore(%dma_wait3A_452 : memref<!tpu.dma_semaphore, #tpu.memory_space<semaphore_mem>>) src(%dma_wait3A_457 : memref<40xi32, #tpu.memory_space<hbm>>) dst(%dma_wait3A_455 : memref<40xi32, #tpu.memory_space<vmem>>)
    %dma_wait3A_458 = arith.constant 0 : i32
    %dma_wait3A_459 = arith.constant 1 : i32
    %dma_wait3A_460 = arith.constant 0 : i32
    %dma_wait3A_461 = arith.constant 1 : i32
    %dma_wait3A_462 = arith.constant 0 : i32
    %dma_wait3A_463 = tpu.memref_slice %arg7[%dma_wait3A_458, %dma_wait3A_459, %dma_wait3A_462] : memref<2x5x40xi32, #tpu.memory_space<vmem>> -> memref<1x1x40xi32, #tpu.memory_space<vmem>>
    %dma_wait3A_464 = tpu.memref_squeeze %dma_wait3A_463 : memref<1x1x40xi32, #tpu.memory_space<vmem>> -> memref<40xi32, #tpu.memory_space<vmem>>
    %dma_wait3A_465 = arith.constant 0 : i32
    %dma_wait3A_466 = tpu.memref_slice %arg3[%dma_wait3A_465] : memref<320000xi32, #tpu.memory_space<hbm>> -> memref<40xi32, #tpu.memory_space<hbm>>
    %dma_wait3A_467 = tpu.memref_slice %arg9[%dma_wait3A_460, %dma_wait3A_461] : memref<2x5x!tpu.dma_semaphore, #tpu.memory_space<semaphore_mem>> -> memref<1x1x!tpu.dma_semaphore, #tpu.memory_space<semaphore_mem>>
    %dma_wait3A_468 = tpu.memref_squeeze %dma_wait3A_467 : memref<1x1x!tpu.dma_semaphore, #tpu.memory_space<semaphore_mem>> -> memref<!tpu.dma_semaphore, #tpu.memory_space<semaphore_mem>>
    %dma_wait3A_469 = arith.constant 0 : i32
    %dma_wait3A_470 = tpu.memref_slice %arg7[%dma_wait3A_458, %dma_wait3A_459, %dma_wait3A_469] : memref<2x5x40xi32, #tpu.memory_space<vmem>> -> memref<1x1x40xi32, #tpu.memory_space<vmem>>
    %dma_wait3A_471 = tpu.memref_squeeze %dma_wait3A_470 : memref<1x1x40xi32, #tpu.memory_space<vmem>> -> memref<40xi32, #tpu.memory_space<vmem>>
    %dma_wait3A_472 = arith.constant 0 : i32
    %dma_wait3A_473 = tpu.memref_slice %arg3[%dma_wait3A_472] : memref<320000xi32, #tpu.memory_space<hbm>> -> memref<40xi32, #tpu.memory_space<hbm>>
    tpu.wait_dma2 semaphore(%dma_wait3A_468 : memref<!tpu.dma_semaphore, #tpu.memory_space<semaphore_mem>>) src(%dma_wait3A_473 : memref<40xi32, #tpu.memory_space<hbm>>) dst(%dma_wait3A_471 : memref<40xi32, #tpu.memory_space<vmem>>)
    %dma_start3A_474 = arith.constant 0 : i32
    %dma_start3A_475 = arith.constant 1 : i32
    %dma_start3A_476 = arith.constant 1 : i32
    %dma_start3A_477 = arith.constant 1 : i32
    %dma_start3A_478 = arith.constant 0 : i32
    %dma_start3A_479 = arith.constant 0 : i32
    %dma_start3A_480 = tpu.memref_slice %arg8[%dma_start3A_476, %dma_start3A_478, %dma_start3A_479] : memref<5x40x128xf32, #tpu.memory_space<vmem>> -> memref<1x40x128xf32, #tpu.memory_space<vmem>>
    %dma_start3A_481 = tpu.memref_squeeze %dma_start3A_480 : memref<1x40x128xf32, #tpu.memory_space<vmem>> -> memref<40x128xf32, #tpu.memory_space<vmem>>
    %dma_start3A_482 = arith.constant 0 : i32
    %dma_start3A_483 = tpu.memref_slice %arg6[%dma_start3A_474, %dma_start3A_475, %dma_start3A_482] : memref<2x5x40xi32, #tpu.memory_space<vmem>> -> memref<1x1x40xi32, #tpu.memory_space<vmem>>
    %dma_start3A_484 = tpu.memref_squeeze %dma_start3A_483 : memref<1x1x40xi32, #tpu.memory_space<vmem>> -> memref<40xi32, #tpu.memory_space<vmem>>
    %dma_start3A_485 = arith.constant 0 : i32
    %dma_start3A_486 = arith.constant 0 : i32
    %dma_start3A_487 = tpu.memref_slice %arg4[%dma_start3A_485, %dma_start3A_486] : memref<10000x128xf32, #tpu.memory_space<hbm>> -> memref<10000x128xf32, #tpu.memory_space<hbm>>
    %dma_start3A_488 = tpu.memref_slice %arg10[%dma_start3A_477] : memref<5x!tpu.dma_semaphore, #tpu.memory_space<semaphore_mem>> -> memref<1x!tpu.dma_semaphore, #tpu.memory_space<semaphore_mem>>
    %dma_start3A_489 = tpu.memref_squeeze %dma_start3A_488 : memref<1x!tpu.dma_semaphore, #tpu.memory_space<semaphore_mem>> -> memref<!tpu.dma_semaphore, #tpu.memory_space<semaphore_mem>>
    tpu.enqueue_indirect_dma source(%dma_start3A_487 : memref<10000x128xf32, #tpu.memory_space<hbm>>) target(%dma_start3A_481 : memref<40x128xf32, #tpu.memory_space<vmem>>) offsets(%dma_start3A_484 : memref<40xi32, #tpu.memory_space<vmem>>) semaphore(%dma_start3A_489 : memref<!tpu.dma_semaphore, #tpu.memory_space<semaphore_mem>>)
    %dma_wait3A_490 = arith.constant 0 : i32
    %dma_wait3A_491 = arith.constant 2 : i32
    %dma_wait3A_492 = arith.constant 0 : i32
    %dma_wait3A_493 = arith.constant 2 : i32
    %dma_wait3A_494 = arith.constant 0 : i32
    %dma_wait3A_495 = tpu.memref_slice %arg6[%dma_wait3A_490, %dma_wait3A_491, %dma_wait3A_494] : memref<2x5x40xi32, #tpu.memory_space<vmem>> -> memref<1x1x40xi32, #tpu.memory_space<vmem>>
    %dma_wait3A_496 = tpu.memref_squeeze %dma_wait3A_495 : memref<1x1x40xi32, #tpu.memory_space<vmem>> -> memref<40xi32, #tpu.memory_space<vmem>>
    %dma_wait3A_497 = arith.constant 0 : i32
    %dma_wait3A_498 = tpu.memref_slice %arg2[%dma_wait3A_497] : memref<320000xi32, #tpu.memory_space<hbm>> -> memref<40xi32, #tpu.memory_space<hbm>>
    %dma_wait3A_499 = tpu.memref_slice %arg9[%dma_wait3A_492, %dma_wait3A_493] : memref<2x5x!tpu.dma_semaphore, #tpu.memory_space<semaphore_mem>> -> memref<1x1x!tpu.dma_semaphore, #tpu.memory_space<semaphore_mem>>
    %dma_wait3A_500 = tpu.memref_squeeze %dma_wait3A_499 : memref<1x1x!tpu.dma_semaphore, #tpu.memory_space<semaphore_mem>> -> memref<!tpu.dma_semaphore, #tpu.memory_space<semaphore_mem>>
    %dma_wait3A_501 = arith.constant 0 : i32
    %dma_wait3A_502 = tpu.memref_slice %arg6[%dma_wait3A_490, %dma_wait3A_491, %dma_wait3A_501] : memref<2x5x40xi32, #tpu.memory_space<vmem>> -> memref<1x1x40xi32, #tpu.memory_space<vmem>>
    %dma_wait3A_503 = tpu.memref_squeeze %dma_wait3A_502 : memref<1x1x40xi32, #tpu.memory_space<vmem>> -> memref<40xi32, #tpu.memory_space<vmem>>
    %dma_wait3A_504 = arith.constant 0 : i32
    %dma_wait3A_505 = tpu.memref_slice %arg2[%dma_wait3A_504] : memref<320000xi32, #tpu.memory_space<hbm>> -> memref<40xi32, #tpu.memory_space<hbm>>
    tpu.wait_dma2 semaphore(%dma_wait3A_500 : memref<!tpu.dma_semaphore, #tpu.memory_space<semaphore_mem>>) src(%dma_wait3A_505 : memref<40xi32, #tpu.memory_space<hbm>>) dst(%dma_wait3A_503 : memref<40xi32, #tpu.memory_space<vmem>>)
    %dma_wait3A_506 = arith.constant 0 : i32
    %dma_wait3A_507 = arith.constant 2 : i32
    %dma_wait3A_508 = arith.constant 0 : i32
    %dma_wait3A_509 = arith.constant 2 : i32
    %dma_wait3A_510 = arith.constant 0 : i32
    %dma_wait3A_511 = tpu.memref_slice %arg7[%dma_wait3A_506, %dma_wait3A_507, %dma_wait3A_510] : memref<2x5x40xi32, #tpu.memory_space<vmem>> -> memref<1x1x40xi32, #tpu.memory_space<vmem>>
    %dma_wait3A_512 = tpu.memref_squeeze %dma_wait3A_511 : memref<1x1x40xi32, #tpu.memory_space<vmem>> -> memref<40xi32, #tpu.memory_space<vmem>>
    %dma_wait3A_513 = arith.constant 0 : i32
    %dma_wait3A_514 = tpu.memref_slice %arg3[%dma_wait3A_513] : memref<320000xi32, #tpu.memory_space<hbm>> -> memref<40xi32, #tpu.memory_space<hbm>>
    %dma_wait3A_515 = tpu.memref_slice %arg9[%dma_wait3A_508, %dma_wait3A_509] : memref<2x5x!tpu.dma_semaphore, #tpu.memory_space<semaphore_mem>> -> memref<1x1x!tpu.dma_semaphore, #tpu.memory_space<semaphore_mem>>
    %dma_wait3A_516 = tpu.memref_squeeze %dma_wait3A_515 : memref<1x1x!tpu.dma_semaphore, #tpu.memory_space<semaphore_mem>> -> memref<!tpu.dma_semaphore, #tpu.memory_space<semaphore_mem>>
    %dma_wait3A_517 = arith.constant 0 : i32
    %dma_wait3A_518 = tpu.memref_slice %arg7[%dma_wait3A_506, %dma_wait3A_507, %dma_wait3A_517] : memref<2x5x40xi32, #tpu.memory_space<vmem>> -> memref<1x1x40xi32, #tpu.memory_space<vmem>>
    %dma_wait3A_519 = tpu.memref_squeeze %dma_wait3A_518 : memref<1x1x40xi32, #tpu.memory_space<vmem>> -> memref<40xi32, #tpu.memory_space<vmem>>
    %dma_wait3A_520 = arith.constant 0 : i32
    %dma_wait3A_521 = tpu.memref_slice %arg3[%dma_wait3A_520] : memref<320000xi32, #tpu.memory_space<hbm>> -> memref<40xi32, #tpu.memory_space<hbm>>
    tpu.wait_dma2 semaphore(%dma_wait3A_516 : memref<!tpu.dma_semaphore, #tpu.memory_space<semaphore_mem>>) src(%dma_wait3A_521 : memref<40xi32, #tpu.memory_space<hbm>>) dst(%dma_wait3A_519 : memref<40xi32, #tpu.memory_space<vmem>>)
    %dma_start3A_522 = arith.constant 0 : i32
    %dma_start3A_523 = arith.constant 2 : i32
    %dma_start3A_524 = arith.constant 2 : i32
    %dma_start3A_525 = arith.constant 2 : i32
    %dma_start3A_526 = arith.constant 0 : i32
    %dma_start3A_527 = arith.constant 0 : i32
    %dma_start3A_528 = tpu.memref_slice %arg8[%dma_start3A_524, %dma_start3A_526, %dma_start3A_527] : memref<5x40x128xf32, #tpu.memory_space<vmem>> -> memref<1x40x128xf32, #tpu.memory_space<vmem>>
    %dma_start3A_529 = tpu.memref_squeeze %dma_start3A_528 : memref<1x40x128xf32, #tpu.memory_space<vmem>> -> memref<40x128xf32, #tpu.memory_space<vmem>>
    %dma_start3A_530 = arith.constant 0 : i32
    %dma_start3A_531 = tpu.memref_slice %arg6[%dma_start3A_522, %dma_start3A_523, %dma_start3A_530] : memref<2x5x40xi32, #tpu.memory_space<vmem>> -> memref<1x1x40xi32, #tpu.memory_space<vmem>>
    %dma_start3A_532 = tpu.memref_squeeze %dma_start3A_531 : memref<1x1x40xi32, #tpu.memory_space<vmem>> -> memref<40xi32, #tpu.memory_space<vmem>>
    %dma_start3A_533 = arith.constant 0 : i32
    %dma_start3A_534 = arith.constant 0 : i32
    %dma_start3A_535 = tpu.memref_slice %arg4[%dma_start3A_533, %dma_start3A_534] : memref<10000x128xf32, #tpu.memory_space<hbm>> -> memref<10000x128xf32, #tpu.memory_space<hbm>>
    %dma_start3A_536 = tpu.memref_slice %arg10[%dma_start3A_525] : memref<5x!tpu.dma_semaphore, #tpu.memory_space<semaphore_mem>> -> memref<1x!tpu.dma_semaphore, #tpu.memory_space<semaphore_mem>>
    %dma_start3A_537 = tpu.memref_squeeze %dma_start3A_536 : memref<1x!tpu.dma_semaphore, #tpu.memory_space<semaphore_mem>> -> memref<!tpu.dma_semaphore, #tpu.memory_space<semaphore_mem>>
    tpu.enqueue_indirect_dma source(%dma_start3A_535 : memref<10000x128xf32, #tpu.memory_space<hbm>>) target(%dma_start3A_529 : memref<40x128xf32, #tpu.memory_space<vmem>>) offsets(%dma_start3A_532 : memref<40xi32, #tpu.memory_space<vmem>>) semaphore(%dma_start3A_537 : memref<!tpu.dma_semaphore, #tpu.memory_space<semaphore_mem>>)
    %dma_wait3A_538 = arith.constant 0 : i32
    %dma_wait3A_539 = arith.constant 3 : i32
    %dma_wait3A_540 = arith.constant 0 : i32
    %dma_wait3A_541 = arith.constant 3 : i32
    %dma_wait3A_542 = arith.constant 0 : i32
    %dma_wait3A_543 = tpu.memref_slice %arg6[%dma_wait3A_538, %dma_wait3A_539, %dma_wait3A_542] : memref<2x5x40xi32, #tpu.memory_space<vmem>> -> memref<1x1x40xi32, #tpu.memory_space<vmem>>
    %dma_wait3A_544 = tpu.memref_squeeze %dma_wait3A_543 : memref<1x1x40xi32, #tpu.memory_space<vmem>> -> memref<40xi32, #tpu.memory_space<vmem>>
    %dma_wait3A_545 = arith.constant 0 : i32
    %dma_wait3A_546 = tpu.memref_slice %arg2[%dma_wait3A_545] : memref<320000xi32, #tpu.memory_space<hbm>> -> memref<40xi32, #tpu.memory_space<hbm>>
    %dma_wait3A_547 = tpu.memref_slice %arg9[%dma_wait3A_540, %dma_wait3A_541] : memref<2x5x!tpu.dma_semaphore, #tpu.memory_space<semaphore_mem>> -> memref<1x1x!tpu.dma_semaphore, #tpu.memory_space<semaphore_mem>>
    %dma_wait3A_548 = tpu.memref_squeeze %dma_wait3A_547 : memref<1x1x!tpu.dma_semaphore, #tpu.memory_space<semaphore_mem>> -> memref<!tpu.dma_semaphore, #tpu.memory_space<semaphore_mem>>
    %dma_wait3A_549 = arith.constant 0 : i32
    %dma_wait3A_550 = tpu.memref_slice %arg6[%dma_wait3A_538, %dma_wait3A_539, %dma_wait3A_549] : memref<2x5x40xi32, #tpu.memory_space<vmem>> -> memref<1x1x40xi32, #tpu.memory_space<vmem>>
    %dma_wait3A_551 = tpu.memref_squeeze %dma_wait3A_550 : memref<1x1x40xi32, #tpu.memory_space<vmem>> -> memref<40xi32, #tpu.memory_space<vmem>>
    %dma_wait3A_552 = arith.constant 0 : i32
    %dma_wait3A_553 = tpu.memref_slice %arg2[%dma_wait3A_552] : memref<320000xi32, #tpu.memory_space<hbm>> -> memref<40xi32, #tpu.memory_space<hbm>>
    tpu.wait_dma2 semaphore(%dma_wait3A_548 : memref<!tpu.dma_semaphore, #tpu.memory_space<semaphore_mem>>) src(%dma_wait3A_553 : memref<40xi32, #tpu.memory_space<hbm>>) dst(%dma_wait3A_551 : memref<40xi32, #tpu.memory_space<vmem>>)
    %dma_wait3A_554 = arith.constant 0 : i32
    %dma_wait3A_555 = arith.constant 3 : i32
    %dma_wait3A_556 = arith.constant 0 : i32
    %dma_wait3A_557 = arith.constant 3 : i32
    %dma_wait3A_558 = arith.constant 0 : i32
    %dma_wait3A_559 = tpu.memref_slice %arg7[%dma_wait3A_554, %dma_wait3A_555, %dma_wait3A_558] : memref<2x5x40xi32, #tpu.memory_space<vmem>> -> memref<1x1x40xi32, #tpu.memory_space<vmem>>
    %dma_wait3A_560 = tpu.memref_squeeze %dma_wait3A_559 : memref<1x1x40xi32, #tpu.memory_space<vmem>> -> memref<40xi32, #tpu.memory_space<vmem>>
    %dma_wait3A_561 = arith.constant 0 : i32
    %dma_wait3A_562 = tpu.memref_slice %arg3[%dma_wait3A_561] : memref<320000xi32, #tpu.memory_space<hbm>> -> memref<40xi32, #tpu.memory_space<hbm>>
    %dma_wait3A_563 = tpu.memref_slice %arg9[%dma_wait3A_556, %dma_wait3A_557] : memref<2x5x!tpu.dma_semaphore, #tpu.memory_space<semaphore_mem>> -> memref<1x1x!tpu.dma_semaphore, #tpu.memory_space<semaphore_mem>>
    %dma_wait3A_564 = tpu.memref_squeeze %dma_wait3A_563 : memref<1x1x!tpu.dma_semaphore, #tpu.memory_space<semaphore_mem>> -> memref<!tpu.dma_semaphore, #tpu.memory_space<semaphore_mem>>
    %dma_wait3A_565 = arith.constant 0 : i32
    %dma_wait3A_566 = tpu.memref_slice %arg7[%dma_wait3A_554, %dma_wait3A_555, %dma_wait3A_565] : memref<2x5x40xi32, #tpu.memory_space<vmem>> -> memref<1x1x40xi32, #tpu.memory_space<vmem>>
    %dma_wait3A_567 = tpu.memref_squeeze %dma_wait3A_566 : memref<1x1x40xi32, #tpu.memory_space<vmem>> -> memref<40xi32, #tpu.memory_space<vmem>>
    %dma_wait3A_568 = arith.constant 0 : i32
    %dma_wait3A_569 = tpu.memref_slice %arg3[%dma_wait3A_568] : memref<320000xi32, #tpu.memory_space<hbm>> -> memref<40xi32, #tpu.memory_space<hbm>>
    tpu.wait_dma2 semaphore(%dma_wait3A_564 : memref<!tpu.dma_semaphore, #tpu.memory_space<semaphore_mem>>) src(%dma_wait3A_569 : memref<40xi32, #tpu.memory_space<hbm>>) dst(%dma_wait3A_567 : memref<40xi32, #tpu.memory_space<vmem>>)
    %dma_start3A_570 = arith.constant 0 : i32
    %dma_start3A_571 = arith.constant 3 : i32
    %dma_start3A_572 = arith.constant 3 : i32
    %dma_start3A_573 = arith.constant 3 : i32
    %dma_start3A_574 = arith.constant 0 : i32
    %dma_start3A_575 = arith.constant 0 : i32
    %dma_start3A_576 = tpu.memref_slice %arg8[%dma_start3A_572, %dma_start3A_574, %dma_start3A_575] : memref<5x40x128xf32, #tpu.memory_space<vmem>> -> memref<1x40x128xf32, #tpu.memory_space<vmem>>
    %dma_start3A_577 = tpu.memref_squeeze %dma_start3A_576 : memref<1x40x128xf32, #tpu.memory_space<vmem>> -> memref<40x128xf32, #tpu.memory_space<vmem>>
    %dma_start3A_578 = arith.constant 0 : i32
    %dma_start3A_579 = tpu.memref_slice %arg6[%dma_start3A_570, %dma_start3A_571, %dma_start3A_578] : memref<2x5x40xi32, #tpu.memory_space<vmem>> -> memref<1x1x40xi32, #tpu.memory_space<vmem>>
    %dma_start3A_580 = tpu.memref_squeeze %dma_start3A_579 : memref<1x1x40xi32, #tpu.memory_space<vmem>> -> memref<40xi32, #tpu.memory_space<vmem>>
    %dma_start3A_581 = arith.constant 0 : i32
    %dma_start3A_582 = arith.constant 0 : i32
    %dma_start3A_583 = tpu.memref_slice %arg4[%dma_start3A_581, %dma_start3A_582] : memref<10000x128xf32, #tpu.memory_space<hbm>> -> memref<10000x128xf32, #tpu.memory_space<hbm>>
    %dma_start3A_584 = tpu.memref_slice %arg10[%dma_start3A_573] : memref<5x!tpu.dma_semaphore, #tpu.memory_space<semaphore_mem>> -> memref<1x!tpu.dma_semaphore, #tpu.memory_space<semaphore_mem>>
    %dma_start3A_585 = tpu.memref_squeeze %dma_start3A_584 : memref<1x!tpu.dma_semaphore, #tpu.memory_space<semaphore_mem>> -> memref<!tpu.dma_semaphore, #tpu.memory_space<semaphore_mem>>
    tpu.enqueue_indirect_dma source(%dma_start3A_583 : memref<10000x128xf32, #tpu.memory_space<hbm>>) target(%dma_start3A_577 : memref<40x128xf32, #tpu.memory_space<vmem>>) offsets(%dma_start3A_580 : memref<40xi32, #tpu.memory_space<vmem>>) semaphore(%dma_start3A_585 : memref<!tpu.dma_semaphore, #tpu.memory_space<semaphore_mem>>)
    %dma_wait3A_586 = arith.constant 0 : i32
    %dma_wait3A_587 = arith.constant 4 : i32
    %dma_wait3A_588 = arith.constant 0 : i32
    %dma_wait3A_589 = arith.constant 4 : i32
    %dma_wait3A_590 = arith.constant 0 : i32
    %dma_wait3A_591 = tpu.memref_slice %arg6[%dma_wait3A_586, %dma_wait3A_587, %dma_wait3A_590] : memref<2x5x40xi32, #tpu.memory_space<vmem>> -> memref<1x1x40xi32, #tpu.memory_space<vmem>>
    %dma_wait3A_592 = tpu.memref_squeeze %dma_wait3A_591 : memref<1x1x40xi32, #tpu.memory_space<vmem>> -> memref<40xi32, #tpu.memory_space<vmem>>
    %dma_wait3A_593 = arith.constant 0 : i32
    %dma_wait3A_594 = tpu.memref_slice %arg2[%dma_wait3A_593] : memref<320000xi32, #tpu.memory_space<hbm>> -> memref<40xi32, #tpu.memory_space<hbm>>
    %dma_wait3A_595 = tpu.memref_slice %arg9[%dma_wait3A_588, %dma_wait3A_589] : memref<2x5x!tpu.dma_semaphore, #tpu.memory_space<semaphore_mem>> -> memref<1x1x!tpu.dma_semaphore, #tpu.memory_space<semaphore_mem>>
    %dma_wait3A_596 = tpu.memref_squeeze %dma_wait3A_595 : memref<1x1x!tpu.dma_semaphore, #tpu.memory_space<semaphore_mem>> -> memref<!tpu.dma_semaphore, #tpu.memory_space<semaphore_mem>>
    %dma_wait3A_597 = arith.constant 0 : i32
    %dma_wait3A_598 = tpu.memref_slice %arg6[%dma_wait3A_586, %dma_wait3A_587, %dma_wait3A_597] : memref<2x5x40xi32, #tpu.memory_space<vmem>> -> memref<1x1x40xi32, #tpu.memory_space<vmem>>
    %dma_wait3A_599 = tpu.memref_squeeze %dma_wait3A_598 : memref<1x1x40xi32, #tpu.memory_space<vmem>> -> memref<40xi32, #tpu.memory_space<vmem>>
    %dma_wait3A_600 = arith.constant 0 : i32
    %dma_wait3A_601 = tpu.memref_slice %arg2[%dma_wait3A_600] : memref<320000xi32, #tpu.memory_space<hbm>> -> memref<40xi32, #tpu.memory_space<hbm>>
    tpu.wait_dma2 semaphore(%dma_wait3A_596 : memref<!tpu.dma_semaphore, #tpu.memory_space<semaphore_mem>>) src(%dma_wait3A_601 : memref<40xi32, #tpu.memory_space<hbm>>) dst(%dma_wait3A_599 : memref<40xi32, #tpu.memory_space<vmem>>)
    %dma_wait3A_602 = arith.constant 0 : i32
    %dma_wait3A_603 = arith.constant 4 : i32
    %dma_wait3A_604 = arith.constant 0 : i32
    %dma_wait3A_605 = arith.constant 4 : i32
    %dma_wait3A_606 = arith.constant 0 : i32
    %dma_wait3A_607 = tpu.memref_slice %arg7[%dma_wait3A_602, %dma_wait3A_603, %dma_wait3A_606] : memref<2x5x40xi32, #tpu.memory_space<vmem>> -> memref<1x1x40xi32, #tpu.memory_space<vmem>>
    %dma_wait3A_608 = tpu.memref_squeeze %dma_wait3A_607 : memref<1x1x40xi32, #tpu.memory_space<vmem>> -> memref<40xi32, #tpu.memory_space<vmem>>
    %dma_wait3A_609 = arith.constant 0 : i32
    %dma_wait3A_610 = tpu.memref_slice %arg3[%dma_wait3A_609] : memref<320000xi32, #tpu.memory_space<hbm>> -> memref<40xi32, #tpu.memory_space<hbm>>
    %dma_wait3A_611 = tpu.memref_slice %arg9[%dma_wait3A_604, %dma_wait3A_605] : memref<2x5x!tpu.dma_semaphore, #tpu.memory_space<semaphore_mem>> -> memref<1x1x!tpu.dma_semaphore, #tpu.memory_space<semaphore_mem>>
    %dma_wait3A_612 = tpu.memref_squeeze %dma_wait3A_611 : memref<1x1x!tpu.dma_semaphore, #tpu.memory_space<semaphore_mem>> -> memref<!tpu.dma_semaphore, #tpu.memory_space<semaphore_mem>>
    %dma_wait3A_613 = arith.constant 0 : i32
    %dma_wait3A_614 = tpu.memref_slice %arg7[%dma_wait3A_602, %dma_wait3A_603, %dma_wait3A_613] : memref<2x5x40xi32, #tpu.memory_space<vmem>> -> memref<1x1x40xi32, #tpu.memory_space<vmem>>
    %dma_wait3A_615 = tpu.memref_squeeze %dma_wait3A_614 : memref<1x1x40xi32, #tpu.memory_space<vmem>> -> memref<40xi32, #tpu.memory_space<vmem>>
    %dma_wait3A_616 = arith.constant 0 : i32
    %dma_wait3A_617 = tpu.memref_slice %arg3[%dma_wait3A_616] : memref<320000xi32, #tpu.memory_space<hbm>> -> memref<40xi32, #tpu.memory_space<hbm>>
    tpu.wait_dma2 semaphore(%dma_wait3A_612 : memref<!tpu.dma_semaphore, #tpu.memory_space<semaphore_mem>>) src(%dma_wait3A_617 : memref<40xi32, #tpu.memory_space<hbm>>) dst(%dma_wait3A_615 : memref<40xi32, #tpu.memory_space<vmem>>)
    %dma_start3A_618 = arith.constant 0 : i32
    %dma_start3A_619 = arith.constant 4 : i32
    %dma_start3A_620 = arith.constant 4 : i32
    %dma_start3A_621 = arith.constant 4 : i32
    %dma_start3A_622 = arith.constant 0 : i32
    %dma_start3A_623 = arith.constant 0 : i32
    %dma_start3A_624 = tpu.memref_slice %arg8[%dma_start3A_620, %dma_start3A_622, %dma_start3A_623] : memref<5x40x128xf32, #tpu.memory_space<vmem>> -> memref<1x40x128xf32, #tpu.memory_space<vmem>>
    %dma_start3A_625 = tpu.memref_squeeze %dma_start3A_624 : memref<1x40x128xf32, #tpu.memory_space<vmem>> -> memref<40x128xf32, #tpu.memory_space<vmem>>
    %dma_start3A_626 = arith.constant 0 : i32
    %dma_start3A_627 = tpu.memref_slice %arg6[%dma_start3A_618, %dma_start3A_619, %dma_start3A_626] : memref<2x5x40xi32, #tpu.memory_space<vmem>> -> memref<1x1x40xi32, #tpu.memory_space<vmem>>
    %dma_start3A_628 = tpu.memref_squeeze %dma_start3A_627 : memref<1x1x40xi32, #tpu.memory_space<vmem>> -> memref<40xi32, #tpu.memory_space<vmem>>
    %dma_start3A_629 = arith.constant 0 : i32
    %dma_start3A_630 = arith.constant 0 : i32
    %dma_start3A_631 = tpu.memref_slice %arg4[%dma_start3A_629, %dma_start3A_630] : memref<10000x128xf32, #tpu.memory_space<hbm>> -> memref<10000x128xf32, #tpu.memory_space<hbm>>
    %dma_start3A_632 = tpu.memref_slice %arg10[%dma_start3A_621] : memref<5x!tpu.dma_semaphore, #tpu.memory_space<semaphore_mem>> -> memref<1x!tpu.dma_semaphore, #tpu.memory_space<semaphore_mem>>
    %dma_start3A_633 = tpu.memref_squeeze %dma_start3A_632 : memref<1x!tpu.dma_semaphore, #tpu.memory_space<semaphore_mem>> -> memref<!tpu.dma_semaphore, #tpu.memory_space<semaphore_mem>>
    tpu.enqueue_indirect_dma source(%dma_start3A_631 : memref<10000x128xf32, #tpu.memory_space<hbm>>) target(%dma_start3A_625 : memref<40x128xf32, #tpu.memory_space<vmem>>) offsets(%dma_start3A_628 : memref<40xi32, #tpu.memory_space<vmem>>) semaphore(%dma_start3A_633 : memref<!tpu.dma_semaphore, #tpu.memory_space<semaphore_mem>>)
    %scan3A_634 = arith.constant 0 : i32
    %scan3A_635 = arith.constant 0 : i32
    %scan3A_636 = arith.constant 25 : i32
    %scan3A_637 = arith.addi %scan3A_635, %scan3A_636 : i32
    %scan3A_638 = arith.constant 1 : i32
    scf.for %scan3A_649 = %scan3A_635 to %scan3A_637 step %scan3A_638  : i32 {
      %mul3A_650 = arith.constant 2 : i32
      %mul3A_651 = arith.muli %mul3A_650, %scan3A_649 : i32
      %add3A_652 = arith.constant 0 : i32
      %add3A_653 = arith.addi %mul3A_651, %add3A_652 : i32
      %mul3A_654 = arith.constant 5 : i32
      %mul3A_655 = arith.muli %add3A_653, %mul3A_654 : i32
      %add3A_656 = arith.constant 0 : i32
      %add3A_657 = arith.addi %mul3A_655, %add3A_656 : i32
      %dma_wait3A_658 = arith.constant 0 : i32
      %dma_wait3A_659 = arith.constant 0 : i32
      %dma_wait3A_660 = arith.constant 0 : i32
      %dma_wait3A_661 = arith.constant 0 : i32
      %dma_wait3A_662 = arith.constant 0 : i32
      %dma_wait3A_663 = arith.constant 0 : i32
      %dma_wait3A_664 = tpu.memref_slice %arg8[%dma_wait3A_660, %dma_wait3A_662, %dma_wait3A_663] : memref<5x40x128xf32, #tpu.memory_space<vmem>> -> memref<1x40x128xf32, #tpu.memory_space<vmem>>
      %dma_wait3A_665 = tpu.memref_squeeze %dma_wait3A_664 : memref<1x40x128xf32, #tpu.memory_space<vmem>> -> memref<40x128xf32, #tpu.memory_space<vmem>>
      %dma_wait3A_666 = arith.constant 0 : i32
      %dma_wait3A_667 = tpu.memref_slice %arg6[%dma_wait3A_658, %dma_wait3A_659, %dma_wait3A_666] : memref<2x5x40xi32, #tpu.memory_space<vmem>> -> memref<1x1x40xi32, #tpu.memory_space<vmem>>
      %dma_wait3A_668 = tpu.memref_squeeze %dma_wait3A_667 : memref<1x1x40xi32, #tpu.memory_space<vmem>> -> memref<40xi32, #tpu.memory_space<vmem>>
      %dma_wait3A_669 = arith.constant 0 : i32
      %dma_wait3A_670 = arith.constant 0 : i32
      %dma_wait3A_671 = tpu.memref_slice %arg4[%dma_wait3A_669, %dma_wait3A_670] : memref<10000x128xf32, #tpu.memory_space<hbm>> -> memref<10000x128xf32, #tpu.memory_space<hbm>>
      %dma_wait3A_672 = tpu.memref_slice %arg10[%dma_wait3A_661] : memref<5x!tpu.dma_semaphore, #tpu.memory_space<semaphore_mem>> -> memref<1x!tpu.dma_semaphore, #tpu.memory_space<semaphore_mem>>
      %dma_wait3A_673 = tpu.memref_squeeze %dma_wait3A_672 : memref<1x!tpu.dma_semaphore, #tpu.memory_space<semaphore_mem>> -> memref<!tpu.dma_semaphore, #tpu.memory_space<semaphore_mem>>
      tpu.wait_indirect_dma semaphore(%dma_wait3A_673 : memref<!tpu.dma_semaphore, #tpu.memory_space<semaphore_mem>>) src(%dma_wait3A_671 : memref<10000x128xf32, #tpu.memory_space<hbm>>) dst(%dma_wait3A_665 : memref<40x128xf32, #tpu.memory_space<vmem>>)
      %run_scoped3A_674 = arith.constant 0 : i32
      %run_scoped3A_675 = arith.constant 0 : i32
      %run_scoped3A_676 = arith.constant 0 : i32
      "tpu.region"() ({
        %run_scoped3A_1017 = tpu.sem_alloc : memref<!tpu.dma_semaphore, #tpu.memory_space<semaphore_mem>>
        %dma_start3A_1018 = arith.constant 0 : i32
        %dma_start3A_1019 = arith.constant 0 : i32
        %dma_start3A_1020 = tpu.memref_slice %arg8[%run_scoped3A_674, %dma_start3A_1018, %dma_start3A_1019] : memref<5x40x128xf32, #tpu.memory_space<vmem>> -> memref<1x40x128xf32, #tpu.memory_space<vmem>>
        %dma_start3A_1021 = tpu.memref_squeeze %dma_start3A_1020 : memref<1x40x128xf32, #tpu.memory_space<vmem>> -> memref<40x128xf32, #tpu.memory_space<vmem>>
        %dma_start3A_1022 = arith.constant 0 : i32
        %dma_start3A_1023 = tpu.memref_slice %arg7[%run_scoped3A_675, %run_scoped3A_676, %dma_start3A_1022] : memref<2x5x40xi32, #tpu.memory_space<vmem>> -> memref<1x1x40xi32, #tpu.memory_space<vmem>>
        %dma_start3A_1024 = tpu.memref_squeeze %dma_start3A_1023 : memref<1x1x40xi32, #tpu.memory_space<vmem>> -> memref<40xi32, #tpu.memory_space<vmem>>
        %dma_start3A_1025 = arith.constant 0 : i32
        %dma_start3A_1026 = arith.constant 0 : i32
        %dma_start3A_1027 = tpu.memref_slice %arg11[%dma_start3A_1025, %dma_start3A_1026] : memref<10240x128xf32, #tpu.memory_space<vmem_shared>> -> memref<10240x128xf32, #tpu.memory_space<vmem_shared>>
        tpu.enqueue_indirect_dma source(%dma_start3A_1021 : memref<40x128xf32, #tpu.memory_space<vmem>>) target(%dma_start3A_1027 : memref<10240x128xf32, #tpu.memory_space<vmem_shared>>) offsets(%dma_start3A_1024 : memref<40xi32, #tpu.memory_space<vmem>>) semaphore(%run_scoped3A_1017 : memref<!tpu.dma_semaphore, #tpu.memory_space<semaphore_mem>>) {add = true}
        %dma_wait3A_1028 = arith.constant 0 : i32
        %dma_wait3A_1029 = arith.constant 0 : i32
        %dma_wait3A_1030 = tpu.memref_slice %arg8[%run_scoped3A_674, %dma_wait3A_1028, %dma_wait3A_1029] : memref<5x40x128xf32, #tpu.memory_space<vmem>> -> memref<1x40x128xf32, #tpu.memory_space<vmem>>
        %dma_wait3A_1031 = tpu.memref_squeeze %dma_wait3A_1030 : memref<1x40x128xf32, #tpu.memory_space<vmem>> -> memref<40x128xf32, #tpu.memory_space<vmem>>
        %dma_wait3A_1032 = arith.constant 0 : i32
        %dma_wait3A_1033 = tpu.memref_slice %arg7[%run_scoped3A_675, %run_scoped3A_676, %dma_wait3A_1032] : memref<2x5x40xi32, #tpu.memory_space<vmem>> -> memref<1x1x40xi32, #tpu.memory_space<vmem>>
        %dma_wait3A_1034 = tpu.memref_squeeze %dma_wait3A_1033 : memref<1x1x40xi32, #tpu.memory_space<vmem>> -> memref<40xi32, #tpu.memory_space<vmem>>
        %dma_wait3A_1035 = arith.constant 0 : i32
        %dma_wait3A_1036 = arith.constant 0 : i32
        %dma_wait3A_1037 = tpu.memref_slice %arg11[%dma_wait3A_1035, %dma_wait3A_1036] : memref<10240x128xf32, #tpu.memory_space<vmem_shared>> -> memref<10240x128xf32, #tpu.memory_space<vmem_shared>>
        tpu.wait_indirect_dma semaphore(%run_scoped3A_1017 : memref<!tpu.dma_semaphore, #tpu.memory_space<semaphore_mem>>) src(%dma_wait3A_1031 : memref<40x128xf32, #tpu.memory_space<vmem>>) dst(%dma_wait3A_1037 : memref<10240x128xf32, #tpu.memory_space<vmem_shared>>)
        tpu.yield
      }) : () -> ()
      %lt3A = arith.constant 240 : i32
      %lt3A_677 = arith.cmpi slt, %add3A_657, %lt3A : i32
      %convert_element_type3A = arith.extui %lt3A_677 : i1 to i32
      %cond3A = arith.constant 0 : i32
      %cond3A_678 = arith.cmpi ne, %convert_element_type3A, %cond3A : i32
      scf.if %cond3A_678 {
        %add3A_1017 = arith.constant 10 : i32
        %add3A_1018 = arith.addi %add3A_657, %add3A_1017 : i32
        %mul3A_1019 = arith.constant 40 : i32
        %mul3A_1020 = arith.muli %add3A_1018, %mul3A_1019 : i32
        %add3A_1021 = arith.addi %mul3A_2, %mul3A_1020 : i32
        %multiple_of3A_1022 = tpu.assume_multiple %add3A_1021, 8 : i32
        %dma_start3A_1023 = arith.constant 0 : i32
        %dma_start3A_1024 = arith.constant 0 : i32
        %dma_start3A_1025 = arith.constant 0 : i32
        %dma_start3A_1026 = arith.constant 0 : i32
        %dma_start3A_1027 = arith.constant 0 : i32
        %dma_start3A_1028 = tpu.memref_slice %arg6[%dma_start3A_1023, %dma_start3A_1024, %dma_start3A_1027] : memref<2x5x40xi32, #tpu.memory_space<vmem>> -> memref<1x1x40xi32, #tpu.memory_space<vmem>>
        %dma_start3A_1029 = tpu.memref_squeeze %dma_start3A_1028 : memref<1x1x40xi32, #tpu.memory_space<vmem>> -> memref<40xi32, #tpu.memory_space<vmem>>
        %dma_start3A_1030 = tpu.memref_slice %arg2[%multiple_of3A_1022] : memref<320000xi32, #tpu.memory_space<hbm>> -> memref<40xi32, #tpu.memory_space<hbm>>
        %dma_start3A_1031 = tpu.memref_slice %arg9[%dma_start3A_1025, %dma_start3A_1026] : memref<2x5x!tpu.dma_semaphore, #tpu.memory_space<semaphore_mem>> -> memref<1x1x!tpu.dma_semaphore, #tpu.memory_space<semaphore_mem>>
        %dma_start3A_1032 = tpu.memref_squeeze %dma_start3A_1031 : memref<1x1x!tpu.dma_semaphore, #tpu.memory_space<semaphore_mem>> -> memref<!tpu.dma_semaphore, #tpu.memory_space<semaphore_mem>>
        %dma_start3A_1033 = arith.constant 0 : i32
        %dma_start3A_1034 = tpu.memref_slice %arg6[%dma_start3A_1023, %dma_start3A_1024, %dma_start3A_1033] : memref<2x5x40xi32, #tpu.memory_space<vmem>> -> memref<1x1x40xi32, #tpu.memory_space<vmem>>
        %dma_start3A_1035 = tpu.memref_squeeze %dma_start3A_1034 : memref<1x1x40xi32, #tpu.memory_space<vmem>> -> memref<40xi32, #tpu.memory_space<vmem>>
        %dma_start3A_1036 = tpu.memref_slice %arg2[%multiple_of3A_1022] : memref<320000xi32, #tpu.memory_space<hbm>> -> memref<40xi32, #tpu.memory_space<hbm>>
        tpu.enqueue_dma source(%dma_start3A_1036 : memref<40xi32, #tpu.memory_space<hbm>>) target(%dma_start3A_1035 : memref<40xi32, #tpu.memory_space<vmem>>) target_semaphore(%dma_start3A_1032 : memref<!tpu.dma_semaphore, #tpu.memory_space<semaphore_mem>>)
        %dma_start3A_1037 = arith.constant 0 : i32
        %dma_start3A_1038 = arith.constant 0 : i32
        %dma_start3A_1039 = arith.constant 0 : i32
        %dma_start3A_1040 = arith.constant 0 : i32
        %dma_start3A_1041 = arith.constant 0 : i32
        %dma_start3A_1042 = tpu.memref_slice %arg7[%dma_start3A_1037, %dma_start3A_1038, %dma_start3A_1041] : memref<2x5x40xi32, #tpu.memory_space<vmem>> -> memref<1x1x40xi32, #tpu.memory_space<vmem>>
        %dma_start3A_1043 = tpu.memref_squeeze %dma_start3A_1042 : memref<1x1x40xi32, #tpu.memory_space<vmem>> -> memref<40xi32, #tpu.memory_space<vmem>>
        %dma_start3A_1044 = tpu.memref_slice %arg3[%multiple_of3A_1022] : memref<320000xi32, #tpu.memory_space<hbm>> -> memref<40xi32, #tpu.memory_space<hbm>>
        %dma_start3A_1045 = tpu.memref_slice %arg9[%dma_start3A_1039, %dma_start3A_1040] : memref<2x5x!tpu.dma_semaphore, #tpu.memory_space<semaphore_mem>> -> memref<1x1x!tpu.dma_semaphore, #tpu.memory_space<semaphore_mem>>
        %dma_start3A_1046 = tpu.memref_squeeze %dma_start3A_1045 : memref<1x1x!tpu.dma_semaphore, #tpu.memory_space<semaphore_mem>> -> memref<!tpu.dma_semaphore, #tpu.memory_space<semaphore_mem>>
        %dma_start3A_1047 = arith.constant 0 : i32
        %dma_start3A_1048 = tpu.memref_slice %arg7[%dma_start3A_1037, %dma_start3A_1038, %dma_start3A_1047] : memref<2x5x40xi32, #tpu.memory_space<vmem>> -> memref<1x1x40xi32, #tpu.memory_space<vmem>>
        %dma_start3A_1049 = tpu.memref_squeeze %dma_start3A_1048 : memref<1x1x40xi32, #tpu.memory_space<vmem>> -> memref<40xi32, #tpu.memory_space<vmem>>
        %dma_start3A_1050 = tpu.memref_slice %arg3[%multiple_of3A_1022] : memref<320000xi32, #tpu.memory_space<hbm>> -> memref<40xi32, #tpu.memory_space<hbm>>
        tpu.enqueue_dma source(%dma_start3A_1050 : memref<40xi32, #tpu.memory_space<hbm>>) target(%dma_start3A_1049 : memref<40xi32, #tpu.memory_space<vmem>>) target_semaphore(%dma_start3A_1046 : memref<!tpu.dma_semaphore, #tpu.memory_space<semaphore_mem>>)
      } else {
      }
      %lt3A_679 = arith.constant 245 : i32
      %lt3A_680 = arith.cmpi slt, %add3A_657, %lt3A_679 : i32
      %convert_element_type3A_681 = arith.extui %lt3A_680 : i1 to i32
      %cond3A_682 = arith.constant 0 : i32
      %cond3A_683 = arith.cmpi ne, %convert_element_type3A_681, %cond3A_682 : i32
      scf.if %cond3A_683 {
        %dma_wait3A_1017 = arith.constant 1 : i32
        %dma_wait3A_1018 = arith.constant 0 : i32
        %dma_wait3A_1019 = arith.constant 1 : i32
        %dma_wait3A_1020 = arith.constant 0 : i32
        %dma_wait3A_1021 = arith.constant 0 : i32
        %dma_wait3A_1022 = tpu.memref_slice %arg6[%dma_wait3A_1017, %dma_wait3A_1018, %dma_wait3A_1021] : memref<2x5x40xi32, #tpu.memory_space<vmem>> -> memref<1x1x40xi32, #tpu.memory_space<vmem>>
        %dma_wait3A_1023 = tpu.memref_squeeze %dma_wait3A_1022 : memref<1x1x40xi32, #tpu.memory_space<vmem>> -> memref<40xi32, #tpu.memory_space<vmem>>
        %dma_wait3A_1024 = arith.constant 0 : i32
        %dma_wait3A_1025 = tpu.memref_slice %arg2[%dma_wait3A_1024] : memref<320000xi32, #tpu.memory_space<hbm>> -> memref<40xi32, #tpu.memory_space<hbm>>
        %dma_wait3A_1026 = tpu.memref_slice %arg9[%dma_wait3A_1019, %dma_wait3A_1020] : memref<2x5x!tpu.dma_semaphore, #tpu.memory_space<semaphore_mem>> -> memref<1x1x!tpu.dma_semaphore, #tpu.memory_space<semaphore_mem>>
        %dma_wait3A_1027 = tpu.memref_squeeze %dma_wait3A_1026 : memref<1x1x!tpu.dma_semaphore, #tpu.memory_space<semaphore_mem>> -> memref<!tpu.dma_semaphore, #tpu.memory_space<semaphore_mem>>
        %dma_wait3A_1028 = arith.constant 0 : i32
        %dma_wait3A_1029 = tpu.memref_slice %arg6[%dma_wait3A_1017, %dma_wait3A_1018, %dma_wait3A_1028] : memref<2x5x40xi32, #tpu.memory_space<vmem>> -> memref<1x1x40xi32, #tpu.memory_space<vmem>>
        %dma_wait3A_1030 = tpu.memref_squeeze %dma_wait3A_1029 : memref<1x1x40xi32, #tpu.memory_space<vmem>> -> memref<40xi32, #tpu.memory_space<vmem>>
        %dma_wait3A_1031 = arith.constant 0 : i32
        %dma_wait3A_1032 = tpu.memref_slice %arg2[%dma_wait3A_1031] : memref<320000xi32, #tpu.memory_space<hbm>> -> memref<40xi32, #tpu.memory_space<hbm>>
        tpu.wait_dma2 semaphore(%dma_wait3A_1027 : memref<!tpu.dma_semaphore, #tpu.memory_space<semaphore_mem>>) src(%dma_wait3A_1032 : memref<40xi32, #tpu.memory_space<hbm>>) dst(%dma_wait3A_1030 : memref<40xi32, #tpu.memory_space<vmem>>)
        %dma_wait3A_1033 = arith.constant 1 : i32
        %dma_wait3A_1034 = arith.constant 0 : i32
        %dma_wait3A_1035 = arith.constant 1 : i32
        %dma_wait3A_1036 = arith.constant 0 : i32
        %dma_wait3A_1037 = arith.constant 0 : i32
        %dma_wait3A_1038 = tpu.memref_slice %arg7[%dma_wait3A_1033, %dma_wait3A_1034, %dma_wait3A_1037] : memref<2x5x40xi32, #tpu.memory_space<vmem>> -> memref<1x1x40xi32, #tpu.memory_space<vmem>>
        %dma_wait3A_1039 = tpu.memref_squeeze %dma_wait3A_1038 : memref<1x1x40xi32, #tpu.memory_space<vmem>> -> memref<40xi32, #tpu.memory_space<vmem>>
        %dma_wait3A_1040 = arith.constant 0 : i32
        %dma_wait3A_1041 = tpu.memref_slice %arg3[%dma_wait3A_1040] : memref<320000xi32, #tpu.memory_space<hbm>> -> memref<40xi32, #tpu.memory_space<hbm>>
        %dma_wait3A_1042 = tpu.memref_slice %arg9[%dma_wait3A_1035, %dma_wait3A_1036] : memref<2x5x!tpu.dma_semaphore, #tpu.memory_space<semaphore_mem>> -> memref<1x1x!tpu.dma_semaphore, #tpu.memory_space<semaphore_mem>>
        %dma_wait3A_1043 = tpu.memref_squeeze %dma_wait3A_1042 : memref<1x1x!tpu.dma_semaphore, #tpu.memory_space<semaphore_mem>> -> memref<!tpu.dma_semaphore, #tpu.memory_space<semaphore_mem>>
        %dma_wait3A_1044 = arith.constant 0 : i32
        %dma_wait3A_1045 = tpu.memref_slice %arg7[%dma_wait3A_1033, %dma_wait3A_1034, %dma_wait3A_1044] : memref<2x5x40xi32, #tpu.memory_space<vmem>> -> memref<1x1x40xi32, #tpu.memory_space<vmem>>
        %dma_wait3A_1046 = tpu.memref_squeeze %dma_wait3A_1045 : memref<1x1x40xi32, #tpu.memory_space<vmem>> -> memref<40xi32, #tpu.memory_space<vmem>>
        %dma_wait3A_1047 = arith.constant 0 : i32
        %dma_wait3A_1048 = tpu.memref_slice %arg3[%dma_wait3A_1047] : memref<320000xi32, #tpu.memory_space<hbm>> -> memref<40xi32, #tpu.memory_space<hbm>>
        tpu.wait_dma2 semaphore(%dma_wait3A_1043 : memref<!tpu.dma_semaphore, #tpu.memory_space<semaphore_mem>>) src(%dma_wait3A_1048 : memref<40xi32, #tpu.memory_space<hbm>>) dst(%dma_wait3A_1046 : memref<40xi32, #tpu.memory_space<vmem>>)
        %dma_start3A_1049 = arith.constant 1 : i32
        %dma_start3A_1050 = arith.constant 0 : i32
        %dma_start3A_1051 = arith.constant 0 : i32
        %dma_start3A_1052 = arith.constant 0 : i32
        %dma_start3A_1053 = arith.constant 0 : i32
        %dma_start3A_1054 = arith.constant 0 : i32
        %dma_start3A_1055 = tpu.memref_slice %arg8[%dma_start3A_1051, %dma_start3A_1053, %dma_start3A_1054] : memref<5x40x128xf32, #tpu.memory_space<vmem>> -> memref<1x40x128xf32, #tpu.memory_space<vmem>>
        %dma_start3A_1056 = tpu.memref_squeeze %dma_start3A_1055 : memref<1x40x128xf32, #tpu.memory_space<vmem>> -> memref<40x128xf32, #tpu.memory_space<vmem>>
        %dma_start3A_1057 = arith.constant 0 : i32
        %dma_start3A_1058 = tpu.memref_slice %arg6[%dma_start3A_1049, %dma_start3A_1050, %dma_start3A_1057] : memref<2x5x40xi32, #tpu.memory_space<vmem>> -> memref<1x1x40xi32, #tpu.memory_space<vmem>>
        %dma_start3A_1059 = tpu.memref_squeeze %dma_start3A_1058 : memref<1x1x40xi32, #tpu.memory_space<vmem>> -> memref<40xi32, #tpu.memory_space<vmem>>
        %dma_start3A_1060 = arith.constant 0 : i32
        %dma_start3A_1061 = arith.constant 0 : i32
        %dma_start3A_1062 = tpu.memref_slice %arg4[%dma_start3A_1060, %dma_start3A_1061] : memref<10000x128xf32, #tpu.memory_space<hbm>> -> memref<10000x128xf32, #tpu.memory_space<hbm>>
        %dma_start3A_1063 = tpu.memref_slice %arg10[%dma_start3A_1052] : memref<5x!tpu.dma_semaphore, #tpu.memory_space<semaphore_mem>> -> memref<1x!tpu.dma_semaphore, #tpu.memory_space<semaphore_mem>>
        %dma_start3A_1064 = tpu.memref_squeeze %dma_start3A_1063 : memref<1x!tpu.dma_semaphore, #tpu.memory_space<semaphore_mem>> -> memref<!tpu.dma_semaphore, #tpu.memory_space<semaphore_mem>>
        tpu.enqueue_indirect_dma source(%dma_start3A_1062 : memref<10000x128xf32, #tpu.memory_space<hbm>>) target(%dma_start3A_1056 : memref<40x128xf32, #tpu.memory_space<vmem>>) offsets(%dma_start3A_1059 : memref<40xi32, #tpu.memory_space<vmem>>) semaphore(%dma_start3A_1064 : memref<!tpu.dma_semaphore, #tpu.memory_space<semaphore_mem>>)
      } else {
      }
      %mul3A_684 = arith.constant 2 : i32
      %mul3A_685 = arith.muli %mul3A_684, %scan3A_649 : i32
      %add3A_686 = arith.constant 0 : i32
      %add3A_687 = arith.addi %mul3A_685, %add3A_686 : i32
      %mul3A_688 = arith.constant 5 : i32
      %mul3A_689 = arith.muli %add3A_687, %mul3A_688 : i32
      %add3A_690 = arith.constant 1 : i32
      %add3A_691 = arith.addi %mul3A_689, %add3A_690 : i32
      %dma_wait3A_692 = arith.constant 0 : i32
      %dma_wait3A_693 = arith.constant 1 : i32
      %dma_wait3A_694 = arith.constant 1 : i32
      %dma_wait3A_695 = arith.constant 1 : i32
      %dma_wait3A_696 = arith.constant 0 : i32
      %dma_wait3A_697 = arith.constant 0 : i32
      %dma_wait3A_698 = tpu.memref_slice %arg8[%dma_wait3A_694, %dma_wait3A_696, %dma_wait3A_697] : memref<5x40x128xf32, #tpu.memory_space<vmem>> -> memref<1x40x128xf32, #tpu.memory_space<vmem>>
      %dma_wait3A_699 = tpu.memref_squeeze %dma_wait3A_698 : memref<1x40x128xf32, #tpu.memory_space<vmem>> -> memref<40x128xf32, #tpu.memory_space<vmem>>
      %dma_wait3A_700 = arith.constant 0 : i32
      %dma_wait3A_701 = tpu.memref_slice %arg6[%dma_wait3A_692, %dma_wait3A_693, %dma_wait3A_700] : memref<2x5x40xi32, #tpu.memory_space<vmem>> -> memref<1x1x40xi32, #tpu.memory_space<vmem>>
      %dma_wait3A_702 = tpu.memref_squeeze %dma_wait3A_701 : memref<1x1x40xi32, #tpu.memory_space<vmem>> -> memref<40xi32, #tpu.memory_space<vmem>>
      %dma_wait3A_703 = arith.constant 0 : i32
      %dma_wait3A_704 = arith.constant 0 : i32
      %dma_wait3A_705 = tpu.memref_slice %arg4[%dma_wait3A_703, %dma_wait3A_704] : memref<10000x128xf32, #tpu.memory_space<hbm>> -> memref<10000x128xf32, #tpu.memory_space<hbm>>
      %dma_wait3A_706 = tpu.memref_slice %arg10[%dma_wait3A_695] : memref<5x!tpu.dma_semaphore, #tpu.memory_space<semaphore_mem>> -> memref<1x!tpu.dma_semaphore, #tpu.memory_space<semaphore_mem>>
      %dma_wait3A_707 = tpu.memref_squeeze %dma_wait3A_706 : memref<1x!tpu.dma_semaphore, #tpu.memory_space<semaphore_mem>> -> memref<!tpu.dma_semaphore, #tpu.memory_space<semaphore_mem>>
      tpu.wait_indirect_dma semaphore(%dma_wait3A_707 : memref<!tpu.dma_semaphore, #tpu.memory_space<semaphore_mem>>) src(%dma_wait3A_705 : memref<10000x128xf32, #tpu.memory_space<hbm>>) dst(%dma_wait3A_699 : memref<40x128xf32, #tpu.memory_space<vmem>>)
      %run_scoped3A_708 = arith.constant 1 : i32
      %run_scoped3A_709 = arith.constant 0 : i32
      %run_scoped3A_710 = arith.constant 1 : i32
      "tpu.region"() ({
        %run_scoped3A_1017 = tpu.sem_alloc : memref<!tpu.dma_semaphore, #tpu.memory_space<semaphore_mem>>
        %dma_start3A_1018 = arith.constant 0 : i32
        %dma_start3A_1019 = arith.constant 0 : i32
        %dma_start3A_1020 = tpu.memref_slice %arg8[%run_scoped3A_708, %dma_start3A_1018, %dma_start3A_1019] : memref<5x40x128xf32, #tpu.memory_space<vmem>> -> memref<1x40x128xf32, #tpu.memory_space<vmem>>
        %dma_start3A_1021 = tpu.memref_squeeze %dma_start3A_1020 : memref<1x40x128xf32, #tpu.memory_space<vmem>> -> memref<40x128xf32, #tpu.memory_space<vmem>>
        %dma_start3A_1022 = arith.constant 0 : i32
        %dma_start3A_1023 = tpu.memref_slice %arg7[%run_scoped3A_709, %run_scoped3A_710, %dma_start3A_1022] : memref<2x5x40xi32, #tpu.memory_space<vmem>> -> memref<1x1x40xi32, #tpu.memory_space<vmem>>
        %dma_start3A_1024 = tpu.memref_squeeze %dma_start3A_1023 : memref<1x1x40xi32, #tpu.memory_space<vmem>> -> memref<40xi32, #tpu.memory_space<vmem>>
        %dma_start3A_1025 = arith.constant 0 : i32
        %dma_start3A_1026 = arith.constant 0 : i32
        %dma_start3A_1027 = tpu.memref_slice %arg11[%dma_start3A_1025, %dma_start3A_1026] : memref<10240x128xf32, #tpu.memory_space<vmem_shared>> -> memref<10240x128xf32, #tpu.memory_space<vmem_shared>>
        tpu.enqueue_indirect_dma source(%dma_start3A_1021 : memref<40x128xf32, #tpu.memory_space<vmem>>) target(%dma_start3A_1027 : memref<10240x128xf32, #tpu.memory_space<vmem_shared>>) offsets(%dma_start3A_1024 : memref<40xi32, #tpu.memory_space<vmem>>) semaphore(%run_scoped3A_1017 : memref<!tpu.dma_semaphore, #tpu.memory_space<semaphore_mem>>) {add = true}
        %dma_wait3A_1028 = arith.constant 0 : i32
        %dma_wait3A_1029 = arith.constant 0 : i32
        %dma_wait3A_1030 = tpu.memref_slice %arg8[%run_scoped3A_708, %dma_wait3A_1028, %dma_wait3A_1029] : memref<5x40x128xf32, #tpu.memory_space<vmem>> -> memref<1x40x128xf32, #tpu.memory_space<vmem>>
        %dma_wait3A_1031 = tpu.memref_squeeze %dma_wait3A_1030 : memref<1x40x128xf32, #tpu.memory_space<vmem>> -> memref<40x128xf32, #tpu.memory_space<vmem>>
        %dma_wait3A_1032 = arith.constant 0 : i32
        %dma_wait3A_1033 = tpu.memref_slice %arg7[%run_scoped3A_709, %run_scoped3A_710, %dma_wait3A_1032] : memref<2x5x40xi32, #tpu.memory_space<vmem>> -> memref<1x1x40xi32, #tpu.memory_space<vmem>>
        %dma_wait3A_1034 = tpu.memref_squeeze %dma_wait3A_1033 : memref<1x1x40xi32, #tpu.memory_space<vmem>> -> memref<40xi32, #tpu.memory_space<vmem>>
        %dma_wait3A_1035 = arith.constant 0 : i32
        %dma_wait3A_1036 = arith.constant 0 : i32
        %dma_wait3A_1037 = tpu.memref_slice %arg11[%dma_wait3A_1035, %dma_wait3A_1036] : memref<10240x128xf32, #tpu.memory_space<vmem_shared>> -> memref<10240x128xf32, #tpu.memory_space<vmem_shared>>
        tpu.wait_indirect_dma semaphore(%run_scoped3A_1017 : memref<!tpu.dma_semaphore, #tpu.memory_space<semaphore_mem>>) src(%dma_wait3A_1031 : memref<40x128xf32, #tpu.memory_space<vmem>>) dst(%dma_wait3A_1037 : memref<10240x128xf32, #tpu.memory_space<vmem_shared>>)
        tpu.yield
      }) : () -> ()
      %lt3A_711 = arith.constant 240 : i32
      %lt3A_712 = arith.cmpi slt, %add3A_691, %lt3A_711 : i32
      %convert_element_type3A_713 = arith.extui %lt3A_712 : i1 to i32
      %cond3A_714 = arith.constant 0 : i32
      %cond3A_715 = arith.cmpi ne, %convert_element_type3A_713, %cond3A_714 : i32
      scf.if %cond3A_715 {
        %add3A_1017 = arith.constant 10 : i32
        %add3A_1018 = arith.addi %add3A_691, %add3A_1017 : i32
        %mul3A_1019 = arith.constant 40 : i32
        %mul3A_1020 = arith.muli %add3A_1018, %mul3A_1019 : i32
        %add3A_1021 = arith.addi %mul3A_2, %mul3A_1020 : i32
        %multiple_of3A_1022 = tpu.assume_multiple %add3A_1021, 8 : i32
        %dma_start3A_1023 = arith.constant 0 : i32
        %dma_start3A_1024 = arith.constant 1 : i32
        %dma_start3A_1025 = arith.constant 0 : i32
        %dma_start3A_1026 = arith.constant 1 : i32
        %dma_start3A_1027 = arith.constant 0 : i32
        %dma_start3A_1028 = tpu.memref_slice %arg6[%dma_start3A_1023, %dma_start3A_1024, %dma_start3A_1027] : memref<2x5x40xi32, #tpu.memory_space<vmem>> -> memref<1x1x40xi32, #tpu.memory_space<vmem>>
        %dma_start3A_1029 = tpu.memref_squeeze %dma_start3A_1028 : memref<1x1x40xi32, #tpu.memory_space<vmem>> -> memref<40xi32, #tpu.memory_space<vmem>>
        %dma_start3A_1030 = tpu.memref_slice %arg2[%multiple_of3A_1022] : memref<320000xi32, #tpu.memory_space<hbm>> -> memref<40xi32, #tpu.memory_space<hbm>>
        %dma_start3A_1031 = tpu.memref_slice %arg9[%dma_start3A_1025, %dma_start3A_1026] : memref<2x5x!tpu.dma_semaphore, #tpu.memory_space<semaphore_mem>> -> memref<1x1x!tpu.dma_semaphore, #tpu.memory_space<semaphore_mem>>
        %dma_start3A_1032 = tpu.memref_squeeze %dma_start3A_1031 : memref<1x1x!tpu.dma_semaphore, #tpu.memory_space<semaphore_mem>> -> memref<!tpu.dma_semaphore, #tpu.memory_space<semaphore_mem>>
        %dma_start3A_1033 = arith.constant 0 : i32
        %dma_start3A_1034 = tpu.memref_slice %arg6[%dma_start3A_1023, %dma_start3A_1024, %dma_start3A_1033] : memref<2x5x40xi32, #tpu.memory_space<vmem>> -> memref<1x1x40xi32, #tpu.memory_space<vmem>>
        %dma_start3A_1035 = tpu.memref_squeeze %dma_start3A_1034 : memref<1x1x40xi32, #tpu.memory_space<vmem>> -> memref<40xi32, #tpu.memory_space<vmem>>
        %dma_start3A_1036 = tpu.memref_slice %arg2[%multiple_of3A_1022] : memref<320000xi32, #tpu.memory_space<hbm>> -> memref<40xi32, #tpu.memory_space<hbm>>
        tpu.enqueue_dma source(%dma_start3A_1036 : memref<40xi32, #tpu.memory_space<hbm>>) target(%dma_start3A_1035 : memref<40xi32, #tpu.memory_space<vmem>>) target_semaphore(%dma_start3A_1032 : memref<!tpu.dma_semaphore, #tpu.memory_space<semaphore_mem>>)
        %dma_start3A_1037 = arith.constant 0 : i32
        %dma_start3A_1038 = arith.constant 1 : i32
        %dma_start3A_1039 = arith.constant 0 : i32
        %dma_start3A_1040 = arith.constant 1 : i32
        %dma_start3A_1041 = arith.constant 0 : i32
        %dma_start3A_1042 = tpu.memref_slice %arg7[%dma_start3A_1037, %dma_start3A_1038, %dma_start3A_1041] : memref<2x5x40xi32, #tpu.memory_space<vmem>> -> memref<1x1x40xi32, #tpu.memory_space<vmem>>
        %dma_start3A_1043 = tpu.memref_squeeze %dma_start3A_1042 : memref<1x1x40xi32, #tpu.memory_space<vmem>> -> memref<40xi32, #tpu.memory_space<vmem>>
        %dma_start3A_1044 = tpu.memref_slice %arg3[%multiple_of3A_1022] : memref<320000xi32, #tpu.memory_space<hbm>> -> memref<40xi32, #tpu.memory_space<hbm>>
        %dma_start3A_1045 = tpu.memref_slice %arg9[%dma_start3A_1039, %dma_start3A_1040] : memref<2x5x!tpu.dma_semaphore, #tpu.memory_space<semaphore_mem>> -> memref<1x1x!tpu.dma_semaphore, #tpu.memory_space<semaphore_mem>>
        %dma_start3A_1046 = tpu.memref_squeeze %dma_start3A_1045 : memref<1x1x!tpu.dma_semaphore, #tpu.memory_space<semaphore_mem>> -> memref<!tpu.dma_semaphore, #tpu.memory_space<semaphore_mem>>
        %dma_start3A_1047 = arith.constant 0 : i32
        %dma_start3A_1048 = tpu.memref_slice %arg7[%dma_start3A_1037, %dma_start3A_1038, %dma_start3A_1047] : memref<2x5x40xi32, #tpu.memory_space<vmem>> -> memref<1x1x40xi32, #tpu.memory_space<vmem>>
        %dma_start3A_1049 = tpu.memref_squeeze %dma_start3A_1048 : memref<1x1x40xi32, #tpu.memory_space<vmem>> -> memref<40xi32, #tpu.memory_space<vmem>>
        %dma_start3A_1050 = tpu.memref_slice %arg3[%multiple_of3A_1022] : memref<320000xi32, #tpu.memory_space<hbm>> -> memref<40xi32, #tpu.memory_space<hbm>>
        tpu.enqueue_dma source(%dma_start3A_1050 : memref<40xi32, #tpu.memory_space<hbm>>) target(%dma_start3A_1049 : memref<40xi32, #tpu.memory_space<vmem>>) target_semaphore(%dma_start3A_1046 : memref<!tpu.dma_semaphore, #tpu.memory_space<semaphore_mem>>)
      } else {
      }
      %lt3A_716 = arith.constant 245 : i32
      %lt3A_717 = arith.cmpi slt, %add3A_691, %lt3A_716 : i32
      %convert_element_type3A_718 = arith.extui %lt3A_717 : i1 to i32
      %cond3A_719 = arith.constant 0 : i32
      %cond3A_720 = arith.cmpi ne, %convert_element_type3A_718, %cond3A_719 : i32
      scf.if %cond3A_720 {
        %dma_wait3A_1017 = arith.constant 1 : i32
        %dma_wait3A_1018 = arith.constant 1 : i32
        %dma_wait3A_1019 = arith.constant 1 : i32
        %dma_wait3A_1020 = arith.constant 1 : i32
        %dma_wait3A_1021 = arith.constant 0 : i32
        %dma_wait3A_1022 = tpu.memref_slice %arg6[%dma_wait3A_1017, %dma_wait3A_1018, %dma_wait3A_1021] : memref<2x5x40xi32, #tpu.memory_space<vmem>> -> memref<1x1x40xi32, #tpu.memory_space<vmem>>
        %dma_wait3A_1023 = tpu.memref_squeeze %dma_wait3A_1022 : memref<1x1x40xi32, #tpu.memory_space<vmem>> -> memref<40xi32, #tpu.memory_space<vmem>>
        %dma_wait3A_1024 = arith.constant 0 : i32
        %dma_wait3A_1025 = tpu.memref_slice %arg2[%dma_wait3A_1024] : memref<320000xi32, #tpu.memory_space<hbm>> -> memref<40xi32, #tpu.memory_space<hbm>>
        %dma_wait3A_1026 = tpu.memref_slice %arg9[%dma_wait3A_1019, %dma_wait3A_1020] : memref<2x5x!tpu.dma_semaphore, #tpu.memory_space<semaphore_mem>> -> memref<1x1x!tpu.dma_semaphore, #tpu.memory_space<semaphore_mem>>
        %dma_wait3A_1027 = tpu.memref_squeeze %dma_wait3A_1026 : memref<1x1x!tpu.dma_semaphore, #tpu.memory_space<semaphore_mem>> -> memref<!tpu.dma_semaphore, #tpu.memory_space<semaphore_mem>>
        %dma_wait3A_1028 = arith.constant 0 : i32
        %dma_wait3A_1029 = tpu.memref_slice %arg6[%dma_wait3A_1017, %dma_wait3A_1018, %dma_wait3A_1028] : memref<2x5x40xi32, #tpu.memory_space<vmem>> -> memref<1x1x40xi32, #tpu.memory_space<vmem>>
        %dma_wait3A_1030 = tpu.memref_squeeze %dma_wait3A_1029 : memref<1x1x40xi32, #tpu.memory_space<vmem>> -> memref<40xi32, #tpu.memory_space<vmem>>
        %dma_wait3A_1031 = arith.constant 0 : i32
        %dma_wait3A_1032 = tpu.memref_slice %arg2[%dma_wait3A_1031] : memref<320000xi32, #tpu.memory_space<hbm>> -> memref<40xi32, #tpu.memory_space<hbm>>
        tpu.wait_dma2 semaphore(%dma_wait3A_1027 : memref<!tpu.dma_semaphore, #tpu.memory_space<semaphore_mem>>) src(%dma_wait3A_1032 : memref<40xi32, #tpu.memory_space<hbm>>) dst(%dma_wait3A_1030 : memref<40xi32, #tpu.memory_space<vmem>>)
        %dma_wait3A_1033 = arith.constant 1 : i32
        %dma_wait3A_1034 = arith.constant 1 : i32
        %dma_wait3A_1035 = arith.constant 1 : i32
        %dma_wait3A_1036 = arith.constant 1 : i32
        %dma_wait3A_1037 = arith.constant 0 : i32
        %dma_wait3A_1038 = tpu.memref_slice %arg7[%dma_wait3A_1033, %dma_wait3A_1034, %dma_wait3A_1037] : memref<2x5x40xi32, #tpu.memory_space<vmem>> -> memref<1x1x40xi32, #tpu.memory_space<vmem>>
        %dma_wait3A_1039 = tpu.memref_squeeze %dma_wait3A_1038 : memref<1x1x40xi32, #tpu.memory_space<vmem>> -> memref<40xi32, #tpu.memory_space<vmem>>
        %dma_wait3A_1040 = arith.constant 0 : i32
        %dma_wait3A_1041 = tpu.memref_slice %arg3[%dma_wait3A_1040] : memref<320000xi32, #tpu.memory_space<hbm>> -> memref<40xi32, #tpu.memory_space<hbm>>
        %dma_wait3A_1042 = tpu.memref_slice %arg9[%dma_wait3A_1035, %dma_wait3A_1036] : memref<2x5x!tpu.dma_semaphore, #tpu.memory_space<semaphore_mem>> -> memref<1x1x!tpu.dma_semaphore, #tpu.memory_space<semaphore_mem>>
        %dma_wait3A_1043 = tpu.memref_squeeze %dma_wait3A_1042 : memref<1x1x!tpu.dma_semaphore, #tpu.memory_space<semaphore_mem>> -> memref<!tpu.dma_semaphore, #tpu.memory_space<semaphore_mem>>
        %dma_wait3A_1044 = arith.constant 0 : i32
        %dma_wait3A_1045 = tpu.memref_slice %arg7[%dma_wait3A_1033, %dma_wait3A_1034, %dma_wait3A_1044] : memref<2x5x40xi32, #tpu.memory_space<vmem>> -> memref<1x1x40xi32, #tpu.memory_space<vmem>>
        %dma_wait3A_1046 = tpu.memref_squeeze %dma_wait3A_1045 : memref<1x1x40xi32, #tpu.memory_space<vmem>> -> memref<40xi32, #tpu.memory_space<vmem>>
        %dma_wait3A_1047 = arith.constant 0 : i32
        %dma_wait3A_1048 = tpu.memref_slice %arg3[%dma_wait3A_1047] : memref<320000xi32, #tpu.memory_space<hbm>> -> memref<40xi32, #tpu.memory_space<hbm>>
        tpu.wait_dma2 semaphore(%dma_wait3A_1043 : memref<!tpu.dma_semaphore, #tpu.memory_space<semaphore_mem>>) src(%dma_wait3A_1048 : memref<40xi32, #tpu.memory_space<hbm>>) dst(%dma_wait3A_1046 : memref<40xi32, #tpu.memory_space<vmem>>)
        %dma_start3A_1049 = arith.constant 1 : i32
        %dma_start3A_1050 = arith.constant 1 : i32
        %dma_start3A_1051 = arith.constant 1 : i32
        %dma_start3A_1052 = arith.constant 1 : i32
        %dma_start3A_1053 = arith.constant 0 : i32
        %dma_start3A_1054 = arith.constant 0 : i32
        %dma_start3A_1055 = tpu.memref_slice %arg8[%dma_start3A_1051, %dma_start3A_1053, %dma_start3A_1054] : memref<5x40x128xf32, #tpu.memory_space<vmem>> -> memref<1x40x128xf32, #tpu.memory_space<vmem>>
        %dma_start3A_1056 = tpu.memref_squeeze %dma_start3A_1055 : memref<1x40x128xf32, #tpu.memory_space<vmem>> -> memref<40x128xf32, #tpu.memory_space<vmem>>
        %dma_start3A_1057 = arith.constant 0 : i32
        %dma_start3A_1058 = tpu.memref_slice %arg6[%dma_start3A_1049, %dma_start3A_1050, %dma_start3A_1057] : memref<2x5x40xi32, #tpu.memory_space<vmem>> -> memref<1x1x40xi32, #tpu.memory_space<vmem>>
        %dma_start3A_1059 = tpu.memref_squeeze %dma_start3A_1058 : memref<1x1x40xi32, #tpu.memory_space<vmem>> -> memref<40xi32, #tpu.memory_space<vmem>>
        %dma_start3A_1060 = arith.constant 0 : i32
        %dma_start3A_1061 = arith.constant 0 : i32
        %dma_start3A_1062 = tpu.memref_slice %arg4[%dma_start3A_1060, %dma_start3A_1061] : memref<10000x128xf32, #tpu.memory_space<hbm>> -> memref<10000x128xf32, #tpu.memory_space<hbm>>
        %dma_start3A_1063 = tpu.memref_slice %arg10[%dma_start3A_1052] : memref<5x!tpu.dma_semaphore, #tpu.memory_space<semaphore_mem>> -> memref<1x!tpu.dma_semaphore, #tpu.memory_space<semaphore_mem>>
        %dma_start3A_1064 = tpu.memref_squeeze %dma_start3A_1063 : memref<1x!tpu.dma_semaphore, #tpu.memory_space<semaphore_mem>> -> memref<!tpu.dma_semaphore, #tpu.memory_space<semaphore_mem>>
        tpu.enqueue_indirect_dma source(%dma_start3A_1062 : memref<10000x128xf32, #tpu.memory_space<hbm>>) target(%dma_start3A_1056 : memref<40x128xf32, #tpu.memory_space<vmem>>) offsets(%dma_start3A_1059 : memref<40xi32, #tpu.memory_space<vmem>>) semaphore(%dma_start3A_1064 : memref<!tpu.dma_semaphore, #tpu.memory_space<semaphore_mem>>)
      } else {
      }
      %mul3A_721 = arith.constant 2 : i32
      %mul3A_722 = arith.muli %mul3A_721, %scan3A_649 : i32
      %add3A_723 = arith.constant 0 : i32
      %add3A_724 = arith.addi %mul3A_722, %add3A_723 : i32
      %mul3A_725 = arith.constant 5 : i32
      %mul3A_726 = arith.muli %add3A_724, %mul3A_725 : i32
      %add3A_727 = arith.constant 2 : i32
      %add3A_728 = arith.addi %mul3A_726, %add3A_727 : i32
      %dma_wait3A_729 = arith.constant 0 : i32
      %dma_wait3A_730 = arith.constant 2 : i32
      %dma_wait3A_731 = arith.constant 2 : i32
      %dma_wait3A_732 = arith.constant 2 : i32
      %dma_wait3A_733 = arith.constant 0 : i32
      %dma_wait3A_734 = arith.constant 0 : i32
      %dma_wait3A_735 = tpu.memref_slice %arg8[%dma_wait3A_731, %dma_wait3A_733, %dma_wait3A_734] : memref<5x40x128xf32, #tpu.memory_space<vmem>> -> memref<1x40x128xf32, #tpu.memory_space<vmem>>
      %dma_wait3A_736 = tpu.memref_squeeze %dma_wait3A_735 : memref<1x40x128xf32, #tpu.memory_space<vmem>> -> memref<40x128xf32, #tpu.memory_space<vmem>>
      %dma_wait3A_737 = arith.constant 0 : i32
      %dma_wait3A_738 = tpu.memref_slice %arg6[%dma_wait3A_729, %dma_wait3A_730, %dma_wait3A_737] : memref<2x5x40xi32, #tpu.memory_space<vmem>> -> memref<1x1x40xi32, #tpu.memory_space<vmem>>
      %dma_wait3A_739 = tpu.memref_squeeze %dma_wait3A_738 : memref<1x1x40xi32, #tpu.memory_space<vmem>> -> memref<40xi32, #tpu.memory_space<vmem>>
      %dma_wait3A_740 = arith.constant 0 : i32
      %dma_wait3A_741 = arith.constant 0 : i32
      %dma_wait3A_742 = tpu.memref_slice %arg4[%dma_wait3A_740, %dma_wait3A_741] : memref<10000x128xf32, #tpu.memory_space<hbm>> -> memref<10000x128xf32, #tpu.memory_space<hbm>>
      %dma_wait3A_743 = tpu.memref_slice %arg10[%dma_wait3A_732] : memref<5x!tpu.dma_semaphore, #tpu.memory_space<semaphore_mem>> -> memref<1x!tpu.dma_semaphore, #tpu.memory_space<semaphore_mem>>
      %dma_wait3A_744 = tpu.memref_squeeze %dma_wait3A_743 : memref<1x!tpu.dma_semaphore, #tpu.memory_space<semaphore_mem>> -> memref<!tpu.dma_semaphore, #tpu.memory_space<semaphore_mem>>
      tpu.wait_indirect_dma semaphore(%dma_wait3A_744 : memref<!tpu.dma_semaphore, #tpu.memory_space<semaphore_mem>>) src(%dma_wait3A_742 : memref<10000x128xf32, #tpu.memory_space<hbm>>) dst(%dma_wait3A_736 : memref<40x128xf32, #tpu.memory_space<vmem>>)
      %run_scoped3A_745 = arith.constant 2 : i32
      %run_scoped3A_746 = arith.constant 0 : i32
      %run_scoped3A_747 = arith.constant 2 : i32
      "tpu.region"() ({
        %run_scoped3A_1017 = tpu.sem_alloc : memref<!tpu.dma_semaphore, #tpu.memory_space<semaphore_mem>>
        %dma_start3A_1018 = arith.constant 0 : i32
        %dma_start3A_1019 = arith.constant 0 : i32
        %dma_start3A_1020 = tpu.memref_slice %arg8[%run_scoped3A_745, %dma_start3A_1018, %dma_start3A_1019] : memref<5x40x128xf32, #tpu.memory_space<vmem>> -> memref<1x40x128xf32, #tpu.memory_space<vmem>>
        %dma_start3A_1021 = tpu.memref_squeeze %dma_start3A_1020 : memref<1x40x128xf32, #tpu.memory_space<vmem>> -> memref<40x128xf32, #tpu.memory_space<vmem>>
        %dma_start3A_1022 = arith.constant 0 : i32
        %dma_start3A_1023 = tpu.memref_slice %arg7[%run_scoped3A_746, %run_scoped3A_747, %dma_start3A_1022] : memref<2x5x40xi32, #tpu.memory_space<vmem>> -> memref<1x1x40xi32, #tpu.memory_space<vmem>>
        %dma_start3A_1024 = tpu.memref_squeeze %dma_start3A_1023 : memref<1x1x40xi32, #tpu.memory_space<vmem>> -> memref<40xi32, #tpu.memory_space<vmem>>
        %dma_start3A_1025 = arith.constant 0 : i32
        %dma_start3A_1026 = arith.constant 0 : i32
        %dma_start3A_1027 = tpu.memref_slice %arg11[%dma_start3A_1025, %dma_start3A_1026] : memref<10240x128xf32, #tpu.memory_space<vmem_shared>> -> memref<10240x128xf32, #tpu.memory_space<vmem_shared>>
        tpu.enqueue_indirect_dma source(%dma_start3A_1021 : memref<40x128xf32, #tpu.memory_space<vmem>>) target(%dma_start3A_1027 : memref<10240x128xf32, #tpu.memory_space<vmem_shared>>) offsets(%dma_start3A_1024 : memref<40xi32, #tpu.memory_space<vmem>>) semaphore(%run_scoped3A_1017 : memref<!tpu.dma_semaphore, #tpu.memory_space<semaphore_mem>>) {add = true}
        %dma_wait3A_1028 = arith.constant 0 : i32
        %dma_wait3A_1029 = arith.constant 0 : i32
        %dma_wait3A_1030 = tpu.memref_slice %arg8[%run_scoped3A_745, %dma_wait3A_1028, %dma_wait3A_1029] : memref<5x40x128xf32, #tpu.memory_space<vmem>> -> memref<1x40x128xf32, #tpu.memory_space<vmem>>
        %dma_wait3A_1031 = tpu.memref_squeeze %dma_wait3A_1030 : memref<1x40x128xf32, #tpu.memory_space<vmem>> -> memref<40x128xf32, #tpu.memory_space<vmem>>
        %dma_wait3A_1032 = arith.constant 0 : i32
        %dma_wait3A_1033 = tpu.memref_slice %arg7[%run_scoped3A_746, %run_scoped3A_747, %dma_wait3A_1032] : memref<2x5x40xi32, #tpu.memory_space<vmem>> -> memref<1x1x40xi32, #tpu.memory_space<vmem>>
        %dma_wait3A_1034 = tpu.memref_squeeze %dma_wait3A_1033 : memref<1x1x40xi32, #tpu.memory_space<vmem>> -> memref<40xi32, #tpu.memory_space<vmem>>
        %dma_wait3A_1035 = arith.constant 0 : i32
        %dma_wait3A_1036 = arith.constant 0 : i32
        %dma_wait3A_1037 = tpu.memref_slice %arg11[%dma_wait3A_1035, %dma_wait3A_1036] : memref<10240x128xf32, #tpu.memory_space<vmem_shared>> -> memref<10240x128xf32, #tpu.memory_space<vmem_shared>>
        tpu.wait_indirect_dma semaphore(%run_scoped3A_1017 : memref<!tpu.dma_semaphore, #tpu.memory_space<semaphore_mem>>) src(%dma_wait3A_1031 : memref<40x128xf32, #tpu.memory_space<vmem>>) dst(%dma_wait3A_1037 : memref<10240x128xf32, #tpu.memory_space<vmem_shared>>)
        tpu.yield
      }) : () -> ()
      %lt3A_748 = arith.constant 240 : i32
      %lt3A_749 = arith.cmpi slt, %add3A_728, %lt3A_748 : i32
      %convert_element_type3A_750 = arith.extui %lt3A_749 : i1 to i32
      %cond3A_751 = arith.constant 0 : i32
      %cond3A_752 = arith.cmpi ne, %convert_element_type3A_750, %cond3A_751 : i32
      scf.if %cond3A_752 {
        %add3A_1017 = arith.constant 10 : i32
        %add3A_1018 = arith.addi %add3A_728, %add3A_1017 : i32
        %mul3A_1019 = arith.constant 40 : i32
        %mul3A_1020 = arith.muli %add3A_1018, %mul3A_1019 : i32
        %add3A_1021 = arith.addi %mul3A_2, %mul3A_1020 : i32
        %multiple_of3A_1022 = tpu.assume_multiple %add3A_1021, 8 : i32
        %dma_start3A_1023 = arith.constant 0 : i32
        %dma_start3A_1024 = arith.constant 2 : i32
        %dma_start3A_1025 = arith.constant 0 : i32
        %dma_start3A_1026 = arith.constant 2 : i32
        %dma_start3A_1027 = arith.constant 0 : i32
        %dma_start3A_1028 = tpu.memref_slice %arg6[%dma_start3A_1023, %dma_start3A_1024, %dma_start3A_1027] : memref<2x5x40xi32, #tpu.memory_space<vmem>> -> memref<1x1x40xi32, #tpu.memory_space<vmem>>
        %dma_start3A_1029 = tpu.memref_squeeze %dma_start3A_1028 : memref<1x1x40xi32, #tpu.memory_space<vmem>> -> memref<40xi32, #tpu.memory_space<vmem>>
        %dma_start3A_1030 = tpu.memref_slice %arg2[%multiple_of3A_1022] : memref<320000xi32, #tpu.memory_space<hbm>> -> memref<40xi32, #tpu.memory_space<hbm>>
        %dma_start3A_1031 = tpu.memref_slice %arg9[%dma_start3A_1025, %dma_start3A_1026] : memref<2x5x!tpu.dma_semaphore, #tpu.memory_space<semaphore_mem>> -> memref<1x1x!tpu.dma_semaphore, #tpu.memory_space<semaphore_mem>>
        %dma_start3A_1032 = tpu.memref_squeeze %dma_start3A_1031 : memref<1x1x!tpu.dma_semaphore, #tpu.memory_space<semaphore_mem>> -> memref<!tpu.dma_semaphore, #tpu.memory_space<semaphore_mem>>
        %dma_start3A_1033 = arith.constant 0 : i32
        %dma_start3A_1034 = tpu.memref_slice %arg6[%dma_start3A_1023, %dma_start3A_1024, %dma_start3A_1033] : memref<2x5x40xi32, #tpu.memory_space<vmem>> -> memref<1x1x40xi32, #tpu.memory_space<vmem>>
        %dma_start3A_1035 = tpu.memref_squeeze %dma_start3A_1034 : memref<1x1x40xi32, #tpu.memory_space<vmem>> -> memref<40xi32, #tpu.memory_space<vmem>>
        %dma_start3A_1036 = tpu.memref_slice %arg2[%multiple_of3A_1022] : memref<320000xi32, #tpu.memory_space<hbm>> -> memref<40xi32, #tpu.memory_space<hbm>>
        tpu.enqueue_dma source(%dma_start3A_1036 : memref<40xi32, #tpu.memory_space<hbm>>) target(%dma_start3A_1035 : memref<40xi32, #tpu.memory_space<vmem>>) target_semaphore(%dma_start3A_1032 : memref<!tpu.dma_semaphore, #tpu.memory_space<semaphore_mem>>)
        %dma_start3A_1037 = arith.constant 0 : i32
        %dma_start3A_1038 = arith.constant 2 : i32
        %dma_start3A_1039 = arith.constant 0 : i32
        %dma_start3A_1040 = arith.constant 2 : i32
        %dma_start3A_1041 = arith.constant 0 : i32
        %dma_start3A_1042 = tpu.memref_slice %arg7[%dma_start3A_1037, %dma_start3A_1038, %dma_start3A_1041] : memref<2x5x40xi32, #tpu.memory_space<vmem>> -> memref<1x1x40xi32, #tpu.memory_space<vmem>>
        %dma_start3A_1043 = tpu.memref_squeeze %dma_start3A_1042 : memref<1x1x40xi32, #tpu.memory_space<vmem>> -> memref<40xi32, #tpu.memory_space<vmem>>
        %dma_start3A_1044 = tpu.memref_slice %arg3[%multiple_of3A_1022] : memref<320000xi32, #tpu.memory_space<hbm>> -> memref<40xi32, #tpu.memory_space<hbm>>
        %dma_start3A_1045 = tpu.memref_slice %arg9[%dma_start3A_1039, %dma_start3A_1040] : memref<2x5x!tpu.dma_semaphore, #tpu.memory_space<semaphore_mem>> -> memref<1x1x!tpu.dma_semaphore, #tpu.memory_space<semaphore_mem>>
        %dma_start3A_1046 = tpu.memref_squeeze %dma_start3A_1045 : memref<1x1x!tpu.dma_semaphore, #tpu.memory_space<semaphore_mem>> -> memref<!tpu.dma_semaphore, #tpu.memory_space<semaphore_mem>>
        %dma_start3A_1047 = arith.constant 0 : i32
        %dma_start3A_1048 = tpu.memref_slice %arg7[%dma_start3A_1037, %dma_start3A_1038, %dma_start3A_1047] : memref<2x5x40xi32, #tpu.memory_space<vmem>> -> memref<1x1x40xi32, #tpu.memory_space<vmem>>
        %dma_start3A_1049 = tpu.memref_squeeze %dma_start3A_1048 : memref<1x1x40xi32, #tpu.memory_space<vmem>> -> memref<40xi32, #tpu.memory_space<vmem>>
        %dma_start3A_1050 = tpu.memref_slice %arg3[%multiple_of3A_1022] : memref<320000xi32, #tpu.memory_space<hbm>> -> memref<40xi32, #tpu.memory_space<hbm>>
        tpu.enqueue_dma source(%dma_start3A_1050 : memref<40xi32, #tpu.memory_space<hbm>>) target(%dma_start3A_1049 : memref<40xi32, #tpu.memory_space<vmem>>) target_semaphore(%dma_start3A_1046 : memref<!tpu.dma_semaphore, #tpu.memory_space<semaphore_mem>>)
      } else {
      }
      %lt3A_753 = arith.constant 245 : i32
      %lt3A_754 = arith.cmpi slt, %add3A_728, %lt3A_753 : i32
      %convert_element_type3A_755 = arith.extui %lt3A_754 : i1 to i32
      %cond3A_756 = arith.constant 0 : i32
      %cond3A_757 = arith.cmpi ne, %convert_element_type3A_755, %cond3A_756 : i32
      scf.if %cond3A_757 {
        %dma_wait3A_1017 = arith.constant 1 : i32
        %dma_wait3A_1018 = arith.constant 2 : i32
        %dma_wait3A_1019 = arith.constant 1 : i32
        %dma_wait3A_1020 = arith.constant 2 : i32
        %dma_wait3A_1021 = arith.constant 0 : i32
        %dma_wait3A_1022 = tpu.memref_slice %arg6[%dma_wait3A_1017, %dma_wait3A_1018, %dma_wait3A_1021] : memref<2x5x40xi32, #tpu.memory_space<vmem>> -> memref<1x1x40xi32, #tpu.memory_space<vmem>>
        %dma_wait3A_1023 = tpu.memref_squeeze %dma_wait3A_1022 : memref<1x1x40xi32, #tpu.memory_space<vmem>> -> memref<40xi32, #tpu.memory_space<vmem>>
        %dma_wait3A_1024 = arith.constant 0 : i32
        %dma_wait3A_1025 = tpu.memref_slice %arg2[%dma_wait3A_1024] : memref<320000xi32, #tpu.memory_space<hbm>> -> memref<40xi32, #tpu.memory_space<hbm>>
        %dma_wait3A_1026 = tpu.memref_slice %arg9[%dma_wait3A_1019, %dma_wait3A_1020] : memref<2x5x!tpu.dma_semaphore, #tpu.memory_space<semaphore_mem>> -> memref<1x1x!tpu.dma_semaphore, #tpu.memory_space<semaphore_mem>>
        %dma_wait3A_1027 = tpu.memref_squeeze %dma_wait3A_1026 : memref<1x1x!tpu.dma_semaphore, #tpu.memory_space<semaphore_mem>> -> memref<!tpu.dma_semaphore, #tpu.memory_space<semaphore_mem>>
        %dma_wait3A_1028 = arith.constant 0 : i32
        %dma_wait3A_1029 = tpu.memref_slice %arg6[%dma_wait3A_1017, %dma_wait3A_1018, %dma_wait3A_1028] : memref<2x5x40xi32, #tpu.memory_space<vmem>> -> memref<1x1x40xi32, #tpu.memory_space<vmem>>
        %dma_wait3A_1030 = tpu.memref_squeeze %dma_wait3A_1029 : memref<1x1x40xi32, #tpu.memory_space<vmem>> -> memref<40xi32, #tpu.memory_space<vmem>>
        %dma_wait3A_1031 = arith.constant 0 : i32
        %dma_wait3A_1032 = tpu.memref_slice %arg2[%dma_wait3A_1031] : memref<320000xi32, #tpu.memory_space<hbm>> -> memref<40xi32, #tpu.memory_space<hbm>>
        tpu.wait_dma2 semaphore(%dma_wait3A_1027 : memref<!tpu.dma_semaphore, #tpu.memory_space<semaphore_mem>>) src(%dma_wait3A_1032 : memref<40xi32, #tpu.memory_space<hbm>>) dst(%dma_wait3A_1030 : memref<40xi32, #tpu.memory_space<vmem>>)
        %dma_wait3A_1033 = arith.constant 1 : i32
        %dma_wait3A_1034 = arith.constant 2 : i32
        %dma_wait3A_1035 = arith.constant 1 : i32
        %dma_wait3A_1036 = arith.constant 2 : i32
        %dma_wait3A_1037 = arith.constant 0 : i32
        %dma_wait3A_1038 = tpu.memref_slice %arg7[%dma_wait3A_1033, %dma_wait3A_1034, %dma_wait3A_1037] : memref<2x5x40xi32, #tpu.memory_space<vmem>> -> memref<1x1x40xi32, #tpu.memory_space<vmem>>
        %dma_wait3A_1039 = tpu.memref_squeeze %dma_wait3A_1038 : memref<1x1x40xi32, #tpu.memory_space<vmem>> -> memref<40xi32, #tpu.memory_space<vmem>>
        %dma_wait3A_1040 = arith.constant 0 : i32
        %dma_wait3A_1041 = tpu.memref_slice %arg3[%dma_wait3A_1040] : memref<320000xi32, #tpu.memory_space<hbm>> -> memref<40xi32, #tpu.memory_space<hbm>>
        %dma_wait3A_1042 = tpu.memref_slice %arg9[%dma_wait3A_1035, %dma_wait3A_1036] : memref<2x5x!tpu.dma_semaphore, #tpu.memory_space<semaphore_mem>> -> memref<1x1x!tpu.dma_semaphore, #tpu.memory_space<semaphore_mem>>
        %dma_wait3A_1043 = tpu.memref_squeeze %dma_wait3A_1042 : memref<1x1x!tpu.dma_semaphore, #tpu.memory_space<semaphore_mem>> -> memref<!tpu.dma_semaphore, #tpu.memory_space<semaphore_mem>>
        %dma_wait3A_1044 = arith.constant 0 : i32
        %dma_wait3A_1045 = tpu.memref_slice %arg7[%dma_wait3A_1033, %dma_wait3A_1034, %dma_wait3A_1044] : memref<2x5x40xi32, #tpu.memory_space<vmem>> -> memref<1x1x40xi32, #tpu.memory_space<vmem>>
        %dma_wait3A_1046 = tpu.memref_squeeze %dma_wait3A_1045 : memref<1x1x40xi32, #tpu.memory_space<vmem>> -> memref<40xi32, #tpu.memory_space<vmem>>
        %dma_wait3A_1047 = arith.constant 0 : i32
        %dma_wait3A_1048 = tpu.memref_slice %arg3[%dma_wait3A_1047] : memref<320000xi32, #tpu.memory_space<hbm>> -> memref<40xi32, #tpu.memory_space<hbm>>
        tpu.wait_dma2 semaphore(%dma_wait3A_1043 : memref<!tpu.dma_semaphore, #tpu.memory_space<semaphore_mem>>) src(%dma_wait3A_1048 : memref<40xi32, #tpu.memory_space<hbm>>) dst(%dma_wait3A_1046 : memref<40xi32, #tpu.memory_space<vmem>>)
        %dma_start3A_1049 = arith.constant 1 : i32
        %dma_start3A_1050 = arith.constant 2 : i32
        %dma_start3A_1051 = arith.constant 2 : i32
        %dma_start3A_1052 = arith.constant 2 : i32
        %dma_start3A_1053 = arith.constant 0 : i32
        %dma_start3A_1054 = arith.constant 0 : i32
        %dma_start3A_1055 = tpu.memref_slice %arg8[%dma_start3A_1051, %dma_start3A_1053, %dma_start3A_1054] : memref<5x40x128xf32, #tpu.memory_space<vmem>> -> memref<1x40x128xf32, #tpu.memory_space<vmem>>
        %dma_start3A_1056 = tpu.memref_squeeze %dma_start3A_1055 : memref<1x40x128xf32, #tpu.memory_space<vmem>> -> memref<40x128xf32, #tpu.memory_space<vmem>>
        %dma_start3A_1057 = arith.constant 0 : i32
        %dma_start3A_1058 = tpu.memref_slice %arg6[%dma_start3A_1049, %dma_start3A_1050, %dma_start3A_1057] : memref<2x5x40xi32, #tpu.memory_space<vmem>> -> memref<1x1x40xi32, #tpu.memory_space<vmem>>
        %dma_start3A_1059 = tpu.memref_squeeze %dma_start3A_1058 : memref<1x1x40xi32, #tpu.memory_space<vmem>> -> memref<40xi32, #tpu.memory_space<vmem>>
        %dma_start3A_1060 = arith.constant 0 : i32
        %dma_start3A_1061 = arith.constant 0 : i32
        %dma_start3A_1062 = tpu.memref_slice %arg4[%dma_start3A_1060, %dma_start3A_1061] : memref<10000x128xf32, #tpu.memory_space<hbm>> -> memref<10000x128xf32, #tpu.memory_space<hbm>>
        %dma_start3A_1063 = tpu.memref_slice %arg10[%dma_start3A_1052] : memref<5x!tpu.dma_semaphore, #tpu.memory_space<semaphore_mem>> -> memref<1x!tpu.dma_semaphore, #tpu.memory_space<semaphore_mem>>
        %dma_start3A_1064 = tpu.memref_squeeze %dma_start3A_1063 : memref<1x!tpu.dma_semaphore, #tpu.memory_space<semaphore_mem>> -> memref<!tpu.dma_semaphore, #tpu.memory_space<semaphore_mem>>
        tpu.enqueue_indirect_dma source(%dma_start3A_1062 : memref<10000x128xf32, #tpu.memory_space<hbm>>) target(%dma_start3A_1056 : memref<40x128xf32, #tpu.memory_space<vmem>>) offsets(%dma_start3A_1059 : memref<40xi32, #tpu.memory_space<vmem>>) semaphore(%dma_start3A_1064 : memref<!tpu.dma_semaphore, #tpu.memory_space<semaphore_mem>>)
      } else {
      }
      %mul3A_758 = arith.constant 2 : i32
      %mul3A_759 = arith.muli %mul3A_758, %scan3A_649 : i32
      %add3A_760 = arith.constant 0 : i32
      %add3A_761 = arith.addi %mul3A_759, %add3A_760 : i32
      %mul3A_762 = arith.constant 5 : i32
      %mul3A_763 = arith.muli %add3A_761, %mul3A_762 : i32
      %add3A_764 = arith.constant 3 : i32
      %add3A_765 = arith.addi %mul3A_763, %add3A_764 : i32
      %dma_wait3A_766 = arith.constant 0 : i32
      %dma_wait3A_767 = arith.constant 3 : i32
      %dma_wait3A_768 = arith.constant 3 : i32
      %dma_wait3A_769 = arith.constant 3 : i32
      %dma_wait3A_770 = arith.constant 0 : i32
      %dma_wait3A_771 = arith.constant 0 : i32
      %dma_wait3A_772 = tpu.memref_slice %arg8[%dma_wait3A_768, %dma_wait3A_770, %dma_wait3A_771] : memref<5x40x128xf32, #tpu.memory_space<vmem>> -> memref<1x40x128xf32, #tpu.memory_space<vmem>>
      %dma_wait3A_773 = tpu.memref_squeeze %dma_wait3A_772 : memref<1x40x128xf32, #tpu.memory_space<vmem>> -> memref<40x128xf32, #tpu.memory_space<vmem>>
      %dma_wait3A_774 = arith.constant 0 : i32
      %dma_wait3A_775 = tpu.memref_slice %arg6[%dma_wait3A_766, %dma_wait3A_767, %dma_wait3A_774] : memref<2x5x40xi32, #tpu.memory_space<vmem>> -> memref<1x1x40xi32, #tpu.memory_space<vmem>>
      %dma_wait3A_776 = tpu.memref_squeeze %dma_wait3A_775 : memref<1x1x40xi32, #tpu.memory_space<vmem>> -> memref<40xi32, #tpu.memory_space<vmem>>
      %dma_wait3A_777 = arith.constant 0 : i32
      %dma_wait3A_778 = arith.constant 0 : i32
      %dma_wait3A_779 = tpu.memref_slice %arg4[%dma_wait3A_777, %dma_wait3A_778] : memref<10000x128xf32, #tpu.memory_space<hbm>> -> memref<10000x128xf32, #tpu.memory_space<hbm>>
      %dma_wait3A_780 = tpu.memref_slice %arg10[%dma_wait3A_769] : memref<5x!tpu.dma_semaphore, #tpu.memory_space<semaphore_mem>> -> memref<1x!tpu.dma_semaphore, #tpu.memory_space<semaphore_mem>>
      %dma_wait3A_781 = tpu.memref_squeeze %dma_wait3A_780 : memref<1x!tpu.dma_semaphore, #tpu.memory_space<semaphore_mem>> -> memref<!tpu.dma_semaphore, #tpu.memory_space<semaphore_mem>>
      tpu.wait_indirect_dma semaphore(%dma_wait3A_781 : memref<!tpu.dma_semaphore, #tpu.memory_space<semaphore_mem>>) src(%dma_wait3A_779 : memref<10000x128xf32, #tpu.memory_space<hbm>>) dst(%dma_wait3A_773 : memref<40x128xf32, #tpu.memory_space<vmem>>)
      %run_scoped3A_782 = arith.constant 3 : i32
      %run_scoped3A_783 = arith.constant 0 : i32
      %run_scoped3A_784 = arith.constant 3 : i32
      "tpu.region"() ({
        %run_scoped3A_1017 = tpu.sem_alloc : memref<!tpu.dma_semaphore, #tpu.memory_space<semaphore_mem>>
        %dma_start3A_1018 = arith.constant 0 : i32
        %dma_start3A_1019 = arith.constant 0 : i32
        %dma_start3A_1020 = tpu.memref_slice %arg8[%run_scoped3A_782, %dma_start3A_1018, %dma_start3A_1019] : memref<5x40x128xf32, #tpu.memory_space<vmem>> -> memref<1x40x128xf32, #tpu.memory_space<vmem>>
        %dma_start3A_1021 = tpu.memref_squeeze %dma_start3A_1020 : memref<1x40x128xf32, #tpu.memory_space<vmem>> -> memref<40x128xf32, #tpu.memory_space<vmem>>
        %dma_start3A_1022 = arith.constant 0 : i32
        %dma_start3A_1023 = tpu.memref_slice %arg7[%run_scoped3A_783, %run_scoped3A_784, %dma_start3A_1022] : memref<2x5x40xi32, #tpu.memory_space<vmem>> -> memref<1x1x40xi32, #tpu.memory_space<vmem>>
        %dma_start3A_1024 = tpu.memref_squeeze %dma_start3A_1023 : memref<1x1x40xi32, #tpu.memory_space<vmem>> -> memref<40xi32, #tpu.memory_space<vmem>>
        %dma_start3A_1025 = arith.constant 0 : i32
        %dma_start3A_1026 = arith.constant 0 : i32
        %dma_start3A_1027 = tpu.memref_slice %arg11[%dma_start3A_1025, %dma_start3A_1026] : memref<10240x128xf32, #tpu.memory_space<vmem_shared>> -> memref<10240x128xf32, #tpu.memory_space<vmem_shared>>
        tpu.enqueue_indirect_dma source(%dma_start3A_1021 : memref<40x128xf32, #tpu.memory_space<vmem>>) target(%dma_start3A_1027 : memref<10240x128xf32, #tpu.memory_space<vmem_shared>>) offsets(%dma_start3A_1024 : memref<40xi32, #tpu.memory_space<vmem>>) semaphore(%run_scoped3A_1017 : memref<!tpu.dma_semaphore, #tpu.memory_space<semaphore_mem>>) {add = true}
        %dma_wait3A_1028 = arith.constant 0 : i32
        %dma_wait3A_1029 = arith.constant 0 : i32
        %dma_wait3A_1030 = tpu.memref_slice %arg8[%run_scoped3A_782, %dma_wait3A_1028, %dma_wait3A_1029] : memref<5x40x128xf32, #tpu.memory_space<vmem>> -> memref<1x40x128xf32, #tpu.memory_space<vmem>>
        %dma_wait3A_1031 = tpu.memref_squeeze %dma_wait3A_1030 : memref<1x40x128xf32, #tpu.memory_space<vmem>> -> memref<40x128xf32, #tpu.memory_space<vmem>>
        %dma_wait3A_1032 = arith.constant 0 : i32
        %dma_wait3A_1033 = tpu.memref_slice %arg7[%run_scoped3A_783, %run_scoped3A_784, %dma_wait3A_1032] : memref<2x5x40xi32, #tpu.memory_space<vmem>> -> memref<1x1x40xi32, #tpu.memory_space<vmem>>
        %dma_wait3A_1034 = tpu.memref_squeeze %dma_wait3A_1033 : memref<1x1x40xi32, #tpu.memory_space<vmem>> -> memref<40xi32, #tpu.memory_space<vmem>>
        %dma_wait3A_1035 = arith.constant 0 : i32
        %dma_wait3A_1036 = arith.constant 0 : i32
        %dma_wait3A_1037 = tpu.memref_slice %arg11[%dma_wait3A_1035, %dma_wait3A_1036] : memref<10240x128xf32, #tpu.memory_space<vmem_shared>> -> memref<10240x128xf32, #tpu.memory_space<vmem_shared>>
        tpu.wait_indirect_dma semaphore(%run_scoped3A_1017 : memref<!tpu.dma_semaphore, #tpu.memory_space<semaphore_mem>>) src(%dma_wait3A_1031 : memref<40x128xf32, #tpu.memory_space<vmem>>) dst(%dma_wait3A_1037 : memref<10240x128xf32, #tpu.memory_space<vmem_shared>>)
        tpu.yield
      }) : () -> ()
      %lt3A_785 = arith.constant 240 : i32
      %lt3A_786 = arith.cmpi slt, %add3A_765, %lt3A_785 : i32
      %convert_element_type3A_787 = arith.extui %lt3A_786 : i1 to i32
      %cond3A_788 = arith.constant 0 : i32
      %cond3A_789 = arith.cmpi ne, %convert_element_type3A_787, %cond3A_788 : i32
      scf.if %cond3A_789 {
        %add3A_1017 = arith.constant 10 : i32
        %add3A_1018 = arith.addi %add3A_765, %add3A_1017 : i32
        %mul3A_1019 = arith.constant 40 : i32
        %mul3A_1020 = arith.muli %add3A_1018, %mul3A_1019 : i32
        %add3A_1021 = arith.addi %mul3A_2, %mul3A_1020 : i32
        %multiple_of3A_1022 = tpu.assume_multiple %add3A_1021, 8 : i32
        %dma_start3A_1023 = arith.constant 0 : i32
        %dma_start3A_1024 = arith.constant 3 : i32
        %dma_start3A_1025 = arith.constant 0 : i32
        %dma_start3A_1026 = arith.constant 3 : i32
        %dma_start3A_1027 = arith.constant 0 : i32
        %dma_start3A_1028 = tpu.memref_slice %arg6[%dma_start3A_1023, %dma_start3A_1024, %dma_start3A_1027] : memref<2x5x40xi32, #tpu.memory_space<vmem>> -> memref<1x1x40xi32, #tpu.memory_space<vmem>>
        %dma_start3A_1029 = tpu.memref_squeeze %dma_start3A_1028 : memref<1x1x40xi32, #tpu.memory_space<vmem>> -> memref<40xi32, #tpu.memory_space<vmem>>
        %dma_start3A_1030 = tpu.memref_slice %arg2[%multiple_of3A_1022] : memref<320000xi32, #tpu.memory_space<hbm>> -> memref<40xi32, #tpu.memory_space<hbm>>
        %dma_start3A_1031 = tpu.memref_slice %arg9[%dma_start3A_1025, %dma_start3A_1026] : memref<2x5x!tpu.dma_semaphore, #tpu.memory_space<semaphore_mem>> -> memref<1x1x!tpu.dma_semaphore, #tpu.memory_space<semaphore_mem>>
        %dma_start3A_1032 = tpu.memref_squeeze %dma_start3A_1031 : memref<1x1x!tpu.dma_semaphore, #tpu.memory_space<semaphore_mem>> -> memref<!tpu.dma_semaphore, #tpu.memory_space<semaphore_mem>>
        %dma_start3A_1033 = arith.constant 0 : i32
        %dma_start3A_1034 = tpu.memref_slice %arg6[%dma_start3A_1023, %dma_start3A_1024, %dma_start3A_1033] : memref<2x5x40xi32, #tpu.memory_space<vmem>> -> memref<1x1x40xi32, #tpu.memory_space<vmem>>
        %dma_start3A_1035 = tpu.memref_squeeze %dma_start3A_1034 : memref<1x1x40xi32, #tpu.memory_space<vmem>> -> memref<40xi32, #tpu.memory_space<vmem>>
        %dma_start3A_1036 = tpu.memref_slice %arg2[%multiple_of3A_1022] : memref<320000xi32, #tpu.memory_space<hbm>> -> memref<40xi32, #tpu.memory_space<hbm>>
        tpu.enqueue_dma source(%dma_start3A_1036 : memref<40xi32, #tpu.memory_space<hbm>>) target(%dma_start3A_1035 : memref<40xi32, #tpu.memory_space<vmem>>) target_semaphore(%dma_start3A_1032 : memref<!tpu.dma_semaphore, #tpu.memory_space<semaphore_mem>>)
        %dma_start3A_1037 = arith.constant 0 : i32
        %dma_start3A_1038 = arith.constant 3 : i32
        %dma_start3A_1039 = arith.constant 0 : i32
        %dma_start3A_1040 = arith.constant 3 : i32
        %dma_start3A_1041 = arith.constant 0 : i32
        %dma_start3A_1042 = tpu.memref_slice %arg7[%dma_start3A_1037, %dma_start3A_1038, %dma_start3A_1041] : memref<2x5x40xi32, #tpu.memory_space<vmem>> -> memref<1x1x40xi32, #tpu.memory_space<vmem>>
        %dma_start3A_1043 = tpu.memref_squeeze %dma_start3A_1042 : memref<1x1x40xi32, #tpu.memory_space<vmem>> -> memref<40xi32, #tpu.memory_space<vmem>>
        %dma_start3A_1044 = tpu.memref_slice %arg3[%multiple_of3A_1022] : memref<320000xi32, #tpu.memory_space<hbm>> -> memref<40xi32, #tpu.memory_space<hbm>>
        %dma_start3A_1045 = tpu.memref_slice %arg9[%dma_start3A_1039, %dma_start3A_1040] : memref<2x5x!tpu.dma_semaphore, #tpu.memory_space<semaphore_mem>> -> memref<1x1x!tpu.dma_semaphore, #tpu.memory_space<semaphore_mem>>
        %dma_start3A_1046 = tpu.memref_squeeze %dma_start3A_1045 : memref<1x1x!tpu.dma_semaphore, #tpu.memory_space<semaphore_mem>> -> memref<!tpu.dma_semaphore, #tpu.memory_space<semaphore_mem>>
        %dma_start3A_1047 = arith.constant 0 : i32
        %dma_start3A_1048 = tpu.memref_slice %arg7[%dma_start3A_1037, %dma_start3A_1038, %dma_start3A_1047] : memref<2x5x40xi32, #tpu.memory_space<vmem>> -> memref<1x1x40xi32, #tpu.memory_space<vmem>>
        %dma_start3A_1049 = tpu.memref_squeeze %dma_start3A_1048 : memref<1x1x40xi32, #tpu.memory_space<vmem>> -> memref<40xi32, #tpu.memory_space<vmem>>
        %dma_start3A_1050 = tpu.memref_slice %arg3[%multiple_of3A_1022] : memref<320000xi32, #tpu.memory_space<hbm>> -> memref<40xi32, #tpu.memory_space<hbm>>
        tpu.enqueue_dma source(%dma_start3A_1050 : memref<40xi32, #tpu.memory_space<hbm>>) target(%dma_start3A_1049 : memref<40xi32, #tpu.memory_space<vmem>>) target_semaphore(%dma_start3A_1046 : memref<!tpu.dma_semaphore, #tpu.memory_space<semaphore_mem>>)
      } else {
      }
      %lt3A_790 = arith.constant 245 : i32
      %lt3A_791 = arith.cmpi slt, %add3A_765, %lt3A_790 : i32
      %convert_element_type3A_792 = arith.extui %lt3A_791 : i1 to i32
      %cond3A_793 = arith.constant 0 : i32
      %cond3A_794 = arith.cmpi ne, %convert_element_type3A_792, %cond3A_793 : i32
      scf.if %cond3A_794 {
        %dma_wait3A_1017 = arith.constant 1 : i32
        %dma_wait3A_1018 = arith.constant 3 : i32
        %dma_wait3A_1019 = arith.constant 1 : i32
        %dma_wait3A_1020 = arith.constant 3 : i32
        %dma_wait3A_1021 = arith.constant 0 : i32
        %dma_wait3A_1022 = tpu.memref_slice %arg6[%dma_wait3A_1017, %dma_wait3A_1018, %dma_wait3A_1021] : memref<2x5x40xi32, #tpu.memory_space<vmem>> -> memref<1x1x40xi32, #tpu.memory_space<vmem>>
        %dma_wait3A_1023 = tpu.memref_squeeze %dma_wait3A_1022 : memref<1x1x40xi32, #tpu.memory_space<vmem>> -> memref<40xi32, #tpu.memory_space<vmem>>
        %dma_wait3A_1024 = arith.constant 0 : i32
        %dma_wait3A_1025 = tpu.memref_slice %arg2[%dma_wait3A_1024] : memref<320000xi32, #tpu.memory_space<hbm>> -> memref<40xi32, #tpu.memory_space<hbm>>
        %dma_wait3A_1026 = tpu.memref_slice %arg9[%dma_wait3A_1019, %dma_wait3A_1020] : memref<2x5x!tpu.dma_semaphore, #tpu.memory_space<semaphore_mem>> -> memref<1x1x!tpu.dma_semaphore, #tpu.memory_space<semaphore_mem>>
        %dma_wait3A_1027 = tpu.memref_squeeze %dma_wait3A_1026 : memref<1x1x!tpu.dma_semaphore, #tpu.memory_space<semaphore_mem>> -> memref<!tpu.dma_semaphore, #tpu.memory_space<semaphore_mem>>
        %dma_wait3A_1028 = arith.constant 0 : i32
        %dma_wait3A_1029 = tpu.memref_slice %arg6[%dma_wait3A_1017, %dma_wait3A_1018, %dma_wait3A_1028] : memref<2x5x40xi32, #tpu.memory_space<vmem>> -> memref<1x1x40xi32, #tpu.memory_space<vmem>>
        %dma_wait3A_1030 = tpu.memref_squeeze %dma_wait3A_1029 : memref<1x1x40xi32, #tpu.memory_space<vmem>> -> memref<40xi32, #tpu.memory_space<vmem>>
        %dma_wait3A_1031 = arith.constant 0 : i32
        %dma_wait3A_1032 = tpu.memref_slice %arg2[%dma_wait3A_1031] : memref<320000xi32, #tpu.memory_space<hbm>> -> memref<40xi32, #tpu.memory_space<hbm>>
        tpu.wait_dma2 semaphore(%dma_wait3A_1027 : memref<!tpu.dma_semaphore, #tpu.memory_space<semaphore_mem>>) src(%dma_wait3A_1032 : memref<40xi32, #tpu.memory_space<hbm>>) dst(%dma_wait3A_1030 : memref<40xi32, #tpu.memory_space<vmem>>)
        %dma_wait3A_1033 = arith.constant 1 : i32
        %dma_wait3A_1034 = arith.constant 3 : i32
        %dma_wait3A_1035 = arith.constant 1 : i32
        %dma_wait3A_1036 = arith.constant 3 : i32
        %dma_wait3A_1037 = arith.constant 0 : i32
        %dma_wait3A_1038 = tpu.memref_slice %arg7[%dma_wait3A_1033, %dma_wait3A_1034, %dma_wait3A_1037] : memref<2x5x40xi32, #tpu.memory_space<vmem>> -> memref<1x1x40xi32, #tpu.memory_space<vmem>>
        %dma_wait3A_1039 = tpu.memref_squeeze %dma_wait3A_1038 : memref<1x1x40xi32, #tpu.memory_space<vmem>> -> memref<40xi32, #tpu.memory_space<vmem>>
        %dma_wait3A_1040 = arith.constant 0 : i32
        %dma_wait3A_1041 = tpu.memref_slice %arg3[%dma_wait3A_1040] : memref<320000xi32, #tpu.memory_space<hbm>> -> memref<40xi32, #tpu.memory_space<hbm>>
        %dma_wait3A_1042 = tpu.memref_slice %arg9[%dma_wait3A_1035, %dma_wait3A_1036] : memref<2x5x!tpu.dma_semaphore, #tpu.memory_space<semaphore_mem>> -> memref<1x1x!tpu.dma_semaphore, #tpu.memory_space<semaphore_mem>>
        %dma_wait3A_1043 = tpu.memref_squeeze %dma_wait3A_1042 : memref<1x1x!tpu.dma_semaphore, #tpu.memory_space<semaphore_mem>> -> memref<!tpu.dma_semaphore, #tpu.memory_space<semaphore_mem>>
        %dma_wait3A_1044 = arith.constant 0 : i32
        %dma_wait3A_1045 = tpu.memref_slice %arg7[%dma_wait3A_1033, %dma_wait3A_1034, %dma_wait3A_1044] : memref<2x5x40xi32, #tpu.memory_space<vmem>> -> memref<1x1x40xi32, #tpu.memory_space<vmem>>
        %dma_wait3A_1046 = tpu.memref_squeeze %dma_wait3A_1045 : memref<1x1x40xi32, #tpu.memory_space<vmem>> -> memref<40xi32, #tpu.memory_space<vmem>>
        %dma_wait3A_1047 = arith.constant 0 : i32
        %dma_wait3A_1048 = tpu.memref_slice %arg3[%dma_wait3A_1047] : memref<320000xi32, #tpu.memory_space<hbm>> -> memref<40xi32, #tpu.memory_space<hbm>>
        tpu.wait_dma2 semaphore(%dma_wait3A_1043 : memref<!tpu.dma_semaphore, #tpu.memory_space<semaphore_mem>>) src(%dma_wait3A_1048 : memref<40xi32, #tpu.memory_space<hbm>>) dst(%dma_wait3A_1046 : memref<40xi32, #tpu.memory_space<vmem>>)
        %dma_start3A_1049 = arith.constant 1 : i32
        %dma_start3A_1050 = arith.constant 3 : i32
        %dma_start3A_1051 = arith.constant 3 : i32
        %dma_start3A_1052 = arith.constant 3 : i32
        %dma_start3A_1053 = arith.constant 0 : i32
        %dma_start3A_1054 = arith.constant 0 : i32
        %dma_start3A_1055 = tpu.memref_slice %arg8[%dma_start3A_1051, %dma_start3A_1053, %dma_start3A_1054] : memref<5x40x128xf32, #tpu.memory_space<vmem>> -> memref<1x40x128xf32, #tpu.memory_space<vmem>>
        %dma_start3A_1056 = tpu.memref_squeeze %dma_start3A_1055 : memref<1x40x128xf32, #tpu.memory_space<vmem>> -> memref<40x128xf32, #tpu.memory_space<vmem>>
        %dma_start3A_1057 = arith.constant 0 : i32
        %dma_start3A_1058 = tpu.memref_slice %arg6[%dma_start3A_1049, %dma_start3A_1050, %dma_start3A_1057] : memref<2x5x40xi32, #tpu.memory_space<vmem>> -> memref<1x1x40xi32, #tpu.memory_space<vmem>>
        %dma_start3A_1059 = tpu.memref_squeeze %dma_start3A_1058 : memref<1x1x40xi32, #tpu.memory_space<vmem>> -> memref<40xi32, #tpu.memory_space<vmem>>
        %dma_start3A_1060 = arith.constant 0 : i32
        %dma_start3A_1061 = arith.constant 0 : i32
        %dma_start3A_1062 = tpu.memref_slice %arg4[%dma_start3A_1060, %dma_start3A_1061] : memref<10000x128xf32, #tpu.memory_space<hbm>> -> memref<10000x128xf32, #tpu.memory_space<hbm>>
        %dma_start3A_1063 = tpu.memref_slice %arg10[%dma_start3A_1052] : memref<5x!tpu.dma_semaphore, #tpu.memory_space<semaphore_mem>> -> memref<1x!tpu.dma_semaphore, #tpu.memory_space<semaphore_mem>>
        %dma_start3A_1064 = tpu.memref_squeeze %dma_start3A_1063 : memref<1x!tpu.dma_semaphore, #tpu.memory_space<semaphore_mem>> -> memref<!tpu.dma_semaphore, #tpu.memory_space<semaphore_mem>>
        tpu.enqueue_indirect_dma source(%dma_start3A_1062 : memref<10000x128xf32, #tpu.memory_space<hbm>>) target(%dma_start3A_1056 : memref<40x128xf32, #tpu.memory_space<vmem>>) offsets(%dma_start3A_1059 : memref<40xi32, #tpu.memory_space<vmem>>) semaphore(%dma_start3A_1064 : memref<!tpu.dma_semaphore, #tpu.memory_space<semaphore_mem>>)
      } else {
      }
      %mul3A_795 = arith.constant 2 : i32
      %mul3A_796 = arith.muli %mul3A_795, %scan3A_649 : i32
      %add3A_797 = arith.constant 0 : i32
      %add3A_798 = arith.addi %mul3A_796, %add3A_797 : i32
      %mul3A_799 = arith.constant 5 : i32
      %mul3A_800 = arith.muli %add3A_798, %mul3A_799 : i32
      %add3A_801 = arith.constant 4 : i32
      %add3A_802 = arith.addi %mul3A_800, %add3A_801 : i32
      %dma_wait3A_803 = arith.constant 0 : i32
      %dma_wait3A_804 = arith.constant 4 : i32
      %dma_wait3A_805 = arith.constant 4 : i32
      %dma_wait3A_806 = arith.constant 4 : i32
      %dma_wait3A_807 = arith.constant 0 : i32
      %dma_wait3A_808 = arith.constant 0 : i32
      %dma_wait3A_809 = tpu.memref_slice %arg8[%dma_wait3A_805, %dma_wait3A_807, %dma_wait3A_808] : memref<5x40x128xf32, #tpu.memory_space<vmem>> -> memref<1x40x128xf32, #tpu.memory_space<vmem>>
      %dma_wait3A_810 = tpu.memref_squeeze %dma_wait3A_809 : memref<1x40x128xf32, #tpu.memory_space<vmem>> -> memref<40x128xf32, #tpu.memory_space<vmem>>
      %dma_wait3A_811 = arith.constant 0 : i32
      %dma_wait3A_812 = tpu.memref_slice %arg6[%dma_wait3A_803, %dma_wait3A_804, %dma_wait3A_811] : memref<2x5x40xi32, #tpu.memory_space<vmem>> -> memref<1x1x40xi32, #tpu.memory_space<vmem>>
      %dma_wait3A_813 = tpu.memref_squeeze %dma_wait3A_812 : memref<1x1x40xi32, #tpu.memory_space<vmem>> -> memref<40xi32, #tpu.memory_space<vmem>>
      %dma_wait3A_814 = arith.constant 0 : i32
      %dma_wait3A_815 = arith.constant 0 : i32
      %dma_wait3A_816 = tpu.memref_slice %arg4[%dma_wait3A_814, %dma_wait3A_815] : memref<10000x128xf32, #tpu.memory_space<hbm>> -> memref<10000x128xf32, #tpu.memory_space<hbm>>
      %dma_wait3A_817 = tpu.memref_slice %arg10[%dma_wait3A_806] : memref<5x!tpu.dma_semaphore, #tpu.memory_space<semaphore_mem>> -> memref<1x!tpu.dma_semaphore, #tpu.memory_space<semaphore_mem>>
      %dma_wait3A_818 = tpu.memref_squeeze %dma_wait3A_817 : memref<1x!tpu.dma_semaphore, #tpu.memory_space<semaphore_mem>> -> memref<!tpu.dma_semaphore, #tpu.memory_space<semaphore_mem>>
      tpu.wait_indirect_dma semaphore(%dma_wait3A_818 : memref<!tpu.dma_semaphore, #tpu.memory_space<semaphore_mem>>) src(%dma_wait3A_816 : memref<10000x128xf32, #tpu.memory_space<hbm>>) dst(%dma_wait3A_810 : memref<40x128xf32, #tpu.memory_space<vmem>>)
      %run_scoped3A_819 = arith.constant 4 : i32
      %run_scoped3A_820 = arith.constant 0 : i32
      %run_scoped3A_821 = arith.constant 4 : i32
      "tpu.region"() ({
        %run_scoped3A_1017 = tpu.sem_alloc : memref<!tpu.dma_semaphore, #tpu.memory_space<semaphore_mem>>
        %dma_start3A_1018 = arith.constant 0 : i32
        %dma_start3A_1019 = arith.constant 0 : i32
        %dma_start3A_1020 = tpu.memref_slice %arg8[%run_scoped3A_819, %dma_start3A_1018, %dma_start3A_1019] : memref<5x40x128xf32, #tpu.memory_space<vmem>> -> memref<1x40x128xf32, #tpu.memory_space<vmem>>
        %dma_start3A_1021 = tpu.memref_squeeze %dma_start3A_1020 : memref<1x40x128xf32, #tpu.memory_space<vmem>> -> memref<40x128xf32, #tpu.memory_space<vmem>>
        %dma_start3A_1022 = arith.constant 0 : i32
        %dma_start3A_1023 = tpu.memref_slice %arg7[%run_scoped3A_820, %run_scoped3A_821, %dma_start3A_1022] : memref<2x5x40xi32, #tpu.memory_space<vmem>> -> memref<1x1x40xi32, #tpu.memory_space<vmem>>
        %dma_start3A_1024 = tpu.memref_squeeze %dma_start3A_1023 : memref<1x1x40xi32, #tpu.memory_space<vmem>> -> memref<40xi32, #tpu.memory_space<vmem>>
        %dma_start3A_1025 = arith.constant 0 : i32
        %dma_start3A_1026 = arith.constant 0 : i32
        %dma_start3A_1027 = tpu.memref_slice %arg11[%dma_start3A_1025, %dma_start3A_1026] : memref<10240x128xf32, #tpu.memory_space<vmem_shared>> -> memref<10240x128xf32, #tpu.memory_space<vmem_shared>>
        tpu.enqueue_indirect_dma source(%dma_start3A_1021 : memref<40x128xf32, #tpu.memory_space<vmem>>) target(%dma_start3A_1027 : memref<10240x128xf32, #tpu.memory_space<vmem_shared>>) offsets(%dma_start3A_1024 : memref<40xi32, #tpu.memory_space<vmem>>) semaphore(%run_scoped3A_1017 : memref<!tpu.dma_semaphore, #tpu.memory_space<semaphore_mem>>) {add = true}
        %dma_wait3A_1028 = arith.constant 0 : i32
        %dma_wait3A_1029 = arith.constant 0 : i32
        %dma_wait3A_1030 = tpu.memref_slice %arg8[%run_scoped3A_819, %dma_wait3A_1028, %dma_wait3A_1029] : memref<5x40x128xf32, #tpu.memory_space<vmem>> -> memref<1x40x128xf32, #tpu.memory_space<vmem>>
        %dma_wait3A_1031 = tpu.memref_squeeze %dma_wait3A_1030 : memref<1x40x128xf32, #tpu.memory_space<vmem>> -> memref<40x128xf32, #tpu.memory_space<vmem>>
        %dma_wait3A_1032 = arith.constant 0 : i32
        %dma_wait3A_1033 = tpu.memref_slice %arg7[%run_scoped3A_820, %run_scoped3A_821, %dma_wait3A_1032] : memref<2x5x40xi32, #tpu.memory_space<vmem>> -> memref<1x1x40xi32, #tpu.memory_space<vmem>>
        %dma_wait3A_1034 = tpu.memref_squeeze %dma_wait3A_1033 : memref<1x1x40xi32, #tpu.memory_space<vmem>> -> memref<40xi32, #tpu.memory_space<vmem>>
        %dma_wait3A_1035 = arith.constant 0 : i32
        %dma_wait3A_1036 = arith.constant 0 : i32
        %dma_wait3A_1037 = tpu.memref_slice %arg11[%dma_wait3A_1035, %dma_wait3A_1036] : memref<10240x128xf32, #tpu.memory_space<vmem_shared>> -> memref<10240x128xf32, #tpu.memory_space<vmem_shared>>
        tpu.wait_indirect_dma semaphore(%run_scoped3A_1017 : memref<!tpu.dma_semaphore, #tpu.memory_space<semaphore_mem>>) src(%dma_wait3A_1031 : memref<40x128xf32, #tpu.memory_space<vmem>>) dst(%dma_wait3A_1037 : memref<10240x128xf32, #tpu.memory_space<vmem_shared>>)
        tpu.yield
      }) : () -> ()
      %lt3A_822 = arith.constant 240 : i32
      %lt3A_823 = arith.cmpi slt, %add3A_802, %lt3A_822 : i32
      %convert_element_type3A_824 = arith.extui %lt3A_823 : i1 to i32
      %cond3A_825 = arith.constant 0 : i32
      %cond3A_826 = arith.cmpi ne, %convert_element_type3A_824, %cond3A_825 : i32
      scf.if %cond3A_826 {
        %add3A_1017 = arith.constant 10 : i32
        %add3A_1018 = arith.addi %add3A_802, %add3A_1017 : i32
        %mul3A_1019 = arith.constant 40 : i32
        %mul3A_1020 = arith.muli %add3A_1018, %mul3A_1019 : i32
        %add3A_1021 = arith.addi %mul3A_2, %mul3A_1020 : i32
        %multiple_of3A_1022 = tpu.assume_multiple %add3A_1021, 8 : i32
        %dma_start3A_1023 = arith.constant 0 : i32
        %dma_start3A_1024 = arith.constant 4 : i32
        %dma_start3A_1025 = arith.constant 0 : i32
        %dma_start3A_1026 = arith.constant 4 : i32
        %dma_start3A_1027 = arith.constant 0 : i32
        %dma_start3A_1028 = tpu.memref_slice %arg6[%dma_start3A_1023, %dma_start3A_1024, %dma_start3A_1027] : memref<2x5x40xi32, #tpu.memory_space<vmem>> -> memref<1x1x40xi32, #tpu.memory_space<vmem>>
        %dma_start3A_1029 = tpu.memref_squeeze %dma_start3A_1028 : memref<1x1x40xi32, #tpu.memory_space<vmem>> -> memref<40xi32, #tpu.memory_space<vmem>>
        %dma_start3A_1030 = tpu.memref_slice %arg2[%multiple_of3A_1022] : memref<320000xi32, #tpu.memory_space<hbm>> -> memref<40xi32, #tpu.memory_space<hbm>>
        %dma_start3A_1031 = tpu.memref_slice %arg9[%dma_start3A_1025, %dma_start3A_1026] : memref<2x5x!tpu.dma_semaphore, #tpu.memory_space<semaphore_mem>> -> memref<1x1x!tpu.dma_semaphore, #tpu.memory_space<semaphore_mem>>
        %dma_start3A_1032 = tpu.memref_squeeze %dma_start3A_1031 : memref<1x1x!tpu.dma_semaphore, #tpu.memory_space<semaphore_mem>> -> memref<!tpu.dma_semaphore, #tpu.memory_space<semaphore_mem>>
        %dma_start3A_1033 = arith.constant 0 : i32
        %dma_start3A_1034 = tpu.memref_slice %arg6[%dma_start3A_1023, %dma_start3A_1024, %dma_start3A_1033] : memref<2x5x40xi32, #tpu.memory_space<vmem>> -> memref<1x1x40xi32, #tpu.memory_space<vmem>>
        %dma_start3A_1035 = tpu.memref_squeeze %dma_start3A_1034 : memref<1x1x40xi32, #tpu.memory_space<vmem>> -> memref<40xi32, #tpu.memory_space<vmem>>
        %dma_start3A_1036 = tpu.memref_slice %arg2[%multiple_of3A_1022] : memref<320000xi32, #tpu.memory_space<hbm>> -> memref<40xi32, #tpu.memory_space<hbm>>
        tpu.enqueue_dma source(%dma_start3A_1036 : memref<40xi32, #tpu.memory_space<hbm>>) target(%dma_start3A_1035 : memref<40xi32, #tpu.memory_space<vmem>>) target_semaphore(%dma_start3A_1032 : memref<!tpu.dma_semaphore, #tpu.memory_space<semaphore_mem>>)
        %dma_start3A_1037 = arith.constant 0 : i32
        %dma_start3A_1038 = arith.constant 4 : i32
        %dma_start3A_1039 = arith.constant 0 : i32
        %dma_start3A_1040 = arith.constant 4 : i32
        %dma_start3A_1041 = arith.constant 0 : i32
        %dma_start3A_1042 = tpu.memref_slice %arg7[%dma_start3A_1037, %dma_start3A_1038, %dma_start3A_1041] : memref<2x5x40xi32, #tpu.memory_space<vmem>> -> memref<1x1x40xi32, #tpu.memory_space<vmem>>
        %dma_start3A_1043 = tpu.memref_squeeze %dma_start3A_1042 : memref<1x1x40xi32, #tpu.memory_space<vmem>> -> memref<40xi32, #tpu.memory_space<vmem>>
        %dma_start3A_1044 = tpu.memref_slice %arg3[%multiple_of3A_1022] : memref<320000xi32, #tpu.memory_space<hbm>> -> memref<40xi32, #tpu.memory_space<hbm>>
        %dma_start3A_1045 = tpu.memref_slice %arg9[%dma_start3A_1039, %dma_start3A_1040] : memref<2x5x!tpu.dma_semaphore, #tpu.memory_space<semaphore_mem>> -> memref<1x1x!tpu.dma_semaphore, #tpu.memory_space<semaphore_mem>>
        %dma_start3A_1046 = tpu.memref_squeeze %dma_start3A_1045 : memref<1x1x!tpu.dma_semaphore, #tpu.memory_space<semaphore_mem>> -> memref<!tpu.dma_semaphore, #tpu.memory_space<semaphore_mem>>
        %dma_start3A_1047 = arith.constant 0 : i32
        %dma_start3A_1048 = tpu.memref_slice %arg7[%dma_start3A_1037, %dma_start3A_1038, %dma_start3A_1047] : memref<2x5x40xi32, #tpu.memory_space<vmem>> -> memref<1x1x40xi32, #tpu.memory_space<vmem>>
        %dma_start3A_1049 = tpu.memref_squeeze %dma_start3A_1048 : memref<1x1x40xi32, #tpu.memory_space<vmem>> -> memref<40xi32, #tpu.memory_space<vmem>>
        %dma_start3A_1050 = tpu.memref_slice %arg3[%multiple_of3A_1022] : memref<320000xi32, #tpu.memory_space<hbm>> -> memref<40xi32, #tpu.memory_space<hbm>>
        tpu.enqueue_dma source(%dma_start3A_1050 : memref<40xi32, #tpu.memory_space<hbm>>) target(%dma_start3A_1049 : memref<40xi32, #tpu.memory_space<vmem>>) target_semaphore(%dma_start3A_1046 : memref<!tpu.dma_semaphore, #tpu.memory_space<semaphore_mem>>)
      } else {
      }
      %lt3A_827 = arith.constant 245 : i32
      %lt3A_828 = arith.cmpi slt, %add3A_802, %lt3A_827 : i32
      %convert_element_type3A_829 = arith.extui %lt3A_828 : i1 to i32
      %cond3A_830 = arith.constant 0 : i32
      %cond3A_831 = arith.cmpi ne, %convert_element_type3A_829, %cond3A_830 : i32
      scf.if %cond3A_831 {
        %dma_wait3A_1017 = arith.constant 1 : i32
        %dma_wait3A_1018 = arith.constant 4 : i32
        %dma_wait3A_1019 = arith.constant 1 : i32
        %dma_wait3A_1020 = arith.constant 4 : i32
        %dma_wait3A_1021 = arith.constant 0 : i32
        %dma_wait3A_1022 = tpu.memref_slice %arg6[%dma_wait3A_1017, %dma_wait3A_1018, %dma_wait3A_1021] : memref<2x5x40xi32, #tpu.memory_space<vmem>> -> memref<1x1x40xi32, #tpu.memory_space<vmem>>
        %dma_wait3A_1023 = tpu.memref_squeeze %dma_wait3A_1022 : memref<1x1x40xi32, #tpu.memory_space<vmem>> -> memref<40xi32, #tpu.memory_space<vmem>>
        %dma_wait3A_1024 = arith.constant 0 : i32
        %dma_wait3A_1025 = tpu.memref_slice %arg2[%dma_wait3A_1024] : memref<320000xi32, #tpu.memory_space<hbm>> -> memref<40xi32, #tpu.memory_space<hbm>>
        %dma_wait3A_1026 = tpu.memref_slice %arg9[%dma_wait3A_1019, %dma_wait3A_1020] : memref<2x5x!tpu.dma_semaphore, #tpu.memory_space<semaphore_mem>> -> memref<1x1x!tpu.dma_semaphore, #tpu.memory_space<semaphore_mem>>
        %dma_wait3A_1027 = tpu.memref_squeeze %dma_wait3A_1026 : memref<1x1x!tpu.dma_semaphore, #tpu.memory_space<semaphore_mem>> -> memref<!tpu.dma_semaphore, #tpu.memory_space<semaphore_mem>>
        %dma_wait3A_1028 = arith.constant 0 : i32
        %dma_wait3A_1029 = tpu.memref_slice %arg6[%dma_wait3A_1017, %dma_wait3A_1018, %dma_wait3A_1028] : memref<2x5x40xi32, #tpu.memory_space<vmem>> -> memref<1x1x40xi32, #tpu.memory_space<vmem>>
        %dma_wait3A_1030 = tpu.memref_squeeze %dma_wait3A_1029 : memref<1x1x40xi32, #tpu.memory_space<vmem>> -> memref<40xi32, #tpu.memory_space<vmem>>
        %dma_wait3A_1031 = arith.constant 0 : i32
        %dma_wait3A_1032 = tpu.memref_slice %arg2[%dma_wait3A_1031] : memref<320000xi32, #tpu.memory_space<hbm>> -> memref<40xi32, #tpu.memory_space<hbm>>
        tpu.wait_dma2 semaphore(%dma_wait3A_1027 : memref<!tpu.dma_semaphore, #tpu.memory_space<semaphore_mem>>) src(%dma_wait3A_1032 : memref<40xi32, #tpu.memory_space<hbm>>) dst(%dma_wait3A_1030 : memref<40xi32, #tpu.memory_space<vmem>>)
        %dma_wait3A_1033 = arith.constant 1 : i32
        %dma_wait3A_1034 = arith.constant 4 : i32
        %dma_wait3A_1035 = arith.constant 1 : i32
        %dma_wait3A_1036 = arith.constant 4 : i32
        %dma_wait3A_1037 = arith.constant 0 : i32
        %dma_wait3A_1038 = tpu.memref_slice %arg7[%dma_wait3A_1033, %dma_wait3A_1034, %dma_wait3A_1037] : memref<2x5x40xi32, #tpu.memory_space<vmem>> -> memref<1x1x40xi32, #tpu.memory_space<vmem>>
        %dma_wait3A_1039 = tpu.memref_squeeze %dma_wait3A_1038 : memref<1x1x40xi32, #tpu.memory_space<vmem>> -> memref<40xi32, #tpu.memory_space<vmem>>
        %dma_wait3A_1040 = arith.constant 0 : i32
        %dma_wait3A_1041 = tpu.memref_slice %arg3[%dma_wait3A_1040] : memref<320000xi32, #tpu.memory_space<hbm>> -> memref<40xi32, #tpu.memory_space<hbm>>
        %dma_wait3A_1042 = tpu.memref_slice %arg9[%dma_wait3A_1035, %dma_wait3A_1036] : memref<2x5x!tpu.dma_semaphore, #tpu.memory_space<semaphore_mem>> -> memref<1x1x!tpu.dma_semaphore, #tpu.memory_space<semaphore_mem>>
        %dma_wait3A_1043 = tpu.memref_squeeze %dma_wait3A_1042 : memref<1x1x!tpu.dma_semaphore, #tpu.memory_space<semaphore_mem>> -> memref<!tpu.dma_semaphore, #tpu.memory_space<semaphore_mem>>
        %dma_wait3A_1044 = arith.constant 0 : i32
        %dma_wait3A_1045 = tpu.memref_slice %arg7[%dma_wait3A_1033, %dma_wait3A_1034, %dma_wait3A_1044] : memref<2x5x40xi32, #tpu.memory_space<vmem>> -> memref<1x1x40xi32, #tpu.memory_space<vmem>>
        %dma_wait3A_1046 = tpu.memref_squeeze %dma_wait3A_1045 : memref<1x1x40xi32, #tpu.memory_space<vmem>> -> memref<40xi32, #tpu.memory_space<vmem>>
        %dma_wait3A_1047 = arith.constant 0 : i32
        %dma_wait3A_1048 = tpu.memref_slice %arg3[%dma_wait3A_1047] : memref<320000xi32, #tpu.memory_space<hbm>> -> memref<40xi32, #tpu.memory_space<hbm>>
        tpu.wait_dma2 semaphore(%dma_wait3A_1043 : memref<!tpu.dma_semaphore, #tpu.memory_space<semaphore_mem>>) src(%dma_wait3A_1048 : memref<40xi32, #tpu.memory_space<hbm>>) dst(%dma_wait3A_1046 : memref<40xi32, #tpu.memory_space<vmem>>)
        %dma_start3A_1049 = arith.constant 1 : i32
        %dma_start3A_1050 = arith.constant 4 : i32
        %dma_start3A_1051 = arith.constant 4 : i32
        %dma_start3A_1052 = arith.constant 4 : i32
        %dma_start3A_1053 = arith.constant 0 : i32
        %dma_start3A_1054 = arith.constant 0 : i32
        %dma_start3A_1055 = tpu.memref_slice %arg8[%dma_start3A_1051, %dma_start3A_1053, %dma_start3A_1054] : memref<5x40x128xf32, #tpu.memory_space<vmem>> -> memref<1x40x128xf32, #tpu.memory_space<vmem>>
        %dma_start3A_1056 = tpu.memref_squeeze %dma_start3A_1055 : memref<1x40x128xf32, #tpu.memory_space<vmem>> -> memref<40x128xf32, #tpu.memory_space<vmem>>
        %dma_start3A_1057 = arith.constant 0 : i32
        %dma_start3A_1058 = tpu.memref_slice %arg6[%dma_start3A_1049, %dma_start3A_1050, %dma_start3A_1057] : memref<2x5x40xi32, #tpu.memory_space<vmem>> -> memref<1x1x40xi32, #tpu.memory_space<vmem>>
        %dma_start3A_1059 = tpu.memref_squeeze %dma_start3A_1058 : memref<1x1x40xi32, #tpu.memory_space<vmem>> -> memref<40xi32, #tpu.memory_space<vmem>>
        %dma_start3A_1060 = arith.constant 0 : i32
        %dma_start3A_1061 = arith.constant 0 : i32
        %dma_start3A_1062 = tpu.memref_slice %arg4[%dma_start3A_1060, %dma_start3A_1061] : memref<10000x128xf32, #tpu.memory_space<hbm>> -> memref<10000x128xf32, #tpu.memory_space<hbm>>
        %dma_start3A_1063 = tpu.memref_slice %arg10[%dma_start3A_1052] : memref<5x!tpu.dma_semaphore, #tpu.memory_space<semaphore_mem>> -> memref<1x!tpu.dma_semaphore, #tpu.memory_space<semaphore_mem>>
        %dma_start3A_1064 = tpu.memref_squeeze %dma_start3A_1063 : memref<1x!tpu.dma_semaphore, #tpu.memory_space<semaphore_mem>> -> memref<!tpu.dma_semaphore, #tpu.memory_space<semaphore_mem>>
        tpu.enqueue_indirect_dma source(%dma_start3A_1062 : memref<10000x128xf32, #tpu.memory_space<hbm>>) target(%dma_start3A_1056 : memref<40x128xf32, #tpu.memory_space<vmem>>) offsets(%dma_start3A_1059 : memref<40xi32, #tpu.memory_space<vmem>>) semaphore(%dma_start3A_1064 : memref<!tpu.dma_semaphore, #tpu.memory_space<semaphore_mem>>)
      } else {
      }
      %mul3A_832 = arith.constant 2 : i32
      %mul3A_833 = arith.muli %mul3A_832, %scan3A_649 : i32
      %add3A_834 = arith.constant 1 : i32
      %add3A_835 = arith.addi %mul3A_833, %add3A_834 : i32
      %mul3A_836 = arith.constant 5 : i32
      %mul3A_837 = arith.muli %add3A_835, %mul3A_836 : i32
      %add3A_838 = arith.constant 0 : i32
      %add3A_839 = arith.addi %mul3A_837, %add3A_838 : i32
      %dma_wait3A_840 = arith.constant 1 : i32
      %dma_wait3A_841 = arith.constant 0 : i32
      %dma_wait3A_842 = arith.constant 0 : i32
      %dma_wait3A_843 = arith.constant 0 : i32
      %dma_wait3A_844 = arith.constant 0 : i32
      %dma_wait3A_845 = arith.constant 0 : i32
      %dma_wait3A_846 = tpu.memref_slice %arg8[%dma_wait3A_842, %dma_wait3A_844, %dma_wait3A_845] : memref<5x40x128xf32, #tpu.memory_space<vmem>> -> memref<1x40x128xf32, #tpu.memory_space<vmem>>
      %dma_wait3A_847 = tpu.memref_squeeze %dma_wait3A_846 : memref<1x40x128xf32, #tpu.memory_space<vmem>> -> memref<40x128xf32, #tpu.memory_space<vmem>>
      %dma_wait3A_848 = arith.constant 0 : i32
      %dma_wait3A_849 = tpu.memref_slice %arg6[%dma_wait3A_840, %dma_wait3A_841, %dma_wait3A_848] : memref<2x5x40xi32, #tpu.memory_space<vmem>> -> memref<1x1x40xi32, #tpu.memory_space<vmem>>
      %dma_wait3A_850 = tpu.memref_squeeze %dma_wait3A_849 : memref<1x1x40xi32, #tpu.memory_space<vmem>> -> memref<40xi32, #tpu.memory_space<vmem>>
      %dma_wait3A_851 = arith.constant 0 : i32
      %dma_wait3A_852 = arith.constant 0 : i32
      %dma_wait3A_853 = tpu.memref_slice %arg4[%dma_wait3A_851, %dma_wait3A_852] : memref<10000x128xf32, #tpu.memory_space<hbm>> -> memref<10000x128xf32, #tpu.memory_space<hbm>>
      %dma_wait3A_854 = tpu.memref_slice %arg10[%dma_wait3A_843] : memref<5x!tpu.dma_semaphore, #tpu.memory_space<semaphore_mem>> -> memref<1x!tpu.dma_semaphore, #tpu.memory_space<semaphore_mem>>
      %dma_wait3A_855 = tpu.memref_squeeze %dma_wait3A_854 : memref<1x!tpu.dma_semaphore, #tpu.memory_space<semaphore_mem>> -> memref<!tpu.dma_semaphore, #tpu.memory_space<semaphore_mem>>
      tpu.wait_indirect_dma semaphore(%dma_wait3A_855 : memref<!tpu.dma_semaphore, #tpu.memory_space<semaphore_mem>>) src(%dma_wait3A_853 : memref<10000x128xf32, #tpu.memory_space<hbm>>) dst(%dma_wait3A_847 : memref<40x128xf32, #tpu.memory_space<vmem>>)
      %run_scoped3A_856 = arith.constant 0 : i32
      %run_scoped3A_857 = arith.constant 1 : i32
      %run_scoped3A_858 = arith.constant 0 : i32
      "tpu.region"() ({
        %run_scoped3A_1017 = tpu.sem_alloc : memref<!tpu.dma_semaphore, #tpu.memory_space<semaphore_mem>>
        %dma_start3A_1018 = arith.constant 0 : i32
        %dma_start3A_1019 = arith.constant 0 : i32
        %dma_start3A_1020 = tpu.memref_slice %arg8[%run_scoped3A_856, %dma_start3A_1018, %dma_start3A_1019] : memref<5x40x128xf32, #tpu.memory_space<vmem>> -> memref<1x40x128xf32, #tpu.memory_space<vmem>>
        %dma_start3A_1021 = tpu.memref_squeeze %dma_start3A_1020 : memref<1x40x128xf32, #tpu.memory_space<vmem>> -> memref<40x128xf32, #tpu.memory_space<vmem>>
        %dma_start3A_1022 = arith.constant 0 : i32
        %dma_start3A_1023 = tpu.memref_slice %arg7[%run_scoped3A_857, %run_scoped3A_858, %dma_start3A_1022] : memref<2x5x40xi32, #tpu.memory_space<vmem>> -> memref<1x1x40xi32, #tpu.memory_space<vmem>>
        %dma_start3A_1024 = tpu.memref_squeeze %dma_start3A_1023 : memref<1x1x40xi32, #tpu.memory_space<vmem>> -> memref<40xi32, #tpu.memory_space<vmem>>
        %dma_start3A_1025 = arith.constant 0 : i32
        %dma_start3A_1026 = arith.constant 0 : i32
        %dma_start3A_1027 = tpu.memref_slice %arg11[%dma_start3A_1025, %dma_start3A_1026] : memref<10240x128xf32, #tpu.memory_space<vmem_shared>> -> memref<10240x128xf32, #tpu.memory_space<vmem_shared>>
        tpu.enqueue_indirect_dma source(%dma_start3A_1021 : memref<40x128xf32, #tpu.memory_space<vmem>>) target(%dma_start3A_1027 : memref<10240x128xf32, #tpu.memory_space<vmem_shared>>) offsets(%dma_start3A_1024 : memref<40xi32, #tpu.memory_space<vmem>>) semaphore(%run_scoped3A_1017 : memref<!tpu.dma_semaphore, #tpu.memory_space<semaphore_mem>>) {add = true}
        %dma_wait3A_1028 = arith.constant 0 : i32
        %dma_wait3A_1029 = arith.constant 0 : i32
        %dma_wait3A_1030 = tpu.memref_slice %arg8[%run_scoped3A_856, %dma_wait3A_1028, %dma_wait3A_1029] : memref<5x40x128xf32, #tpu.memory_space<vmem>> -> memref<1x40x128xf32, #tpu.memory_space<vmem>>
        %dma_wait3A_1031 = tpu.memref_squeeze %dma_wait3A_1030 : memref<1x40x128xf32, #tpu.memory_space<vmem>> -> memref<40x128xf32, #tpu.memory_space<vmem>>
        %dma_wait3A_1032 = arith.constant 0 : i32
        %dma_wait3A_1033 = tpu.memref_slice %arg7[%run_scoped3A_857, %run_scoped3A_858, %dma_wait3A_1032] : memref<2x5x40xi32, #tpu.memory_space<vmem>> -> memref<1x1x40xi32, #tpu.memory_space<vmem>>
        %dma_wait3A_1034 = tpu.memref_squeeze %dma_wait3A_1033 : memref<1x1x40xi32, #tpu.memory_space<vmem>> -> memref<40xi32, #tpu.memory_space<vmem>>
        %dma_wait3A_1035 = arith.constant 0 : i32
        %dma_wait3A_1036 = arith.constant 0 : i32
        %dma_wait3A_1037 = tpu.memref_slice %arg11[%dma_wait3A_1035, %dma_wait3A_1036] : memref<10240x128xf32, #tpu.memory_space<vmem_shared>> -> memref<10240x128xf32, #tpu.memory_space<vmem_shared>>
        tpu.wait_indirect_dma semaphore(%run_scoped3A_1017 : memref<!tpu.dma_semaphore, #tpu.memory_space<semaphore_mem>>) src(%dma_wait3A_1031 : memref<40x128xf32, #tpu.memory_space<vmem>>) dst(%dma_wait3A_1037 : memref<10240x128xf32, #tpu.memory_space<vmem_shared>>)
        tpu.yield
      }) : () -> ()
      %lt3A_859 = arith.constant 240 : i32
      %lt3A_860 = arith.cmpi slt, %add3A_839, %lt3A_859 : i32
      %convert_element_type3A_861 = arith.extui %lt3A_860 : i1 to i32
      %cond3A_862 = arith.constant 0 : i32
      %cond3A_863 = arith.cmpi ne, %convert_element_type3A_861, %cond3A_862 : i32
      scf.if %cond3A_863 {
        %add3A_1017 = arith.constant 10 : i32
        %add3A_1018 = arith.addi %add3A_839, %add3A_1017 : i32
        %mul3A_1019 = arith.constant 40 : i32
        %mul3A_1020 = arith.muli %add3A_1018, %mul3A_1019 : i32
        %add3A_1021 = arith.addi %mul3A_2, %mul3A_1020 : i32
        %multiple_of3A_1022 = tpu.assume_multiple %add3A_1021, 8 : i32
        %dma_start3A_1023 = arith.constant 1 : i32
        %dma_start3A_1024 = arith.constant 0 : i32
        %dma_start3A_1025 = arith.constant 1 : i32
        %dma_start3A_1026 = arith.constant 0 : i32
        %dma_start3A_1027 = arith.constant 0 : i32
        %dma_start3A_1028 = tpu.memref_slice %arg6[%dma_start3A_1023, %dma_start3A_1024, %dma_start3A_1027] : memref<2x5x40xi32, #tpu.memory_space<vmem>> -> memref<1x1x40xi32, #tpu.memory_space<vmem>>
        %dma_start3A_1029 = tpu.memref_squeeze %dma_start3A_1028 : memref<1x1x40xi32, #tpu.memory_space<vmem>> -> memref<40xi32, #tpu.memory_space<vmem>>
        %dma_start3A_1030 = tpu.memref_slice %arg2[%multiple_of3A_1022] : memref<320000xi32, #tpu.memory_space<hbm>> -> memref<40xi32, #tpu.memory_space<hbm>>
        %dma_start3A_1031 = tpu.memref_slice %arg9[%dma_start3A_1025, %dma_start3A_1026] : memref<2x5x!tpu.dma_semaphore, #tpu.memory_space<semaphore_mem>> -> memref<1x1x!tpu.dma_semaphore, #tpu.memory_space<semaphore_mem>>
        %dma_start3A_1032 = tpu.memref_squeeze %dma_start3A_1031 : memref<1x1x!tpu.dma_semaphore, #tpu.memory_space<semaphore_mem>> -> memref<!tpu.dma_semaphore, #tpu.memory_space<semaphore_mem>>
        %dma_start3A_1033 = arith.constant 0 : i32
        %dma_start3A_1034 = tpu.memref_slice %arg6[%dma_start3A_1023, %dma_start3A_1024, %dma_start3A_1033] : memref<2x5x40xi32, #tpu.memory_space<vmem>> -> memref<1x1x40xi32, #tpu.memory_space<vmem>>
        %dma_start3A_1035 = tpu.memref_squeeze %dma_start3A_1034 : memref<1x1x40xi32, #tpu.memory_space<vmem>> -> memref<40xi32, #tpu.memory_space<vmem>>
        %dma_start3A_1036 = tpu.memref_slice %arg2[%multiple_of3A_1022] : memref<320000xi32, #tpu.memory_space<hbm>> -> memref<40xi32, #tpu.memory_space<hbm>>
        tpu.enqueue_dma source(%dma_start3A_1036 : memref<40xi32, #tpu.memory_space<hbm>>) target(%dma_start3A_1035 : memref<40xi32, #tpu.memory_space<vmem>>) target_semaphore(%dma_start3A_1032 : memref<!tpu.dma_semaphore, #tpu.memory_space<semaphore_mem>>)
        %dma_start3A_1037 = arith.constant 1 : i32
        %dma_start3A_1038 = arith.constant 0 : i32
        %dma_start3A_1039 = arith.constant 1 : i32
        %dma_start3A_1040 = arith.constant 0 : i32
        %dma_start3A_1041 = arith.constant 0 : i32
        %dma_start3A_1042 = tpu.memref_slice %arg7[%dma_start3A_1037, %dma_start3A_1038, %dma_start3A_1041] : memref<2x5x40xi32, #tpu.memory_space<vmem>> -> memref<1x1x40xi32, #tpu.memory_space<vmem>>
        %dma_start3A_1043 = tpu.memref_squeeze %dma_start3A_1042 : memref<1x1x40xi32, #tpu.memory_space<vmem>> -> memref<40xi32, #tpu.memory_space<vmem>>
        %dma_start3A_1044 = tpu.memref_slice %arg3[%multiple_of3A_1022] : memref<320000xi32, #tpu.memory_space<hbm>> -> memref<40xi32, #tpu.memory_space<hbm>>
        %dma_start3A_1045 = tpu.memref_slice %arg9[%dma_start3A_1039, %dma_start3A_1040] : memref<2x5x!tpu.dma_semaphore, #tpu.memory_space<semaphore_mem>> -> memref<1x1x!tpu.dma_semaphore, #tpu.memory_space<semaphore_mem>>
        %dma_start3A_1046 = tpu.memref_squeeze %dma_start3A_1045 : memref<1x1x!tpu.dma_semaphore, #tpu.memory_space<semaphore_mem>> -> memref<!tpu.dma_semaphore, #tpu.memory_space<semaphore_mem>>
        %dma_start3A_1047 = arith.constant 0 : i32
        %dma_start3A_1048 = tpu.memref_slice %arg7[%dma_start3A_1037, %dma_start3A_1038, %dma_start3A_1047] : memref<2x5x40xi32, #tpu.memory_space<vmem>> -> memref<1x1x40xi32, #tpu.memory_space<vmem>>
        %dma_start3A_1049 = tpu.memref_squeeze %dma_start3A_1048 : memref<1x1x40xi32, #tpu.memory_space<vmem>> -> memref<40xi32, #tpu.memory_space<vmem>>
        %dma_start3A_1050 = tpu.memref_slice %arg3[%multiple_of3A_1022] : memref<320000xi32, #tpu.memory_space<hbm>> -> memref<40xi32, #tpu.memory_space<hbm>>
        tpu.enqueue_dma source(%dma_start3A_1050 : memref<40xi32, #tpu.memory_space<hbm>>) target(%dma_start3A_1049 : memref<40xi32, #tpu.memory_space<vmem>>) target_semaphore(%dma_start3A_1046 : memref<!tpu.dma_semaphore, #tpu.memory_space<semaphore_mem>>)
      } else {
      }
      %lt3A_864 = arith.constant 245 : i32
      %lt3A_865 = arith.cmpi slt, %add3A_839, %lt3A_864 : i32
      %convert_element_type3A_866 = arith.extui %lt3A_865 : i1 to i32
      %cond3A_867 = arith.constant 0 : i32
      %cond3A_868 = arith.cmpi ne, %convert_element_type3A_866, %cond3A_867 : i32
      scf.if %cond3A_868 {
        %dma_wait3A_1017 = arith.constant 0 : i32
        %dma_wait3A_1018 = arith.constant 0 : i32
        %dma_wait3A_1019 = arith.constant 0 : i32
        %dma_wait3A_1020 = arith.constant 0 : i32
        %dma_wait3A_1021 = arith.constant 0 : i32
        %dma_wait3A_1022 = tpu.memref_slice %arg6[%dma_wait3A_1017, %dma_wait3A_1018, %dma_wait3A_1021] : memref<2x5x40xi32, #tpu.memory_space<vmem>> -> memref<1x1x40xi32, #tpu.memory_space<vmem>>
        %dma_wait3A_1023 = tpu.memref_squeeze %dma_wait3A_1022 : memref<1x1x40xi32, #tpu.memory_space<vmem>> -> memref<40xi32, #tpu.memory_space<vmem>>
        %dma_wait3A_1024 = arith.constant 0 : i32
        %dma_wait3A_1025 = tpu.memref_slice %arg2[%dma_wait3A_1024] : memref<320000xi32, #tpu.memory_space<hbm>> -> memref<40xi32, #tpu.memory_space<hbm>>
        %dma_wait3A_1026 = tpu.memref_slice %arg9[%dma_wait3A_1019, %dma_wait3A_1020] : memref<2x5x!tpu.dma_semaphore, #tpu.memory_space<semaphore_mem>> -> memref<1x1x!tpu.dma_semaphore, #tpu.memory_space<semaphore_mem>>
        %dma_wait3A_1027 = tpu.memref_squeeze %dma_wait3A_1026 : memref<1x1x!tpu.dma_semaphore, #tpu.memory_space<semaphore_mem>> -> memref<!tpu.dma_semaphore, #tpu.memory_space<semaphore_mem>>
        %dma_wait3A_1028 = arith.constant 0 : i32
        %dma_wait3A_1029 = tpu.memref_slice %arg6[%dma_wait3A_1017, %dma_wait3A_1018, %dma_wait3A_1028] : memref<2x5x40xi32, #tpu.memory_space<vmem>> -> memref<1x1x40xi32, #tpu.memory_space<vmem>>
        %dma_wait3A_1030 = tpu.memref_squeeze %dma_wait3A_1029 : memref<1x1x40xi32, #tpu.memory_space<vmem>> -> memref<40xi32, #tpu.memory_space<vmem>>
        %dma_wait3A_1031 = arith.constant 0 : i32
        %dma_wait3A_1032 = tpu.memref_slice %arg2[%dma_wait3A_1031] : memref<320000xi32, #tpu.memory_space<hbm>> -> memref<40xi32, #tpu.memory_space<hbm>>
        tpu.wait_dma2 semaphore(%dma_wait3A_1027 : memref<!tpu.dma_semaphore, #tpu.memory_space<semaphore_mem>>) src(%dma_wait3A_1032 : memref<40xi32, #tpu.memory_space<hbm>>) dst(%dma_wait3A_1030 : memref<40xi32, #tpu.memory_space<vmem>>)
        %dma_wait3A_1033 = arith.constant 0 : i32
        %dma_wait3A_1034 = arith.constant 0 : i32
        %dma_wait3A_1035 = arith.constant 0 : i32
        %dma_wait3A_1036 = arith.constant 0 : i32
        %dma_wait3A_1037 = arith.constant 0 : i32
        %dma_wait3A_1038 = tpu.memref_slice %arg7[%dma_wait3A_1033, %dma_wait3A_1034, %dma_wait3A_1037] : memref<2x5x40xi32, #tpu.memory_space<vmem>> -> memref<1x1x40xi32, #tpu.memory_space<vmem>>
        %dma_wait3A_1039 = tpu.memref_squeeze %dma_wait3A_1038 : memref<1x1x40xi32, #tpu.memory_space<vmem>> -> memref<40xi32, #tpu.memory_space<vmem>>
        %dma_wait3A_1040 = arith.constant 0 : i32
        %dma_wait3A_1041 = tpu.memref_slice %arg3[%dma_wait3A_1040] : memref<320000xi32, #tpu.memory_space<hbm>> -> memref<40xi32, #tpu.memory_space<hbm>>
        %dma_wait3A_1042 = tpu.memref_slice %arg9[%dma_wait3A_1035, %dma_wait3A_1036] : memref<2x5x!tpu.dma_semaphore, #tpu.memory_space<semaphore_mem>> -> memref<1x1x!tpu.dma_semaphore, #tpu.memory_space<semaphore_mem>>
        %dma_wait3A_1043 = tpu.memref_squeeze %dma_wait3A_1042 : memref<1x1x!tpu.dma_semaphore, #tpu.memory_space<semaphore_mem>> -> memref<!tpu.dma_semaphore, #tpu.memory_space<semaphore_mem>>
        %dma_wait3A_1044 = arith.constant 0 : i32
        %dma_wait3A_1045 = tpu.memref_slice %arg7[%dma_wait3A_1033, %dma_wait3A_1034, %dma_wait3A_1044] : memref<2x5x40xi32, #tpu.memory_space<vmem>> -> memref<1x1x40xi32, #tpu.memory_space<vmem>>
        %dma_wait3A_1046 = tpu.memref_squeeze %dma_wait3A_1045 : memref<1x1x40xi32, #tpu.memory_space<vmem>> -> memref<40xi32, #tpu.memory_space<vmem>>
        %dma_wait3A_1047 = arith.constant 0 : i32
        %dma_wait3A_1048 = tpu.memref_slice %arg3[%dma_wait3A_1047] : memref<320000xi32, #tpu.memory_space<hbm>> -> memref<40xi32, #tpu.memory_space<hbm>>
        tpu.wait_dma2 semaphore(%dma_wait3A_1043 : memref<!tpu.dma_semaphore, #tpu.memory_space<semaphore_mem>>) src(%dma_wait3A_1048 : memref<40xi32, #tpu.memory_space<hbm>>) dst(%dma_wait3A_1046 : memref<40xi32, #tpu.memory_space<vmem>>)
        %dma_start3A_1049 = arith.constant 0 : i32
        %dma_start3A_1050 = arith.constant 0 : i32
        %dma_start3A_1051 = arith.constant 0 : i32
        %dma_start3A_1052 = arith.constant 0 : i32
        %dma_start3A_1053 = arith.constant 0 : i32
        %dma_start3A_1054 = arith.constant 0 : i32
        %dma_start3A_1055 = tpu.memref_slice %arg8[%dma_start3A_1051, %dma_start3A_1053, %dma_start3A_1054] : memref<5x40x128xf32, #tpu.memory_space<vmem>> -> memref<1x40x128xf32, #tpu.memory_space<vmem>>
        %dma_start3A_1056 = tpu.memref_squeeze %dma_start3A_1055 : memref<1x40x128xf32, #tpu.memory_space<vmem>> -> memref<40x128xf32, #tpu.memory_space<vmem>>
        %dma_start3A_1057 = arith.constant 0 : i32
        %dma_start3A_1058 = tpu.memref_slice %arg6[%dma_start3A_1049, %dma_start3A_1050, %dma_start3A_1057] : memref<2x5x40xi32, #tpu.memory_space<vmem>> -> memref<1x1x40xi32, #tpu.memory_space<vmem>>
        %dma_start3A_1059 = tpu.memref_squeeze %dma_start3A_1058 : memref<1x1x40xi32, #tpu.memory_space<vmem>> -> memref<40xi32, #tpu.memory_space<vmem>>
        %dma_start3A_1060 = arith.constant 0 : i32
        %dma_start3A_1061 = arith.constant 0 : i32
        %dma_start3A_1062 = tpu.memref_slice %arg4[%dma_start3A_1060, %dma_start3A_1061] : memref<10000x128xf32, #tpu.memory_space<hbm>> -> memref<10000x128xf32, #tpu.memory_space<hbm>>
        %dma_start3A_1063 = tpu.memref_slice %arg10[%dma_start3A_1052] : memref<5x!tpu.dma_semaphore, #tpu.memory_space<semaphore_mem>> -> memref<1x!tpu.dma_semaphore, #tpu.memory_space<semaphore_mem>>
        %dma_start3A_1064 = tpu.memref_squeeze %dma_start3A_1063 : memref<1x!tpu.dma_semaphore, #tpu.memory_space<semaphore_mem>> -> memref<!tpu.dma_semaphore, #tpu.memory_space<semaphore_mem>>
        tpu.enqueue_indirect_dma source(%dma_start3A_1062 : memref<10000x128xf32, #tpu.memory_space<hbm>>) target(%dma_start3A_1056 : memref<40x128xf32, #tpu.memory_space<vmem>>) offsets(%dma_start3A_1059 : memref<40xi32, #tpu.memory_space<vmem>>) semaphore(%dma_start3A_1064 : memref<!tpu.dma_semaphore, #tpu.memory_space<semaphore_mem>>)
      } else {
      }
      %mul3A_869 = arith.constant 2 : i32
      %mul3A_870 = arith.muli %mul3A_869, %scan3A_649 : i32
      %add3A_871 = arith.constant 1 : i32
      %add3A_872 = arith.addi %mul3A_870, %add3A_871 : i32
      %mul3A_873 = arith.constant 5 : i32
      %mul3A_874 = arith.muli %add3A_872, %mul3A_873 : i32
      %add3A_875 = arith.constant 1 : i32
      %add3A_876 = arith.addi %mul3A_874, %add3A_875 : i32
      %dma_wait3A_877 = arith.constant 1 : i32
      %dma_wait3A_878 = arith.constant 1 : i32
      %dma_wait3A_879 = arith.constant 1 : i32
      %dma_wait3A_880 = arith.constant 1 : i32
      %dma_wait3A_881 = arith.constant 0 : i32
      %dma_wait3A_882 = arith.constant 0 : i32
      %dma_wait3A_883 = tpu.memref_slice %arg8[%dma_wait3A_879, %dma_wait3A_881, %dma_wait3A_882] : memref<5x40x128xf32, #tpu.memory_space<vmem>> -> memref<1x40x128xf32, #tpu.memory_space<vmem>>
      %dma_wait3A_884 = tpu.memref_squeeze %dma_wait3A_883 : memref<1x40x128xf32, #tpu.memory_space<vmem>> -> memref<40x128xf32, #tpu.memory_space<vmem>>
      %dma_wait3A_885 = arith.constant 0 : i32
      %dma_wait3A_886 = tpu.memref_slice %arg6[%dma_wait3A_877, %dma_wait3A_878, %dma_wait3A_885] : memref<2x5x40xi32, #tpu.memory_space<vmem>> -> memref<1x1x40xi32, #tpu.memory_space<vmem>>
      %dma_wait3A_887 = tpu.memref_squeeze %dma_wait3A_886 : memref<1x1x40xi32, #tpu.memory_space<vmem>> -> memref<40xi32, #tpu.memory_space<vmem>>
      %dma_wait3A_888 = arith.constant 0 : i32
      %dma_wait3A_889 = arith.constant 0 : i32
      %dma_wait3A_890 = tpu.memref_slice %arg4[%dma_wait3A_888, %dma_wait3A_889] : memref<10000x128xf32, #tpu.memory_space<hbm>> -> memref<10000x128xf32, #tpu.memory_space<hbm>>
      %dma_wait3A_891 = tpu.memref_slice %arg10[%dma_wait3A_880] : memref<5x!tpu.dma_semaphore, #tpu.memory_space<semaphore_mem>> -> memref<1x!tpu.dma_semaphore, #tpu.memory_space<semaphore_mem>>
      %dma_wait3A_892 = tpu.memref_squeeze %dma_wait3A_891 : memref<1x!tpu.dma_semaphore, #tpu.memory_space<semaphore_mem>> -> memref<!tpu.dma_semaphore, #tpu.memory_space<semaphore_mem>>
      tpu.wait_indirect_dma semaphore(%dma_wait3A_892 : memref<!tpu.dma_semaphore, #tpu.memory_space<semaphore_mem>>) src(%dma_wait3A_890 : memref<10000x128xf32, #tpu.memory_space<hbm>>) dst(%dma_wait3A_884 : memref<40x128xf32, #tpu.memory_space<vmem>>)
      %run_scoped3A_893 = arith.constant 1 : i32
      %run_scoped3A_894 = arith.constant 1 : i32
      %run_scoped3A_895 = arith.constant 1 : i32
      "tpu.region"() ({
        %run_scoped3A_1017 = tpu.sem_alloc : memref<!tpu.dma_semaphore, #tpu.memory_space<semaphore_mem>>
        %dma_start3A_1018 = arith.constant 0 : i32
        %dma_start3A_1019 = arith.constant 0 : i32
        %dma_start3A_1020 = tpu.memref_slice %arg8[%run_scoped3A_893, %dma_start3A_1018, %dma_start3A_1019] : memref<5x40x128xf32, #tpu.memory_space<vmem>> -> memref<1x40x128xf32, #tpu.memory_space<vmem>>
        %dma_start3A_1021 = tpu.memref_squeeze %dma_start3A_1020 : memref<1x40x128xf32, #tpu.memory_space<vmem>> -> memref<40x128xf32, #tpu.memory_space<vmem>>
        %dma_start3A_1022 = arith.constant 0 : i32
        %dma_start3A_1023 = tpu.memref_slice %arg7[%run_scoped3A_894, %run_scoped3A_895, %dma_start3A_1022] : memref<2x5x40xi32, #tpu.memory_space<vmem>> -> memref<1x1x40xi32, #tpu.memory_space<vmem>>
        %dma_start3A_1024 = tpu.memref_squeeze %dma_start3A_1023 : memref<1x1x40xi32, #tpu.memory_space<vmem>> -> memref<40xi32, #tpu.memory_space<vmem>>
        %dma_start3A_1025 = arith.constant 0 : i32
        %dma_start3A_1026 = arith.constant 0 : i32
        %dma_start3A_1027 = tpu.memref_slice %arg11[%dma_start3A_1025, %dma_start3A_1026] : memref<10240x128xf32, #tpu.memory_space<vmem_shared>> -> memref<10240x128xf32, #tpu.memory_space<vmem_shared>>
        tpu.enqueue_indirect_dma source(%dma_start3A_1021 : memref<40x128xf32, #tpu.memory_space<vmem>>) target(%dma_start3A_1027 : memref<10240x128xf32, #tpu.memory_space<vmem_shared>>) offsets(%dma_start3A_1024 : memref<40xi32, #tpu.memory_space<vmem>>) semaphore(%run_scoped3A_1017 : memref<!tpu.dma_semaphore, #tpu.memory_space<semaphore_mem>>) {add = true}
        %dma_wait3A_1028 = arith.constant 0 : i32
        %dma_wait3A_1029 = arith.constant 0 : i32
        %dma_wait3A_1030 = tpu.memref_slice %arg8[%run_scoped3A_893, %dma_wait3A_1028, %dma_wait3A_1029] : memref<5x40x128xf32, #tpu.memory_space<vmem>> -> memref<1x40x128xf32, #tpu.memory_space<vmem>>
        %dma_wait3A_1031 = tpu.memref_squeeze %dma_wait3A_1030 : memref<1x40x128xf32, #tpu.memory_space<vmem>> -> memref<40x128xf32, #tpu.memory_space<vmem>>
        %dma_wait3A_1032 = arith.constant 0 : i32
        %dma_wait3A_1033 = tpu.memref_slice %arg7[%run_scoped3A_894, %run_scoped3A_895, %dma_wait3A_1032] : memref<2x5x40xi32, #tpu.memory_space<vmem>> -> memref<1x1x40xi32, #tpu.memory_space<vmem>>
        %dma_wait3A_1034 = tpu.memref_squeeze %dma_wait3A_1033 : memref<1x1x40xi32, #tpu.memory_space<vmem>> -> memref<40xi32, #tpu.memory_space<vmem>>
        %dma_wait3A_1035 = arith.constant 0 : i32
        %dma_wait3A_1036 = arith.constant 0 : i32
        %dma_wait3A_1037 = tpu.memref_slice %arg11[%dma_wait3A_1035, %dma_wait3A_1036] : memref<10240x128xf32, #tpu.memory_space<vmem_shared>> -> memref<10240x128xf32, #tpu.memory_space<vmem_shared>>
        tpu.wait_indirect_dma semaphore(%run_scoped3A_1017 : memref<!tpu.dma_semaphore, #tpu.memory_space<semaphore_mem>>) src(%dma_wait3A_1031 : memref<40x128xf32, #tpu.memory_space<vmem>>) dst(%dma_wait3A_1037 : memref<10240x128xf32, #tpu.memory_space<vmem_shared>>)
        tpu.yield
      }) : () -> ()
      %lt3A_896 = arith.constant 240 : i32
      %lt3A_897 = arith.cmpi slt, %add3A_876, %lt3A_896 : i32
      %convert_element_type3A_898 = arith.extui %lt3A_897 : i1 to i32
      %cond3A_899 = arith.constant 0 : i32
      %cond3A_900 = arith.cmpi ne, %convert_element_type3A_898, %cond3A_899 : i32
      scf.if %cond3A_900 {
        %add3A_1017 = arith.constant 10 : i32
        %add3A_1018 = arith.addi %add3A_876, %add3A_1017 : i32
        %mul3A_1019 = arith.constant 40 : i32
        %mul3A_1020 = arith.muli %add3A_1018, %mul3A_1019 : i32
        %add3A_1021 = arith.addi %mul3A_2, %mul3A_1020 : i32
        %multiple_of3A_1022 = tpu.assume_multiple %add3A_1021, 8 : i32
        %dma_start3A_1023 = arith.constant 1 : i32
        %dma_start3A_1024 = arith.constant 1 : i32
        %dma_start3A_1025 = arith.constant 1 : i32
        %dma_start3A_1026 = arith.constant 1 : i32
        %dma_start3A_1027 = arith.constant 0 : i32
        %dma_start3A_1028 = tpu.memref_slice %arg6[%dma_start3A_1023, %dma_start3A_1024, %dma_start3A_1027] : memref<2x5x40xi32, #tpu.memory_space<vmem>> -> memref<1x1x40xi32, #tpu.memory_space<vmem>>
        %dma_start3A_1029 = tpu.memref_squeeze %dma_start3A_1028 : memref<1x1x40xi32, #tpu.memory_space<vmem>> -> memref<40xi32, #tpu.memory_space<vmem>>
        %dma_start3A_1030 = tpu.memref_slice %arg2[%multiple_of3A_1022] : memref<320000xi32, #tpu.memory_space<hbm>> -> memref<40xi32, #tpu.memory_space<hbm>>
        %dma_start3A_1031 = tpu.memref_slice %arg9[%dma_start3A_1025, %dma_start3A_1026] : memref<2x5x!tpu.dma_semaphore, #tpu.memory_space<semaphore_mem>> -> memref<1x1x!tpu.dma_semaphore, #tpu.memory_space<semaphore_mem>>
        %dma_start3A_1032 = tpu.memref_squeeze %dma_start3A_1031 : memref<1x1x!tpu.dma_semaphore, #tpu.memory_space<semaphore_mem>> -> memref<!tpu.dma_semaphore, #tpu.memory_space<semaphore_mem>>
        %dma_start3A_1033 = arith.constant 0 : i32
        %dma_start3A_1034 = tpu.memref_slice %arg6[%dma_start3A_1023, %dma_start3A_1024, %dma_start3A_1033] : memref<2x5x40xi32, #tpu.memory_space<vmem>> -> memref<1x1x40xi32, #tpu.memory_space<vmem>>
        %dma_start3A_1035 = tpu.memref_squeeze %dma_start3A_1034 : memref<1x1x40xi32, #tpu.memory_space<vmem>> -> memref<40xi32, #tpu.memory_space<vmem>>
        %dma_start3A_1036 = tpu.memref_slice %arg2[%multiple_of3A_1022] : memref<320000xi32, #tpu.memory_space<hbm>> -> memref<40xi32, #tpu.memory_space<hbm>>
        tpu.enqueue_dma source(%dma_start3A_1036 : memref<40xi32, #tpu.memory_space<hbm>>) target(%dma_start3A_1035 : memref<40xi32, #tpu.memory_space<vmem>>) target_semaphore(%dma_start3A_1032 : memref<!tpu.dma_semaphore, #tpu.memory_space<semaphore_mem>>)
        %dma_start3A_1037 = arith.constant 1 : i32
        %dma_start3A_1038 = arith.constant 1 : i32
        %dma_start3A_1039 = arith.constant 1 : i32
        %dma_start3A_1040 = arith.constant 1 : i32
        %dma_start3A_1041 = arith.constant 0 : i32
        %dma_start3A_1042 = tpu.memref_slice %arg7[%dma_start3A_1037, %dma_start3A_1038, %dma_start3A_1041] : memref<2x5x40xi32, #tpu.memory_space<vmem>> -> memref<1x1x40xi32, #tpu.memory_space<vmem>>
        %dma_start3A_1043 = tpu.memref_squeeze %dma_start3A_1042 : memref<1x1x40xi32, #tpu.memory_space<vmem>> -> memref<40xi32, #tpu.memory_space<vmem>>
        %dma_start3A_1044 = tpu.memref_slice %arg3[%multiple_of3A_1022] : memref<320000xi32, #tpu.memory_space<hbm>> -> memref<40xi32, #tpu.memory_space<hbm>>
        %dma_start3A_1045 = tpu.memref_slice %arg9[%dma_start3A_1039, %dma_start3A_1040] : memref<2x5x!tpu.dma_semaphore, #tpu.memory_space<semaphore_mem>> -> memref<1x1x!tpu.dma_semaphore, #tpu.memory_space<semaphore_mem>>
        %dma_start3A_1046 = tpu.memref_squeeze %dma_start3A_1045 : memref<1x1x!tpu.dma_semaphore, #tpu.memory_space<semaphore_mem>> -> memref<!tpu.dma_semaphore, #tpu.memory_space<semaphore_mem>>
        %dma_start3A_1047 = arith.constant 0 : i32
        %dma_start3A_1048 = tpu.memref_slice %arg7[%dma_start3A_1037, %dma_start3A_1038, %dma_start3A_1047] : memref<2x5x40xi32, #tpu.memory_space<vmem>> -> memref<1x1x40xi32, #tpu.memory_space<vmem>>
        %dma_start3A_1049 = tpu.memref_squeeze %dma_start3A_1048 : memref<1x1x40xi32, #tpu.memory_space<vmem>> -> memref<40xi32, #tpu.memory_space<vmem>>
        %dma_start3A_1050 = tpu.memref_slice %arg3[%multiple_of3A_1022] : memref<320000xi32, #tpu.memory_space<hbm>> -> memref<40xi32, #tpu.memory_space<hbm>>
        tpu.enqueue_dma source(%dma_start3A_1050 : memref<40xi32, #tpu.memory_space<hbm>>) target(%dma_start3A_1049 : memref<40xi32, #tpu.memory_space<vmem>>) target_semaphore(%dma_start3A_1046 : memref<!tpu.dma_semaphore, #tpu.memory_space<semaphore_mem>>)
      } else {
      }
      %lt3A_901 = arith.constant 245 : i32
      %lt3A_902 = arith.cmpi slt, %add3A_876, %lt3A_901 : i32
      %convert_element_type3A_903 = arith.extui %lt3A_902 : i1 to i32
      %cond3A_904 = arith.constant 0 : i32
      %cond3A_905 = arith.cmpi ne, %convert_element_type3A_903, %cond3A_904 : i32
      scf.if %cond3A_905 {
        %dma_wait3A_1017 = arith.constant 0 : i32
        %dma_wait3A_1018 = arith.constant 1 : i32
        %dma_wait3A_1019 = arith.constant 0 : i32
        %dma_wait3A_1020 = arith.constant 1 : i32
        %dma_wait3A_1021 = arith.constant 0 : i32
        %dma_wait3A_1022 = tpu.memref_slice %arg6[%dma_wait3A_1017, %dma_wait3A_1018, %dma_wait3A_1021] : memref<2x5x40xi32, #tpu.memory_space<vmem>> -> memref<1x1x40xi32, #tpu.memory_space<vmem>>
        %dma_wait3A_1023 = tpu.memref_squeeze %dma_wait3A_1022 : memref<1x1x40xi32, #tpu.memory_space<vmem>> -> memref<40xi32, #tpu.memory_space<vmem>>
        %dma_wait3A_1024 = arith.constant 0 : i32
        %dma_wait3A_1025 = tpu.memref_slice %arg2[%dma_wait3A_1024] : memref<320000xi32, #tpu.memory_space<hbm>> -> memref<40xi32, #tpu.memory_space<hbm>>
        %dma_wait3A_1026 = tpu.memref_slice %arg9[%dma_wait3A_1019, %dma_wait3A_1020] : memref<2x5x!tpu.dma_semaphore, #tpu.memory_space<semaphore_mem>> -> memref<1x1x!tpu.dma_semaphore, #tpu.memory_space<semaphore_mem>>
        %dma_wait3A_1027 = tpu.memref_squeeze %dma_wait3A_1026 : memref<1x1x!tpu.dma_semaphore, #tpu.memory_space<semaphore_mem>> -> memref<!tpu.dma_semaphore, #tpu.memory_space<semaphore_mem>>
        %dma_wait3A_1028 = arith.constant 0 : i32
        %dma_wait3A_1029 = tpu.memref_slice %arg6[%dma_wait3A_1017, %dma_wait3A_1018, %dma_wait3A_1028] : memref<2x5x40xi32, #tpu.memory_space<vmem>> -> memref<1x1x40xi32, #tpu.memory_space<vmem>>
        %dma_wait3A_1030 = tpu.memref_squeeze %dma_wait3A_1029 : memref<1x1x40xi32, #tpu.memory_space<vmem>> -> memref<40xi32, #tpu.memory_space<vmem>>
        %dma_wait3A_1031 = arith.constant 0 : i32
        %dma_wait3A_1032 = tpu.memref_slice %arg2[%dma_wait3A_1031] : memref<320000xi32, #tpu.memory_space<hbm>> -> memref<40xi32, #tpu.memory_space<hbm>>
        tpu.wait_dma2 semaphore(%dma_wait3A_1027 : memref<!tpu.dma_semaphore, #tpu.memory_space<semaphore_mem>>) src(%dma_wait3A_1032 : memref<40xi32, #tpu.memory_space<hbm>>) dst(%dma_wait3A_1030 : memref<40xi32, #tpu.memory_space<vmem>>)
        %dma_wait3A_1033 = arith.constant 0 : i32
        %dma_wait3A_1034 = arith.constant 1 : i32
        %dma_wait3A_1035 = arith.constant 0 : i32
        %dma_wait3A_1036 = arith.constant 1 : i32
        %dma_wait3A_1037 = arith.constant 0 : i32
        %dma_wait3A_1038 = tpu.memref_slice %arg7[%dma_wait3A_1033, %dma_wait3A_1034, %dma_wait3A_1037] : memref<2x5x40xi32, #tpu.memory_space<vmem>> -> memref<1x1x40xi32, #tpu.memory_space<vmem>>
        %dma_wait3A_1039 = tpu.memref_squeeze %dma_wait3A_1038 : memref<1x1x40xi32, #tpu.memory_space<vmem>> -> memref<40xi32, #tpu.memory_space<vmem>>
        %dma_wait3A_1040 = arith.constant 0 : i32
        %dma_wait3A_1041 = tpu.memref_slice %arg3[%dma_wait3A_1040] : memref<320000xi32, #tpu.memory_space<hbm>> -> memref<40xi32, #tpu.memory_space<hbm>>
        %dma_wait3A_1042 = tpu.memref_slice %arg9[%dma_wait3A_1035, %dma_wait3A_1036] : memref<2x5x!tpu.dma_semaphore, #tpu.memory_space<semaphore_mem>> -> memref<1x1x!tpu.dma_semaphore, #tpu.memory_space<semaphore_mem>>
        %dma_wait3A_1043 = tpu.memref_squeeze %dma_wait3A_1042 : memref<1x1x!tpu.dma_semaphore, #tpu.memory_space<semaphore_mem>> -> memref<!tpu.dma_semaphore, #tpu.memory_space<semaphore_mem>>
        %dma_wait3A_1044 = arith.constant 0 : i32
        %dma_wait3A_1045 = tpu.memref_slice %arg7[%dma_wait3A_1033, %dma_wait3A_1034, %dma_wait3A_1044] : memref<2x5x40xi32, #tpu.memory_space<vmem>> -> memref<1x1x40xi32, #tpu.memory_space<vmem>>
        %dma_wait3A_1046 = tpu.memref_squeeze %dma_wait3A_1045 : memref<1x1x40xi32, #tpu.memory_space<vmem>> -> memref<40xi32, #tpu.memory_space<vmem>>
        %dma_wait3A_1047 = arith.constant 0 : i32
        %dma_wait3A_1048 = tpu.memref_slice %arg3[%dma_wait3A_1047] : memref<320000xi32, #tpu.memory_space<hbm>> -> memref<40xi32, #tpu.memory_space<hbm>>
        tpu.wait_dma2 semaphore(%dma_wait3A_1043 : memref<!tpu.dma_semaphore, #tpu.memory_space<semaphore_mem>>) src(%dma_wait3A_1048 : memref<40xi32, #tpu.memory_space<hbm>>) dst(%dma_wait3A_1046 : memref<40xi32, #tpu.memory_space<vmem>>)
        %dma_start3A_1049 = arith.constant 0 : i32
        %dma_start3A_1050 = arith.constant 1 : i32
        %dma_start3A_1051 = arith.constant 1 : i32
        %dma_start3A_1052 = arith.constant 1 : i32
        %dma_start3A_1053 = arith.constant 0 : i32
        %dma_start3A_1054 = arith.constant 0 : i32
        %dma_start3A_1055 = tpu.memref_slice %arg8[%dma_start3A_1051, %dma_start3A_1053, %dma_start3A_1054] : memref<5x40x128xf32, #tpu.memory_space<vmem>> -> memref<1x40x128xf32, #tpu.memory_space<vmem>>
        %dma_start3A_1056 = tpu.memref_squeeze %dma_start3A_1055 : memref<1x40x128xf32, #tpu.memory_space<vmem>> -> memref<40x128xf32, #tpu.memory_space<vmem>>
        %dma_start3A_1057 = arith.constant 0 : i32
        %dma_start3A_1058 = tpu.memref_slice %arg6[%dma_start3A_1049, %dma_start3A_1050, %dma_start3A_1057] : memref<2x5x40xi32, #tpu.memory_space<vmem>> -> memref<1x1x40xi32, #tpu.memory_space<vmem>>
        %dma_start3A_1059 = tpu.memref_squeeze %dma_start3A_1058 : memref<1x1x40xi32, #tpu.memory_space<vmem>> -> memref<40xi32, #tpu.memory_space<vmem>>
        %dma_start3A_1060 = arith.constant 0 : i32
        %dma_start3A_1061 = arith.constant 0 : i32
        %dma_start3A_1062 = tpu.memref_slice %arg4[%dma_start3A_1060, %dma_start3A_1061] : memref<10000x128xf32, #tpu.memory_space<hbm>> -> memref<10000x128xf32, #tpu.memory_space<hbm>>
        %dma_start3A_1063 = tpu.memref_slice %arg10[%dma_start3A_1052] : memref<5x!tpu.dma_semaphore, #tpu.memory_space<semaphore_mem>> -> memref<1x!tpu.dma_semaphore, #tpu.memory_space<semaphore_mem>>
        %dma_start3A_1064 = tpu.memref_squeeze %dma_start3A_1063 : memref<1x!tpu.dma_semaphore, #tpu.memory_space<semaphore_mem>> -> memref<!tpu.dma_semaphore, #tpu.memory_space<semaphore_mem>>
        tpu.enqueue_indirect_dma source(%dma_start3A_1062 : memref<10000x128xf32, #tpu.memory_space<hbm>>) target(%dma_start3A_1056 : memref<40x128xf32, #tpu.memory_space<vmem>>) offsets(%dma_start3A_1059 : memref<40xi32, #tpu.memory_space<vmem>>) semaphore(%dma_start3A_1064 : memref<!tpu.dma_semaphore, #tpu.memory_space<semaphore_mem>>)
      } else {
      }
      %mul3A_906 = arith.constant 2 : i32
      %mul3A_907 = arith.muli %mul3A_906, %scan3A_649 : i32
      %add3A_908 = arith.constant 1 : i32
      %add3A_909 = arith.addi %mul3A_907, %add3A_908 : i32
      %mul3A_910 = arith.constant 5 : i32
      %mul3A_911 = arith.muli %add3A_909, %mul3A_910 : i32
      %add3A_912 = arith.constant 2 : i32
      %add3A_913 = arith.addi %mul3A_911, %add3A_912 : i32
      %dma_wait3A_914 = arith.constant 1 : i32
      %dma_wait3A_915 = arith.constant 2 : i32
      %dma_wait3A_916 = arith.constant 2 : i32
      %dma_wait3A_917 = arith.constant 2 : i32
      %dma_wait3A_918 = arith.constant 0 : i32
      %dma_wait3A_919 = arith.constant 0 : i32
      %dma_wait3A_920 = tpu.memref_slice %arg8[%dma_wait3A_916, %dma_wait3A_918, %dma_wait3A_919] : memref<5x40x128xf32, #tpu.memory_space<vmem>> -> memref<1x40x128xf32, #tpu.memory_space<vmem>>
      %dma_wait3A_921 = tpu.memref_squeeze %dma_wait3A_920 : memref<1x40x128xf32, #tpu.memory_space<vmem>> -> memref<40x128xf32, #tpu.memory_space<vmem>>
      %dma_wait3A_922 = arith.constant 0 : i32
      %dma_wait3A_923 = tpu.memref_slice %arg6[%dma_wait3A_914, %dma_wait3A_915, %dma_wait3A_922] : memref<2x5x40xi32, #tpu.memory_space<vmem>> -> memref<1x1x40xi32, #tpu.memory_space<vmem>>
      %dma_wait3A_924 = tpu.memref_squeeze %dma_wait3A_923 : memref<1x1x40xi32, #tpu.memory_space<vmem>> -> memref<40xi32, #tpu.memory_space<vmem>>
      %dma_wait3A_925 = arith.constant 0 : i32
      %dma_wait3A_926 = arith.constant 0 : i32
      %dma_wait3A_927 = tpu.memref_slice %arg4[%dma_wait3A_925, %dma_wait3A_926] : memref<10000x128xf32, #tpu.memory_space<hbm>> -> memref<10000x128xf32, #tpu.memory_space<hbm>>
      %dma_wait3A_928 = tpu.memref_slice %arg10[%dma_wait3A_917] : memref<5x!tpu.dma_semaphore, #tpu.memory_space<semaphore_mem>> -> memref<1x!tpu.dma_semaphore, #tpu.memory_space<semaphore_mem>>
      %dma_wait3A_929 = tpu.memref_squeeze %dma_wait3A_928 : memref<1x!tpu.dma_semaphore, #tpu.memory_space<semaphore_mem>> -> memref<!tpu.dma_semaphore, #tpu.memory_space<semaphore_mem>>
      tpu.wait_indirect_dma semaphore(%dma_wait3A_929 : memref<!tpu.dma_semaphore, #tpu.memory_space<semaphore_mem>>) src(%dma_wait3A_927 : memref<10000x128xf32, #tpu.memory_space<hbm>>) dst(%dma_wait3A_921 : memref<40x128xf32, #tpu.memory_space<vmem>>)
      %run_scoped3A_930 = arith.constant 2 : i32
      %run_scoped3A_931 = arith.constant 1 : i32
      %run_scoped3A_932 = arith.constant 2 : i32
      "tpu.region"() ({
        %run_scoped3A_1017 = tpu.sem_alloc : memref<!tpu.dma_semaphore, #tpu.memory_space<semaphore_mem>>
        %dma_start3A_1018 = arith.constant 0 : i32
        %dma_start3A_1019 = arith.constant 0 : i32
        %dma_start3A_1020 = tpu.memref_slice %arg8[%run_scoped3A_930, %dma_start3A_1018, %dma_start3A_1019] : memref<5x40x128xf32, #tpu.memory_space<vmem>> -> memref<1x40x128xf32, #tpu.memory_space<vmem>>
        %dma_start3A_1021 = tpu.memref_squeeze %dma_start3A_1020 : memref<1x40x128xf32, #tpu.memory_space<vmem>> -> memref<40x128xf32, #tpu.memory_space<vmem>>
        %dma_start3A_1022 = arith.constant 0 : i32
        %dma_start3A_1023 = tpu.memref_slice %arg7[%run_scoped3A_931, %run_scoped3A_932, %dma_start3A_1022] : memref<2x5x40xi32, #tpu.memory_space<vmem>> -> memref<1x1x40xi32, #tpu.memory_space<vmem>>
        %dma_start3A_1024 = tpu.memref_squeeze %dma_start3A_1023 : memref<1x1x40xi32, #tpu.memory_space<vmem>> -> memref<40xi32, #tpu.memory_space<vmem>>
        %dma_start3A_1025 = arith.constant 0 : i32
        %dma_start3A_1026 = arith.constant 0 : i32
        %dma_start3A_1027 = tpu.memref_slice %arg11[%dma_start3A_1025, %dma_start3A_1026] : memref<10240x128xf32, #tpu.memory_space<vmem_shared>> -> memref<10240x128xf32, #tpu.memory_space<vmem_shared>>
        tpu.enqueue_indirect_dma source(%dma_start3A_1021 : memref<40x128xf32, #tpu.memory_space<vmem>>) target(%dma_start3A_1027 : memref<10240x128xf32, #tpu.memory_space<vmem_shared>>) offsets(%dma_start3A_1024 : memref<40xi32, #tpu.memory_space<vmem>>) semaphore(%run_scoped3A_1017 : memref<!tpu.dma_semaphore, #tpu.memory_space<semaphore_mem>>) {add = true}
        %dma_wait3A_1028 = arith.constant 0 : i32
        %dma_wait3A_1029 = arith.constant 0 : i32
        %dma_wait3A_1030 = tpu.memref_slice %arg8[%run_scoped3A_930, %dma_wait3A_1028, %dma_wait3A_1029] : memref<5x40x128xf32, #tpu.memory_space<vmem>> -> memref<1x40x128xf32, #tpu.memory_space<vmem>>
        %dma_wait3A_1031 = tpu.memref_squeeze %dma_wait3A_1030 : memref<1x40x128xf32, #tpu.memory_space<vmem>> -> memref<40x128xf32, #tpu.memory_space<vmem>>
        %dma_wait3A_1032 = arith.constant 0 : i32
        %dma_wait3A_1033 = tpu.memref_slice %arg7[%run_scoped3A_931, %run_scoped3A_932, %dma_wait3A_1032] : memref<2x5x40xi32, #tpu.memory_space<vmem>> -> memref<1x1x40xi32, #tpu.memory_space<vmem>>
        %dma_wait3A_1034 = tpu.memref_squeeze %dma_wait3A_1033 : memref<1x1x40xi32, #tpu.memory_space<vmem>> -> memref<40xi32, #tpu.memory_space<vmem>>
        %dma_wait3A_1035 = arith.constant 0 : i32
        %dma_wait3A_1036 = arith.constant 0 : i32
        %dma_wait3A_1037 = tpu.memref_slice %arg11[%dma_wait3A_1035, %dma_wait3A_1036] : memref<10240x128xf32, #tpu.memory_space<vmem_shared>> -> memref<10240x128xf32, #tpu.memory_space<vmem_shared>>
        tpu.wait_indirect_dma semaphore(%run_scoped3A_1017 : memref<!tpu.dma_semaphore, #tpu.memory_space<semaphore_mem>>) src(%dma_wait3A_1031 : memref<40x128xf32, #tpu.memory_space<vmem>>) dst(%dma_wait3A_1037 : memref<10240x128xf32, #tpu.memory_space<vmem_shared>>)
        tpu.yield
      }) : () -> ()
      %lt3A_933 = arith.constant 240 : i32
      %lt3A_934 = arith.cmpi slt, %add3A_913, %lt3A_933 : i32
      %convert_element_type3A_935 = arith.extui %lt3A_934 : i1 to i32
      %cond3A_936 = arith.constant 0 : i32
      %cond3A_937 = arith.cmpi ne, %convert_element_type3A_935, %cond3A_936 : i32
      scf.if %cond3A_937 {
        %add3A_1017 = arith.constant 10 : i32
        %add3A_1018 = arith.addi %add3A_913, %add3A_1017 : i32
        %mul3A_1019 = arith.constant 40 : i32
        %mul3A_1020 = arith.muli %add3A_1018, %mul3A_1019 : i32
        %add3A_1021 = arith.addi %mul3A_2, %mul3A_1020 : i32
        %multiple_of3A_1022 = tpu.assume_multiple %add3A_1021, 8 : i32
        %dma_start3A_1023 = arith.constant 1 : i32
        %dma_start3A_1024 = arith.constant 2 : i32
        %dma_start3A_1025 = arith.constant 1 : i32
        %dma_start3A_1026 = arith.constant 2 : i32
        %dma_start3A_1027 = arith.constant 0 : i32
        %dma_start3A_1028 = tpu.memref_slice %arg6[%dma_start3A_1023, %dma_start3A_1024, %dma_start3A_1027] : memref<2x5x40xi32, #tpu.memory_space<vmem>> -> memref<1x1x40xi32, #tpu.memory_space<vmem>>
        %dma_start3A_1029 = tpu.memref_squeeze %dma_start3A_1028 : memref<1x1x40xi32, #tpu.memory_space<vmem>> -> memref<40xi32, #tpu.memory_space<vmem>>
        %dma_start3A_1030 = tpu.memref_slice %arg2[%multiple_of3A_1022] : memref<320000xi32, #tpu.memory_space<hbm>> -> memref<40xi32, #tpu.memory_space<hbm>>
        %dma_start3A_1031 = tpu.memref_slice %arg9[%dma_start3A_1025, %dma_start3A_1026] : memref<2x5x!tpu.dma_semaphore, #tpu.memory_space<semaphore_mem>> -> memref<1x1x!tpu.dma_semaphore, #tpu.memory_space<semaphore_mem>>
        %dma_start3A_1032 = tpu.memref_squeeze %dma_start3A_1031 : memref<1x1x!tpu.dma_semaphore, #tpu.memory_space<semaphore_mem>> -> memref<!tpu.dma_semaphore, #tpu.memory_space<semaphore_mem>>
        %dma_start3A_1033 = arith.constant 0 : i32
        %dma_start3A_1034 = tpu.memref_slice %arg6[%dma_start3A_1023, %dma_start3A_1024, %dma_start3A_1033] : memref<2x5x40xi32, #tpu.memory_space<vmem>> -> memref<1x1x40xi32, #tpu.memory_space<vmem>>
        %dma_start3A_1035 = tpu.memref_squeeze %dma_start3A_1034 : memref<1x1x40xi32, #tpu.memory_space<vmem>> -> memref<40xi32, #tpu.memory_space<vmem>>
        %dma_start3A_1036 = tpu.memref_slice %arg2[%multiple_of3A_1022] : memref<320000xi32, #tpu.memory_space<hbm>> -> memref<40xi32, #tpu.memory_space<hbm>>
        tpu.enqueue_dma source(%dma_start3A_1036 : memref<40xi32, #tpu.memory_space<hbm>>) target(%dma_start3A_1035 : memref<40xi32, #tpu.memory_space<vmem>>) target_semaphore(%dma_start3A_1032 : memref<!tpu.dma_semaphore, #tpu.memory_space<semaphore_mem>>)
        %dma_start3A_1037 = arith.constant 1 : i32
        %dma_start3A_1038 = arith.constant 2 : i32
        %dma_start3A_1039 = arith.constant 1 : i32
        %dma_start3A_1040 = arith.constant 2 : i32
        %dma_start3A_1041 = arith.constant 0 : i32
        %dma_start3A_1042 = tpu.memref_slice %arg7[%dma_start3A_1037, %dma_start3A_1038, %dma_start3A_1041] : memref<2x5x40xi32, #tpu.memory_space<vmem>> -> memref<1x1x40xi32, #tpu.memory_space<vmem>>
        %dma_start3A_1043 = tpu.memref_squeeze %dma_start3A_1042 : memref<1x1x40xi32, #tpu.memory_space<vmem>> -> memref<40xi32, #tpu.memory_space<vmem>>
        %dma_start3A_1044 = tpu.memref_slice %arg3[%multiple_of3A_1022] : memref<320000xi32, #tpu.memory_space<hbm>> -> memref<40xi32, #tpu.memory_space<hbm>>
        %dma_start3A_1045 = tpu.memref_slice %arg9[%dma_start3A_1039, %dma_start3A_1040] : memref<2x5x!tpu.dma_semaphore, #tpu.memory_space<semaphore_mem>> -> memref<1x1x!tpu.dma_semaphore, #tpu.memory_space<semaphore_mem>>
        %dma_start3A_1046 = tpu.memref_squeeze %dma_start3A_1045 : memref<1x1x!tpu.dma_semaphore, #tpu.memory_space<semaphore_mem>> -> memref<!tpu.dma_semaphore, #tpu.memory_space<semaphore_mem>>
        %dma_start3A_1047 = arith.constant 0 : i32
        %dma_start3A_1048 = tpu.memref_slice %arg7[%dma_start3A_1037, %dma_start3A_1038, %dma_start3A_1047] : memref<2x5x40xi32, #tpu.memory_space<vmem>> -> memref<1x1x40xi32, #tpu.memory_space<vmem>>
        %dma_start3A_1049 = tpu.memref_squeeze %dma_start3A_1048 : memref<1x1x40xi32, #tpu.memory_space<vmem>> -> memref<40xi32, #tpu.memory_space<vmem>>
        %dma_start3A_1050 = tpu.memref_slice %arg3[%multiple_of3A_1022] : memref<320000xi32, #tpu.memory_space<hbm>> -> memref<40xi32, #tpu.memory_space<hbm>>
        tpu.enqueue_dma source(%dma_start3A_1050 : memref<40xi32, #tpu.memory_space<hbm>>) target(%dma_start3A_1049 : memref<40xi32, #tpu.memory_space<vmem>>) target_semaphore(%dma_start3A_1046 : memref<!tpu.dma_semaphore, #tpu.memory_space<semaphore_mem>>)
      } else {
      }
      %lt3A_938 = arith.constant 245 : i32
      %lt3A_939 = arith.cmpi slt, %add3A_913, %lt3A_938 : i32
      %convert_element_type3A_940 = arith.extui %lt3A_939 : i1 to i32
      %cond3A_941 = arith.constant 0 : i32
      %cond3A_942 = arith.cmpi ne, %convert_element_type3A_940, %cond3A_941 : i32
      scf.if %cond3A_942 {
        %dma_wait3A_1017 = arith.constant 0 : i32
        %dma_wait3A_1018 = arith.constant 2 : i32
        %dma_wait3A_1019 = arith.constant 0 : i32
        %dma_wait3A_1020 = arith.constant 2 : i32
        %dma_wait3A_1021 = arith.constant 0 : i32
        %dma_wait3A_1022 = tpu.memref_slice %arg6[%dma_wait3A_1017, %dma_wait3A_1018, %dma_wait3A_1021] : memref<2x5x40xi32, #tpu.memory_space<vmem>> -> memref<1x1x40xi32, #tpu.memory_space<vmem>>
        %dma_wait3A_1023 = tpu.memref_squeeze %dma_wait3A_1022 : memref<1x1x40xi32, #tpu.memory_space<vmem>> -> memref<40xi32, #tpu.memory_space<vmem>>
        %dma_wait3A_1024 = arith.constant 0 : i32
        %dma_wait3A_1025 = tpu.memref_slice %arg2[%dma_wait3A_1024] : memref<320000xi32, #tpu.memory_space<hbm>> -> memref<40xi32, #tpu.memory_space<hbm>>
        %dma_wait3A_1026 = tpu.memref_slice %arg9[%dma_wait3A_1019, %dma_wait3A_1020] : memref<2x5x!tpu.dma_semaphore, #tpu.memory_space<semaphore_mem>> -> memref<1x1x!tpu.dma_semaphore, #tpu.memory_space<semaphore_mem>>
        %dma_wait3A_1027 = tpu.memref_squeeze %dma_wait3A_1026 : memref<1x1x!tpu.dma_semaphore, #tpu.memory_space<semaphore_mem>> -> memref<!tpu.dma_semaphore, #tpu.memory_space<semaphore_mem>>
        %dma_wait3A_1028 = arith.constant 0 : i32
        %dma_wait3A_1029 = tpu.memref_slice %arg6[%dma_wait3A_1017, %dma_wait3A_1018, %dma_wait3A_1028] : memref<2x5x40xi32, #tpu.memory_space<vmem>> -> memref<1x1x40xi32, #tpu.memory_space<vmem>>
        %dma_wait3A_1030 = tpu.memref_squeeze %dma_wait3A_1029 : memref<1x1x40xi32, #tpu.memory_space<vmem>> -> memref<40xi32, #tpu.memory_space<vmem>>
        %dma_wait3A_1031 = arith.constant 0 : i32
        %dma_wait3A_1032 = tpu.memref_slice %arg2[%dma_wait3A_1031] : memref<320000xi32, #tpu.memory_space<hbm>> -> memref<40xi32, #tpu.memory_space<hbm>>
        tpu.wait_dma2 semaphore(%dma_wait3A_1027 : memref<!tpu.dma_semaphore, #tpu.memory_space<semaphore_mem>>) src(%dma_wait3A_1032 : memref<40xi32, #tpu.memory_space<hbm>>) dst(%dma_wait3A_1030 : memref<40xi32, #tpu.memory_space<vmem>>)
        %dma_wait3A_1033 = arith.constant 0 : i32
        %dma_wait3A_1034 = arith.constant 2 : i32
        %dma_wait3A_1035 = arith.constant 0 : i32
        %dma_wait3A_1036 = arith.constant 2 : i32
        %dma_wait3A_1037 = arith.constant 0 : i32
        %dma_wait3A_1038 = tpu.memref_slice %arg7[%dma_wait3A_1033, %dma_wait3A_1034, %dma_wait3A_1037] : memref<2x5x40xi32, #tpu.memory_space<vmem>> -> memref<1x1x40xi32, #tpu.memory_space<vmem>>
        %dma_wait3A_1039 = tpu.memref_squeeze %dma_wait3A_1038 : memref<1x1x40xi32, #tpu.memory_space<vmem>> -> memref<40xi32, #tpu.memory_space<vmem>>
        %dma_wait3A_1040 = arith.constant 0 : i32
        %dma_wait3A_1041 = tpu.memref_slice %arg3[%dma_wait3A_1040] : memref<320000xi32, #tpu.memory_space<hbm>> -> memref<40xi32, #tpu.memory_space<hbm>>
        %dma_wait3A_1042 = tpu.memref_slice %arg9[%dma_wait3A_1035, %dma_wait3A_1036] : memref<2x5x!tpu.dma_semaphore, #tpu.memory_space<semaphore_mem>> -> memref<1x1x!tpu.dma_semaphore, #tpu.memory_space<semaphore_mem>>
        %dma_wait3A_1043 = tpu.memref_squeeze %dma_wait3A_1042 : memref<1x1x!tpu.dma_semaphore, #tpu.memory_space<semaphore_mem>> -> memref<!tpu.dma_semaphore, #tpu.memory_space<semaphore_mem>>
        %dma_wait3A_1044 = arith.constant 0 : i32
        %dma_wait3A_1045 = tpu.memref_slice %arg7[%dma_wait3A_1033, %dma_wait3A_1034, %dma_wait3A_1044] : memref<2x5x40xi32, #tpu.memory_space<vmem>> -> memref<1x1x40xi32, #tpu.memory_space<vmem>>
        %dma_wait3A_1046 = tpu.memref_squeeze %dma_wait3A_1045 : memref<1x1x40xi32, #tpu.memory_space<vmem>> -> memref<40xi32, #tpu.memory_space<vmem>>
        %dma_wait3A_1047 = arith.constant 0 : i32
        %dma_wait3A_1048 = tpu.memref_slice %arg3[%dma_wait3A_1047] : memref<320000xi32, #tpu.memory_space<hbm>> -> memref<40xi32, #tpu.memory_space<hbm>>
        tpu.wait_dma2 semaphore(%dma_wait3A_1043 : memref<!tpu.dma_semaphore, #tpu.memory_space<semaphore_mem>>) src(%dma_wait3A_1048 : memref<40xi32, #tpu.memory_space<hbm>>) dst(%dma_wait3A_1046 : memref<40xi32, #tpu.memory_space<vmem>>)
        %dma_start3A_1049 = arith.constant 0 : i32
        %dma_start3A_1050 = arith.constant 2 : i32
        %dma_start3A_1051 = arith.constant 2 : i32
        %dma_start3A_1052 = arith.constant 2 : i32
        %dma_start3A_1053 = arith.constant 0 : i32
        %dma_start3A_1054 = arith.constant 0 : i32
        %dma_start3A_1055 = tpu.memref_slice %arg8[%dma_start3A_1051, %dma_start3A_1053, %dma_start3A_1054] : memref<5x40x128xf32, #tpu.memory_space<vmem>> -> memref<1x40x128xf32, #tpu.memory_space<vmem>>
        %dma_start3A_1056 = tpu.memref_squeeze %dma_start3A_1055 : memref<1x40x128xf32, #tpu.memory_space<vmem>> -> memref<40x128xf32, #tpu.memory_space<vmem>>
        %dma_start3A_1057 = arith.constant 0 : i32
        %dma_start3A_1058 = tpu.memref_slice %arg6[%dma_start3A_1049, %dma_start3A_1050, %dma_start3A_1057] : memref<2x5x40xi32, #tpu.memory_space<vmem>> -> memref<1x1x40xi32, #tpu.memory_space<vmem>>
        %dma_start3A_1059 = tpu.memref_squeeze %dma_start3A_1058 : memref<1x1x40xi32, #tpu.memory_space<vmem>> -> memref<40xi32, #tpu.memory_space<vmem>>
        %dma_start3A_1060 = arith.constant 0 : i32
        %dma_start3A_1061 = arith.constant 0 : i32
        %dma_start3A_1062 = tpu.memref_slice %arg4[%dma_start3A_1060, %dma_start3A_1061] : memref<10000x128xf32, #tpu.memory_space<hbm>> -> memref<10000x128xf32, #tpu.memory_space<hbm>>
        %dma_start3A_1063 = tpu.memref_slice %arg10[%dma_start3A_1052] : memref<5x!tpu.dma_semaphore, #tpu.memory_space<semaphore_mem>> -> memref<1x!tpu.dma_semaphore, #tpu.memory_space<semaphore_mem>>
        %dma_start3A_1064 = tpu.memref_squeeze %dma_start3A_1063 : memref<1x!tpu.dma_semaphore, #tpu.memory_space<semaphore_mem>> -> memref<!tpu.dma_semaphore, #tpu.memory_space<semaphore_mem>>
        tpu.enqueue_indirect_dma source(%dma_start3A_1062 : memref<10000x128xf32, #tpu.memory_space<hbm>>) target(%dma_start3A_1056 : memref<40x128xf32, #tpu.memory_space<vmem>>) offsets(%dma_start3A_1059 : memref<40xi32, #tpu.memory_space<vmem>>) semaphore(%dma_start3A_1064 : memref<!tpu.dma_semaphore, #tpu.memory_space<semaphore_mem>>)
      } else {
      }
      %mul3A_943 = arith.constant 2 : i32
      %mul3A_944 = arith.muli %mul3A_943, %scan3A_649 : i32
      %add3A_945 = arith.constant 1 : i32
      %add3A_946 = arith.addi %mul3A_944, %add3A_945 : i32
      %mul3A_947 = arith.constant 5 : i32
      %mul3A_948 = arith.muli %add3A_946, %mul3A_947 : i32
      %add3A_949 = arith.constant 3 : i32
      %add3A_950 = arith.addi %mul3A_948, %add3A_949 : i32
      %dma_wait3A_951 = arith.constant 1 : i32
      %dma_wait3A_952 = arith.constant 3 : i32
      %dma_wait3A_953 = arith.constant 3 : i32
      %dma_wait3A_954 = arith.constant 3 : i32
      %dma_wait3A_955 = arith.constant 0 : i32
      %dma_wait3A_956 = arith.constant 0 : i32
      %dma_wait3A_957 = tpu.memref_slice %arg8[%dma_wait3A_953, %dma_wait3A_955, %dma_wait3A_956] : memref<5x40x128xf32, #tpu.memory_space<vmem>> -> memref<1x40x128xf32, #tpu.memory_space<vmem>>
      %dma_wait3A_958 = tpu.memref_squeeze %dma_wait3A_957 : memref<1x40x128xf32, #tpu.memory_space<vmem>> -> memref<40x128xf32, #tpu.memory_space<vmem>>
      %dma_wait3A_959 = arith.constant 0 : i32
      %dma_wait3A_960 = tpu.memref_slice %arg6[%dma_wait3A_951, %dma_wait3A_952, %dma_wait3A_959] : memref<2x5x40xi32, #tpu.memory_space<vmem>> -> memref<1x1x40xi32, #tpu.memory_space<vmem>>
      %dma_wait3A_961 = tpu.memref_squeeze %dma_wait3A_960 : memref<1x1x40xi32, #tpu.memory_space<vmem>> -> memref<40xi32, #tpu.memory_space<vmem>>
      %dma_wait3A_962 = arith.constant 0 : i32
      %dma_wait3A_963 = arith.constant 0 : i32
      %dma_wait3A_964 = tpu.memref_slice %arg4[%dma_wait3A_962, %dma_wait3A_963] : memref<10000x128xf32, #tpu.memory_space<hbm>> -> memref<10000x128xf32, #tpu.memory_space<hbm>>
      %dma_wait3A_965 = tpu.memref_slice %arg10[%dma_wait3A_954] : memref<5x!tpu.dma_semaphore, #tpu.memory_space<semaphore_mem>> -> memref<1x!tpu.dma_semaphore, #tpu.memory_space<semaphore_mem>>
      %dma_wait3A_966 = tpu.memref_squeeze %dma_wait3A_965 : memref<1x!tpu.dma_semaphore, #tpu.memory_space<semaphore_mem>> -> memref<!tpu.dma_semaphore, #tpu.memory_space<semaphore_mem>>
      tpu.wait_indirect_dma semaphore(%dma_wait3A_966 : memref<!tpu.dma_semaphore, #tpu.memory_space<semaphore_mem>>) src(%dma_wait3A_964 : memref<10000x128xf32, #tpu.memory_space<hbm>>) dst(%dma_wait3A_958 : memref<40x128xf32, #tpu.memory_space<vmem>>)
      %run_scoped3A_967 = arith.constant 3 : i32
      %run_scoped3A_968 = arith.constant 1 : i32
      %run_scoped3A_969 = arith.constant 3 : i32
      "tpu.region"() ({
        %run_scoped3A_1017 = tpu.sem_alloc : memref<!tpu.dma_semaphore, #tpu.memory_space<semaphore_mem>>
        %dma_start3A_1018 = arith.constant 0 : i32
        %dma_start3A_1019 = arith.constant 0 : i32
        %dma_start3A_1020 = tpu.memref_slice %arg8[%run_scoped3A_967, %dma_start3A_1018, %dma_start3A_1019] : memref<5x40x128xf32, #tpu.memory_space<vmem>> -> memref<1x40x128xf32, #tpu.memory_space<vmem>>
        %dma_start3A_1021 = tpu.memref_squeeze %dma_start3A_1020 : memref<1x40x128xf32, #tpu.memory_space<vmem>> -> memref<40x128xf32, #tpu.memory_space<vmem>>
        %dma_start3A_1022 = arith.constant 0 : i32
        %dma_start3A_1023 = tpu.memref_slice %arg7[%run_scoped3A_968, %run_scoped3A_969, %dma_start3A_1022] : memref<2x5x40xi32, #tpu.memory_space<vmem>> -> memref<1x1x40xi32, #tpu.memory_space<vmem>>
        %dma_start3A_1024 = tpu.memref_squeeze %dma_start3A_1023 : memref<1x1x40xi32, #tpu.memory_space<vmem>> -> memref<40xi32, #tpu.memory_space<vmem>>
        %dma_start3A_1025 = arith.constant 0 : i32
        %dma_start3A_1026 = arith.constant 0 : i32
        %dma_start3A_1027 = tpu.memref_slice %arg11[%dma_start3A_1025, %dma_start3A_1026] : memref<10240x128xf32, #tpu.memory_space<vmem_shared>> -> memref<10240x128xf32, #tpu.memory_space<vmem_shared>>
        tpu.enqueue_indirect_dma source(%dma_start3A_1021 : memref<40x128xf32, #tpu.memory_space<vmem>>) target(%dma_start3A_1027 : memref<10240x128xf32, #tpu.memory_space<vmem_shared>>) offsets(%dma_start3A_1024 : memref<40xi32, #tpu.memory_space<vmem>>) semaphore(%run_scoped3A_1017 : memref<!tpu.dma_semaphore, #tpu.memory_space<semaphore_mem>>) {add = true}
        %dma_wait3A_1028 = arith.constant 0 : i32
        %dma_wait3A_1029 = arith.constant 0 : i32
        %dma_wait3A_1030 = tpu.memref_slice %arg8[%run_scoped3A_967, %dma_wait3A_1028, %dma_wait3A_1029] : memref<5x40x128xf32, #tpu.memory_space<vmem>> -> memref<1x40x128xf32, #tpu.memory_space<vmem>>
        %dma_wait3A_1031 = tpu.memref_squeeze %dma_wait3A_1030 : memref<1x40x128xf32, #tpu.memory_space<vmem>> -> memref<40x128xf32, #tpu.memory_space<vmem>>
        %dma_wait3A_1032 = arith.constant 0 : i32
        %dma_wait3A_1033 = tpu.memref_slice %arg7[%run_scoped3A_968, %run_scoped3A_969, %dma_wait3A_1032] : memref<2x5x40xi32, #tpu.memory_space<vmem>> -> memref<1x1x40xi32, #tpu.memory_space<vmem>>
        %dma_wait3A_1034 = tpu.memref_squeeze %dma_wait3A_1033 : memref<1x1x40xi32, #tpu.memory_space<vmem>> -> memref<40xi32, #tpu.memory_space<vmem>>
        %dma_wait3A_1035 = arith.constant 0 : i32
        %dma_wait3A_1036 = arith.constant 0 : i32
        %dma_wait3A_1037 = tpu.memref_slice %arg11[%dma_wait3A_1035, %dma_wait3A_1036] : memref<10240x128xf32, #tpu.memory_space<vmem_shared>> -> memref<10240x128xf32, #tpu.memory_space<vmem_shared>>
        tpu.wait_indirect_dma semaphore(%run_scoped3A_1017 : memref<!tpu.dma_semaphore, #tpu.memory_space<semaphore_mem>>) src(%dma_wait3A_1031 : memref<40x128xf32, #tpu.memory_space<vmem>>) dst(%dma_wait3A_1037 : memref<10240x128xf32, #tpu.memory_space<vmem_shared>>)
        tpu.yield
      }) : () -> ()
      %lt3A_970 = arith.constant 240 : i32
      %lt3A_971 = arith.cmpi slt, %add3A_950, %lt3A_970 : i32
      %convert_element_type3A_972 = arith.extui %lt3A_971 : i1 to i32
      %cond3A_973 = arith.constant 0 : i32
      %cond3A_974 = arith.cmpi ne, %convert_element_type3A_972, %cond3A_973 : i32
      scf.if %cond3A_974 {
        %add3A_1017 = arith.constant 10 : i32
        %add3A_1018 = arith.addi %add3A_950, %add3A_1017 : i32
        %mul3A_1019 = arith.constant 40 : i32
        %mul3A_1020 = arith.muli %add3A_1018, %mul3A_1019 : i32
        %add3A_1021 = arith.addi %mul3A_2, %mul3A_1020 : i32
        %multiple_of3A_1022 = tpu.assume_multiple %add3A_1021, 8 : i32
        %dma_start3A_1023 = arith.constant 1 : i32
        %dma_start3A_1024 = arith.constant 3 : i32
        %dma_start3A_1025 = arith.constant 1 : i32
        %dma_start3A_1026 = arith.constant 3 : i32
        %dma_start3A_1027 = arith.constant 0 : i32
        %dma_start3A_1028 = tpu.memref_slice %arg6[%dma_start3A_1023, %dma_start3A_1024, %dma_start3A_1027] : memref<2x5x40xi32, #tpu.memory_space<vmem>> -> memref<1x1x40xi32, #tpu.memory_space<vmem>>
        %dma_start3A_1029 = tpu.memref_squeeze %dma_start3A_1028 : memref<1x1x40xi32, #tpu.memory_space<vmem>> -> memref<40xi32, #tpu.memory_space<vmem>>
        %dma_start3A_1030 = tpu.memref_slice %arg2[%multiple_of3A_1022] : memref<320000xi32, #tpu.memory_space<hbm>> -> memref<40xi32, #tpu.memory_space<hbm>>
        %dma_start3A_1031 = tpu.memref_slice %arg9[%dma_start3A_1025, %dma_start3A_1026] : memref<2x5x!tpu.dma_semaphore, #tpu.memory_space<semaphore_mem>> -> memref<1x1x!tpu.dma_semaphore, #tpu.memory_space<semaphore_mem>>
        %dma_start3A_1032 = tpu.memref_squeeze %dma_start3A_1031 : memref<1x1x!tpu.dma_semaphore, #tpu.memory_space<semaphore_mem>> -> memref<!tpu.dma_semaphore, #tpu.memory_space<semaphore_mem>>
        %dma_start3A_1033 = arith.constant 0 : i32
        %dma_start3A_1034 = tpu.memref_slice %arg6[%dma_start3A_1023, %dma_start3A_1024, %dma_start3A_1033] : memref<2x5x40xi32, #tpu.memory_space<vmem>> -> memref<1x1x40xi32, #tpu.memory_space<vmem>>
        %dma_start3A_1035 = tpu.memref_squeeze %dma_start3A_1034 : memref<1x1x40xi32, #tpu.memory_space<vmem>> -> memref<40xi32, #tpu.memory_space<vmem>>
        %dma_start3A_1036 = tpu.memref_slice %arg2[%multiple_of3A_1022] : memref<320000xi32, #tpu.memory_space<hbm>> -> memref<40xi32, #tpu.memory_space<hbm>>
        tpu.enqueue_dma source(%dma_start3A_1036 : memref<40xi32, #tpu.memory_space<hbm>>) target(%dma_start3A_1035 : memref<40xi32, #tpu.memory_space<vmem>>) target_semaphore(%dma_start3A_1032 : memref<!tpu.dma_semaphore, #tpu.memory_space<semaphore_mem>>)
        %dma_start3A_1037 = arith.constant 1 : i32
        %dma_start3A_1038 = arith.constant 3 : i32
        %dma_start3A_1039 = arith.constant 1 : i32
        %dma_start3A_1040 = arith.constant 3 : i32
        %dma_start3A_1041 = arith.constant 0 : i32
        %dma_start3A_1042 = tpu.memref_slice %arg7[%dma_start3A_1037, %dma_start3A_1038, %dma_start3A_1041] : memref<2x5x40xi32, #tpu.memory_space<vmem>> -> memref<1x1x40xi32, #tpu.memory_space<vmem>>
        %dma_start3A_1043 = tpu.memref_squeeze %dma_start3A_1042 : memref<1x1x40xi32, #tpu.memory_space<vmem>> -> memref<40xi32, #tpu.memory_space<vmem>>
        %dma_start3A_1044 = tpu.memref_slice %arg3[%multiple_of3A_1022] : memref<320000xi32, #tpu.memory_space<hbm>> -> memref<40xi32, #tpu.memory_space<hbm>>
        %dma_start3A_1045 = tpu.memref_slice %arg9[%dma_start3A_1039, %dma_start3A_1040] : memref<2x5x!tpu.dma_semaphore, #tpu.memory_space<semaphore_mem>> -> memref<1x1x!tpu.dma_semaphore, #tpu.memory_space<semaphore_mem>>
        %dma_start3A_1046 = tpu.memref_squeeze %dma_start3A_1045 : memref<1x1x!tpu.dma_semaphore, #tpu.memory_space<semaphore_mem>> -> memref<!tpu.dma_semaphore, #tpu.memory_space<semaphore_mem>>
        %dma_start3A_1047 = arith.constant 0 : i32
        %dma_start3A_1048 = tpu.memref_slice %arg7[%dma_start3A_1037, %dma_start3A_1038, %dma_start3A_1047] : memref<2x5x40xi32, #tpu.memory_space<vmem>> -> memref<1x1x40xi32, #tpu.memory_space<vmem>>
        %dma_start3A_1049 = tpu.memref_squeeze %dma_start3A_1048 : memref<1x1x40xi32, #tpu.memory_space<vmem>> -> memref<40xi32, #tpu.memory_space<vmem>>
        %dma_start3A_1050 = tpu.memref_slice %arg3[%multiple_of3A_1022] : memref<320000xi32, #tpu.memory_space<hbm>> -> memref<40xi32, #tpu.memory_space<hbm>>
        tpu.enqueue_dma source(%dma_start3A_1050 : memref<40xi32, #tpu.memory_space<hbm>>) target(%dma_start3A_1049 : memref<40xi32, #tpu.memory_space<vmem>>) target_semaphore(%dma_start3A_1046 : memref<!tpu.dma_semaphore, #tpu.memory_space<semaphore_mem>>)
      } else {
      }
      %lt3A_975 = arith.constant 245 : i32
      %lt3A_976 = arith.cmpi slt, %add3A_950, %lt3A_975 : i32
      %convert_element_type3A_977 = arith.extui %lt3A_976 : i1 to i32
      %cond3A_978 = arith.constant 0 : i32
      %cond3A_979 = arith.cmpi ne, %convert_element_type3A_977, %cond3A_978 : i32
      scf.if %cond3A_979 {
        %dma_wait3A_1017 = arith.constant 0 : i32
        %dma_wait3A_1018 = arith.constant 3 : i32
        %dma_wait3A_1019 = arith.constant 0 : i32
        %dma_wait3A_1020 = arith.constant 3 : i32
        %dma_wait3A_1021 = arith.constant 0 : i32
        %dma_wait3A_1022 = tpu.memref_slice %arg6[%dma_wait3A_1017, %dma_wait3A_1018, %dma_wait3A_1021] : memref<2x5x40xi32, #tpu.memory_space<vmem>> -> memref<1x1x40xi32, #tpu.memory_space<vmem>>
        %dma_wait3A_1023 = tpu.memref_squeeze %dma_wait3A_1022 : memref<1x1x40xi32, #tpu.memory_space<vmem>> -> memref<40xi32, #tpu.memory_space<vmem>>
        %dma_wait3A_1024 = arith.constant 0 : i32
        %dma_wait3A_1025 = tpu.memref_slice %arg2[%dma_wait3A_1024] : memref<320000xi32, #tpu.memory_space<hbm>> -> memref<40xi32, #tpu.memory_space<hbm>>
        %dma_wait3A_1026 = tpu.memref_slice %arg9[%dma_wait3A_1019, %dma_wait3A_1020] : memref<2x5x!tpu.dma_semaphore, #tpu.memory_space<semaphore_mem>> -> memref<1x1x!tpu.dma_semaphore, #tpu.memory_space<semaphore_mem>>
        %dma_wait3A_1027 = tpu.memref_squeeze %dma_wait3A_1026 : memref<1x1x!tpu.dma_semaphore, #tpu.memory_space<semaphore_mem>> -> memref<!tpu.dma_semaphore, #tpu.memory_space<semaphore_mem>>
        %dma_wait3A_1028 = arith.constant 0 : i32
        %dma_wait3A_1029 = tpu.memref_slice %arg6[%dma_wait3A_1017, %dma_wait3A_1018, %dma_wait3A_1028] : memref<2x5x40xi32, #tpu.memory_space<vmem>> -> memref<1x1x40xi32, #tpu.memory_space<vmem>>
        %dma_wait3A_1030 = tpu.memref_squeeze %dma_wait3A_1029 : memref<1x1x40xi32, #tpu.memory_space<vmem>> -> memref<40xi32, #tpu.memory_space<vmem>>
        %dma_wait3A_1031 = arith.constant 0 : i32
        %dma_wait3A_1032 = tpu.memref_slice %arg2[%dma_wait3A_1031] : memref<320000xi32, #tpu.memory_space<hbm>> -> memref<40xi32, #tpu.memory_space<hbm>>
        tpu.wait_dma2 semaphore(%dma_wait3A_1027 : memref<!tpu.dma_semaphore, #tpu.memory_space<semaphore_mem>>) src(%dma_wait3A_1032 : memref<40xi32, #tpu.memory_space<hbm>>) dst(%dma_wait3A_1030 : memref<40xi32, #tpu.memory_space<vmem>>)
        %dma_wait3A_1033 = arith.constant 0 : i32
        %dma_wait3A_1034 = arith.constant 3 : i32
        %dma_wait3A_1035 = arith.constant 0 : i32
        %dma_wait3A_1036 = arith.constant 3 : i32
        %dma_wait3A_1037 = arith.constant 0 : i32
        %dma_wait3A_1038 = tpu.memref_slice %arg7[%dma_wait3A_1033, %dma_wait3A_1034, %dma_wait3A_1037] : memref<2x5x40xi32, #tpu.memory_space<vmem>> -> memref<1x1x40xi32, #tpu.memory_space<vmem>>
        %dma_wait3A_1039 = tpu.memref_squeeze %dma_wait3A_1038 : memref<1x1x40xi32, #tpu.memory_space<vmem>> -> memref<40xi32, #tpu.memory_space<vmem>>
        %dma_wait3A_1040 = arith.constant 0 : i32
        %dma_wait3A_1041 = tpu.memref_slice %arg3[%dma_wait3A_1040] : memref<320000xi32, #tpu.memory_space<hbm>> -> memref<40xi32, #tpu.memory_space<hbm>>
        %dma_wait3A_1042 = tpu.memref_slice %arg9[%dma_wait3A_1035, %dma_wait3A_1036] : memref<2x5x!tpu.dma_semaphore, #tpu.memory_space<semaphore_mem>> -> memref<1x1x!tpu.dma_semaphore, #tpu.memory_space<semaphore_mem>>
        %dma_wait3A_1043 = tpu.memref_squeeze %dma_wait3A_1042 : memref<1x1x!tpu.dma_semaphore, #tpu.memory_space<semaphore_mem>> -> memref<!tpu.dma_semaphore, #tpu.memory_space<semaphore_mem>>
        %dma_wait3A_1044 = arith.constant 0 : i32
        %dma_wait3A_1045 = tpu.memref_slice %arg7[%dma_wait3A_1033, %dma_wait3A_1034, %dma_wait3A_1044] : memref<2x5x40xi32, #tpu.memory_space<vmem>> -> memref<1x1x40xi32, #tpu.memory_space<vmem>>
        %dma_wait3A_1046 = tpu.memref_squeeze %dma_wait3A_1045 : memref<1x1x40xi32, #tpu.memory_space<vmem>> -> memref<40xi32, #tpu.memory_space<vmem>>
        %dma_wait3A_1047 = arith.constant 0 : i32
        %dma_wait3A_1048 = tpu.memref_slice %arg3[%dma_wait3A_1047] : memref<320000xi32, #tpu.memory_space<hbm>> -> memref<40xi32, #tpu.memory_space<hbm>>
        tpu.wait_dma2 semaphore(%dma_wait3A_1043 : memref<!tpu.dma_semaphore, #tpu.memory_space<semaphore_mem>>) src(%dma_wait3A_1048 : memref<40xi32, #tpu.memory_space<hbm>>) dst(%dma_wait3A_1046 : memref<40xi32, #tpu.memory_space<vmem>>)
        %dma_start3A_1049 = arith.constant 0 : i32
        %dma_start3A_1050 = arith.constant 3 : i32
        %dma_start3A_1051 = arith.constant 3 : i32
        %dma_start3A_1052 = arith.constant 3 : i32
        %dma_start3A_1053 = arith.constant 0 : i32
        %dma_start3A_1054 = arith.constant 0 : i32
        %dma_start3A_1055 = tpu.memref_slice %arg8[%dma_start3A_1051, %dma_start3A_1053, %dma_start3A_1054] : memref<5x40x128xf32, #tpu.memory_space<vmem>> -> memref<1x40x128xf32, #tpu.memory_space<vmem>>
        %dma_start3A_1056 = tpu.memref_squeeze %dma_start3A_1055 : memref<1x40x128xf32, #tpu.memory_space<vmem>> -> memref<40x128xf32, #tpu.memory_space<vmem>>
        %dma_start3A_1057 = arith.constant 0 : i32
        %dma_start3A_1058 = tpu.memref_slice %arg6[%dma_start3A_1049, %dma_start3A_1050, %dma_start3A_1057] : memref<2x5x40xi32, #tpu.memory_space<vmem>> -> memref<1x1x40xi32, #tpu.memory_space<vmem>>
        %dma_start3A_1059 = tpu.memref_squeeze %dma_start3A_1058 : memref<1x1x40xi32, #tpu.memory_space<vmem>> -> memref<40xi32, #tpu.memory_space<vmem>>
        %dma_start3A_1060 = arith.constant 0 : i32
        %dma_start3A_1061 = arith.constant 0 : i32
        %dma_start3A_1062 = tpu.memref_slice %arg4[%dma_start3A_1060, %dma_start3A_1061] : memref<10000x128xf32, #tpu.memory_space<hbm>> -> memref<10000x128xf32, #tpu.memory_space<hbm>>
        %dma_start3A_1063 = tpu.memref_slice %arg10[%dma_start3A_1052] : memref<5x!tpu.dma_semaphore, #tpu.memory_space<semaphore_mem>> -> memref<1x!tpu.dma_semaphore, #tpu.memory_space<semaphore_mem>>
        %dma_start3A_1064 = tpu.memref_squeeze %dma_start3A_1063 : memref<1x!tpu.dma_semaphore, #tpu.memory_space<semaphore_mem>> -> memref<!tpu.dma_semaphore, #tpu.memory_space<semaphore_mem>>
        tpu.enqueue_indirect_dma source(%dma_start3A_1062 : memref<10000x128xf32, #tpu.memory_space<hbm>>) target(%dma_start3A_1056 : memref<40x128xf32, #tpu.memory_space<vmem>>) offsets(%dma_start3A_1059 : memref<40xi32, #tpu.memory_space<vmem>>) semaphore(%dma_start3A_1064 : memref<!tpu.dma_semaphore, #tpu.memory_space<semaphore_mem>>)
      } else {
      }
      %mul3A_980 = arith.constant 2 : i32
      %mul3A_981 = arith.muli %mul3A_980, %scan3A_649 : i32
      %add3A_982 = arith.constant 1 : i32
      %add3A_983 = arith.addi %mul3A_981, %add3A_982 : i32
      %mul3A_984 = arith.constant 5 : i32
      %mul3A_985 = arith.muli %add3A_983, %mul3A_984 : i32
      %add3A_986 = arith.constant 4 : i32
      %add3A_987 = arith.addi %mul3A_985, %add3A_986 : i32
      %dma_wait3A_988 = arith.constant 1 : i32
      %dma_wait3A_989 = arith.constant 4 : i32
      %dma_wait3A_990 = arith.constant 4 : i32
      %dma_wait3A_991 = arith.constant 4 : i32
      %dma_wait3A_992 = arith.constant 0 : i32
      %dma_wait3A_993 = arith.constant 0 : i32
      %dma_wait3A_994 = tpu.memref_slice %arg8[%dma_wait3A_990, %dma_wait3A_992, %dma_wait3A_993] : memref<5x40x128xf32, #tpu.memory_space<vmem>> -> memref<1x40x128xf32, #tpu.memory_space<vmem>>
      %dma_wait3A_995 = tpu.memref_squeeze %dma_wait3A_994 : memref<1x40x128xf32, #tpu.memory_space<vmem>> -> memref<40x128xf32, #tpu.memory_space<vmem>>
      %dma_wait3A_996 = arith.constant 0 : i32
      %dma_wait3A_997 = tpu.memref_slice %arg6[%dma_wait3A_988, %dma_wait3A_989, %dma_wait3A_996] : memref<2x5x40xi32, #tpu.memory_space<vmem>> -> memref<1x1x40xi32, #tpu.memory_space<vmem>>
      %dma_wait3A_998 = tpu.memref_squeeze %dma_wait3A_997 : memref<1x1x40xi32, #tpu.memory_space<vmem>> -> memref<40xi32, #tpu.memory_space<vmem>>
      %dma_wait3A_999 = arith.constant 0 : i32
      %dma_wait3A_1000 = arith.constant 0 : i32
      %dma_wait3A_1001 = tpu.memref_slice %arg4[%dma_wait3A_999, %dma_wait3A_1000] : memref<10000x128xf32, #tpu.memory_space<hbm>> -> memref<10000x128xf32, #tpu.memory_space<hbm>>
      %dma_wait3A_1002 = tpu.memref_slice %arg10[%dma_wait3A_991] : memref<5x!tpu.dma_semaphore, #tpu.memory_space<semaphore_mem>> -> memref<1x!tpu.dma_semaphore, #tpu.memory_space<semaphore_mem>>
      %dma_wait3A_1003 = tpu.memref_squeeze %dma_wait3A_1002 : memref<1x!tpu.dma_semaphore, #tpu.memory_space<semaphore_mem>> -> memref<!tpu.dma_semaphore, #tpu.memory_space<semaphore_mem>>
      tpu.wait_indirect_dma semaphore(%dma_wait3A_1003 : memref<!tpu.dma_semaphore, #tpu.memory_space<semaphore_mem>>) src(%dma_wait3A_1001 : memref<10000x128xf32, #tpu.memory_space<hbm>>) dst(%dma_wait3A_995 : memref<40x128xf32, #tpu.memory_space<vmem>>)
      %run_scoped3A_1004 = arith.constant 4 : i32
      %run_scoped3A_1005 = arith.constant 1 : i32
      %run_scoped3A_1006 = arith.constant 4 : i32
      "tpu.region"() ({
        %run_scoped3A_1017 = tpu.sem_alloc : memref<!tpu.dma_semaphore, #tpu.memory_space<semaphore_mem>>
        %dma_start3A_1018 = arith.constant 0 : i32
        %dma_start3A_1019 = arith.constant 0 : i32
        %dma_start3A_1020 = tpu.memref_slice %arg8[%run_scoped3A_1004, %dma_start3A_1018, %dma_start3A_1019] : memref<5x40x128xf32, #tpu.memory_space<vmem>> -> memref<1x40x128xf32, #tpu.memory_space<vmem>>
        %dma_start3A_1021 = tpu.memref_squeeze %dma_start3A_1020 : memref<1x40x128xf32, #tpu.memory_space<vmem>> -> memref<40x128xf32, #tpu.memory_space<vmem>>
        %dma_start3A_1022 = arith.constant 0 : i32
        %dma_start3A_1023 = tpu.memref_slice %arg7[%run_scoped3A_1005, %run_scoped3A_1006, %dma_start3A_1022] : memref<2x5x40xi32, #tpu.memory_space<vmem>> -> memref<1x1x40xi32, #tpu.memory_space<vmem>>
        %dma_start3A_1024 = tpu.memref_squeeze %dma_start3A_1023 : memref<1x1x40xi32, #tpu.memory_space<vmem>> -> memref<40xi32, #tpu.memory_space<vmem>>
        %dma_start3A_1025 = arith.constant 0 : i32
        %dma_start3A_1026 = arith.constant 0 : i32
        %dma_start3A_1027 = tpu.memref_slice %arg11[%dma_start3A_1025, %dma_start3A_1026] : memref<10240x128xf32, #tpu.memory_space<vmem_shared>> -> memref<10240x128xf32, #tpu.memory_space<vmem_shared>>
        tpu.enqueue_indirect_dma source(%dma_start3A_1021 : memref<40x128xf32, #tpu.memory_space<vmem>>) target(%dma_start3A_1027 : memref<10240x128xf32, #tpu.memory_space<vmem_shared>>) offsets(%dma_start3A_1024 : memref<40xi32, #tpu.memory_space<vmem>>) semaphore(%run_scoped3A_1017 : memref<!tpu.dma_semaphore, #tpu.memory_space<semaphore_mem>>) {add = true}
        %dma_wait3A_1028 = arith.constant 0 : i32
        %dma_wait3A_1029 = arith.constant 0 : i32
        %dma_wait3A_1030 = tpu.memref_slice %arg8[%run_scoped3A_1004, %dma_wait3A_1028, %dma_wait3A_1029] : memref<5x40x128xf32, #tpu.memory_space<vmem>> -> memref<1x40x128xf32, #tpu.memory_space<vmem>>
        %dma_wait3A_1031 = tpu.memref_squeeze %dma_wait3A_1030 : memref<1x40x128xf32, #tpu.memory_space<vmem>> -> memref<40x128xf32, #tpu.memory_space<vmem>>
        %dma_wait3A_1032 = arith.constant 0 : i32
        %dma_wait3A_1033 = tpu.memref_slice %arg7[%run_scoped3A_1005, %run_scoped3A_1006, %dma_wait3A_1032] : memref<2x5x40xi32, #tpu.memory_space<vmem>> -> memref<1x1x40xi32, #tpu.memory_space<vmem>>
        %dma_wait3A_1034 = tpu.memref_squeeze %dma_wait3A_1033 : memref<1x1x40xi32, #tpu.memory_space<vmem>> -> memref<40xi32, #tpu.memory_space<vmem>>
        %dma_wait3A_1035 = arith.constant 0 : i32
        %dma_wait3A_1036 = arith.constant 0 : i32
        %dma_wait3A_1037 = tpu.memref_slice %arg11[%dma_wait3A_1035, %dma_wait3A_1036] : memref<10240x128xf32, #tpu.memory_space<vmem_shared>> -> memref<10240x128xf32, #tpu.memory_space<vmem_shared>>
        tpu.wait_indirect_dma semaphore(%run_scoped3A_1017 : memref<!tpu.dma_semaphore, #tpu.memory_space<semaphore_mem>>) src(%dma_wait3A_1031 : memref<40x128xf32, #tpu.memory_space<vmem>>) dst(%dma_wait3A_1037 : memref<10240x128xf32, #tpu.memory_space<vmem_shared>>)
        tpu.yield
      }) : () -> ()
      %lt3A_1007 = arith.constant 240 : i32
      %lt3A_1008 = arith.cmpi slt, %add3A_987, %lt3A_1007 : i32
      %convert_element_type3A_1009 = arith.extui %lt3A_1008 : i1 to i32
      %cond3A_1010 = arith.constant 0 : i32
      %cond3A_1011 = arith.cmpi ne, %convert_element_type3A_1009, %cond3A_1010 : i32
      scf.if %cond3A_1011 {
        %add3A_1017 = arith.constant 10 : i32
        %add3A_1018 = arith.addi %add3A_987, %add3A_1017 : i32
        %mul3A_1019 = arith.constant 40 : i32
        %mul3A_1020 = arith.muli %add3A_1018, %mul3A_1019 : i32
        %add3A_1021 = arith.addi %mul3A_2, %mul3A_1020 : i32
        %multiple_of3A_1022 = tpu.assume_multiple %add3A_1021, 8 : i32
        %dma_start3A_1023 = arith.constant 1 : i32
        %dma_start3A_1024 = arith.constant 4 : i32
        %dma_start3A_1025 = arith.constant 1 : i32
        %dma_start3A_1026 = arith.constant 4 : i32
        %dma_start3A_1027 = arith.constant 0 : i32
        %dma_start3A_1028 = tpu.memref_slice %arg6[%dma_start3A_1023, %dma_start3A_1024, %dma_start3A_1027] : memref<2x5x40xi32, #tpu.memory_space<vmem>> -> memref<1x1x40xi32, #tpu.memory_space<vmem>>
        %dma_start3A_1029 = tpu.memref_squeeze %dma_start3A_1028 : memref<1x1x40xi32, #tpu.memory_space<vmem>> -> memref<40xi32, #tpu.memory_space<vmem>>
        %dma_start3A_1030 = tpu.memref_slice %arg2[%multiple_of3A_1022] : memref<320000xi32, #tpu.memory_space<hbm>> -> memref<40xi32, #tpu.memory_space<hbm>>
        %dma_start3A_1031 = tpu.memref_slice %arg9[%dma_start3A_1025, %dma_start3A_1026] : memref<2x5x!tpu.dma_semaphore, #tpu.memory_space<semaphore_mem>> -> memref<1x1x!tpu.dma_semaphore, #tpu.memory_space<semaphore_mem>>
        %dma_start3A_1032 = tpu.memref_squeeze %dma_start3A_1031 : memref<1x1x!tpu.dma_semaphore, #tpu.memory_space<semaphore_mem>> -> memref<!tpu.dma_semaphore, #tpu.memory_space<semaphore_mem>>
        %dma_start3A_1033 = arith.constant 0 : i32
        %dma_start3A_1034 = tpu.memref_slice %arg6[%dma_start3A_1023, %dma_start3A_1024, %dma_start3A_1033] : memref<2x5x40xi32, #tpu.memory_space<vmem>> -> memref<1x1x40xi32, #tpu.memory_space<vmem>>
        %dma_start3A_1035 = tpu.memref_squeeze %dma_start3A_1034 : memref<1x1x40xi32, #tpu.memory_space<vmem>> -> memref<40xi32, #tpu.memory_space<vmem>>
        %dma_start3A_1036 = tpu.memref_slice %arg2[%multiple_of3A_1022] : memref<320000xi32, #tpu.memory_space<hbm>> -> memref<40xi32, #tpu.memory_space<hbm>>
        tpu.enqueue_dma source(%dma_start3A_1036 : memref<40xi32, #tpu.memory_space<hbm>>) target(%dma_start3A_1035 : memref<40xi32, #tpu.memory_space<vmem>>) target_semaphore(%dma_start3A_1032 : memref<!tpu.dma_semaphore, #tpu.memory_space<semaphore_mem>>)
        %dma_start3A_1037 = arith.constant 1 : i32
        %dma_start3A_1038 = arith.constant 4 : i32
        %dma_start3A_1039 = arith.constant 1 : i32
        %dma_start3A_1040 = arith.constant 4 : i32
        %dma_start3A_1041 = arith.constant 0 : i32
        %dma_start3A_1042 = tpu.memref_slice %arg7[%dma_start3A_1037, %dma_start3A_1038, %dma_start3A_1041] : memref<2x5x40xi32, #tpu.memory_space<vmem>> -> memref<1x1x40xi32, #tpu.memory_space<vmem>>
        %dma_start3A_1043 = tpu.memref_squeeze %dma_start3A_1042 : memref<1x1x40xi32, #tpu.memory_space<vmem>> -> memref<40xi32, #tpu.memory_space<vmem>>
        %dma_start3A_1044 = tpu.memref_slice %arg3[%multiple_of3A_1022] : memref<320000xi32, #tpu.memory_space<hbm>> -> memref<40xi32, #tpu.memory_space<hbm>>
        %dma_start3A_1045 = tpu.memref_slice %arg9[%dma_start3A_1039, %dma_start3A_1040] : memref<2x5x!tpu.dma_semaphore, #tpu.memory_space<semaphore_mem>> -> memref<1x1x!tpu.dma_semaphore, #tpu.memory_space<semaphore_mem>>
        %dma_start3A_1046 = tpu.memref_squeeze %dma_start3A_1045 : memref<1x1x!tpu.dma_semaphore, #tpu.memory_space<semaphore_mem>> -> memref<!tpu.dma_semaphore, #tpu.memory_space<semaphore_mem>>
        %dma_start3A_1047 = arith.constant 0 : i32
        %dma_start3A_1048 = tpu.memref_slice %arg7[%dma_start3A_1037, %dma_start3A_1038, %dma_start3A_1047] : memref<2x5x40xi32, #tpu.memory_space<vmem>> -> memref<1x1x40xi32, #tpu.memory_space<vmem>>
        %dma_start3A_1049 = tpu.memref_squeeze %dma_start3A_1048 : memref<1x1x40xi32, #tpu.memory_space<vmem>> -> memref<40xi32, #tpu.memory_space<vmem>>
        %dma_start3A_1050 = tpu.memref_slice %arg3[%multiple_of3A_1022] : memref<320000xi32, #tpu.memory_space<hbm>> -> memref<40xi32, #tpu.memory_space<hbm>>
        tpu.enqueue_dma source(%dma_start3A_1050 : memref<40xi32, #tpu.memory_space<hbm>>) target(%dma_start3A_1049 : memref<40xi32, #tpu.memory_space<vmem>>) target_semaphore(%dma_start3A_1046 : memref<!tpu.dma_semaphore, #tpu.memory_space<semaphore_mem>>)
      } else {
      }
      %lt3A_1012 = arith.constant 245 : i32
      %lt3A_1013 = arith.cmpi slt, %add3A_987, %lt3A_1012 : i32
      %convert_element_type3A_1014 = arith.extui %lt3A_1013 : i1 to i32
      %cond3A_1015 = arith.constant 0 : i32
      %cond3A_1016 = arith.cmpi ne, %convert_element_type3A_1014, %cond3A_1015 : i32
      scf.if %cond3A_1016 {
        %dma_wait3A_1017 = arith.constant 0 : i32
        %dma_wait3A_1018 = arith.constant 4 : i32
        %dma_wait3A_1019 = arith.constant 0 : i32
        %dma_wait3A_1020 = arith.constant 4 : i32
        %dma_wait3A_1021 = arith.constant 0 : i32
        %dma_wait3A_1022 = tpu.memref_slice %arg6[%dma_wait3A_1017, %dma_wait3A_1018, %dma_wait3A_1021] : memref<2x5x40xi32, #tpu.memory_space<vmem>> -> memref<1x1x40xi32, #tpu.memory_space<vmem>>
        %dma_wait3A_1023 = tpu.memref_squeeze %dma_wait3A_1022 : memref<1x1x40xi32, #tpu.memory_space<vmem>> -> memref<40xi32, #tpu.memory_space<vmem>>
        %dma_wait3A_1024 = arith.constant 0 : i32
        %dma_wait3A_1025 = tpu.memref_slice %arg2[%dma_wait3A_1024] : memref<320000xi32, #tpu.memory_space<hbm>> -> memref<40xi32, #tpu.memory_space<hbm>>
        %dma_wait3A_1026 = tpu.memref_slice %arg9[%dma_wait3A_1019, %dma_wait3A_1020] : memref<2x5x!tpu.dma_semaphore, #tpu.memory_space<semaphore_mem>> -> memref<1x1x!tpu.dma_semaphore, #tpu.memory_space<semaphore_mem>>
        %dma_wait3A_1027 = tpu.memref_squeeze %dma_wait3A_1026 : memref<1x1x!tpu.dma_semaphore, #tpu.memory_space<semaphore_mem>> -> memref<!tpu.dma_semaphore, #tpu.memory_space<semaphore_mem>>
        %dma_wait3A_1028 = arith.constant 0 : i32
        %dma_wait3A_1029 = tpu.memref_slice %arg6[%dma_wait3A_1017, %dma_wait3A_1018, %dma_wait3A_1028] : memref<2x5x40xi32, #tpu.memory_space<vmem>> -> memref<1x1x40xi32, #tpu.memory_space<vmem>>
        %dma_wait3A_1030 = tpu.memref_squeeze %dma_wait3A_1029 : memref<1x1x40xi32, #tpu.memory_space<vmem>> -> memref<40xi32, #tpu.memory_space<vmem>>
        %dma_wait3A_1031 = arith.constant 0 : i32
        %dma_wait3A_1032 = tpu.memref_slice %arg2[%dma_wait3A_1031] : memref<320000xi32, #tpu.memory_space<hbm>> -> memref<40xi32, #tpu.memory_space<hbm>>
        tpu.wait_dma2 semaphore(%dma_wait3A_1027 : memref<!tpu.dma_semaphore, #tpu.memory_space<semaphore_mem>>) src(%dma_wait3A_1032 : memref<40xi32, #tpu.memory_space<hbm>>) dst(%dma_wait3A_1030 : memref<40xi32, #tpu.memory_space<vmem>>)
        %dma_wait3A_1033 = arith.constant 0 : i32
        %dma_wait3A_1034 = arith.constant 4 : i32
        %dma_wait3A_1035 = arith.constant 0 : i32
        %dma_wait3A_1036 = arith.constant 4 : i32
        %dma_wait3A_1037 = arith.constant 0 : i32
        %dma_wait3A_1038 = tpu.memref_slice %arg7[%dma_wait3A_1033, %dma_wait3A_1034, %dma_wait3A_1037] : memref<2x5x40xi32, #tpu.memory_space<vmem>> -> memref<1x1x40xi32, #tpu.memory_space<vmem>>
        %dma_wait3A_1039 = tpu.memref_squeeze %dma_wait3A_1038 : memref<1x1x40xi32, #tpu.memory_space<vmem>> -> memref<40xi32, #tpu.memory_space<vmem>>
        %dma_wait3A_1040 = arith.constant 0 : i32
        %dma_wait3A_1041 = tpu.memref_slice %arg3[%dma_wait3A_1040] : memref<320000xi32, #tpu.memory_space<hbm>> -> memref<40xi32, #tpu.memory_space<hbm>>
        %dma_wait3A_1042 = tpu.memref_slice %arg9[%dma_wait3A_1035, %dma_wait3A_1036] : memref<2x5x!tpu.dma_semaphore, #tpu.memory_space<semaphore_mem>> -> memref<1x1x!tpu.dma_semaphore, #tpu.memory_space<semaphore_mem>>
        %dma_wait3A_1043 = tpu.memref_squeeze %dma_wait3A_1042 : memref<1x1x!tpu.dma_semaphore, #tpu.memory_space<semaphore_mem>> -> memref<!tpu.dma_semaphore, #tpu.memory_space<semaphore_mem>>
        %dma_wait3A_1044 = arith.constant 0 : i32
        %dma_wait3A_1045 = tpu.memref_slice %arg7[%dma_wait3A_1033, %dma_wait3A_1034, %dma_wait3A_1044] : memref<2x5x40xi32, #tpu.memory_space<vmem>> -> memref<1x1x40xi32, #tpu.memory_space<vmem>>
        %dma_wait3A_1046 = tpu.memref_squeeze %dma_wait3A_1045 : memref<1x1x40xi32, #tpu.memory_space<vmem>> -> memref<40xi32, #tpu.memory_space<vmem>>
        %dma_wait3A_1047 = arith.constant 0 : i32
        %dma_wait3A_1048 = tpu.memref_slice %arg3[%dma_wait3A_1047] : memref<320000xi32, #tpu.memory_space<hbm>> -> memref<40xi32, #tpu.memory_space<hbm>>
        tpu.wait_dma2 semaphore(%dma_wait3A_1043 : memref<!tpu.dma_semaphore, #tpu.memory_space<semaphore_mem>>) src(%dma_wait3A_1048 : memref<40xi32, #tpu.memory_space<hbm>>) dst(%dma_wait3A_1046 : memref<40xi32, #tpu.memory_space<vmem>>)
        %dma_start3A_1049 = arith.constant 0 : i32
        %dma_start3A_1050 = arith.constant 4 : i32
        %dma_start3A_1051 = arith.constant 4 : i32
        %dma_start3A_1052 = arith.constant 4 : i32
        %dma_start3A_1053 = arith.constant 0 : i32
        %dma_start3A_1054 = arith.constant 0 : i32
        %dma_start3A_1055 = tpu.memref_slice %arg8[%dma_start3A_1051, %dma_start3A_1053, %dma_start3A_1054] : memref<5x40x128xf32, #tpu.memory_space<vmem>> -> memref<1x40x128xf32, #tpu.memory_space<vmem>>
        %dma_start3A_1056 = tpu.memref_squeeze %dma_start3A_1055 : memref<1x40x128xf32, #tpu.memory_space<vmem>> -> memref<40x128xf32, #tpu.memory_space<vmem>>
        %dma_start3A_1057 = arith.constant 0 : i32
        %dma_start3A_1058 = tpu.memref_slice %arg6[%dma_start3A_1049, %dma_start3A_1050, %dma_start3A_1057] : memref<2x5x40xi32, #tpu.memory_space<vmem>> -> memref<1x1x40xi32, #tpu.memory_space<vmem>>
        %dma_start3A_1059 = tpu.memref_squeeze %dma_start3A_1058 : memref<1x1x40xi32, #tpu.memory_space<vmem>> -> memref<40xi32, #tpu.memory_space<vmem>>
        %dma_start3A_1060 = arith.constant 0 : i32
        %dma_start3A_1061 = arith.constant 0 : i32
        %dma_start3A_1062 = tpu.memref_slice %arg4[%dma_start3A_1060, %dma_start3A_1061] : memref<10000x128xf32, #tpu.memory_space<hbm>> -> memref<10000x128xf32, #tpu.memory_space<hbm>>
        %dma_start3A_1063 = tpu.memref_slice %arg10[%dma_start3A_1052] : memref<5x!tpu.dma_semaphore, #tpu.memory_space<semaphore_mem>> -> memref<1x!tpu.dma_semaphore, #tpu.memory_space<semaphore_mem>>
        %dma_start3A_1064 = tpu.memref_squeeze %dma_start3A_1063 : memref<1x!tpu.dma_semaphore, #tpu.memory_space<semaphore_mem>> -> memref<!tpu.dma_semaphore, #tpu.memory_space<semaphore_mem>>
        tpu.enqueue_indirect_dma source(%dma_start3A_1062 : memref<10000x128xf32, #tpu.memory_space<hbm>>) target(%dma_start3A_1056 : memref<40x128xf32, #tpu.memory_space<vmem>>) offsets(%dma_start3A_1059 : memref<40xi32, #tpu.memory_space<vmem>>) semaphore(%dma_start3A_1064 : memref<!tpu.dma_semaphore, #tpu.memory_space<semaphore_mem>>)
      } else {
      }
    }
    %scan3A_639 = arith.constant 25 : i32
    %barrier3A_640 = arith.constant 0 : index
    tpu.barrier barrier_id(%barrier3A_640)
    %mul3A_641 = arith.constant 10240 : i32
    %mul3A_642 = arith.muli %arg0, %mul3A_641 : i32
    %mul3A_643 = arith.constant 640 : i32
    %mul3A_644 = arith.muli %arg1, %mul3A_643 : i32
    %add3A_645 = arith.addi %mul3A_642, %mul3A_644 : i32
    %multiple_of3A_646 = tpu.assume_multiple %add3A_645, 640 : i32
    %mul3A_647 = arith.constant 640 : i32
    %mul3A_648 = arith.muli %arg1, %mul3A_647 : i32
    "tpu.region"() ({
      %run_scoped3A_649 = tpu.sem_alloc : memref<!tpu.dma_semaphore, #tpu.memory_space<semaphore_mem>>
      %dma_start3A_650 = arith.constant 0 : i32
      %dma_start3A_651 = tpu.memref_slice %arg5[%multiple_of3A_646, %dma_start3A_650] : memref<20480x128xf32, #tpu.memory_space<hbm>> -> memref<640x128xf32, #tpu.memory_space<hbm>>
      %dma_start3A_652 = arith.constant 0 : i32
      %dma_start3A_653 = tpu.memref_slice %arg11[%mul3A_648, %dma_start3A_652] : memref<10240x128xf32, #tpu.memory_space<vmem_shared>> -> memref<640x128xf32, #tpu.memory_space<vmem_shared>>
      tpu.enqueue_dma source(%dma_start3A_653 : memref<640x128xf32, #tpu.memory_space<vmem_shared>>) target(%dma_start3A_651 : memref<640x128xf32, #tpu.memory_space<hbm>>) target_semaphore(%run_scoped3A_649 : memref<!tpu.dma_semaphore, #tpu.memory_space<semaphore_mem>>)
      %dma_wait3A_654 = arith.constant 0 : i32
      %dma_wait3A_655 = tpu.memref_slice %arg5[%multiple_of3A_646, %dma_wait3A_654] : memref<20480x128xf32, #tpu.memory_space<hbm>> -> memref<640x128xf32, #tpu.memory_space<hbm>>
      %dma_wait3A_656 = arith.constant 0 : i32
      %dma_wait3A_657 = tpu.memref_slice %arg11[%mul3A_648, %dma_wait3A_656] : memref<10240x128xf32, #tpu.memory_space<vmem_shared>> -> memref<640x128xf32, #tpu.memory_space<vmem_shared>>
      tpu.wait_dma2 semaphore(%run_scoped3A_649 : memref<!tpu.dma_semaphore, #tpu.memory_space<semaphore_mem>>) src(%dma_wait3A_657 : memref<640x128xf32, #tpu.memory_space<vmem_shared>>) dst(%dma_wait3A_655 : memref<640x128xf32, #tpu.memory_space<hbm>>)
      tpu.yield
    }) : () -> ()
    return
  }
}

</mosaic_0001>

<sc_bundles>
// kernel: _segment_sum_sc.3.cloned.1.call-start
scs
__scs_entry_jumppad:
0x0: {  	(pc) =	sbr.rel $0x88, $3  }
0x1: {  	(tag) =	ssettag $0x0;
	lr =	simm.s32 $0x1  }
0x2: {  	[smem:$0x3F9E] =	sst lr;
	_ =	strace $0xD0000000  }
0x3: {  	_ = 	snop  }
0x4: {  	_ = 	snop  }
0x5: {  	_ = 	snop  }
0x6: {  	_ = 	snop  }
0x7: {  	_ = 	snop  }
__scs_overlays_trampoline_lowered:
0x8: {  	[smem:$0x3FAD] =	sst s0  }
0x9: {  	[smem:$0x3FAE] =	sst s1  }
0xa: {  	[smem:$0x3FAF] =	sst s2  }
0xb: {  	[smem:$0x3FB0] =	sst s3  }
0xc: {  	[smem:$0x3FB1] =	sst s4  }
0xd: {  	[smem:$0x3FB2] =	sst s5  }
0xe: {  	[smem:$0x3FB3] =	sst s6  }
0xf: {  	[smem:$0x3FB4] =	sst s7  }
0x10: {  	[smem:$0x3FB5] =	sst s8  }
0x11: {  	[smem:$0x3FB6] =	sst s9;
	s0 =	simm.s32 @!p0 $0x0  }
0x12: {  	s1 =	sld [smem:$0x3F9C];
	s0 =	simm.s32 @p0 $0x1  }
0x13: {  	[smem:$0x3FB7] =	sst s0;
	s0 =	simm.s32 @!p1 $0x0  }
0x14: {  	s2 =	sld [smem:$0x3F9B];
	s0 =	simm.s32 @p1 $0x1  }
0x15: {  	[smem:$0x3FB8] =	sst s0;
	s0 =	simm.s32 @!p2 $0x0  }
0x16: {  	s3 =	sld [smem:$0x3FDB];
	s0 =	simm.s32 @p2 $0x1  }
0x17: {  	s4 =	simm.s32 $0x1BF5;
	[smem:$0x3FBA] =	sst s0  }
0x18: {  	s0 =	sld [smem:$0x3F9D];
	_ =	swait.ge [sflag:s4], $0x0  }
0x19: {  	s7 =	sld [smem:$0x3F9E]  }
0x1a: {  	s8 =	sadd.s32 $0xFFFFE003, lr  }
0x1b: {  	s9 =	sadd.s32 $0xFFFFFEF7, lr;
	s5 =	simm.s32 $0xFFFFFFFF;
	p2 =	slt.u32 s8, $0xFFFFF086  }
0x1c: {  	p1 =	slt.u32 s9, $0xF7A;
	s5 =	simm.s32 @!p2 $0x0  }
0x1d: {  	s5 =	simm.s32 @p1 $0x1;
	p0 =	seq.s32 s7, s2  }
0x1e: {  	s7 =	smul.u32 @!p0 $0xF7A, s2;
	p2 =	seq.s32 @!p0 s5, $0x0  }
0x1f: {  	s9 =	smul.u32 $0xF7A, s1;
	s8 =	simm.s32 @!p0 $0x1BF5;
	p2 =	por !p2, p0  }
0x20: {  	[sflag:s8] =	ssyncset.s32 @!p0 $0xFFFFF086;
	s6 =	sadd.s32 @!p0 s3, s7;
	s7 =	simm.s32 @!p0 $0x108  }
0x21: {  	s3 =	sadd.s32 s3, s9;
	s6 =	sadd.s32 @!p0 $0x88, s6;
	s7 =	simm.s32 @p2 $0x1082  }
0x22: {  	[simem:s7], [sflag:s8] =	dma.local @!p0 [hbm:s6], $0xF7A  }
0x23: {  	s9 =	sor.u32 $0xD0000000, s2;
	s6 =	simm.s32 $0x108;
	_ =	swait.ge @!p0 [sflag:s8], $0x0  }
0x24: {  	s3 =	sadd.s32 $0x88, s3;
	s6 =	simm.s32 @!p1 $0x1082;
	[sflag:s4] =	ssyncset.s32 $0xFFFFF086  }
0x25: {  	[simem:s6], [sflag:s4] =	dma.local [hbm:s3], $0xF7A  }
0x26: {  	[smem:$0x3F9E] =	sst s1;
	(tag) =	ssettag s2;
	_ =	strace s9  }
0x27: {  	s1 =	sld [smem:$0x3FAE]  }
0x28: {  	s2 =	sld [smem:$0x3FAF]  }
0x29: {  	s4 =	sld [smem:$0x3FB1]  }
0x2a: {  	p0 =	seq.s32 s5, $0x0;
	s5 =	sld [smem:$0x3FB2]  }
0x2b: {  	s6 =	sld [smem:$0x3FB3]  }
0x2c: {  	s7 =	sld [smem:$0x3FB4]  }
0x2d: {  	s3 =	simm.s32 $0x108;
	s8 =	sld [smem:$0x3FB5]  }
0x2e: {  	s3 =	simm.s32 @!p0 $0x1082;
	s9 =	sld [smem:$0x3FB6]  }
0x2f: {  	lr =	sadd.s32 s0, s3;
	s0 =	sld [smem:$0x3FAD]  }
0x30: {  	s3 =	sld [smem:$0x3FB0]  }
0x31: {  	[smem:$0x3FB9] =	sst s10  }
0x32: {  	s10 =	sld [smem:$0x3FB7];
	_ =	sdelay $0x3  }
0x33: {  	p0 =	seq.s32 s10, $0x1;
	s10 =	sld [smem:$0x3FB9];
	_ =	sdelay $0x3  }
0x34: {  	[smem:$0x3FB9] =	sst s10  }
0x35: {  	s10 =	sld [smem:$0x3FB8];
	_ =	sdelay $0x3  }
0x36: {  	p1 =	seq.s32 s10, $0x1;
	s10 =	sld [smem:$0x3FB9];
	_ =	sdelay $0x3  }
0x37: {  	[smem:$0x3FB9] =	sst s10  }
0x38: {  	s10 =	sld [smem:$0x3FBA]  }
0x39: {  	_ = 	snop;
	(pc) =	sbr.ind lr, $3  }
0x3a: {  	_ = 	snop  }
0x3b: {  	_ = 	snop  }
0x3c: {  	p2 =	seq.s32 s10, $0x1;
	s10 =	sld [smem:$0x3FB9]  }
0x3d: {  	_ =	shalt  }
0x3e: {  	_ =	shalt  }
0x3f: {  	_ =	shalt  }
0x40: {  	_ =	shalt  }
0x41: {  	_ =	shalt  }
0x42: {  	_ =	shalt  }
0x43: {  	_ =	shalt  }
0x44: {  	_ =	shalt  }
0x45: {  	_ =	shalt  }
0x46: {  	_ =	shalt  }
0x47: {  	_ =	shalt  }
0x48: {  	_ =	shalt  }
0x49: {  	_ =	shalt  }
0x4a: {  	_ =	shalt  }
0x4b: {  	_ =	shalt  }
0x4c: {  	_ =	shalt  }
0x4d: {  	_ =	shalt  }
0x4e: {  	_ =	shalt  }
0x4f: {  	_ =	shalt  }
0x50: {  	_ =	shalt  }
0x51: {  	_ =	shalt  }
0x52: {  	_ =	shalt  }
0x53: {  	_ =	shalt  }
0x54: {  	_ =	shalt  }
0x55: {  	_ =	shalt  }
0x56: {  	_ =	shalt  }
0x57: {  	_ =	shalt  }
0x58: {  	_ =	shalt  }
0x59: {  	_ =	shalt  }
0x5a: {  	_ =	shalt  }
0x5b: {  	_ =	shalt  }
0x5c: {  	_ =	shalt  }
0x5d: {  	_ =	shalt  }
0x5e: {  	_ =	shalt  }
0x5f: {  	_ =	shalt  }
0x60: {  	_ =	shalt  }
0x61: {  	_ =	shalt  }
0x62: {  	_ =	shalt  }
0x63: {  	_ =	shalt  }
0x64: {  	_ =	shalt  }
0x65: {  	_ =	shalt  }
0x66: {  	_ =	shalt  }
0x67: {  	_ =	shalt  }
0x68: {  	_ =	shalt  }
0x69: {  	_ =	shalt  }
0x6a: {  	_ =	shalt  }
0x6b: {  	_ =	shalt  }
0x6c: {  	_ =	shalt  }
0x6d: {  	_ =	shalt  }
0x6e: {  	_ =	shalt  }
0x6f: {  	_ =	shalt  }
0x70: {  	_ =	shalt  }
0x71: {  	_ =	shalt  }
0x72: {  	_ =	shalt  }
0x73: {  	_ =	shalt  }
0x74: {  	_ =	shalt  }
0x75: {  	_ =	shalt  }
0x76: {  	_ =	shalt  }
0x77: {  	_ =	shalt  }
0x78: {  	_ =	shalt  }
0x79: {  	_ =	shalt  }
0x7a: {  	_ =	shalt  }
0x7b: {  	_ =	shalt  }
0x7c: {  	_ =	shalt  }
0x7d: {  	_ =	shalt  }
0x7e: {  	_ =	shalt  }
0x7f: {  	_ =	shalt  }
0x80: {  	_ =	shalt  }
0x81: {  	_ =	shalt  }
0x82: {  	_ =	shalt  }
0x83: {  	_ =	shalt  }
0x84: {  	_ =	shalt  }
0x85: {  	_ =	shalt  }
0x86: {  	_ =	shalt  }
0x87: {  	_ =	shalt  }
.Lfunc_end0:
.L_simem_size_0:
called_computation_lowered:
.L_overlay_start_0:
0x88: {  	s2 =	sld [smem:$0x3FD9]  }
0x89: {  	s3 =	sld [smem:$0x3FFE];
	_ =	sdelay $0x1  }
0x8a: {  	s1 =	srdreg.scid  }
0x8b: {  	s0 =	sand.u32 $0x1, s1  }
0x8c: {  	s18 =	sshll.u32 s0, $0xA;
	s2 =	sadd.s32 s3, s2  }
0x8d: {  	s2 =	sadd.s32 s2, s18  }
0x8e: {  	[smem:$0x3FC5] =	sst s2  }
0x8f: {  	_ = 	snop  }
0x90: {  	s2 =	sld [smem:$0x3FC9]  }
0x91: {  	s19 =	sld [smem:$0x3FC8]  }
0x92: {  	s4 =	sld [smem:$0x3FC7]  }
0x93: {  	s5 =	sld [smem:$0x3FD0];
	(tm) =	ssettm $0x1  }
0x94: {  	s6 =	sld [smem:$0x3FFB];
	_ =	sdelay $0x3  }
0x95: {  	_ =	strace s6  }
0x96: {  	s6 =	sld [smem:$0x3FFC];
	_ =	sdelay $0x3  }
0x97: {  	_ =	strace s6  }
0x98: {  	s6 =	sld [smem:$0x3FFD];
	_ =	sdelay $0x3  }
0x99: {  	_ =	strace s6  }
0x9a: {  	_ =	strace $0x8FFFFFFF  }
0x9b: {  	s20 =	sld [smem:$0x3FDB];
	_ =	sdelay $0x1  }
0x9c: {  	s7 =	simm.s32 $_scs_section_size  }
0x9d: {  	s8 =	simm.s32 $_size__tile_overlayer_lowered;
	s9 =	simm.s32 $_tile_overlayer_lowered  }
0x9e: {  	s23 =	simm.s32 $0x1BFF;
	s22 =	sshll.u32 s9, $0x1;
	s6 =	sadd.s32 s7, s20  }
0x9f: {  	s10 =	simm.s32 $0x0;
	s21 =	sshll.u32 s8, $0x1;
	s8 =	sadd.s32 s22, s6  }
0xa0: {  	[timem:s10], [sflag:s23] =	dma.local [hbm:s8], s21  }
0xa1: {  	_ =	swait.ge [sflag:s23], s21  }
0xa2: {  	s7 =	ssub.s32 $0x0, s21;
	[sflag:s23] =	ssyncset.done $0x0  }
0xa3: {  	[sflag:s23] =	ssyncadd.s32 s7;
	_ =	sdelay $0x1  }
0xa4: {  	s24 =	simm.s32 $0x1B8B  }
0xa5: {  	_ =	swait.ge [sflag:s24], $0x1  }
0xa6: {  	[sflag:s24] =	ssyncset.done $0x0  }
0xa7: {  	s25 =	simm.s32 $0x1B8E;
	[sflag:s24] =	ssyncadd.s32 $0xFFFFFFFF  }
0xa8: {  	s26 =	simm.s32 $execute0_lowered;
	[smem:$0x3FD2] =	sst s25  }
0xa9: {  	s7 =	sshll.u32 s26, $0x1;
	_ =	strace $0x80000046;
	[dreg:$0x1] =	wrdreg $0xFFFFFFFF  }
0xaa: {  	s28 =	simm.s32 $_size_execute0_lowered;
	s6 =	sadd.s32 s6, s7;
	[dreg:$0x0] =	wrdreg $0x0  }
0xab: {  	s7 =	sshll.u32 s28, $0x1;
	[dreg:$0x2] =	wrdreg s6  }
0xac: {  	[dreg:$0x3] =	wrdreg s7  }
0xad: {  	[dreg:$0x4] =	wrdreg $0xC0  }
0xae: {  	_ =	task [dreg:s10], $0x5FFFF  }
0xaf: {  	[dreg:$0x1] =	wrdreg $0xFFFFFFFF  }
0xb0: {  	[dreg:$0x0] =	wrdreg $0x60  }
0xb1: {  	[dreg:$0x2] =	wrdreg s2  }
0xb2: {  	[dreg:$0x3] =	wrdreg s19  }
0xb3: {  	[dreg:$0x4] =	wrdreg s4  }
0xb4: {  	[dreg:$0x5] =	wrdreg s5  }
0xb5: {  	[dreg:$0x6] =	wrdreg $0x74000  }
0xb6: {  	[dreg:$0x7] =	wrdreg $0x9  }
0xb7: {  	_ =	task.clear_ibuf [dreg:s10], $0x8FFFF;
	_ =	strace $0x90000046  }
0xb8: {  	s29 =	simm.s32 $0x9;
	_ =	strace $0x80000048  }
0xb9: {  	_ =	swait.ge [sflag:s29], $0x1  }
0xba: {  	[sflag:s29] =	ssyncadd.s32 $0xFFFFFFFF  }
0xbb: {  	_ =	strace $0x90000048  }
0xbc: {  	_ =	sfence  }
0xbd: {  	s30 =	sld [smem:$0x0];
	_ =	sdelay $0x2  }
0xbe: {  	s31 =	sshll.u32 s1, $0xD;
	s1 =	sshrl.u32 s1, $0x2  }
0xbf: {  	s3 =	sand.u32 $0x4000, s31;
	s1 =	sadd.s32 s1, s30  }
0xc0: {  	s0 =	sor.u32 s3, s0;
	s1 =	sshll.u32 s1, $0x11  }
0xc1: {  	s0 =	sor.u32 s1, s0  }
0xc2: {  	s0 =	sadd.s32 $0x8F2B, s0  }
0xc3: {  	[sflag:s0] =	ssyncadd.remote.s32 $0x1  }
0xc4: {  	_ =	sfence.sel $0xFFFF  }
0xc5: {  	[dreg:$0x0] =	wrdreg $0xFFFFFFFF;
	(pc) =	sbr.abs _section_cstart, $3  }
0xc6: {  	[dreg:$0x1] =	wrdreg $0xFFFFFFFF  }
0xc7: {  	_ =	task.clear_ibuf [dreg:s10], $0x2FFFF;
	_ =	strace $0x9FFFFFFF  }
0xc8: {  	(tm) =	ssettm $0x7FFFFFFF  }
0xc9: {  	_ =	shalt  }
tec
execute0_lowered:
.L_overlay_start_1:
0x0: {  	(tag) =	ssettag $0x1  }
0x1: {  	s11 =	rddreg [dreg:$0x0]  }
0x2: {  	s12 =	rddreg [dreg:$0x1]  }
0x3: {  	s3 =	rddreg [dreg:$0x2]  }
0x4: {  	s0 =	srdreg.scid;
	s10 =	stileid.u32  }
0x5: {  	s1 =	rddreg [dreg:$0x3];
	s6 =	smul.u32 $0x50000, s10  }
0x6: {  	s4 =	simm.s32 $0x0;
	s0 =	sand.u32 $0x1, s0;
	s8 =	smul.u32 $0x280, s10  }
0x7: {  	s2 =	sshll.u32 s10, $0x1;
	[smem:$0x7FF] =	sst s4;
	s25 =	smul.u32 $0x2800, s0  }
0x8: {  	s2 =	sor.u32 s0, s2;
	s17 =	ssub.s32 $0x2, s0;
	s0 =	smul.u32 $0x2710, s0  }
0x9: {  	s5 =	rddreg [dreg:$0x4];
	_ =	strace $0x80000047;
	s2 =	smul.u32 $0x2710, s2  }
0xa: {  	s7 =	sshrl.u32 s17, $0x1;
	s6 =	sshrl.u32 s6, $0x2;
	s8 =	sadd.s32 s8, s25  }
0xb: {  	s4 =	ssub.s32 s17, s7;
	s16 =	sadd.s32 s6, s5;
	s8 =	sshll.u32 s8, $0x4  }
0xc: {  	s18 =	sadd.s32 $0x28, s2;
	[dreg:$0x6] =	wrdreg s16;
	s1 =	sadd.s32 s1, s8  }
0xd: {  	s19 =	sshrl.u32 s18, $0x3;
	s8 =	smax.u32 s4, $0x1;
	[dreg:$0x11] =	wrdreg s1  }
0xe: {  	s7 =	sshrl.u32 s2, $0x3;
	s9 =	sadd.s32 s11, s19;
	[dreg:$0x1c] =	wrdreg s8  }
0xf: {  	s21 =	sadd.s32 $0xA, s7;
	s6 =	sadd.s32 s12, s19;
	[dreg:$0x7] =	wrdreg s9  }
0x10: {  	s24 =	sadd.s32 $0x14, s7;
	s13 =	sadd.s32 s11, s21;
	[dreg:$0x8] =	wrdreg s6  }
0x11: {  	s15 =	sadd.s32 $0x1E, s7;
	s26 =	sadd.s32 s11, s24;
	[dreg:$0x9] =	wrdreg s13  }
0x12: {  	s20 =	sadd.s32 $0x78, s2;
	s17 =	sadd.s32 s11, s15;
	[dreg:$0xd] =	wrdreg s26  }
0x13: {  	s29 =	sadd.s32 $0xC8, s2;
	s19 =	sadd.s32 s11, s7;
	[dreg:$0x12] =	wrdreg s17  }
0x14: {  	s18 =	sadd.s32 $0x118, s2;
	s6 =	sadd.s32 s12, s21;
	[dreg:$0x14] =	wrdreg s19  }
0x15: {  	s9 =	sshrl.u32 s20, $0x3;
	s20 =	sadd.s32 s12, s7;
	[dreg:$0xa] =	wrdreg s6  }
0x16: {  	s1 =	sshrl.u32 s18, $0x3;
	s22 =	sadd.s32 s11, s9;
	[dreg:$0x15] =	wrdreg s20  }
0x17: {  	s13 =	smul.u32 $0x4E20, s10;
	s23 =	sadd.s32 s12, s9;
	[dreg:$0xb] =	wrdreg s22  }
0x18: {  	s21 =	sadd.s32 $0x28, s7;
	s6 =	sadd.s32 s12, s24;
	[dreg:$0xc] =	wrdreg s23  }
0x19: {  	s24 =	sadd.s32 s11, s21;
	s25 =	sadd.s32 s12, s21;
	[dreg:$0xe] =	wrdreg s6  }
0x1a: {  	s6 =	sshrl.u32 s29, $0x3;
	s0 =	sadd.s32 s0, s13;
	[dreg:$0x18] =	wrdreg s24  }
0x1b: {  	s22 =	sadd.s32 s11, s1;
	s1 =	sadd.s32 s12, s1;
	[dreg:$0x19] =	wrdreg s25  }
0x1c: {  	s23 =	sadd.s32 $0x168, s2;
	s14 =	sadd.s32 s11, s6;
	[dreg:$0x16] =	wrdreg s22  }
0x1d: {  	s6 =	sadd.s32 s12, s6;
	[dreg:$0x17] =	wrdreg s1;
	s1 =	sshrl.u32 s23, $0x3  }
0x1e: {  	s26 =	sadd.s32 $0x2F8, s0;
	s17 =	sadd.s32 $0x280, s0;
	[dreg:$0xf] =	wrdreg s14  }
0x1f: {  	s21 =	sadd.s32 $0x258, s0;
	[dreg:$0x10] =	wrdreg s6;
	s6 =	sadd.s32 s12, s15  }
0x20: {  	s25 =	sadd.s32 $0x208, s0;
	s29 =	sadd.s32 s11, s1;
	[dreg:$0x13] =	wrdreg s6  }
0x21: {  	s1 =	sadd.s32 s12, s1;
	s7 =	sshrl.u32 s26, $0x3;
	[dreg:$0x1a] =	wrdreg s29  }
0x22: {  	s18 =	sshrl.u32 s17, $0x3;
	s17 =	sadd.s32 $0x6400, s16;
	[dreg:$0x1b] =	wrdreg s1  }
0x23: {  	s22 =	sshrl.u32 s21, $0x3;
	s21 =	sadd.s32 $0xB400, s16;
	[smem:$0x7F3] =	sst s17  }
0x24: {  	s26 =	sshrl.u32 s25, $0x3;
	s25 =	sadd.s32 $0x10400, s16;
	[smem:$0x7F7] =	sst s21  }
0x25: {  	s10 =	sadd.s32 $0x2D0, s0;
	s9 =	sadd.s32 s7, s12;
	[smem:$0x7FB] =	sst s25  }
0x26: {  	s13 =	sshrl.u32 s10, $0x3;
	s1 =	sadd.s32 s7, s11;
	[dreg:$0x1d] =	wrdreg s9  }
0x27: {  	s15 =	sadd.s32 s13, s12;
	[dreg:$0x1e] =	wrdreg s1  }
0x28: {  	s23 =	sadd.s32 $0x230, s0;
	s20 =	sadd.s32 s18, s12;
	[dreg:$0x1f] =	wrdreg s15  }
0x29: {  	s8 =	sadd.s32 $0x1B8, s0;
	s24 =	sadd.s32 s22, s12;
	[smem:$0x7E2] =	sst s20  }
0x2a: {  	s14 =	sadd.s32 $0x2A8, s0;
	s4 =	sadd.s32 s26, s12;
	[smem:$0x7E4] =	sst s24  }
0x2b: {  	s6 =	sadd.s32 $0x1E0, s0;
	s0 =	sadd.s32 $0x190, s0;
	[smem:$0x7E8] =	sst s4  }
0x2c: {  	s2 =	sshrl.u32 s14, $0x3;
	s14 =	sadd.s32 $0x3C00, s16;
	[smem:$0x7EE] =	sst s0  }
0x2d: {  	s1 =	sadd.s32 s13, s11;
	[smem:$0x7F1] =	sst s14  }
0x2e: {  	s19 =	sadd.s32 s2, s12;
	[smem:$0x7DF] =	sst s1  }
0x2f: {  	s2 =	sadd.s32 s2, s11;
	[smem:$0x7E0] =	sst s19  }
0x30: {  	s28 =	simm.s32 $0x10;
	s13 =	sadd.s32 $0x2800, s16;
	[smem:$0x7E1] =	sst s2  }
0x31: {  	s30 =	simm.s32 $0x4C00;
	s15 =	sadd.s32 $0x5000, s16;
	[smem:$0x7F0] =	sst s13  }
0x32: {  	s31 =	simm.s32 $0x6;
	s20 =	sadd.s32 $0xA000, s16;
	[smem:$0x7F2] =	sst s15  }
0x33: {  	s10 =	sshrl.u32 s8, $0x3;
	s24 =	sadd.s32 $0xF000, s16;
	[smem:$0x7F6] =	sst s20  }
0x34: {  	s7 =	sshrl.u32 s6, $0x3;
	s1 =	sadd.s32 s18, s11;
	[smem:$0x7FA] =	sst s24  }
0x35: {  	s8 =	simm.s32 $0xD;
	s9 =	sadd.s32 s7, s12;
	[smem:$0x7E3] =	sst s1  }
0x36: {  	s25 =	simm.s32 $0x3800;
	s18 =	sadd.s32 $0x7800, s16;
	[smem:$0x7EA] =	sst s9  }
0x37: {  	s6 =	simm.s32 $0xB;
	s19 =	sadd.s32 $0x8C00, s16;
	[smem:$0x7F4] =	sst s18  }
0x38: {  	s2 =	sshrl.u32 s23, $0x3;
	s23 =	sadd.s32 $0xDC00, s16;
	[smem:$0x7F5] =	sst s19  }
0x39: {  	s0 =	simm.s32 $0x7;
	s1 =	sadd.s32 s22, s11;
	[smem:$0x7F9] =	sst s23  }
0x3a: {  	s4 =	simm.s32 $0x0;
	s29 =	sadd.s32 s2, s12;
	[smem:$0x7E5] =	sst s1  }
0x3b: {  	s24 =	simm.s32 $0x6000;
	s2 =	sadd.s32 s2, s11;
	[smem:$0x7E6] =	sst s29  }
0x3c: {  	s13 =	simm.s32 $0xA;
	s22 =	sadd.s32 $0xC800, s16;
	[smem:$0x7E7] =	sst s2  }
0x3d: {  	s23 =	simm.s32 $0x3800;
	s1 =	sadd.s32 s26, s11;
	[smem:$0x7F8] =	sst s22  }
0x3e: {  	s9 =	simm.s32 $0x8;
	s2 =	sadd.s32 s10, s12;
	[smem:$0x7E9] =	sst s1  }
0x3f: {  	s12 =	sadd.s32 $0x1400, s16;
	s26 =	sadd.s32 $0x11800, s16;
	[smem:$0x7EC] =	sst s2  }
.Ltmp0:
0x40: {  	s29 =	sadd.s32 $0x12C00, s16;
	[smem:$0x7EF] =	sst s12;
	(pc) =	sbr.rel .LBB2_1-.Ltmp0, $4  }
0x41: {  	s22 =	simm.s32 $0x600;
	s1 =	sadd.s32 s7, s11;
	[smem:$0x7FC] =	sst s26  }
0x42: {  	[smem:$0x7FD] =	sst s29;
	s26 =	simm.s32 $0x2400;
	s12 =	simm.s32 $0xF  }
0x43: {  	[smem:$0x7EB] =	sst s1;
	s1 =	sadd.s32 s10, s11;
	s10 =	simm.s32 $0xE00  }
0x44: {  	v0 =	vimm.f32 $0.0e+00;
	s11 =	simm.s32 $0x9;
	[smem:$0x7ED] =	sst s1;
	s1 =	simm.s32 $0x28  }
.LBB2_6:
0x45: {  	s2 =	stileid.u32;
	[bflag:$0x0] =	sbarrier.arrive $0xFFFF  }
0x46: {  	s2 =	sshll.u32 s2, $0x6;
	s16 =	rddreg [dreg:$0x6]  }
0x47: {  	s14 =	rddreg [dreg:$0x11];
	s2 =	sor.u32 $0x1C10, s2;
	s7 =	sshrl.u32 s16, $0x3  }
0x48: {  	[hbm:s14], [sflag:s2] =	dma.local [spmem:s7], $0x2800  }
0x49: {  	_ =	swait.ge [sflag:s28], $0x2800  }
0x4a: {  	s4 =	sld [smem:$0x7DE];
	_ =	sdelay $0x2  }
0x4b: {  	s29 =	rddreg [dreg:$0x1c];
	s4 =	sadd.s32 $0x1, s4  }
0x4c: {  	p0 =	sne.s32 s4, s29  }
.Ltmp1:
0x4d: {  	_ = 	snop;
	(pc) =	sbr.rel @!p0 .LBB2_7-.Ltmp1, $3  }
0x4e: {  	_ =	sdelay $0x1  }
0x4f: {  	[sflag:s28] =	ssyncset.done $0x0  }
0x50: {  	s22 =	simm.s32 $0x600;
	[sflag:s28] =	ssyncadd.s32 $0xFFFFD800  }
.LBB2_1:
0x51: {  	[smem:$0x7DE] =	sst s4;
	s14 =	simm.s32 $0x0;
	s15 =	simm.s32 $0x200  }
.LBB2_2:
0x52: {  	p0 =	sne.s32 s15, $0x4E00;
	[tilespmem:s14+$0x1070] =	vst v0  }
0x53: {  	[tilespmem:s14+$0x1000] =	vst v0  }
0x54: {  	[tilespmem:s14+$0x1010] =	vst v0  }
.Ltmp2:
0x55: {  	[tilespmem:s14+$0x1020] =	vst v0;
	(pc) =	sbr.rel @p0 .LBB2_2-.Ltmp2, $4  }
0x56: {  	[tilespmem:s14+$0x1030] =	vst v0  }
0x57: {  	[tilespmem:s14+$0x1040] =	vst v0  }
0x58: {  	[tilespmem:s14+$0x1050] =	vst v0  }
0x59: {  	[tilespmem:s14+$0x1060] =	vst v0;
	s14 =	sshra.s32 s15, $0x2;
	s15 =	sadd.s32 $0x200, s15  }
0x5a: {  	[tilespmem:s14+$0x1070] =	vst v0  }
0x5b: {  	[tilespmem:s14+$0x1000] =	vst v0  }
0x5c: {  	[tilespmem:s14+$0x1010] =	vst v0  }
0x5d: {  	[tilespmem:s14+$0x1020] =	vst v0  }
0x5e: {  	[tilespmem:s14+$0x1030] =	vst v0  }
0x5f: {  	[tilespmem:s14+$0x1040] =	vst v0  }
0x60: {  	[tilespmem:s14+$0x1050] =	vst v0  }
0x61: {  	[tilespmem:s14+$0x1060] =	vst v0;
	s4 =	simm.s32 $0x1000  }
0x62: {  	[spmem:s16] =	stream.linear.scatter [tilespmem:s4], [sflag:$0x10], $0x1400, $0x38;
	[tilespmem:$0x1B400] =	vst v63  }
0x63: {  	_ =	swait.ge [sflag:s28], $0x1400  }
0x64: {  	s2 =	sld [smem:$0x7EF]  }
0x65: {  	[sflag:s28] =	ssyncset.done $0x0  }
0x66: {  	[sflag:s28] =	ssyncadd.s32 $0xFFFFEC00  }
0x67: {  	[spmem:s2] =	stream.linear.scatter [tilespmem:s4], [sflag:$0x10], $0x1400, $0x38;
	[tilespmem:$0x1B400] =	vst v63  }
0x68: {  	_ =	swait.ge [sflag:s28], $0x1400  }
0x69: {  	s15 =	sld [smem:$0x7F0]  }
0x6a: {  	[sflag:s28] =	ssyncset.done $0x0  }
0x6b: {  	[sflag:s28] =	ssyncadd.s32 $0xFFFFEC00  }
0x6c: {  	[spmem:s15] =	stream.linear.scatter [tilespmem:s4], [sflag:$0x10], $0x1400, $0x38;
	[tilespmem:$0x1B400] =	vst v63  }
0x6d: {  	_ =	swait.ge [sflag:s28], $0x1400  }
0x6e: {  	s16 =	sld [smem:$0x7F1]  }
0x6f: {  	[sflag:s28] =	ssyncset.done $0x0  }
0x70: {  	[sflag:s28] =	ssyncadd.s32 $0xFFFFEC00  }
0x71: {  	[spmem:s16] =	stream.linear.scatter [tilespmem:s4], [sflag:$0x10], $0x1400, $0x38;
	[tilespmem:$0x1B400] =	vst v63  }
0x72: {  	_ =	swait.ge [sflag:s28], $0x1400  }
0x73: {  	s17 =	sld [smem:$0x7F2]  }
0x74: {  	[sflag:s28] =	ssyncset.done $0x0  }
0x75: {  	[sflag:s28] =	ssyncadd.s32 $0xFFFFEC00  }
0x76: {  	[spmem:s17] =	stream.linear.scatter [tilespmem:s4], [sflag:$0x10], $0x1400, $0x38;
	[tilespmem:$0x1B400] =	vst v63  }
0x77: {  	_ =	swait.ge [sflag:s28], $0x1400  }
0x78: {  	s18 =	sld [smem:$0x7F3]  }
0x79: {  	[sflag:s28] =	ssyncset.done $0x0  }
0x7a: {  	[sflag:s28] =	ssyncadd.s32 $0xFFFFEC00  }
0x7b: {  	[spmem:s18] =	stream.linear.scatter [tilespmem:s4], [sflag:$0x10], $0x1400, $0x38;
	[tilespmem:$0x1B400] =	vst v63  }
0x7c: {  	_ =	swait.ge [sflag:s28], $0x1400  }
0x7d: {  	s19 =	sld [smem:$0x7F4]  }
0x7e: {  	[sflag:s28] =	ssyncset.done $0x0  }
0x7f: {  	[sflag:s28] =	ssyncadd.s32 $0xFFFFEC00  }
0x80: {  	[spmem:s19] =	stream.linear.scatter [tilespmem:s4], [sflag:$0x10], $0x1400, $0x38;
	[tilespmem:$0x1B400] =	vst v63  }
0x81: {  	_ =	swait.ge [sflag:s28], $0x1400  }
0x82: {  	s20 =	sld [smem:$0x7F5]  }
0x83: {  	[sflag:s28] =	ssyncset.done $0x0  }
0x84: {  	[sflag:s28] =	ssyncadd.s32 $0xFFFFEC00  }
0x85: {  	[spmem:s20] =	stream.linear.scatter [tilespmem:s4], [sflag:$0x10], $0x1400, $0x38;
	[tilespmem:$0x1B400] =	vst v63  }
0x86: {  	_ =	swait.ge [sflag:s28], $0x1400  }
0x87: {  	s21 =	sld [smem:$0x7F6]  }
0x88: {  	[sflag:s28] =	ssyncset.done $0x0  }
0x89: {  	[sflag:s28] =	ssyncadd.s32 $0xFFFFEC00  }
0x8a: {  	[spmem:s21] =	stream.linear.scatter [tilespmem:s4], [sflag:$0x10], $0x1400, $0x38;
	[tilespmem:$0x1B400] =	vst v63  }
0x8b: {  	_ =	swait.ge [sflag:s28], $0x1400  }
0x8c: {  	s29 =	sld [smem:$0x7F7]  }
0x8d: {  	[sflag:s28] =	ssyncset.done $0x0  }
0x8e: {  	[sflag:s28] =	ssyncadd.s32 $0xFFFFEC00  }
0x8f: {  	[spmem:s29] =	stream.linear.scatter [tilespmem:s4], [sflag:$0x10], $0x1400, $0x38;
	[tilespmem:$0x1B400] =	vst v63  }
0x90: {  	_ =	swait.ge [sflag:s28], $0x1400  }
0x91: {  	s7 =	sld [smem:$0x7F8]  }
0x92: {  	[sflag:s28] =	ssyncset.done $0x0  }
0x93: {  	[sflag:s28] =	ssyncadd.s32 $0xFFFFEC00  }
0x94: {  	[spmem:s7] =	stream.linear.scatter [tilespmem:s4], [sflag:$0x10], $0x1400, $0x38;
	[tilespmem:$0x1B400] =	vst v63  }
0x95: {  	_ =	swait.ge [sflag:s28], $0x1400  }
0x96: {  	s14 =	sld [smem:$0x7F9]  }
0x97: {  	[sflag:s28] =	ssyncset.done $0x0  }
0x98: {  	[sflag:s28] =	ssyncadd.s32 $0xFFFFEC00  }
0x99: {  	[spmem:s14] =	stream.linear.scatter [tilespmem:s4], [sflag:$0x10], $0x1400, $0x38;
	[tilespmem:$0x1B400] =	vst v63  }
0x9a: {  	_ =	swait.ge [sflag:s28], $0x1400  }
0x9b: {  	s15 =	sld [smem:$0x7FA]  }
0x9c: {  	[sflag:s28] =	ssyncset.done $0x0  }
0x9d: {  	[sflag:s28] =	ssyncadd.s32 $0xFFFFEC00  }
0x9e: {  	[spmem:s15] =	stream.linear.scatter [tilespmem:s4], [sflag:$0x10], $0x1400, $0x38;
	[tilespmem:$0x1B400] =	vst v63  }
0x9f: {  	_ =	swait.ge [sflag:s28], $0x1400  }
0xa0: {  	s16 =	sld [smem:$0x7FB]  }
0xa1: {  	[sflag:s28] =	ssyncset.done $0x0  }
0xa2: {  	[sflag:s28] =	ssyncadd.s32 $0xFFFFEC00  }
0xa3: {  	[spmem:s16] =	stream.linear.scatter [tilespmem:s4], [sflag:$0x10], $0x1400, $0x38;
	[tilespmem:$0x1B400] =	vst v63  }
0xa4: {  	_ =	swait.ge [sflag:s28], $0x1400  }
0xa5: {  	s17 =	sld [smem:$0x7FC]  }
0xa6: {  	[sflag:s28] =	ssyncset.done $0x0  }
0xa7: {  	[sflag:s28] =	ssyncadd.s32 $0xFFFFEC00  }
0xa8: {  	[spmem:s17] =	stream.linear.scatter [tilespmem:s4], [sflag:$0x10], $0x1400, $0x38;
	[tilespmem:$0x1B400] =	vst v63  }
0xa9: {  	_ =	swait.ge [sflag:s28], $0x1400  }
0xaa: {  	s18 =	sld [smem:$0x7FD]  }
0xab: {  	[sflag:s28] =	ssyncset.done $0x0  }
0xac: {  	[sflag:s28] =	ssyncadd.s32 $0xFFFFEC00  }
0xad: {  	[spmem:s18] =	stream.linear.scatter [tilespmem:s4], [sflag:$0x10], $0x1400, $0x38;
	[tilespmem:$0x1B400] =	vst v63  }
0xae: {  	_ =	swait.ge [sflag:s28], $0x1400  }
0xaf: {  	[sflag:s28] =	ssyncset.done $0x0  }
0xb0: {  	[sflag:s28] =	ssyncadd.s32 $0xFFFFEC00  }
0xb1: {  	[bflag:$0x0] =	sbarrier.arrive $0xFFFF  }
0xb2: {  	s14 =	simm.s32 $0x0;
	s19 =	rddreg [dreg:$0x14]  }
0xb3: {  	[tilespmem:s14], [sflag:$0x1] =	stream.linear.gather [hbm4b:s19+s14], $0x28, $0x38;
	[tilespmem:$0x1B400] =	vst v63  }
0xb4: {  	s7 =	simm.s32 $0x800;
	s20 =	rddreg [dreg:$0x15]  }
0xb5: {  	[tilespmem:s7], [sflag:$0x1] =	stream.linear.gather [hbm4b:s20+s14], $0x28, $0x38;
	[tilespmem:$0x1B400] =	vst v63  }
0xb6: {  	s21 =	rddreg [dreg:$0x7];
	s7 =	simm.s32 $0x80  }
0xb7: {  	[tilespmem:s7], [sflag:$0x2] =	stream.linear.gather [hbm4b:s21+s14], $0x28, $0x38;
	[tilespmem:$0x1B400] =	vst v63  }
0xb8: {  	s15 =	simm.s32 $0x880;
	s29 =	rddreg [dreg:$0x8]  }
0xb9: {  	[tilespmem:s15], [sflag:$0x2] =	stream.linear.gather [hbm4b:s29+s14], $0x28, $0x38;
	[tilespmem:$0x1B400] =	vst v63  }
0xba: {  	s16 =	rddreg [dreg:$0x9];
	s15 =	simm.s32 $0x100  }
0xbb: {  	[tilespmem:s15], [sflag:$0x3] =	stream.linear.gather [hbm4b:s16+s14], $0x28, $0x38;
	[tilespmem:$0x1B400] =	vst v63  }
0xbc: {  	s18 =	simm.s32 $0x900;
	s17 =	rddreg [dreg:$0xa]  }
0xbd: {  	[tilespmem:s18], [sflag:$0x3] =	stream.linear.gather [hbm4b:s17+s14], $0x28, $0x38;
	[tilespmem:$0x1B400] =	vst v63  }
0xbe: {  	s19 =	rddreg [dreg:$0xb];
	s16 =	simm.s32 $0x180  }
0xbf: {  	[tilespmem:s16], [sflag:$0x4] =	stream.linear.gather [hbm4b:s19+s14], $0x28, $0x38;
	[tilespmem:$0x1B400] =	vst v63  }
0xc0: {  	s20 =	rddreg [dreg:$0xc];
	s17 =	simm.s32 $0x980  }
0xc1: {  	[tilespmem:s17], [sflag:$0x4] =	stream.linear.gather [hbm4b:s20+s14], $0x28, $0x38;
	[tilespmem:$0x1B400] =	vst v63  }
0xc2: {  	s21 =	rddreg [dreg:$0xd];
	s17 =	simm.s32 $0x200  }
0xc3: {  	[tilespmem:s17], [sflag:$0x5] =	stream.linear.gather [hbm4b:s21+s14], $0x28, $0x38;
	[tilespmem:$0x1B400] =	vst v63  }
0xc4: {  	s29 =	rddreg [dreg:$0xe];
	s18 =	simm.s32 $0xA00  }
0xc5: {  	[tilespmem:s18], [sflag:$0x5] =	stream.linear.gather [hbm4b:s29+s14], $0x28, $0x38;
	[tilespmem:$0x1B400] =	vst v63  }
0xc6: {  	s19 =	rddreg [dreg:$0xf];
	s20 =	simm.s32 $0x400  }
0xc7: {  	[tilespmem:s20], [sflag:$0x6] =	stream.linear.gather [hbm4b:s19+s14], $0x28, $0x38;
	[tilespmem:$0x1B400] =	vst v63  }
0xc8: {  	s21 =	rddreg [dreg:$0x10];
	s29 =	simm.s32 $0xC00  }
0xc9: {  	[tilespmem:s29], [sflag:$0x6] =	stream.linear.gather [hbm4b:s21+s14], $0x28, $0x38;
	[tilespmem:$0x1B400] =	vst v63  }
0xca: {  	s19 =	rddreg [dreg:$0x12];
	s20 =	simm.s32 $0x480  }
0xcb: {  	[tilespmem:s20], [sflag:$0x7] =	stream.linear.gather [hbm4b:s19+s14], $0x28, $0x38;
	[tilespmem:$0x1B400] =	vst v63  }
0xcc: {  	s21 =	rddreg [dreg:$0x13];
	s29 =	simm.s32 $0xC80  }
0xcd: {  	[tilespmem:s29], [sflag:$0x7] =	stream.linear.gather [hbm4b:s21+s14], $0x28, $0x38;
	[tilespmem:$0x1B400] =	vst v63  }
0xce: {  	s19 =	rddreg [dreg:$0x16];
	s20 =	simm.s32 $0x500  }
0xcf: {  	[tilespmem:s20], [sflag:$0x8] =	stream.linear.gather [hbm4b:s19+s14], $0x28, $0x38;
	[tilespmem:$0x1B400] =	vst v63  }
0xd0: {  	s21 =	rddreg [dreg:$0x17];
	s29 =	simm.s32 $0xD00  }
0xd1: {  	[tilespmem:s29], [sflag:$0x8] =	stream.linear.gather [hbm4b:s21+s14], $0x28, $0x38;
	[tilespmem:$0x1B400] =	vst v63  }
0xd2: {  	s19 =	rddreg [dreg:$0x18];
	s20 =	simm.s32 $0x580  }
0xd3: {  	[tilespmem:s20], [sflag:$0x9] =	stream.linear.gather [hbm4b:s19+s14], $0x28, $0x38;
	[tilespmem:$0x1B400] =	vst v63  }
0xd4: {  	s21 =	rddreg [dreg:$0x19];
	s29 =	simm.s32 $0xD80  }
0xd5: {  	[tilespmem:s29], [sflag:$0x9] =	stream.linear.gather [hbm4b:s21+s14], $0x28, $0x38;
	[tilespmem:$0x1B400] =	vst v63  }
0xd6: {  	s18 =	rddreg [dreg:$0x1a]  }
0xd7: {  	[tilespmem:s22], [sflag:$0xA] =	stream.linear.gather [hbm4b:s18+s14], $0x28, $0x38;
	[tilespmem:$0x1B400] =	vst v63  }
0xd8: {  	s19 =	rddreg [dreg:$0x1b];
	s20 =	simm.s32 $0x1  }
0xd9: {  	[tilespmem:s10], [sflag:$0xA] =	stream.linear.gather [hbm4b:s19+s14], $0x28, $0x38;
	[tilespmem:$0x1B400] =	vst v63  }
0xda: {  	_ =	swait.ge [sflag:s20], $0x28  }
0xdb: {  	[sflag:s20] =	ssyncset.done $0x0  }
0xdc: {  	[sflag:s20] =	ssyncadd.s32 $0xFFFFFFD8  }
0xdd: {  	_ =	swait.ge [sflag:s20], $0x28  }
0xde: {  	[sflag:s20] =	ssyncset.done $0x0  }
0xdf: {  	s21 =	simm.s32 $0x2;
	[sflag:s20] =	ssyncadd.s32 $0xFFFFFFD8  }
0xe0: {  	[tilespmem:s4], [sflag:$0xB] =	stream.indirect.gather [hbm4b:s3+s1], $0x80, s14, s1, $0xb8;
	[tilespmem:$0x1B400] =	vst v63  }
0xe1: {  	_ =	swait.ge [sflag:s21], $0x28  }
0xe2: {  	[sflag:s21] =	ssyncset.done $0x0  }
0xe3: {  	[sflag:s21] =	ssyncadd.s32 $0xFFFFFFD8  }
0xe4: {  	_ =	swait.ge [sflag:s21], $0x28  }
0xe5: {  	[sflag:s21] =	ssyncset.done $0x0  }
0xe6: {  	[sflag:s21] =	ssyncadd.s32 $0xFFFFFFD8  }
0xe7: {  	[tilespmem:s26], [sflag:$0xC] =	stream.indirect.gather [hbm4b:s3+s1], $0x80, s7, s1, $0xb8;
	[tilespmem:$0x1B400] =	vst v63  }
0xe8: {  	s26 =	simm.s32 $0x3  }
0xe9: {  	_ =	swait.ge [sflag:s26], $0x28  }
0xea: {  	[sflag:s26] =	ssyncset.done $0x0  }
0xeb: {  	[sflag:s26] =	ssyncadd.s32 $0xFFFFFFD8  }
0xec: {  	_ =	swait.ge [sflag:s26], $0x28  }
0xed: {  	[sflag:s26] =	ssyncset.done $0x0  }
0xee: {  	s29 =	simm.s32 $0x4;
	[sflag:s26] =	ssyncadd.s32 $0xFFFFFFD8  }
0xef: {  	[tilespmem:s23], [sflag:$0xD] =	stream.indirect.gather [hbm4b:s3+s1], $0x80, s15, s1, $0xb8;
	[tilespmem:$0x1B400] =	vst v63  }
0xf0: {  	_ =	swait.ge [sflag:s29], $0x28  }
0xf1: {  	[sflag:s29] =	ssyncset.done $0x0  }
0xf2: {  	[sflag:s29] =	ssyncadd.s32 $0xFFFFFFD8  }
0xf3: {  	_ =	swait.ge [sflag:s29], $0x28  }
0xf4: {  	[sflag:s29] =	ssyncset.done $0x0  }
0xf5: {  	[sflag:s29] =	ssyncadd.s32 $0xFFFFFFD8  }
0xf6: {  	[tilespmem:s30], [sflag:$0xE] =	stream.indirect.gather [hbm4b:s3+s1], $0x80, s16, s1, $0xb8;
	[tilespmem:$0x1B400] =	vst v63  }
0xf7: {  	s30 =	simm.s32 $0x5  }
0xf8: {  	_ =	swait.ge [sflag:s30], $0x28  }
0xf9: {  	[sflag:s30] =	ssyncset.done $0x0  }
0xfa: {  	[sflag:s30] =	ssyncadd.s32 $0xFFFFFFD8  }
0xfb: {  	_ =	swait.ge [sflag:s30], $0x28  }
0xfc: {  	[sflag:s30] =	ssyncset.done $0x0  }
0xfd: {  	s10 =	simm.s32 $0xE00;
	s15 =	sld [smem:$0x7EE];
	[sflag:s30] =	ssyncadd.s32 $0xFFFFFFD8  }
0xfe: {  	[tilespmem:s24], [sflag:$0xF] =	stream.indirect.gather [hbm4b:s3+s1], $0x80, s17, s1, $0xb8;
	[tilespmem:$0x1B400] =	vst v63  }
.LBB2_4:
0xff: {  	_ =	swait.ge [sflag:s6], $0x1400  }
0x100: {  	[sflag:s6] =	ssyncset.done $0x0  }
0x101: {  	s2 =	simm.s32 $0x800;
	s7 =	simm.s32 $0x1000;
	[sflag:s6] =	ssyncadd.s32 $0xFFFFEC00  }
0x102: {  	[spmem:s5] =	stream.indirect.scatter.add.f32 [tilespmem:s7], [sflag:$0x10], $0x80, s2, s1, $0xb8;
	[tilespmem:$0x1B400] =	vst v63  }
0x103: {  	_ =	swait.ge [sflag:s28], $0x1400  }
0x104: {  	[sflag:s28] =	ssyncset.done $0x0  }
0x105: {  	p0 =	seq.s32 s14, $0x4B0;
	[sflag:s28] =	ssyncadd.s32 $0xFFFFEC00  }
0x106: {  	s17 =	sshrl.u32 @!p0 s15, $0x3;
	s2 =	rddreg [dreg:$0x0]  }
0x107: {  	s16 =	simm.s32 @!p0 $0x0;
	s18 =	sadd.s32 @!p0 s2, s17;
	s2 =	rddreg [dreg:$0x1]  }
0x108: {  	[tilespmem:s16], [sflag:$0x1] =	stream.linear.gather @!p0 [hbm4b:s18+s16], $0x28, $0x38;
	[tilespmem:$0x1B400] =	vst v63  }
0x109: {  	s17 =	sadd.s32 @!p0 s2, s17;
	s18 =	simm.s32 @!p0 $0x800  }
0x10a: {  	[tilespmem:s18], [sflag:$0x1] =	stream.linear.gather @!p0 [hbm4b:s17+s16], $0x28, $0x38;
	[tilespmem:$0x1B400] =	vst v63  }
0x10b: {  	_ =	swait.ge [sflag:s31], $0x28  }
0x10c: {  	[sflag:s31] =	ssyncset.done $0x0  }
0x10d: {  	[sflag:s31] =	ssyncadd.s32 $0xFFFFFFD8  }
0x10e: {  	_ =	swait.ge [sflag:s31], $0x28  }
0x10f: {  	[sflag:s31] =	ssyncset.done $0x0  }
0x110: {  	s23 =	simm.s32 $0x400;
	s26 =	simm.s32 $0xC;
	[sflag:s31] =	ssyncadd.s32 $0xFFFFFFD8  }
0x111: {  	[tilespmem:s7], [sflag:$0xB] =	stream.indirect.gather [hbm4b:s3+s1], $0x80, s23, s1, $0xb8;
	[tilespmem:$0x1B400] =	vst v63  }
0x112: {  	_ =	swait.ge [sflag:s26], $0x1400  }
0x113: {  	[sflag:s26] =	ssyncset.done $0x0  }
0x114: {  	s29 =	simm.s32 $0x880;
	s4 =	simm.s32 $0x2400;
	[sflag:s26] =	ssyncadd.s32 $0xFFFFEC00  }
0x115: {  	[spmem:s5] =	stream.indirect.scatter.add.f32 [tilespmem:s4], [sflag:$0x10], $0x80, s29, s1, $0xb8;
	[tilespmem:$0x1B400] =	vst v63  }
0x116: {  	_ =	swait.ge [sflag:s28], $0x1400  }
0x117: {  	s2 =	sld [smem:$0x7ED];
	_ =	sdelay $0x2  }
0x118: {  	[sflag:s28] =	ssyncset.done $0x0;
	s17 =	sadd.s32 @!p0 s14, s2;
	s2 =	sld [smem:$0x7EC]  }
0x119: {  	s19 =	simm.s32 @!p0 $0x80;
	[sflag:s28] =	ssyncadd.s32 $0xFFFFEC00  }
0x11a: {  	[tilespmem:s19], [sflag:$0x2] =	stream.linear.gather @!p0 [hbm4b:s17+s16], $0x28, $0x38;
	[tilespmem:$0x1B400] =	vst v63  }
0x11b: {  	s18 =	simm.s32 @!p0 $0x880;
	s17 =	sadd.s32 @!p0 s14, s2  }
0x11c: {  	[tilespmem:s18], [sflag:$0x2] =	stream.linear.gather @!p0 [hbm4b:s17+s16], $0x28, $0x38;
	[tilespmem:$0x1B400] =	vst v63  }
0x11d: {  	_ =	swait.ge [sflag:s0], $0x28  }
0x11e: {  	[sflag:s0] =	ssyncset.done $0x0  }
0x11f: {  	[sflag:s0] =	ssyncadd.s32 $0xFFFFFFD8  }
0x120: {  	_ =	swait.ge [sflag:s0], $0x28  }
0x121: {  	[sflag:s0] =	ssyncset.done $0x0  }
0x122: {  	s17 =	simm.s32 $0x480;
	[sflag:s0] =	ssyncadd.s32 $0xFFFFFFD8  }
0x123: {  	[tilespmem:s4], [sflag:$0xC] =	stream.indirect.gather [hbm4b:s3+s1], $0x80, s17, s1, $0xb8;
	[tilespmem:$0x1B400] =	vst v63  }
0x124: {  	_ =	swait.ge [sflag:s8], $0x1400  }
0x125: {  	[sflag:s8] =	ssyncset.done $0x0  }
0x126: {  	s18 =	simm.s32 $0x900;
	[sflag:s8] =	ssyncadd.s32 $0xFFFFEC00  }
0x127: {  	[spmem:s5] =	stream.indirect.scatter.add.f32 [tilespmem:s25], [sflag:$0x10], $0x80, s18, s1, $0xb8;
	[tilespmem:$0x1B400] =	vst v63  }
0x128: {  	_ =	swait.ge [sflag:s28], $0x1400  }
0x129: {  	s2 =	sld [smem:$0x7EB];
	_ =	sdelay $0x2  }
0x12a: {  	[sflag:s28] =	ssyncset.done $0x0;
	s17 =	sadd.s32 @!p0 s14, s2;
	s2 =	sld [smem:$0x7EA]  }
0x12b: {  	s18 =	simm.s32 @!p0 $0x100;
	[sflag:s28] =	ssyncadd.s32 $0xFFFFEC00  }
0x12c: {  	[tilespmem:s18], [sflag:$0x3] =	stream.linear.gather @!p0 [hbm4b:s17+s16], $0x28, $0x38;
	[tilespmem:$0x1B400] =	vst v63  }
0x12d: {  	s20 =	simm.s32 @!p0 $0x900;
	s17 =	sadd.s32 @!p0 s14, s2  }
0x12e: {  	[tilespmem:s20], [sflag:$0x3] =	stream.linear.gather @!p0 [hbm4b:s17+s16], $0x28, $0x38;
	[tilespmem:$0x1B400] =	vst v63  }
0x12f: {  	_ =	swait.ge [sflag:s9], $0x28  }
0x130: {  	[sflag:s9] =	ssyncset.done $0x0  }
0x131: {  	[sflag:s9] =	ssyncadd.s32 $0xFFFFFFD8  }
0x132: {  	_ =	swait.ge [sflag:s9], $0x28  }
0x133: {  	[sflag:s9] =	ssyncset.done $0x0  }
0x134: {  	s21 =	simm.s32 $0xE;
	s20 =	simm.s32 $0x500;
	[sflag:s9] =	ssyncadd.s32 $0xFFFFFFD8  }
0x135: {  	[tilespmem:s25], [sflag:$0xD] =	stream.indirect.gather [hbm4b:s3+s1], $0x80, s20, s1, $0xb8;
	[tilespmem:$0x1B400] =	vst v63  }
0x136: {  	_ =	swait.ge [sflag:s21], $0x1400  }
0x137: {  	[sflag:s21] =	ssyncset.done $0x0  }
0x138: {  	s23 =	simm.s32 $0x980;
	s29 =	simm.s32 $0x4C00;
	[sflag:s21] =	ssyncadd.s32 $0xFFFFEC00  }
0x139: {  	[spmem:s5] =	stream.indirect.scatter.add.f32 [tilespmem:s29], [sflag:$0x10], $0x80, s23, s1, $0xb8;
	[tilespmem:$0x1B400] =	vst v63  }
0x13a: {  	_ =	swait.ge [sflag:s28], $0x1400  }
0x13b: {  	s2 =	sld [smem:$0x7E9];
	_ =	sdelay $0x2  }
0x13c: {  	[sflag:s28] =	ssyncset.done $0x0;
	s20 =	sadd.s32 @!p0 s14, s2;
	s2 =	sld [smem:$0x7E8]  }
0x13d: {  	s17 =	simm.s32 @!p0 $0x180;
	[sflag:s28] =	ssyncadd.s32 $0xFFFFEC00  }
0x13e: {  	[tilespmem:s17], [sflag:$0x4] =	stream.linear.gather @!p0 [hbm4b:s20+s16], $0x28, $0x38;
	[tilespmem:$0x1B400] =	vst v63  }
0x13f: {  	s21 =	simm.s32 @!p0 $0x980;
	s20 =	sadd.s32 @!p0 s14, s2  }
0x140: {  	[tilespmem:s21], [sflag:$0x4] =	stream.linear.gather @!p0 [hbm4b:s20+s16], $0x28, $0x38;
	[tilespmem:$0x1B400] =	vst v63  }
0x141: {  	_ =	swait.ge [sflag:s11], $0x28  }
0x142: {  	[sflag:s11] =	ssyncset.done $0x0  }
0x143: {  	[sflag:s11] =	ssyncadd.s32 $0xFFFFFFD8  }
0x144: {  	_ =	swait.ge [sflag:s11], $0x28  }
0x145: {  	[sflag:s11] =	ssyncset.done $0x0  }
0x146: {  	s21 =	simm.s32 $0x580;
	[sflag:s11] =	ssyncadd.s32 $0xFFFFFFD8  }
0x147: {  	[tilespmem:s29], [sflag:$0xE] =	stream.indirect.gather [hbm4b:s3+s1], $0x80, s21, s1, $0xb8;
	[tilespmem:$0x1B400] =	vst v63  }
0x148: {  	_ =	swait.ge [sflag:s12], $0x1400  }
0x149: {  	[sflag:s12] =	ssyncset.done $0x0  }
0x14a: {  	s23 =	simm.s32 $0xA00;
	[sflag:s12] =	ssyncadd.s32 $0xFFFFEC00  }
0x14b: {  	[spmem:s5] =	stream.indirect.scatter.add.f32 [tilespmem:s24], [sflag:$0x10], $0x80, s23, s1, $0xb8;
	[tilespmem:$0x1B400] =	vst v63  }
0x14c: {  	_ =	swait.ge [sflag:s28], $0x1400  }
0x14d: {  	s2 =	sld [smem:$0x7E7];
	_ =	sdelay $0x2  }
0x14e: {  	[sflag:s28] =	ssyncset.done $0x0;
	s20 =	sadd.s32 @!p0 s14, s2;
	s2 =	sld [smem:$0x7E6]  }
0x14f: {  	s21 =	simm.s32 @!p0 $0x200;
	[sflag:s28] =	ssyncadd.s32 $0xFFFFEC00  }
0x150: {  	[tilespmem:s21], [sflag:$0x5] =	stream.linear.gather @!p0 [hbm4b:s20+s16], $0x28, $0x38;
	[tilespmem:$0x1B400] =	vst v63  }
0x151: {  	s21 =	simm.s32 @!p0 $0xA00;
	s20 =	sadd.s32 @!p0 s14, s2  }
0x152: {  	[tilespmem:s21], [sflag:$0x5] =	stream.linear.gather @!p0 [hbm4b:s20+s16], $0x28, $0x38;
	[tilespmem:$0x1B400] =	vst v63  }
0x153: {  	_ =	swait.ge [sflag:s13], $0x28  }
0x154: {  	[sflag:s13] =	ssyncset.done $0x0  }
0x155: {  	[sflag:s13] =	ssyncadd.s32 $0xFFFFFFD8  }
0x156: {  	_ =	swait.ge [sflag:s13], $0x28  }
0x157: {  	[sflag:s13] =	ssyncset.done $0x0  }
0x158: {  	[sflag:s13] =	ssyncadd.s32 $0xFFFFFFD8  }
0x159: {  	[tilespmem:s24], [sflag:$0xF] =	stream.indirect.gather [hbm4b:s3+s1], $0x80, s22, s1, $0xb8;
	[tilespmem:$0x1B400] =	vst v63  }
0x15a: {  	_ =	swait.ge [sflag:s6], $0x1400  }
0x15b: {  	[sflag:s6] =	ssyncset.done $0x0  }
0x15c: {  	s24 =	simm.s32 $0xC00;
	[sflag:s6] =	ssyncadd.s32 $0xFFFFEC00  }
0x15d: {  	[spmem:s5] =	stream.indirect.scatter.add.f32 [tilespmem:s7], [sflag:$0x10], $0x80, s24, s1, $0xb8;
	[tilespmem:$0x1B400] =	vst v63  }
0x15e: {  	_ =	swait.ge [sflag:s28], $0x1400  }
0x15f: {  	[sflag:s28] =	ssyncset.done $0x0  }
0x160: {  	s20 =	simm.s32 @p0 $0xC;
	[sflag:s28] =	ssyncadd.s32 $0xFFFFEC00  }
0x161: {  	_ =	swait.ge @p0 [sflag:s20], $0x1400  }
0x162: {  	s21 =	simm.s32 @p0 $0x28;
	[sflag:s20] =	ssyncset.done @p0 $0x0  }
0x163: {  	s22 =	simm.s32 @p0 $0x2400;
	[sflag:s20] =	ssyncadd.s32 @p0 $0xFFFFEC00;
	s20 =	simm.s32 @p0 $0xC80  }
0x164: {  	[spmem:s5] =	stream.indirect.scatter.add.f32 @p0 [tilespmem:s22], [sflag:$0x10], $0x80, s20, s21, $0xb8;
	[tilespmem:$0x1B400] =	vst v63  }
0x165: {  	s22 =	simm.s32 @p0 $0x10  }
0x166: {  	_ =	swait.ge @p0 [sflag:s22], $0x1400  }
0x167: {  	s2 =	sld [smem:$0x7E5];
	_ =	sdelay $0x2  }
0x168: {  	[sflag:s22] =	ssyncset.done @p0 $0x0;
	s20 =	sadd.s32 @!p0 s14, s2;
	s2 =	sld [smem:$0x7E4]  }
0x169: {  	s24 =	simm.s32 @!p0 $0x400;
	[sflag:s22] =	ssyncadd.s32 @p0 $0xFFFFEC00  }
0x16a: {  	[tilespmem:s24], [sflag:$0x6] =	stream.linear.gather @!p0 [hbm4b:s20+s16], $0x28, $0x38;
	[tilespmem:$0x1B400] =	vst v63  }
0x16b: {  	s24 =	simm.s32 @!p0 $0xC00;
	s20 =	sadd.s32 @!p0 s14, s2  }
0x16c: {  	[tilespmem:s24], [sflag:$0x6] =	stream.linear.gather @!p0 [hbm4b:s20+s16], $0x28, $0x38;
	[tilespmem:$0x1B400] =	vst v63  }
0x16d: {  	s20 =	simm.s32 @!p0 $0x1  }
0x16e: {  	_ =	swait.ge @!p0 [sflag:s20], $0x28  }
0x16f: {  	[sflag:s20] =	ssyncset.done @!p0 $0x0  }
0x170: {  	[sflag:s20] =	ssyncadd.s32 @!p0 $0xFFFFFFD8  }
0x171: {  	_ =	swait.ge @!p0 [sflag:s20], $0x28  }
0x172: {  	[sflag:s20] =	ssyncset.done @!p0 $0x0  }
0x173: {  	s24 =	simm.s32 @!p0 $0x1000;
	[sflag:s20] =	ssyncadd.s32 @!p0 $0xFFFFFFD8;
	s20 =	simm.s32 @!p0 $0x28  }
0x174: {  	[tilespmem:s24], [sflag:$0xB] =	stream.indirect.gather @!p0 [hbm4b:s3+s20], $0x80, s16, s20, $0xb8;
	[tilespmem:$0x1B400] =	vst v63  }
0x175: {  	s24 =	simm.s32 @!p0 $0xC  }
0x176: {  	_ =	swait.ge @!p0 [sflag:s24], $0x1400  }
0x177: {  	s7 =	simm.s32 @!p0 $0x2400;
	[sflag:s24] =	ssyncset.done @!p0 $0x0  }
0x178: {  	s2 =	simm.s32 @!p0 $0x10;
	[sflag:s24] =	ssyncadd.s32 @!p0 $0xFFFFEC00;
	s24 =	simm.s32 @!p0 $0xC80  }
0x179: {  	[spmem:s5] =	stream.indirect.scatter.add.f32 @!p0 [tilespmem:s7], [sflag:$0x10], $0x80, s24, s20, $0xb8;
	[tilespmem:$0x1B400] =	vst v63  }
0x17a: {  	_ =	swait.ge @!p0 [sflag:s2], $0x1400  }
0x17b: {  	s23 =	sld [smem:$0x7E3];
	_ =	sdelay $0x1  }
0x17c: {  	[sflag:s2] =	ssyncset.done @!p0 $0x0  }
0x17d: {  	[sflag:s2] =	ssyncadd.s32 @!p0 $0xFFFFEC00;
	s29 =	sadd.s32 @!p0 s14, s23;
	s23 =	simm.s32 @!p0 $0x480  }
0x17e: {  	[tilespmem:s23], [sflag:$0x7] =	stream.linear.gather @!p0 [hbm4b:s29+s16], $0x28, $0x38;
	[tilespmem:$0x1B400] =	vst v63  }
0x17f: {  	s23 =	sld [smem:$0x7E2];
	_ =	sdelay $0x2  }
0x180: {  	s23 =	sadd.s32 @!p0 s14, s23  }
0x181: {  	[tilespmem:s24], [sflag:$0x7] =	stream.linear.gather @!p0 [hbm4b:s23+s16], $0x28, $0x38;
	[tilespmem:$0x1B400] =	vst v63  }
0x182: {  	s23 =	simm.s32 @!p0 $0x2  }
0x183: {  	_ =	swait.ge @!p0 [sflag:s23], $0x28  }
0x184: {  	[sflag:s23] =	ssyncset.done @!p0 $0x0  }
0x185: {  	[sflag:s23] =	ssyncadd.s32 @!p0 $0xFFFFFFD8  }
0x186: {  	_ =	swait.ge @!p0 [sflag:s23], $0x28  }
0x187: {  	[sflag:s23] =	ssyncset.done @!p0 $0x0  }
0x188: {  	[sflag:s23] =	ssyncadd.s32 @!p0 $0xFFFFFFD8  }
0x189: {  	[tilespmem:s7], [sflag:$0xC] =	stream.indirect.gather @!p0 [hbm4b:s3+s20], $0x80, s19, s20, $0xb8;
	[tilespmem:$0x1B400] =	vst v63  }
0x18a: {  	_ =	swait.ge [sflag:s8], $0x1400  }
0x18b: {  	[sflag:s8] =	ssyncset.done $0x0  }
0x18c: {  	s29 =	simm.s32 $0xD00;
	[sflag:s8] =	ssyncadd.s32 $0xFFFFEC00  }
0x18d: {  	[spmem:s5] =	stream.indirect.scatter.add.f32 [tilespmem:s25], [sflag:$0x10], $0x80, s29, s1, $0xb8;
	[tilespmem:$0x1B400] =	vst v63  }
0x18e: {  	_ =	swait.ge [sflag:s28], $0x1400  }
0x18f: {  	[sflag:s28] =	ssyncset.done $0x0  }
0x190: {  	s7 =	simm.s32 @p0 $0xE;
	[sflag:s28] =	ssyncadd.s32 $0xFFFFEC00  }
0x191: {  	_ =	swait.ge @p0 [sflag:s7], $0x1400  }
0x192: {  	[sflag:s7] =	ssyncset.done @p0 $0x0  }
0x193: {  	s19 =	simm.s32 @p0 $0x4C00;
	[sflag:s7] =	ssyncadd.s32 @p0 $0xFFFFEC00;
	s7 =	simm.s32 @p0 $0xD80  }
0x194: {  	[spmem:s5] =	stream.indirect.scatter.add.f32 @p0 [tilespmem:s19], [sflag:$0x10], $0x80, s7, s21, $0xb8;
	[tilespmem:$0x1B400] =	vst v63  }
0x195: {  	_ =	swait.ge @p0 [sflag:s22], $0x1400  }
0x196: {  	s7 =	sld [smem:$0x7E1];
	_ =	sdelay $0x1  }
0x197: {  	[sflag:s22] =	ssyncset.done @p0 $0x0  }
0x198: {  	s19 =	simm.s32 @!p0 $0x500;
	[sflag:s22] =	ssyncadd.s32 @p0 $0xFFFFEC00;
	s7 =	sadd.s32 @!p0 s14, s7  }
0x199: {  	[tilespmem:s19], [sflag:$0x8] =	stream.linear.gather @!p0 [hbm4b:s7+s16], $0x28, $0x38;
	[tilespmem:$0x1B400] =	vst v63  }
0x19a: {  	s7 =	sld [smem:$0x7E0];
	_ =	sdelay $0x2  }
0x19b: {  	s19 =	simm.s32 @!p0 $0xD00;
	s7 =	sadd.s32 @!p0 s14, s7  }
0x19c: {  	[tilespmem:s19], [sflag:$0x8] =	stream.linear.gather @!p0 [hbm4b:s7+s16], $0x28, $0x38;
	[tilespmem:$0x1B400] =	vst v63  }
0x19d: {  	s7 =	simm.s32 @!p0 $0x3  }
0x19e: {  	_ =	swait.ge @!p0 [sflag:s7], $0x28  }
0x19f: {  	[sflag:s7] =	ssyncset.done @!p0 $0x0  }
0x1a0: {  	[sflag:s7] =	ssyncadd.s32 @!p0 $0xFFFFFFD8  }
0x1a1: {  	_ =	swait.ge @!p0 [sflag:s7], $0x28  }
0x1a2: {  	[sflag:s7] =	ssyncset.done @!p0 $0x0  }
0x1a3: {  	[sflag:s7] =	ssyncadd.s32 @!p0 $0xFFFFFFD8;
	s7 =	simm.s32 @!p0 $0x3800  }
0x1a4: {  	[tilespmem:s7], [sflag:$0xD] =	stream.indirect.gather @!p0 [hbm4b:s3+s20], $0x80, s18, s20, $0xb8;
	[tilespmem:$0x1B400] =	vst v63  }
0x1a5: {  	s7 =	simm.s32 @!p0 $0xE  }
0x1a6: {  	_ =	swait.ge @!p0 [sflag:s7], $0x1400  }
0x1a7: {  	[sflag:s7] =	ssyncset.done @!p0 $0x0  }
0x1a8: {  	s18 =	simm.s32 @!p0 $0x4C00;
	[sflag:s7] =	ssyncadd.s32 @!p0 $0xFFFFEC00;
	s7 =	simm.s32 @!p0 $0xD80  }
0x1a9: {  	[spmem:s5] =	stream.indirect.scatter.add.f32 @!p0 [tilespmem:s18], [sflag:$0x10], $0x80, s7, s20, $0xb8;
	[tilespmem:$0x1B400] =	vst v63  }
0x1aa: {  	_ =	swait.ge @!p0 [sflag:s2], $0x1400  }
0x1ab: {  	[sflag:s2] =	ssyncset.done @!p0 $0x0  }
0x1ac: {  	[sflag:s2] =	ssyncadd.s32 @!p0 $0xFFFFEC00;
	s2 =	sld [smem:$0x7DF];
	_ =	sdelay $0x2  }
0x1ad: {  	s19 =	simm.s32 @!p0 $0x580;
	s2 =	sadd.s32 @!p0 s14, s2  }
0x1ae: {  	[tilespmem:s19], [sflag:$0x9] =	stream.linear.gather @!p0 [hbm4b:s2+s16], $0x28, $0x38;
	[tilespmem:$0x1B400] =	vst v63  }
0x1af: {  	s2 =	rddreg [dreg:$0x1f]  }
0x1b0: {  	s2 =	sadd.s32 @!p0 s14, s2  }
0x1b1: {  	[tilespmem:s7], [sflag:$0x9] =	stream.linear.gather @!p0 [hbm4b:s2+s16], $0x28, $0x38;
	[tilespmem:$0x1B400] =	vst v63  }
0x1b2: {  	s2 =	simm.s32 @!p0 $0x4  }
0x1b3: {  	_ =	swait.ge @!p0 [sflag:s2], $0x28  }
0x1b4: {  	[sflag:s2] =	ssyncset.done @!p0 $0x0  }
0x1b5: {  	[sflag:s2] =	ssyncadd.s32 @!p0 $0xFFFFFFD8  }
0x1b6: {  	_ =	swait.ge @!p0 [sflag:s2], $0x28  }
0x1b7: {  	[sflag:s2] =	ssyncset.done @!p0 $0x0  }
0x1b8: {  	[sflag:s2] =	ssyncadd.s32 @!p0 $0xFFFFFFD8  }
0x1b9: {  	[tilespmem:s18], [sflag:$0xE] =	stream.indirect.gather @!p0 [hbm4b:s3+s20], $0x80, s17, s20, $0xb8;
	[tilespmem:$0x1B400] =	vst v63  }
0x1ba: {  	_ =	swait.ge [sflag:s12], $0x1400  }
0x1bb: {  	[sflag:s12] =	ssyncset.done $0x0  }
.Ltmp3:
0x1bc: {  	s24 =	simm.s32 $0x6000;
	[sflag:s12] =	ssyncadd.s32 $0xFFFFEC00;
	(pc) =	sbr.rel @p0 .LBB2_6-.Ltmp3, $4  }
0x1bd: {  	[spmem:s5] =	stream.indirect.scatter.add.f32 [tilespmem:s24], [sflag:$0x10], $0x80, s10, s1, $0xb8;
	[tilespmem:$0x1B400] =	vst v63  }
0x1be: {  	s30 =	simm.s32 $0x4C00;
	_ =	swait.ge [sflag:s28], $0x1400  }
0x1bf: {  	s26 =	simm.s32 $0x2400;
	s4 =	simm.s32 $0x600;
	[sflag:s28] =	ssyncset.done $0x0  }
0x1c0: {  	s23 =	simm.s32 $0x3800;
	s10 =	simm.s32 $0xE00;
	[sflag:s28] =	ssyncadd.s32 $0xFFFFEC00  }
0x1c1: {  	s2 =	rddreg [dreg:$0x1e]  }
0x1c2: {  	s7 =	simm.s32 $0x0;
	s26 =	rddreg [dreg:$0x1d];
	s2 =	sadd.s32 s14, s2  }
0x1c3: {  	[tilespmem:s4], [sflag:$0xA] =	stream.linear.gather [hbm4b:s2+s7], $0x28, $0x38;
	[tilespmem:$0x1B400] =	vst v63  }
0x1c4: {  	s29 =	simm.s32 $0x5;
	s2 =	sadd.s32 s14, s26  }
0x1c5: {  	[tilespmem:s10], [sflag:$0xA] =	stream.linear.gather [hbm4b:s2+s7], $0x28, $0x38;
	[tilespmem:$0x1B400] =	vst v63  }
0x1c6: {  	_ =	swait.ge [sflag:s29], $0x28  }
0x1c7: {  	[sflag:s29] =	ssyncset.done $0x0  }
.Ltmp4:
0x1c8: {  	[sflag:s29] =	ssyncadd.s32 $0xFFFFFFD8;
	(pc) =	sbr.rel .LBB2_4-.Ltmp4, $4  }
0x1c9: {  	s30 =	simm.s32 $0x200;
	_ =	swait.ge [sflag:s29], $0x28  }
0x1ca: {  	s15 =	sadd.s32 $0x190, s15;
	s22 =	simm.s32 $0x600;
	[sflag:s29] =	ssyncset.done $0x0  }
0x1cb: {  	s14 =	sadd.s32 $0x32, s14;
	s10 =	simm.s32 $0xE00;
	[sflag:s29] =	ssyncadd.s32 $0xFFFFFFD8  }
0x1cc: {  	[tilespmem:s24], [sflag:$0xF] =	stream.indirect.gather [hbm4b:s3+s1], $0x80, s30, s1, $0xb8;
	[tilespmem:$0x1B400] =	vst v63  }
.LBB2_7:
0x1cd: {  	_ =	sfence.sel $0x180000  }
0x1ce: {  	[bflag:$0x0] =	sbarrier.arrive $0xFFFF  }
0x1cf: {  	_ =	strace $0x90000047  }
0x1d0: {  	s0 =	stileid.u32;
	[bflag:$0x2] =	sbarrier.arrive $0xFFFF  }
0x1d1: {  	p0 =	sne.s32 s0, $0x0;
	s0 =	rddreg [dreg:$0x5]  }
0x1d2: {  	s0 =	sadd.s32 @!p0 $0x100000, s0  }
0x1d3: {  	[sflag:s0] =	ssyncadd.tile.s32 @!p0 $0x1;
	_ =	shalt  }
.Lfunc_end2:
_tile_overlayer_lowered:
.L_overlay_start_2:
0x1d4: {  	(tag) =	ssettag $0x2  }
0x1d5: {  	s0 =	rddreg [dreg:$0x0];
	s2 =	stileid.u32  }
0x1d6: {  	s1 =	rddreg [dreg:$0x1];
	p0 =	sne.s32 s2, $0x0  }
0x1d7: {  	s3 =	rddreg [dreg:$0x2];
	[bflag:$0x3] =	sbarrier.arrive $0xFFFF;
	s2 =	simm.s32 @!p0 $0x1C10  }
0x1d8: {  	[timem:s3], [sflag:s2] =	dma.local @!p0 [hbm:s0], s1  }
0x1d9: {  	s0 =	simm.s32 @!p0 $0x10  }
0x1da: {  	_ =	swait.ge @!p0 [sflag:s0], s1  }
0x1db: {  	s1 =	ssub.s32 @!p0 $0x0, s1;
	[sflag:s0] =	ssyncset.done @!p0 $0x0  }
0x1dc: {  	[sflag:s0] =	ssyncadd.s32 @!p0 s1  }
0x1dd: {  	[bflag:$0x3] =	sbarrier.arrive $0xFFFF  }
0x1de: {  	_ =	shalt  }

</sc_bundles>
